<compile_context>
chip_gen: v7x
topology: tpu7x:2x2x1
jax: 0.10.2.dev20260603
libtpu: 0.0.44.dev20260713+nightly
codegen_flags: <defaults>
</compile_context>

<pallas_src>
import functools

import jax
import jax.numpy as jnp
from jax import lax
from jax.experimental import pallas as pl
from jax.experimental.pallas import tpu as pltpu
from jax.experimental.pallas import tpu_sc as plsc

N, E, DF, DE, H, DEOUT, DNOUT = 10000, 160000, 256, 16, 512, 256, 256
NC, NS = 2, 16
NW = NC * NS

_MB1 = 1000
_EB3 = 640
_MB5 = 1000

_EW = E // NW
_GC = 40
_GN = _EW // _GC

_ET = E // NS
_SC4 = 80
_SN4 = _ET // _SC4
_RB = 624
_RX = N - NS * _RB
_CH = 48
_KC = 40
_KN = _EW // _KC


def _proj_body(x_ref, w_ref, xs_ref, xr_ref, xn_ref):
    h = jnp.dot(x_ref[...], w_ref[...], preferred_element_type=jnp.float32)
    xs_ref[...] = h[:, :H]
    xr_ref[...] = h[:, H:2 * H]
    xn_ref[...] = h[:, 2 * H:]


_proj = pl.pallas_call(
    _proj_body,
    grid=(N // _MB1,),
    in_specs=[
        pl.BlockSpec((_MB1, DF), lambda i: (i, 0)),
        pl.BlockSpec((DF, 3 * H), lambda i: (0, 0)),
    ],
    out_specs=[
        pl.BlockSpec((_MB1, H), lambda i: (i, 0)),
        pl.BlockSpec((_MB1, H), lambda i: (i, 0)),
        pl.BlockSpec((_MB1, H), lambda i: (i, 0)),
    ],
    out_shape=[
        jax.ShapeDtypeStruct((N, H), jnp.float32),
        jax.ShapeDtypeStruct((N, H), jnp.float32),
        jax.ShapeDtypeStruct((N, H), jnp.float32),
    ],
)


def _gather_body(xs_hbm, xr_hbm, snd_hbm, rcv_hbm, gs_hbm, gr_hbm,
                 idx_s, idx_r, bsa, bra, bsb, brb,
                 sga, sra, sgb, srb, wsa, wra, wsb, wrb):
    cid = lax.axis_index("c")
    sid = lax.axis_index("s")
    wid = sid * NC + cid
    base = wid * _EW
    pltpu.sync_copy(snd_hbm.at[pl.ds(base, _EW)], idx_s)
    pltpu.sync_copy(rcv_hbm.at[pl.ds(base, _EW)], idx_r)

    def gfire(bs, br, ss, sr, c):
        off = pl.multiple_of(c * _GC, 8)
        pltpu.async_copy(xs_hbm.at[idx_s.at[pl.ds(off, _GC)]], bs, ss)
        pltpu.async_copy(xr_hbm.at[idx_r.at[pl.ds(off, _GC)]], br, sr)

    def gwait(bs, br, ss, sr):
        pltpu.make_async_copy(xs_hbm.at[pl.ds(0, _GC)], bs, ss).wait()
        pltpu.make_async_copy(xr_hbm.at[pl.ds(0, _GC)], br, sr).wait()

    def wfire(bs, br, ws, wr, c):
        off = pl.multiple_of(c * _GC, 8)
        pltpu.async_copy(bs, gs_hbm.at[pl.ds(base + off, _GC)], ws)
        pltpu.async_copy(br, gr_hbm.at[pl.ds(base + off, _GC)], wr)

    def wwait(bs, br, ws, wr):
        pltpu.make_async_copy(bs, gs_hbm.at[pl.ds(base, _GC)], ws).wait()
        pltpu.make_async_copy(br, gr_hbm.at[pl.ds(base, _GC)], wr).wait()

    gfire(bsa, bra, sga, sra, 0)

    @pl.loop(0, (_GN - 1) // 2)
    def _pair(p):
        c0 = 2 * p
        gfire(bsb, brb, sgb, srb, c0 + 1)
        gwait(bsa, bra, sga, sra)
        wfire(bsa, bra, wsa, wra, c0)
        gwait(bsb, brb, sgb, srb)
        wfire(bsb, brb, wsb, wrb, c0 + 1)
        wwait(bsa, bra, wsa, wra)
        gfire(bsa, bra, sga, sra, c0 + 2)
        wwait(bsb, brb, wsb, wrb)

    gwait(bsa, bra, sga, sra)
    last = (_GN - 1) * _GC
    pltpu.sync_copy(bsa, gs_hbm.at[pl.ds(base + last, _GC)])
    pltpu.sync_copy(bra, gr_hbm.at[pl.ds(base + last, _GC)])


@functools.cache
def _make_gather():
    return pl.kernel(
        _gather_body,
        out_type=(
            jax.ShapeDtypeStruct((E, H), jnp.float32),
            jax.ShapeDtypeStruct((E, H), jnp.float32),
        ),
        mesh=plsc.VectorSubcoreMesh(core_axis_name="c", subcore_axis_name="s",
                                    num_cores=NC, num_subcores=NS),
        scratch_types=[
            pltpu.VMEM((_EW,), jnp.int32),
            pltpu.VMEM((_EW,), jnp.int32),
            pltpu.VMEM((_GC, H), jnp.float32),
            pltpu.VMEM((_GC, H), jnp.float32),
            pltpu.VMEM((_GC, H), jnp.float32),
            pltpu.VMEM((_GC, H), jnp.float32),
        ] + [pltpu.SemaphoreType.DMA] * 8,
    )


def _edge_body(gs_ref, gr_ref, ef_ref, w1e_ref, b1_ref, w2_ref, b2_ref, eo_ref):
    s = (gs_ref[...] + gr_ref[...]
         + jnp.dot(ef_ref[...], w1e_ref[...], preferred_element_type=jnp.float32)
         + b1_ref[...])
    eh = jnp.maximum(s, 0.0).astype(jnp.bfloat16)
    eo_ref[...] = (jnp.dot(eh, w2_ref[...].astype(jnp.bfloat16),
                           preferred_element_type=jnp.float32)
                   + b2_ref[...])


_edge = pl.pallas_call(
    _edge_body,
    grid=(E // _EB3,),
    in_specs=[
        pl.BlockSpec((_EB3, H), lambda i: (i, 0)),
        pl.BlockSpec((_EB3, H), lambda i: (i, 0)),
        pl.BlockSpec((_EB3, DE), lambda i: (i, 0)),
        pl.BlockSpec((DE, H), lambda i: (0, 0)),
        pl.BlockSpec((1, H), lambda i: (0, 0)),
        pl.BlockSpec((H, DEOUT), lambda i: (0, 0)),
        pl.BlockSpec((1, DEOUT), lambda i: (0, 0)),
    ],
    out_specs=pl.BlockSpec((_EB3, DEOUT), lambda i: (i, 0)),
    out_shape=jax.ShapeDtypeStruct((E, DEOUT), jnp.float32),
)


def _scatter_body(eo_hbm, rcv_hbm, z_hbm, agg_hbm, acc_sh, idx_b, rows_b,
                  idx_c, rows_c, stage_b, sia, sra, sib, srb, saa, sab):
    cid = lax.axis_index("c")
    sid = lax.axis_index("s")
    zb = sid * _RB
    tb = NS * _RB

    pltpu.sync_copy(z_hbm.at[pl.ds(0, _CH)], stage_b)
    for j in range(_RB // _CH):
        pltpu.sync_copy(stage_b, acc_sh.at[pl.ds(zb + j * _CH, _CH)])

    @pl.when(sid == NS - 1)
    def _():
        pltpu.sync_copy(stage_b.at[pl.ds(0, _RX)], acc_sh.at[pl.ds(tb, _RX)])

    plsc.subcore_barrier()

    def rfire(idx, rows, si, sr, c):
        eb = pl.multiple_of(sid * _ET + c * _SC4, 8)
        pltpu.async_copy(rcv_hbm.at[pl.ds(eb, _SC4)], idx, si)
        pltpu.async_copy(eo_hbm.at[pl.ds(eb, _SC4), pl.ds(cid * 128, 128)],
                         rows, sr)

    def rwait(idx, rows, si, sr):
        pltpu.make_async_copy(rcv_hbm.at[pl.ds(0, _SC4)], idx, si).wait()
        pltpu.make_async_copy(eo_hbm.at[pl.ds(0, _SC4), pl.ds(0, 128)],
                              rows, sr).wait()

    def afire(idx, rows, sa):
        pltpu.async_copy(rows, acc_sh.at[idx], sa, add=True)

    def adrain(idx, rows, sa):
        pltpu.make_async_copy(rows, acc_sh.at[idx], sa).wait()

    rfire(idx_b, rows_b, sia, sra, 0)

    @pl.loop(0, (_SN4 - 1) // 2)
    def _pair(p):
        c0 = 2 * p
        rfire(idx_c, rows_c, sib, srb, c0 + 1)
        rwait(idx_b, rows_b, sia, sra)
        afire(idx_b, rows_b, saa)
        rwait(idx_c, rows_c, sib, srb)
        afire(idx_c, rows_c, sab)
        adrain(idx_b, rows_b, saa)
        rfire(idx_b, rows_b, sia, sra, c0 + 2)
        adrain(idx_c, rows_c, sab)

    rwait(idx_b, rows_b, sia, sra)
    pltpu.sync_copy(rows_b, acc_sh.at[idx_b], add=True)

    plsc.subcore_barrier()
    for j in range(_RB // _CH):
        pltpu.sync_copy(acc_sh.at[pl.ds(zb + j * _CH, _CH)], stage_b)
        pltpu.sync_copy(stage_b,
                        agg_hbm.at[pl.ds(zb + j * _CH, _CH), pl.ds(cid * 128, 128)])

    @pl.when(sid == NS - 1)
    def _():
        pltpu.sync_copy(acc_sh.at[pl.ds(tb, _RX)], rows_b.at[pl.ds(0, _RX)])
        pltpu.sync_copy(rows_b.at[pl.ds(0, _RX)],
                        agg_hbm.at[pl.ds(tb, _RX), pl.ds(cid * 128, 128)])


@functools.cache
def _make_scatter():
    return pl.kernel(
        _scatter_body,
        out_type=jax.ShapeDtypeStruct((N, DEOUT), jnp.float32),
        mesh=plsc.VectorSubcoreMesh(core_axis_name="c", subcore_axis_name="s",
                                    num_cores=NC, num_subcores=NS),
        scratch_types=[
            pltpu.VMEM_SHARED((N, 128), jnp.float32),
            pltpu.VMEM((_SC4,), jnp.int32),
            pltpu.VMEM((_SC4, 128), jnp.float32),
            pltpu.VMEM((_SC4,), jnp.int32),
            pltpu.VMEM((_SC4, 128), jnp.float32),
            pltpu.VMEM((_CH, 128), jnp.float32),
        ] + [pltpu.SemaphoreType.DMA] * 6,
    )


def _count_body(rcv_hbm, z_hbm, ones_hbm, c0_hbm, c1_hbm,
                cnt_sh, idxc_b, idxd_b, ones_b, cst_b, sca, scb, saa, sab):
    cid = lax.axis_index("c")
    sid = lax.axis_index("s")
    wid = sid * NC + cid
    zb = sid * _RB
    tb = NS * _RB

    pltpu.sync_copy(z_hbm.at[pl.ds(0, _CH)], cst_b)
    for j in range(_RB // _CH):
        pltpu.sync_copy(cst_b, cnt_sh.at[pl.ds(zb + j * _CH, _CH)])

    @pl.when(sid == NS - 1)
    def _():
        pltpu.sync_copy(cst_b.at[pl.ds(0, _RX)], cnt_sh.at[pl.ds(tb, _RX)])

    pltpu.sync_copy(ones_hbm, ones_b)
    plsc.subcore_barrier()

    def ifire(idx, si, c):
        eb = pl.multiple_of(wid * _EW + c * _KC, 8)
        pltpu.async_copy(rcv_hbm.at[pl.ds(eb, _KC)], idx, si)

    def iwait(idx, si):
        pltpu.make_async_copy(rcv_hbm.at[pl.ds(0, _KC)], idx, si).wait()

    def cfire(idx, sa):
        pltpu.async_copy(ones_b, cnt_sh.at[idx], sa, add=True)

    def cdrain(idx, sa):
        pltpu.make_async_copy(ones_b, cnt_sh.at[idx], sa).wait()

    ifire(idxc_b, sca, 0)

    @pl.loop(0, (_KN - 1) // 2)
    def _pair(p):
        c0 = 2 * p
        ifire(idxd_b, scb, c0 + 1)
        iwait(idxc_b, sca)
        cfire(idxc_b, saa)
        iwait(idxd_b, scb)
        cfire(idxd_b, sab)
        cdrain(idxc_b, saa)
        ifire(idxc_b, sca, c0 + 2)
        cdrain(idxd_b, sab)

    iwait(idxc_b, sca)
    pltpu.sync_copy(ones_b, cnt_sh.at[idxc_b], add=True)

    plsc.subcore_barrier()
    for j in range(_RB // _CH):
        pltpu.sync_copy(cnt_sh.at[pl.ds(zb + j * _CH, _CH)], cst_b)

        @pl.when(cid == 0)
        def _():
            pltpu.sync_copy(cst_b, c0_hbm.at[pl.ds(zb + j * _CH, _CH)])

        @pl.when(cid == 1)
        def _():
            pltpu.sync_copy(cst_b, c1_hbm.at[pl.ds(zb + j * _CH, _CH)])

    @pl.when(sid == NS - 1)
    def _():
        pltpu.sync_copy(cnt_sh.at[pl.ds(tb, _RX)], cst_b.at[pl.ds(0, _RX)])

        @pl.when(cid == 0)
        def _():
            pltpu.sync_copy(cst_b.at[pl.ds(0, _RX)], c0_hbm.at[pl.ds(tb, _RX)])

        @pl.when(cid == 1)
        def _():
            pltpu.sync_copy(cst_b.at[pl.ds(0, _RX)], c1_hbm.at[pl.ds(tb, _RX)])


@functools.cache
def _make_count():
    return pl.kernel(
        _count_body,
        out_type=(
            jax.ShapeDtypeStruct((N, 128), jnp.float32),
            jax.ShapeDtypeStruct((N, 128), jnp.float32),
        ),
        mesh=plsc.VectorSubcoreMesh(core_axis_name="c", subcore_axis_name="s",
                                    num_cores=NC, num_subcores=NS),
        scratch_types=[
            pltpu.VMEM_SHARED((N, 128), jnp.float32),
            pltpu.VMEM((_KC,), jnp.int32),
            pltpu.VMEM((_KC,), jnp.int32),
            pltpu.VMEM((_KC, 128), jnp.float32),
            pltpu.VMEM((_CH, 128), jnp.float32),
        ] + [pltpu.SemaphoreType.DMA] * 4,
    )


def _node_body(xn_ref, agg_ref, c0_ref, c1_ref, w1b_ref, b1_ref, w2_ref, b2_ref,
               out_ref):
    c = jnp.maximum(c0_ref[:, 0:1] + c1_ref[:, 0:1], 1.0)
    mean = agg_ref[...] / c
    nh = jnp.maximum(
        xn_ref[...]
        + jnp.dot(mean, w1b_ref[...], preferred_element_type=jnp.float32)
        + b1_ref[...], 0.0)
    out_ref[...] = (jnp.dot(nh, w2_ref[...], preferred_element_type=jnp.float32)
                    + b2_ref[...])


_node = pl.pallas_call(
    _node_body,
    grid=(N // _MB5,),
    in_specs=[
        pl.BlockSpec((_MB5, H), lambda i: (i, 0)),
        pl.BlockSpec((_MB5, DEOUT), lambda i: (i, 0)),
        pl.BlockSpec((_MB5, 128), lambda i: (i, 0)),
        pl.BlockSpec((_MB5, 128), lambda i: (i, 0)),
        pl.BlockSpec((DEOUT, H), lambda i: (0, 0)),
        pl.BlockSpec((1, H), lambda i: (0, 0)),
        pl.BlockSpec((H, DNOUT), lambda i: (0, 0)),
        pl.BlockSpec((1, DNOUT), lambda i: (0, 0)),
    ],
    out_specs=pl.BlockSpec((_MB5, DNOUT), lambda i: (i, 0)),
    out_shape=jax.ShapeDtypeStruct((N, DNOUT), jnp.float32),
)


def kernel(node_feat, edge_index, edge_feat, eW1, eb1, eW2, eb2, nW1, nb1, nW2, nb2):
    senders = edge_index[0]
    receivers = edge_index[1]
    wcat = jnp.concatenate([eW1[:DF], eW1[DF:2 * DF], nW1[:DF]], axis=1)
    xs, xr, xn = _proj(node_feat, wcat)
    gs, gr = _make_gather()(xs, xr, senders, receivers)
    edge_out = _edge(gs, gr, edge_feat, eW1[2 * DF:], eb1.reshape(1, H),
                     eW2, eb2.reshape(1, DEOUT))
    zeros = jnp.zeros((N, 128), jnp.float32)
    ones = jnp.ones((_KC, 128), jnp.float32)
    agg = _make_scatter()(edge_out, receivers, zeros)
    c0, c1 = _make_count()(receivers, zeros, ones)
    node_out = _node(xn, agg, c0, c1, nW1[DF:], nb1.reshape(1, H),
                     nW2, nb2.reshape(1, DNOUT))
    return (node_out, edge_out)

# --- scband reference (transcript-rebuilt; emitter-appended) ---
"""Pipeline reference for scband-graph-network-62921270886988 (READ-ONLY COPY).

The authoritative reference and input builder live on the scoring server;
editing this copy changes nothing except your own understanding.
"""

import jax, jax.numpy as jnp
import numpy as np

N, E, DF, DE, H, DEOUT, DNOUT = 10000, 160000, 256, 16, 512, 256, 256

def setup_inputs(seed: int = 0) -> dict:
    key = jax.random.key(seed)
    ks = jax.random.split(key, 11)
    def w(k, shape):
        fan_in = shape[0]
        return (jax.random.normal(k, shape, dtype=jnp.float32) / np.sqrt(fan_in)).astype(jnp.float32)
    x = jax.random.normal(ks[0], (N, DF), dtype=jnp.float32)
    edge_index = jax.random.randint(ks[1], (2, E), 0, N, dtype=jnp.int32)
    edge_attr = jax.random.normal(ks[2], (E, DE), dtype=jnp.float32)
    eW1 = w(ks[3], (2 * DF + DE, H)); eb1 = jnp.zeros((H,), jnp.float32)
    eW2 = w(ks[4], (H, DEOUT));       eb2 = jnp.zeros((DEOUT,), jnp.float32)
    nW1 = w(ks[5], (DF + DEOUT, H));  nb1 = jnp.zeros((H,), jnp.float32)
    nW2 = w(ks[6], (H, DNOUT));       nb2 = jnp.zeros((DNOUT,), jnp.float32)
    return {"node_feat": x, "edge_index": edge_index, "edge_feat": edge_attr,
            "eW1": eW1, "eb1": eb1, "eW2": eW2, "eb2": eb2,
            "nW1": nW1, "nb1": nb1, "nW2": nW2, "nb2": nb2}

def reference(node_feat, edge_index, edge_feat, eW1, eb1, eW2, eb2, nW1, nb1, nW2, nb2):
    x = node_feat
    senders = edge_index[0]
    receivers = edge_index[1]
    # EdgeModel: gather endpoint features, concat with edge features, 2-layer MLP
    sender_features = jnp.take(x, senders, axis=0)
    receiver_features = jnp.take(x, receivers, axis=0)
    edge_inputs = jnp.concatenate([sender_features, receiver_features, edge_feat], axis=-1)
    eh = jnp.maximum(edge_inputs @ eW1 + eb1, 0.0)
    edge_out = eh @ eW2 + eb2
    # NodeModel: scatter-mean edge features to receiver nodes, concat, 2-layer MLP
    num_nodes = x.shape[0]
    agg = jax.ops.segment_sum(edge_out, receivers, num_segments=num_nodes)
    cnt = jax.ops.segment_sum(jnp.ones((edge_out.shape[0], 1), jnp.float32), receivers, num_segments=num_nodes)
    aggregated_edges = agg / jnp.maximum(cnt, 1.0)
    node_inputs = jnp.concatenate([x, aggregated_edges], axis=-1)
    nh = jnp.maximum(node_inputs @ nW1 + nb1, 0.0)
    node_out = nh @ nW2 + nb2
    return (node_out, edge_out)

if __name__ == "__main__":
    import jax
    _d = setup_inputs()
    print(jax.jit(kernel)(*tuple(_d.values())))

</pallas_src>

<mosaic_0001>
#map = affine_map<(d0, d1) -> (0, 0)>
#map1 = affine_map<(d0, d1) -> (0)>
module attributes {stable_mosaic.version = 14 : i64} {
  func.func @_gather_body(%arg0: i32, %arg1: i32, %arg2: memref<10000x512xf32, #tpu.memory_space<hbm>>, %arg3: memref<10000x512xf32, #tpu.memory_space<hbm>>, %arg4: memref<160000xi32, #tpu.memory_space<hbm>>, %arg5: memref<160000xi32, #tpu.memory_space<hbm>>, %arg6: memref<160000x512xf32, #tpu.memory_space<hbm>>, %arg7: memref<160000x512xf32, #tpu.memory_space<hbm>>, %arg8: memref<5000xi32, #tpu.memory_space<vmem>>, %arg9: memref<5000xi32, #tpu.memory_space<vmem>>, %arg10: memref<40x512xf32, #tpu.memory_space<vmem>>, %arg11: memref<40x512xf32, #tpu.memory_space<vmem>>, %arg12: memref<40x512xf32, #tpu.memory_space<vmem>>, %arg13: memref<40x512xf32, #tpu.memory_space<vmem>>, %arg14: memref<!tpu.dma_semaphore, #tpu.memory_space<semaphore_mem>>, %arg15: memref<!tpu.dma_semaphore, #tpu.memory_space<semaphore_mem>>, %arg16: memref<!tpu.dma_semaphore, #tpu.memory_space<semaphore_mem>>, %arg17: memref<!tpu.dma_semaphore, #tpu.memory_space<semaphore_mem>>, %arg18: memref<!tpu.dma_semaphore, #tpu.memory_space<semaphore_mem>>, %arg19: memref<!tpu.dma_semaphore, #tpu.memory_space<semaphore_mem>>, %arg20: memref<!tpu.dma_semaphore, #tpu.memory_space<semaphore_mem>>, %arg21: memref<!tpu.dma_semaphore, #tpu.memory_space<semaphore_mem>>) attributes {dimension_semantics = [#tpu.dimension_semantics<core_parallel>, #tpu.dimension_semantics<subcore_parallel>], iteration_bounds = array<i64: 2, 16>, scalar_prefetch = 0 : i64, scratch_operands = 14 : i64, tpu.core_type = #tpu.core_type<sc_vector_subcore>, window_params = [{transform_indices = #map}, {transform_indices = #map}, {transform_indices = #map1}, {transform_indices = #map1}, {transform_indices = #map}, {transform_indices = #map}]} {
    %mul3A = arith.constant 2 : i32
    %mul3A_0 = arith.muli %arg1, %mul3A : i32
    %add3A = arith.addi %mul3A_0, %arg0 : i32
    %mul3A_1 = arith.constant 5000 : i32
    %mul3A_2 = arith.muli %add3A, %mul3A_1 : i32
    "tpu.region"() ({
      %run_scoped3A = tpu.sem_alloc : memref<!tpu.dma_semaphore, #tpu.memory_space<semaphore_mem>>
      %dma_start3A_30 = tpu.memref_slice %arg4[%mul3A_2] : memref<160000xi32, #tpu.memory_space<hbm>> -> memref<5000xi32, #tpu.memory_space<hbm>>
      %dma_start3A_31 = tpu.memref_slice %arg4[%mul3A_2] : memref<160000xi32, #tpu.memory_space<hbm>> -> memref<5000xi32, #tpu.memory_space<hbm>>
      tpu.enqueue_dma source(%dma_start3A_31 : memref<5000xi32, #tpu.memory_space<hbm>>) target(%arg8 : memref<5000xi32, #tpu.memory_space<vmem>>) target_semaphore(%run_scoped3A : memref<!tpu.dma_semaphore, #tpu.memory_space<semaphore_mem>>)
      %dma_wait3A_32 = tpu.memref_slice %arg4[%mul3A_2] : memref<160000xi32, #tpu.memory_space<hbm>> -> memref<5000xi32, #tpu.memory_space<hbm>>
      %dma_wait3A_33 = tpu.memref_slice %arg4[%mul3A_2] : memref<160000xi32, #tpu.memory_space<hbm>> -> memref<5000xi32, #tpu.memory_space<hbm>>
      tpu.wait_dma2 semaphore(%run_scoped3A : memref<!tpu.dma_semaphore, #tpu.memory_space<semaphore_mem>>) src(%dma_wait3A_33 : memref<5000xi32, #tpu.memory_space<hbm>>) dst(%arg8 : memref<5000xi32, #tpu.memory_space<vmem>>)
      tpu.yield
    }) : () -> ()
    "tpu.region"() ({
      %run_scoped3A = tpu.sem_alloc : memref<!tpu.dma_semaphore, #tpu.memory_space<semaphore_mem>>
      %dma_start3A_30 = tpu.memref_slice %arg5[%mul3A_2] : memref<160000xi32, #tpu.memory_space<hbm>> -> memref<5000xi32, #tpu.memory_space<hbm>>
      %dma_start3A_31 = tpu.memref_slice %arg5[%mul3A_2] : memref<160000xi32, #tpu.memory_space<hbm>> -> memref<5000xi32, #tpu.memory_space<hbm>>
      tpu.enqueue_dma source(%dma_start3A_31 : memref<5000xi32, #tpu.memory_space<hbm>>) target(%arg9 : memref<5000xi32, #tpu.memory_space<vmem>>) target_semaphore(%run_scoped3A : memref<!tpu.dma_semaphore, #tpu.memory_space<semaphore_mem>>)
      %dma_wait3A_32 = tpu.memref_slice %arg5[%mul3A_2] : memref<160000xi32, #tpu.memory_space<hbm>> -> memref<5000xi32, #tpu.memory_space<hbm>>
      %dma_wait3A_33 = tpu.memref_slice %arg5[%mul3A_2] : memref<160000xi32, #tpu.memory_space<hbm>> -> memref<5000xi32, #tpu.memory_space<hbm>>
      tpu.wait_dma2 semaphore(%run_scoped3A : memref<!tpu.dma_semaphore, #tpu.memory_space<semaphore_mem>>) src(%dma_wait3A_33 : memref<5000xi32, #tpu.memory_space<hbm>>) dst(%arg9 : memref<5000xi32, #tpu.memory_space<vmem>>)
      tpu.yield
    }) : () -> ()
    %multiple_of3A = arith.constant 0 : i32
    %multiple_of3A_3 = tpu.assume_multiple %multiple_of3A, 8 : i32
    %dma_start3A = tpu.memref_slice %arg8[%multiple_of3A_3] : memref<5000xi32, #tpu.memory_space<vmem>> -> memref<40xi32, #tpu.memory_space<vmem>>
    %dma_start3A_4 = arith.constant 0 : i32
    %dma_start3A_5 = arith.constant 0 : i32
    %dma_start3A_6 = tpu.memref_slice %arg2[%dma_start3A_4, %dma_start3A_5] : memref<10000x512xf32, #tpu.memory_space<hbm>> -> memref<10000x512xf32, #tpu.memory_space<hbm>>
    tpu.enqueue_indirect_dma source(%dma_start3A_6 : memref<10000x512xf32, #tpu.memory_space<hbm>>) target(%arg10 : memref<40x512xf32, #tpu.memory_space<vmem>>) offsets(%dma_start3A : memref<40xi32, #tpu.memory_space<vmem>>) semaphore(%arg14 : memref<!tpu.dma_semaphore, #tpu.memory_space<semaphore_mem>>)
    %dma_start3A_7 = tpu.memref_slice %arg9[%multiple_of3A_3] : memref<5000xi32, #tpu.memory_space<vmem>> -> memref<40xi32, #tpu.memory_space<vmem>>
    %dma_start3A_8 = arith.constant 0 : i32
    %dma_start3A_9 = arith.constant 0 : i32
    %dma_start3A_10 = tpu.memref_slice %arg3[%dma_start3A_8, %dma_start3A_9] : memref<10000x512xf32, #tpu.memory_space<hbm>> -> memref<10000x512xf32, #tpu.memory_space<hbm>>
    tpu.enqueue_indirect_dma source(%dma_start3A_10 : memref<10000x512xf32, #tpu.memory_space<hbm>>) target(%arg11 : memref<40x512xf32, #tpu.memory_space<vmem>>) offsets(%dma_start3A_7 : memref<40xi32, #tpu.memory_space<vmem>>) semaphore(%arg15 : memref<!tpu.dma_semaphore, #tpu.memory_space<semaphore_mem>>)
    %scan3A = arith.constant 0 : i32
    %scan3A_11 = arith.constant 62 : i32
    %scan3A_12 = arith.addi %scan3A, %scan3A_11 : i32
    %scan3A_13 = arith.constant 1 : i32
    scf.for %scan3A_30 = %scan3A to %scan3A_12 step %scan3A_13  : i32 {
      %mul3A_31 = arith.constant 1 : i32
      %mul3A_32 = arith.muli %scan3A_30, %mul3A_31 : i32
      %add3A_33 = arith.constant 0 : i32
      %add3A_34 = arith.addi %add3A_33, %mul3A_32 : i32
      %mul3A_35 = arith.constant 2 : i32
      %mul3A_36 = arith.muli %mul3A_35, %add3A_34 : i32
      %add3A_37 = arith.constant 1 : i32
      %add3A_38 = arith.addi %mul3A_36, %add3A_37 : i32
      %mul3A_39 = arith.constant 40 : i32
      %mul3A_40 = arith.muli %add3A_38, %mul3A_39 : i32
      %multiple_of3A_41 = tpu.assume_multiple %mul3A_40, 8 : i32
      %dma_start3A_42 = tpu.memref_slice %arg8[%multiple_of3A_41] : memref<5000xi32, #tpu.memory_space<vmem>> -> memref<40xi32, #tpu.memory_space<vmem>>
      %dma_start3A_43 = arith.constant 0 : i32
      %dma_start3A_44 = arith.constant 0 : i32
      %dma_start3A_45 = tpu.memref_slice %arg2[%dma_start3A_43, %dma_start3A_44] : memref<10000x512xf32, #tpu.memory_space<hbm>> -> memref<10000x512xf32, #tpu.memory_space<hbm>>
      tpu.enqueue_indirect_dma source(%dma_start3A_45 : memref<10000x512xf32, #tpu.memory_space<hbm>>) target(%arg12 : memref<40x512xf32, #tpu.memory_space<vmem>>) offsets(%dma_start3A_42 : memref<40xi32, #tpu.memory_space<vmem>>) semaphore(%arg16 : memref<!tpu.dma_semaphore, #tpu.memory_space<semaphore_mem>>)
      %dma_start3A_46 = tpu.memref_slice %arg9[%multiple_of3A_41] : memref<5000xi32, #tpu.memory_space<vmem>> -> memref<40xi32, #tpu.memory_space<vmem>>
      %dma_start3A_47 = arith.constant 0 : i32
      %dma_start3A_48 = arith.constant 0 : i32
      %dma_start3A_49 = tpu.memref_slice %arg3[%dma_start3A_47, %dma_start3A_48] : memref<10000x512xf32, #tpu.memory_space<hbm>> -> memref<10000x512xf32, #tpu.memory_space<hbm>>
      tpu.enqueue_indirect_dma source(%dma_start3A_49 : memref<10000x512xf32, #tpu.memory_space<hbm>>) target(%arg13 : memref<40x512xf32, #tpu.memory_space<vmem>>) offsets(%dma_start3A_46 : memref<40xi32, #tpu.memory_space<vmem>>) semaphore(%arg17 : memref<!tpu.dma_semaphore, #tpu.memory_space<semaphore_mem>>)
      %dma_wait3A_50 = arith.constant 0 : i32
      %dma_wait3A_51 = arith.constant 0 : i32
      %dma_wait3A_52 = tpu.memref_slice %arg2[%dma_wait3A_50, %dma_wait3A_51] : memref<10000x512xf32, #tpu.memory_space<hbm>> -> memref<40x512xf32, #tpu.memory_space<hbm>>
      %dma_wait3A_53 = arith.constant 0 : i32
      %dma_wait3A_54 = arith.constant 0 : i32
      %dma_wait3A_55 = tpu.memref_slice %arg2[%dma_wait3A_53, %dma_wait3A_54] : memref<10000x512xf32, #tpu.memory_space<hbm>> -> memref<40x512xf32, #tpu.memory_space<hbm>>
      tpu.wait_dma2 semaphore(%arg14 : memref<!tpu.dma_semaphore, #tpu.memory_space<semaphore_mem>>) src(%dma_wait3A_55 : memref<40x512xf32, #tpu.memory_space<hbm>>) dst(%arg10 : memref<40x512xf32, #tpu.memory_space<vmem>>)
      %dma_wait3A_56 = arith.constant 0 : i32
      %dma_wait3A_57 = arith.constant 0 : i32
      %dma_wait3A_58 = tpu.memref_slice %arg3[%dma_wait3A_56, %dma_wait3A_57] : memref<10000x512xf32, #tpu.memory_space<hbm>> -> memref<40x512xf32, #tpu.memory_space<hbm>>
      %dma_wait3A_59 = arith.constant 0 : i32
      %dma_wait3A_60 = arith.constant 0 : i32
      %dma_wait3A_61 = tpu.memref_slice %arg3[%dma_wait3A_59, %dma_wait3A_60] : memref<10000x512xf32, #tpu.memory_space<hbm>> -> memref<40x512xf32, #tpu.memory_space<hbm>>
      tpu.wait_dma2 semaphore(%arg15 : memref<!tpu.dma_semaphore, #tpu.memory_space<semaphore_mem>>) src(%dma_wait3A_61 : memref<40x512xf32, #tpu.memory_space<hbm>>) dst(%arg11 : memref<40x512xf32, #tpu.memory_space<vmem>>)
      %mul3A_62 = arith.constant 40 : i32
      %mul3A_63 = arith.muli %mul3A_36, %mul3A_62 : i32
      %multiple_of3A_64 = tpu.assume_multiple %mul3A_63, 8 : i32
      %add3A_65 = arith.addi %mul3A_2, %multiple_of3A_64 : i32
      %dma_start3A_66 = arith.constant 0 : i32
      %dma_start3A_67 = tpu.memref_slice %arg6[%add3A_65, %dma_start3A_66] : memref<160000x512xf32, #tpu.memory_space<hbm>> -> memref<40x512xf32, #tpu.memory_space<hbm>>
      %dma_start3A_68 = arith.constant 0 : i32
      %dma_start3A_69 = tpu.memref_slice %arg6[%add3A_65, %dma_start3A_68] : memref<160000x512xf32, #tpu.memory_space<hbm>> -> memref<40x512xf32, #tpu.memory_space<hbm>>
      tpu.enqueue_dma source(%arg10 : memref<40x512xf32, #tpu.memory_space<vmem>>) target(%dma_start3A_69 : memref<40x512xf32, #tpu.memory_space<hbm>>) target_semaphore(%arg18 : memref<!tpu.dma_semaphore, #tpu.memory_space<semaphore_mem>>)
      %add3A_70 = arith.addi %mul3A_2, %multiple_of3A_64 : i32
      %dma_start3A_71 = arith.constant 0 : i32
      %dma_start3A_72 = tpu.memref_slice %arg7[%add3A_70, %dma_start3A_71] : memref<160000x512xf32, #tpu.memory_space<hbm>> -> memref<40x512xf32, #tpu.memory_space<hbm>>
      %dma_start3A_73 = arith.constant 0 : i32
      %dma_start3A_74 = tpu.memref_slice %arg7[%add3A_70, %dma_start3A_73] : memref<160000x512xf32, #tpu.memory_space<hbm>> -> memref<40x512xf32, #tpu.memory_space<hbm>>
      tpu.enqueue_dma source(%arg11 : memref<40x512xf32, #tpu.memory_space<vmem>>) target(%dma_start3A_74 : memref<40x512xf32, #tpu.memory_space<hbm>>) target_semaphore(%arg19 : memref<!tpu.dma_semaphore, #tpu.memory_space<semaphore_mem>>)
      %dma_wait3A_75 = arith.constant 0 : i32
      %dma_wait3A_76 = arith.constant 0 : i32
      %dma_wait3A_77 = tpu.memref_slice %arg2[%dma_wait3A_75, %dma_wait3A_76] : memref<10000x512xf32, #tpu.memory_space<hbm>> -> memref<40x512xf32, #tpu.memory_space<hbm>>
      %dma_wait3A_78 = arith.constant 0 : i32
      %dma_wait3A_79 = arith.constant 0 : i32
      %dma_wait3A_80 = tpu.memref_slice %arg2[%dma_wait3A_78, %dma_wait3A_79] : memref<10000x512xf32, #tpu.memory_space<hbm>> -> memref<40x512xf32, #tpu.memory_space<hbm>>
      tpu.wait_dma2 semaphore(%arg16 : memref<!tpu.dma_semaphore, #tpu.memory_space<semaphore_mem>>) src(%dma_wait3A_80 : memref<40x512xf32, #tpu.memory_space<hbm>>) dst(%arg12 : memref<40x512xf32, #tpu.memory_space<vmem>>)
      %dma_wait3A_81 = arith.constant 0 : i32
      %dma_wait3A_82 = arith.constant 0 : i32
      %dma_wait3A_83 = tpu.memref_slice %arg3[%dma_wait3A_81, %dma_wait3A_82] : memref<10000x512xf32, #tpu.memory_space<hbm>> -> memref<40x512xf32, #tpu.memory_space<hbm>>
      %dma_wait3A_84 = arith.constant 0 : i32
      %dma_wait3A_85 = arith.constant 0 : i32
      %dma_wait3A_86 = tpu.memref_slice %arg3[%dma_wait3A_84, %dma_wait3A_85] : memref<10000x512xf32, #tpu.memory_space<hbm>> -> memref<40x512xf32, #tpu.memory_space<hbm>>
      tpu.wait_dma2 semaphore(%arg17 : memref<!tpu.dma_semaphore, #tpu.memory_space<semaphore_mem>>) src(%dma_wait3A_86 : memref<40x512xf32, #tpu.memory_space<hbm>>) dst(%arg13 : memref<40x512xf32, #tpu.memory_space<vmem>>)
      %add3A_87 = arith.constant 1 : i32
      %add3A_88 = arith.addi %mul3A_36, %add3A_87 : i32
      %mul3A_89 = arith.constant 40 : i32
      %mul3A_90 = arith.muli %add3A_88, %mul3A_89 : i32
      %multiple_of3A_91 = tpu.assume_multiple %mul3A_90, 8 : i32
      %add3A_92 = arith.addi %mul3A_2, %multiple_of3A_91 : i32
      %dma_start3A_93 = arith.constant 0 : i32
      %dma_start3A_94 = tpu.memref_slice %arg6[%add3A_92, %dma_start3A_93] : memref<160000x512xf32, #tpu.memory_space<hbm>> -> memref<40x512xf32, #tpu.memory_space<hbm>>
      %dma_start3A_95 = arith.constant 0 : i32
      %dma_start3A_96 = tpu.memref_slice %arg6[%add3A_92, %dma_start3A_95] : memref<160000x512xf32, #tpu.memory_space<hbm>> -> memref<40x512xf32, #tpu.memory_space<hbm>>
      tpu.enqueue_dma source(%arg12 : memref<40x512xf32, #tpu.memory_space<vmem>>) target(%dma_start3A_96 : memref<40x512xf32, #tpu.memory_space<hbm>>) target_semaphore(%arg20 : memref<!tpu.dma_semaphore, #tpu.memory_space<semaphore_mem>>)
      %add3A_97 = arith.addi %mul3A_2, %multiple_of3A_91 : i32
      %dma_start3A_98 = arith.constant 0 : i32
      %dma_start3A_99 = tpu.memref_slice %arg7[%add3A_97, %dma_start3A_98] : memref<160000x512xf32, #tpu.memory_space<hbm>> -> memref<40x512xf32, #tpu.memory_space<hbm>>
      %dma_start3A_100 = arith.constant 0 : i32
      %dma_start3A_101 = tpu.memref_slice %arg7[%add3A_97, %dma_start3A_100] : memref<160000x512xf32, #tpu.memory_space<hbm>> -> memref<40x512xf32, #tpu.memory_space<hbm>>
      tpu.enqueue_dma source(%arg13 : memref<40x512xf32, #tpu.memory_space<vmem>>) target(%dma_start3A_101 : memref<40x512xf32, #tpu.memory_space<hbm>>) target_semaphore(%arg21 : memref<!tpu.dma_semaphore, #tpu.memory_space<semaphore_mem>>)
      %dma_wait3A_102 = arith.constant 0 : i32
      %dma_wait3A_103 = tpu.memref_slice %arg6[%mul3A_2, %dma_wait3A_102] : memref<160000x512xf32, #tpu.memory_space<hbm>> -> memref<40x512xf32, #tpu.memory_space<hbm>>
      %dma_wait3A_104 = arith.constant 0 : i32
      %dma_wait3A_105 = tpu.memref_slice %arg6[%mul3A_2, %dma_wait3A_104] : memref<160000x512xf32, #tpu.memory_space<hbm>> -> memref<40x512xf32, #tpu.memory_space<hbm>>
      tpu.wait_dma2 semaphore(%arg18 : memref<!tpu.dma_semaphore, #tpu.memory_space<semaphore_mem>>) src(%arg10 : memref<40x512xf32, #tpu.memory_space<vmem>>) dst(%dma_wait3A_105 : memref<40x512xf32, #tpu.memory_space<hbm>>)
      %dma_wait3A_106 = arith.constant 0 : i32
      %dma_wait3A_107 = tpu.memref_slice %arg7[%mul3A_2, %dma_wait3A_106] : memref<160000x512xf32, #tpu.memory_space<hbm>> -> memref<40x512xf32, #tpu.memory_space<hbm>>
      %dma_wait3A_108 = arith.constant 0 : i32
      %dma_wait3A_109 = tpu.memref_slice %arg7[%mul3A_2, %dma_wait3A_108] : memref<160000x512xf32, #tpu.memory_space<hbm>> -> memref<40x512xf32, #tpu.memory_space<hbm>>
      tpu.wait_dma2 semaphore(%arg19 : memref<!tpu.dma_semaphore, #tpu.memory_space<semaphore_mem>>) src(%arg11 : memref<40x512xf32, #tpu.memory_space<vmem>>) dst(%dma_wait3A_109 : memref<40x512xf32, #tpu.memory_space<hbm>>)
      %add3A_110 = arith.constant 2 : i32
      %add3A_111 = arith.addi %mul3A_36, %add3A_110 : i32
      %mul3A_112 = arith.constant 40 : i32
      %mul3A_113 = arith.muli %add3A_111, %mul3A_112 : i32
      %multiple_of3A_114 = tpu.assume_multiple %mul3A_113, 8 : i32
      %dma_start3A_115 = tpu.memref_slice %arg8[%multiple_of3A_114] : memref<5000xi32, #tpu.memory_space<vmem>> -> memref<40xi32, #tpu.memory_space<vmem>>
      %dma_start3A_116 = arith.constant 0 : i32
      %dma_start3A_117 = arith.constant 0 : i32
      %dma_start3A_118 = tpu.memref_slice %arg2[%dma_start3A_116, %dma_start3A_117] : memref<10000x512xf32, #tpu.memory_space<hbm>> -> memref<10000x512xf32, #tpu.memory_space<hbm>>
      tpu.enqueue_indirect_dma source(%dma_start3A_118 : memref<10000x512xf32, #tpu.memory_space<hbm>>) target(%arg10 : memref<40x512xf32, #tpu.memory_space<vmem>>) offsets(%dma_start3A_115 : memref<40xi32, #tpu.memory_space<vmem>>) semaphore(%arg14 : memref<!tpu.dma_semaphore, #tpu.memory_space<semaphore_mem>>)
      %dma_start3A_119 = tpu.memref_slice %arg9[%multiple_of3A_114] : memref<5000xi32, #tpu.memory_space<vmem>> -> memref<40xi32, #tpu.memory_space<vmem>>
      %dma_start3A_120 = arith.constant 0 : i32
      %dma_start3A_121 = arith.constant 0 : i32
      %dma_start3A_122 = tpu.memref_slice %arg3[%dma_start3A_120, %dma_start3A_121] : memref<10000x512xf32, #tpu.memory_space<hbm>> -> memref<10000x512xf32, #tpu.memory_space<hbm>>
      tpu.enqueue_indirect_dma source(%dma_start3A_122 : memref<10000x512xf32, #tpu.memory_space<hbm>>) target(%arg11 : memref<40x512xf32, #tpu.memory_space<vmem>>) offsets(%dma_start3A_119 : memref<40xi32, #tpu.memory_space<vmem>>) semaphore(%arg15 : memref<!tpu.dma_semaphore, #tpu.memory_space<semaphore_mem>>)
      %dma_wait3A_123 = arith.constant 0 : i32
      %dma_wait3A_124 = tpu.memref_slice %arg6[%mul3A_2, %dma_wait3A_123] : memref<160000x512xf32, #tpu.memory_space<hbm>> -> memref<40x512xf32, #tpu.memory_space<hbm>>
      %dma_wait3A_125 = arith.constant 0 : i32
      %dma_wait3A_126 = tpu.memref_slice %arg6[%mul3A_2, %dma_wait3A_125] : memref<160000x512xf32, #tpu.memory_space<hbm>> -> memref<40x512xf32, #tpu.memory_space<hbm>>
      tpu.wait_dma2 semaphore(%arg20 : memref<!tpu.dma_semaphore, #tpu.memory_space<semaphore_mem>>) src(%arg12 : memref<40x512xf32, #tpu.memory_space<vmem>>) dst(%dma_wait3A_126 : memref<40x512xf32, #tpu.memory_space<hbm>>)
      %dma_wait3A_127 = arith.constant 0 : i32
      %dma_wait3A_128 = tpu.memref_slice %arg7[%mul3A_2, %dma_wait3A_127] : memref<160000x512xf32, #tpu.memory_space<hbm>> -> memref<40x512xf32, #tpu.memory_space<hbm>>
      %dma_wait3A_129 = arith.constant 0 : i32
      %dma_wait3A_130 = tpu.memref_slice %arg7[%mul3A_2, %dma_wait3A_129] : memref<160000x512xf32, #tpu.memory_space<hbm>> -> memref<40x512xf32, #tpu.memory_space<hbm>>
      tpu.wait_dma2 semaphore(%arg21 : memref<!tpu.dma_semaphore, #tpu.memory_space<semaphore_mem>>) src(%arg13 : memref<40x512xf32, #tpu.memory_space<vmem>>) dst(%dma_wait3A_130 : memref<40x512xf32, #tpu.memory_space<hbm>>)
    }
    %scan3A_14 = arith.constant 62 : i32
    %dma_wait3A = arith.constant 0 : i32
    %dma_wait3A_15 = arith.constant 0 : i32
    %dma_wait3A_16 = tpu.memref_slice %arg2[%dma_wait3A, %dma_wait3A_15] : memref<10000x512xf32, #tpu.memory_space<hbm>> -> memref<40x512xf32, #tpu.memory_space<hbm>>
    %dma_wait3A_17 = arith.constant 0 : i32
    %dma_wait3A_18 = arith.constant 0 : i32
    %dma_wait3A_19 = tpu.memref_slice %arg2[%dma_wait3A_17, %dma_wait3A_18] : memref<10000x512xf32, #tpu.memory_space<hbm>> -> memref<40x512xf32, #tpu.memory_space<hbm>>
    tpu.wait_dma2 semaphore(%arg14 : memref<!tpu.dma_semaphore, #tpu.memory_space<semaphore_mem>>) src(%dma_wait3A_19 : memref<40x512xf32, #tpu.memory_space<hbm>>) dst(%arg10 : memref<40x512xf32, #tpu.memory_space<vmem>>)
    %dma_wait3A_20 = arith.constant 0 : i32
    %dma_wait3A_21 = arith.constant 0 : i32
    %dma_wait3A_22 = tpu.memref_slice %arg3[%dma_wait3A_20, %dma_wait3A_21] : memref<10000x512xf32, #tpu.memory_space<hbm>> -> memref<40x512xf32, #tpu.memory_space<hbm>>
    %dma_wait3A_23 = arith.constant 0 : i32
    %dma_wait3A_24 = arith.constant 0 : i32
    %dma_wait3A_25 = tpu.memref_slice %arg3[%dma_wait3A_23, %dma_wait3A_24] : memref<10000x512xf32, #tpu.memory_space<hbm>> -> memref<40x512xf32, #tpu.memory_space<hbm>>
    tpu.wait_dma2 semaphore(%arg15 : memref<!tpu.dma_semaphore, #tpu.memory_space<semaphore_mem>>) src(%dma_wait3A_25 : memref<40x512xf32, #tpu.memory_space<hbm>>) dst(%arg11 : memref<40x512xf32, #tpu.memory_space<vmem>>)
    %add3A_26 = arith.constant 4960 : i32
    %add3A_27 = arith.addi %mul3A_2, %add3A_26 : i32
    "tpu.region"() ({
      %run_scoped3A = tpu.sem_alloc : memref<!tpu.dma_semaphore, #tpu.memory_space<semaphore_mem>>
      %dma_start3A_30 = arith.constant 0 : i32
      %dma_start3A_31 = tpu.memref_slice %arg6[%add3A_27, %dma_start3A_30] : memref<160000x512xf32, #tpu.memory_space<hbm>> -> memref<40x512xf32, #tpu.memory_space<hbm>>
      %dma_start3A_32 = arith.constant 0 : i32
      %dma_start3A_33 = tpu.memref_slice %arg6[%add3A_27, %dma_start3A_32] : memref<160000x512xf32, #tpu.memory_space<hbm>> -> memref<40x512xf32, #tpu.memory_space<hbm>>
      tpu.enqueue_dma source(%arg10 : memref<40x512xf32, #tpu.memory_space<vmem>>) target(%dma_start3A_33 : memref<40x512xf32, #tpu.memory_space<hbm>>) target_semaphore(%run_scoped3A : memref<!tpu.dma_semaphore, #tpu.memory_space<semaphore_mem>>)
      %dma_wait3A_34 = arith.constant 0 : i32
      %dma_wait3A_35 = tpu.memref_slice %arg6[%add3A_27, %dma_wait3A_34] : memref<160000x512xf32, #tpu.memory_space<hbm>> -> memref<40x512xf32, #tpu.memory_space<hbm>>
      %dma_wait3A_36 = arith.constant 0 : i32
      %dma_wait3A_37 = tpu.memref_slice %arg6[%add3A_27, %dma_wait3A_36] : memref<160000x512xf32, #tpu.memory_space<hbm>> -> memref<40x512xf32, #tpu.memory_space<hbm>>
      tpu.wait_dma2 semaphore(%run_scoped3A : memref<!tpu.dma_semaphore, #tpu.memory_space<semaphore_mem>>) src(%arg10 : memref<40x512xf32, #tpu.memory_space<vmem>>) dst(%dma_wait3A_37 : memref<40x512xf32, #tpu.memory_space<hbm>>)
      tpu.yield
    }) : () -> ()
    %add3A_28 = arith.constant 4960 : i32
    %add3A_29 = arith.addi %mul3A_2, %add3A_28 : i32
    "tpu.region"() ({
      %run_scoped3A = tpu.sem_alloc : memref<!tpu.dma_semaphore, #tpu.memory_space<semaphore_mem>>
      %dma_start3A_30 = arith.constant 0 : i32
      %dma_start3A_31 = tpu.memref_slice %arg7[%add3A_29, %dma_start3A_30] : memref<160000x512xf32, #tpu.memory_space<hbm>> -> memref<40x512xf32, #tpu.memory_space<hbm>>
      %dma_start3A_32 = arith.constant 0 : i32
      %dma_start3A_33 = tpu.memref_slice %arg7[%add3A_29, %dma_start3A_32] : memref<160000x512xf32, #tpu.memory_space<hbm>> -> memref<40x512xf32, #tpu.memory_space<hbm>>
      tpu.enqueue_dma source(%arg11 : memref<40x512xf32, #tpu.memory_space<vmem>>) target(%dma_start3A_33 : memref<40x512xf32, #tpu.memory_space<hbm>>) target_semaphore(%run_scoped3A : memref<!tpu.dma_semaphore, #tpu.memory_space<semaphore_mem>>)
      %dma_wait3A_34 = arith.constant 0 : i32
      %dma_wait3A_35 = tpu.memref_slice %arg7[%add3A_29, %dma_wait3A_34] : memref<160000x512xf32, #tpu.memory_space<hbm>> -> memref<40x512xf32, #tpu.memory_space<hbm>>
      %dma_wait3A_36 = arith.constant 0 : i32
      %dma_wait3A_37 = tpu.memref_slice %arg7[%add3A_29, %dma_wait3A_36] : memref<160000x512xf32, #tpu.memory_space<hbm>> -> memref<40x512xf32, #tpu.memory_space<hbm>>
      tpu.wait_dma2 semaphore(%run_scoped3A : memref<!tpu.dma_semaphore, #tpu.memory_space<semaphore_mem>>) src(%arg11 : memref<40x512xf32, #tpu.memory_space<vmem>>) dst(%dma_wait3A_37 : memref<40x512xf32, #tpu.memory_space<hbm>>)
      tpu.yield
    }) : () -> ()
    return
  }
}

#map = affine_map<(d0, d1) -> (0, 0)>
#map1 = affine_map<(d0, d1) -> (0)>
module attributes {stable_mosaic.version = 14 : i64} {
  func.func @_scatter_body(%arg0: i32, %arg1: i32, %arg2: memref<160000x256xf32, #tpu.memory_space<hbm>>, %arg3: memref<160000xi32, #tpu.memory_space<hbm>>, %arg4: memref<10000x128xf32, #tpu.memory_space<hbm>>, %arg5: memref<10000x256xf32, #tpu.memory_space<hbm>>, %arg6: memref<10000x128xf32, #tpu.memory_space<vmem_shared>>, %arg7: memref<80xi32, #tpu.memory_space<vmem>>, %arg8: memref<80x128xf32, #tpu.memory_space<vmem>>, %arg9: memref<80xi32, #tpu.memory_space<vmem>>, %arg10: memref<80x128xf32, #tpu.memory_space<vmem>>, %arg11: memref<48x128xf32, #tpu.memory_space<vmem>>, %arg12: memref<!tpu.dma_semaphore, #tpu.memory_space<semaphore_mem>>, %arg13: memref<!tpu.dma_semaphore, #tpu.memory_space<semaphore_mem>>, %arg14: memref<!tpu.dma_semaphore, #tpu.memory_space<semaphore_mem>>, %arg15: memref<!tpu.dma_semaphore, #tpu.memory_space<semaphore_mem>>, %arg16: memref<!tpu.dma_semaphore, #tpu.memory_space<semaphore_mem>>, %arg17: memref<!tpu.dma_semaphore, #tpu.memory_space<semaphore_mem>>) attributes {dimension_semantics = [#tpu.dimension_semantics<core_parallel>, #tpu.dimension_semantics<subcore_parallel>], iteration_bounds = array<i64: 2, 16>, scalar_prefetch = 0 : i64, scratch_operands = 12 : i64, tpu.core_type = #tpu.core_type<sc_vector_subcore>, window_params = [{transform_indices = #map}, {transform_indices = #map1}, {transform_indices = #map}, {transform_indices = #map}]} {
    %mul3A = arith.constant 624 : i32
    %mul3A_0 = arith.muli %arg1, %mul3A : i32
    "tpu.region"() ({
      %run_scoped3A = tpu.sem_alloc : memref<!tpu.dma_semaphore, #tpu.memory_space<semaphore_mem>>
      %dma_start3A_134 = arith.constant 0 : i32
      %dma_start3A_135 = arith.constant 0 : i32
      %dma_start3A_136 = tpu.memref_slice %arg4[%dma_start3A_134, %dma_start3A_135] : memref<10000x128xf32, #tpu.memory_space<hbm>> -> memref<48x128xf32, #tpu.memory_space<hbm>>
      %dma_start3A_137 = arith.constant 0 : i32
      %dma_start3A_138 = arith.constant 0 : i32
      %dma_start3A_139 = tpu.memref_slice %arg4[%dma_start3A_137, %dma_start3A_138] : memref<10000x128xf32, #tpu.memory_space<hbm>> -> memref<48x128xf32, #tpu.memory_space<hbm>>
      tpu.enqueue_dma source(%dma_start3A_139 : memref<48x128xf32, #tpu.memory_space<hbm>>) target(%arg11 : memref<48x128xf32, #tpu.memory_space<vmem>>) target_semaphore(%run_scoped3A : memref<!tpu.dma_semaphore, #tpu.memory_space<semaphore_mem>>)
      %dma_wait3A_140 = arith.constant 0 : i32
      %dma_wait3A_141 = arith.constant 0 : i32
      %dma_wait3A_142 = tpu.memref_slice %arg4[%dma_wait3A_140, %dma_wait3A_141] : memref<10000x128xf32, #tpu.memory_space<hbm>> -> memref<48x128xf32, #tpu.memory_space<hbm>>
      %dma_wait3A_143 = arith.constant 0 : i32
      %dma_wait3A_144 = arith.constant 0 : i32
      %dma_wait3A_145 = tpu.memref_slice %arg4[%dma_wait3A_143, %dma_wait3A_144] : memref<10000x128xf32, #tpu.memory_space<hbm>> -> memref<48x128xf32, #tpu.memory_space<hbm>>
      tpu.wait_dma2 semaphore(%run_scoped3A : memref<!tpu.dma_semaphore, #tpu.memory_space<semaphore_mem>>) src(%dma_wait3A_145 : memref<48x128xf32, #tpu.memory_space<hbm>>) dst(%arg11 : memref<48x128xf32, #tpu.memory_space<vmem>>)
      tpu.yield
    }) : () -> ()
    %add3A = arith.constant 0 : i32
    %add3A_1 = arith.addi %mul3A_0, %add3A : i32
    "tpu.region"() ({
      %run_scoped3A = tpu.sem_alloc : memref<!tpu.dma_semaphore, #tpu.memory_space<semaphore_mem>>
      %dma_start3A_134 = arith.constant 0 : i32
      %dma_start3A_135 = tpu.memref_slice %arg6[%add3A_1, %dma_start3A_134] : memref<10000x128xf32, #tpu.memory_space<vmem_shared>> -> memref<48x128xf32, #tpu.memory_space<vmem_shared>>
      %dma_start3A_136 = arith.constant 0 : i32
      %dma_start3A_137 = tpu.memref_slice %arg6[%add3A_1, %dma_start3A_136] : memref<10000x128xf32, #tpu.memory_space<vmem_shared>> -> memref<48x128xf32, #tpu.memory_space<vmem_shared>>
      tpu.enqueue_dma source(%arg11 : memref<48x128xf32, #tpu.memory_space<vmem>>) target(%dma_start3A_137 : memref<48x128xf32, #tpu.memory_space<vmem_shared>>) target_semaphore(%run_scoped3A : memref<!tpu.dma_semaphore, #tpu.memory_space<semaphore_mem>>)
      %dma_wait3A_138 = arith.constant 0 : i32
      %dma_wait3A_139 = tpu.memref_slice %arg6[%add3A_1, %dma_wait3A_138] : memref<10000x128xf32, #tpu.memory_space<vmem_shared>> -> memref<48x128xf32, #tpu.memory_space<vmem_shared>>
      %dma_wait3A_140 = arith.constant 0 : i32
      %dma_wait3A_141 = tpu.memref_slice %arg6[%add3A_1, %dma_wait3A_140] : memref<10000x128xf32, #tpu.memory_space<vmem_shared>> -> memref<48x128xf32, #tpu.memory_space<vmem_shared>>
      tpu.wait_dma2 semaphore(%run_scoped3A : memref<!tpu.dma_semaphore, #tpu.memory_space<semaphore_mem>>) src(%arg11 : memref<48x128xf32, #tpu.memory_space<vmem>>) dst(%dma_wait3A_141 : memref<48x128xf32, #tpu.memory_space<vmem_shared>>)
      tpu.yield
    }) : () -> ()
    %add3A_2 = arith.constant 48 : i32
    %add3A_3 = arith.addi %mul3A_0, %add3A_2 : i32
    "tpu.region"() ({
      %run_scoped3A = tpu.sem_alloc : memref<!tpu.dma_semaphore, #tpu.memory_space<semaphore_mem>>
      %dma_start3A_134 = arith.constant 0 : i32
      %dma_start3A_135 = tpu.memref_slice %arg6[%add3A_3, %dma_start3A_134] : memref<10000x128xf32, #tpu.memory_space<vmem_shared>> -> memref<48x128xf32, #tpu.memory_space<vmem_shared>>
      %dma_start3A_136 = arith.constant 0 : i32
      %dma_start3A_137 = tpu.memref_slice %arg6[%add3A_3, %dma_start3A_136] : memref<10000x128xf32, #tpu.memory_space<vmem_shared>> -> memref<48x128xf32, #tpu.memory_space<vmem_shared>>
      tpu.enqueue_dma source(%arg11 : memref<48x128xf32, #tpu.memory_space<vmem>>) target(%dma_start3A_137 : memref<48x128xf32, #tpu.memory_space<vmem_shared>>) target_semaphore(%run_scoped3A : memref<!tpu.dma_semaphore, #tpu.memory_space<semaphore_mem>>)
      %dma_wait3A_138 = arith.constant 0 : i32
      %dma_wait3A_139 = tpu.memref_slice %arg6[%add3A_3, %dma_wait3A_138] : memref<10000x128xf32, #tpu.memory_space<vmem_shared>> -> memref<48x128xf32, #tpu.memory_space<vmem_shared>>
      %dma_wait3A_140 = arith.constant 0 : i32
      %dma_wait3A_141 = tpu.memref_slice %arg6[%add3A_3, %dma_wait3A_140] : memref<10000x128xf32, #tpu.memory_space<vmem_shared>> -> memref<48x128xf32, #tpu.memory_space<vmem_shared>>
      tpu.wait_dma2 semaphore(%run_scoped3A : memref<!tpu.dma_semaphore, #tpu.memory_space<semaphore_mem>>) src(%arg11 : memref<48x128xf32, #tpu.memory_space<vmem>>) dst(%dma_wait3A_141 : memref<48x128xf32, #tpu.memory_space<vmem_shared>>)
      tpu.yield
    }) : () -> ()
    %add3A_4 = arith.constant 96 : i32
    %add3A_5 = arith.addi %mul3A_0, %add3A_4 : i32
    "tpu.region"() ({
      %run_scoped3A = tpu.sem_alloc : memref<!tpu.dma_semaphore, #tpu.memory_space<semaphore_mem>>
      %dma_start3A_134 = arith.constant 0 : i32
      %dma_start3A_135 = tpu.memref_slice %arg6[%add3A_5, %dma_start3A_134] : memref<10000x128xf32, #tpu.memory_space<vmem_shared>> -> memref<48x128xf32, #tpu.memory_space<vmem_shared>>
      %dma_start3A_136 = arith.constant 0 : i32
      %dma_start3A_137 = tpu.memref_slice %arg6[%add3A_5, %dma_start3A_136] : memref<10000x128xf32, #tpu.memory_space<vmem_shared>> -> memref<48x128xf32, #tpu.memory_space<vmem_shared>>
      tpu.enqueue_dma source(%arg11 : memref<48x128xf32, #tpu.memory_space<vmem>>) target(%dma_start3A_137 : memref<48x128xf32, #tpu.memory_space<vmem_shared>>) target_semaphore(%run_scoped3A : memref<!tpu.dma_semaphore, #tpu.memory_space<semaphore_mem>>)
      %dma_wait3A_138 = arith.constant 0 : i32
      %dma_wait3A_139 = tpu.memref_slice %arg6[%add3A_5, %dma_wait3A_138] : memref<10000x128xf32, #tpu.memory_space<vmem_shared>> -> memref<48x128xf32, #tpu.memory_space<vmem_shared>>
      %dma_wait3A_140 = arith.constant 0 : i32
      %dma_wait3A_141 = tpu.memref_slice %arg6[%add3A_5, %dma_wait3A_140] : memref<10000x128xf32, #tpu.memory_space<vmem_shared>> -> memref<48x128xf32, #tpu.memory_space<vmem_shared>>
      tpu.wait_dma2 semaphore(%run_scoped3A : memref<!tpu.dma_semaphore, #tpu.memory_space<semaphore_mem>>) src(%arg11 : memref<48x128xf32, #tpu.memory_space<vmem>>) dst(%dma_wait3A_141 : memref<48x128xf32, #tpu.memory_space<vmem_shared>>)
      tpu.yield
    }) : () -> ()
    %add3A_6 = arith.constant 144 : i32
    %add3A_7 = arith.addi %mul3A_0, %add3A_6 : i32
    "tpu.region"() ({
      %run_scoped3A = tpu.sem_alloc : memref<!tpu.dma_semaphore, #tpu.memory_space<semaphore_mem>>
      %dma_start3A_134 = arith.constant 0 : i32
      %dma_start3A_135 = tpu.memref_slice %arg6[%add3A_7, %dma_start3A_134] : memref<10000x128xf32, #tpu.memory_space<vmem_shared>> -> memref<48x128xf32, #tpu.memory_space<vmem_shared>>
      %dma_start3A_136 = arith.constant 0 : i32
      %dma_start3A_137 = tpu.memref_slice %arg6[%add3A_7, %dma_start3A_136] : memref<10000x128xf32, #tpu.memory_space<vmem_shared>> -> memref<48x128xf32, #tpu.memory_space<vmem_shared>>
      tpu.enqueue_dma source(%arg11 : memref<48x128xf32, #tpu.memory_space<vmem>>) target(%dma_start3A_137 : memref<48x128xf32, #tpu.memory_space<vmem_shared>>) target_semaphore(%run_scoped3A : memref<!tpu.dma_semaphore, #tpu.memory_space<semaphore_mem>>)
      %dma_wait3A_138 = arith.constant 0 : i32
      %dma_wait3A_139 = tpu.memref_slice %arg6[%add3A_7, %dma_wait3A_138] : memref<10000x128xf32, #tpu.memory_space<vmem_shared>> -> memref<48x128xf32, #tpu.memory_space<vmem_shared>>
      %dma_wait3A_140 = arith.constant 0 : i32
      %dma_wait3A_141 = tpu.memref_slice %arg6[%add3A_7, %dma_wait3A_140] : memref<10000x128xf32, #tpu.memory_space<vmem_shared>> -> memref<48x128xf32, #tpu.memory_space<vmem_shared>>
      tpu.wait_dma2 semaphore(%run_scoped3A : memref<!tpu.dma_semaphore, #tpu.memory_space<semaphore_mem>>) src(%arg11 : memref<48x128xf32, #tpu.memory_space<vmem>>) dst(%dma_wait3A_141 : memref<48x128xf32, #tpu.memory_space<vmem_shared>>)
      tpu.yield
    }) : () -> ()
    %add3A_8 = arith.constant 192 : i32
    %add3A_9 = arith.addi %mul3A_0, %add3A_8 : i32
    "tpu.region"() ({
      %run_scoped3A = tpu.sem_alloc : memref<!tpu.dma_semaphore, #tpu.memory_space<semaphore_mem>>
      %dma_start3A_134 = arith.constant 0 : i32
      %dma_start3A_135 = tpu.memref_slice %arg6[%add3A_9, %dma_start3A_134] : memref<10000x128xf32, #tpu.memory_space<vmem_shared>> -> memref<48x128xf32, #tpu.memory_space<vmem_shared>>
      %dma_start3A_136 = arith.constant 0 : i32
      %dma_start3A_137 = tpu.memref_slice %arg6[%add3A_9, %dma_start3A_136] : memref<10000x128xf32, #tpu.memory_space<vmem_shared>> -> memref<48x128xf32, #tpu.memory_space<vmem_shared>>
      tpu.enqueue_dma source(%arg11 : memref<48x128xf32, #tpu.memory_space<vmem>>) target(%dma_start3A_137 : memref<48x128xf32, #tpu.memory_space<vmem_shared>>) target_semaphore(%run_scoped3A : memref<!tpu.dma_semaphore, #tpu.memory_space<semaphore_mem>>)
      %dma_wait3A_138 = arith.constant 0 : i32
      %dma_wait3A_139 = tpu.memref_slice %arg6[%add3A_9, %dma_wait3A_138] : memref<10000x128xf32, #tpu.memory_space<vmem_shared>> -> memref<48x128xf32, #tpu.memory_space<vmem_shared>>
      %dma_wait3A_140 = arith.constant 0 : i32
      %dma_wait3A_141 = tpu.memref_slice %arg6[%add3A_9, %dma_wait3A_140] : memref<10000x128xf32, #tpu.memory_space<vmem_shared>> -> memref<48x128xf32, #tpu.memory_space<vmem_shared>>
      tpu.wait_dma2 semaphore(%run_scoped3A : memref<!tpu.dma_semaphore, #tpu.memory_space<semaphore_mem>>) src(%arg11 : memref<48x128xf32, #tpu.memory_space<vmem>>) dst(%dma_wait3A_141 : memref<48x128xf32, #tpu.memory_space<vmem_shared>>)
      tpu.yield
    }) : () -> ()
    %add3A_10 = arith.constant 240 : i32
    %add3A_11 = arith.addi %mul3A_0, %add3A_10 : i32
    "tpu.region"() ({
      %run_scoped3A = tpu.sem_alloc : memref<!tpu.dma_semaphore, #tpu.memory_space<semaphore_mem>>
      %dma_start3A_134 = arith.constant 0 : i32
      %dma_start3A_135 = tpu.memref_slice %arg6[%add3A_11, %dma_start3A_134] : memref<10000x128xf32, #tpu.memory_space<vmem_shared>> -> memref<48x128xf32, #tpu.memory_space<vmem_shared>>
      %dma_start3A_136 = arith.constant 0 : i32
      %dma_start3A_137 = tpu.memref_slice %arg6[%add3A_11, %dma_start3A_136] : memref<10000x128xf32, #tpu.memory_space<vmem_shared>> -> memref<48x128xf32, #tpu.memory_space<vmem_shared>>
      tpu.enqueue_dma source(%arg11 : memref<48x128xf32, #tpu.memory_space<vmem>>) target(%dma_start3A_137 : memref<48x128xf32, #tpu.memory_space<vmem_shared>>) target_semaphore(%run_scoped3A : memref<!tpu.dma_semaphore, #tpu.memory_space<semaphore_mem>>)
      %dma_wait3A_138 = arith.constant 0 : i32
      %dma_wait3A_139 = tpu.memref_slice %arg6[%add3A_11, %dma_wait3A_138] : memref<10000x128xf32, #tpu.memory_space<vmem_shared>> -> memref<48x128xf32, #tpu.memory_space<vmem_shared>>
      %dma_wait3A_140 = arith.constant 0 : i32
      %dma_wait3A_141 = tpu.memref_slice %arg6[%add3A_11, %dma_wait3A_140] : memref<10000x128xf32, #tpu.memory_space<vmem_shared>> -> memref<48x128xf32, #tpu.memory_space<vmem_shared>>
      tpu.wait_dma2 semaphore(%run_scoped3A : memref<!tpu.dma_semaphore, #tpu.memory_space<semaphore_mem>>) src(%arg11 : memref<48x128xf32, #tpu.memory_space<vmem>>) dst(%dma_wait3A_141 : memref<48x128xf32, #tpu.memory_space<vmem_shared>>)
      tpu.yield
    }) : () -> ()
    %add3A_12 = arith.constant 288 : i32
    %add3A_13 = arith.addi %mul3A_0, %add3A_12 : i32
    "tpu.region"() ({
      %run_scoped3A = tpu.sem_alloc : memref<!tpu.dma_semaphore, #tpu.memory_space<semaphore_mem>>
      %dma_start3A_134 = arith.constant 0 : i32
      %dma_start3A_135 = tpu.memref_slice %arg6[%add3A_13, %dma_start3A_134] : memref<10000x128xf32, #tpu.memory_space<vmem_shared>> -> memref<48x128xf32, #tpu.memory_space<vmem_shared>>
      %dma_start3A_136 = arith.constant 0 : i32
      %dma_start3A_137 = tpu.memref_slice %arg6[%add3A_13, %dma_start3A_136] : memref<10000x128xf32, #tpu.memory_space<vmem_shared>> -> memref<48x128xf32, #tpu.memory_space<vmem_shared>>
      tpu.enqueue_dma source(%arg11 : memref<48x128xf32, #tpu.memory_space<vmem>>) target(%dma_start3A_137 : memref<48x128xf32, #tpu.memory_space<vmem_shared>>) target_semaphore(%run_scoped3A : memref<!tpu.dma_semaphore, #tpu.memory_space<semaphore_mem>>)
      %dma_wait3A_138 = arith.constant 0 : i32
      %dma_wait3A_139 = tpu.memref_slice %arg6[%add3A_13, %dma_wait3A_138] : memref<10000x128xf32, #tpu.memory_space<vmem_shared>> -> memref<48x128xf32, #tpu.memory_space<vmem_shared>>
      %dma_wait3A_140 = arith.constant 0 : i32
      %dma_wait3A_141 = tpu.memref_slice %arg6[%add3A_13, %dma_wait3A_140] : memref<10000x128xf32, #tpu.memory_space<vmem_shared>> -> memref<48x128xf32, #tpu.memory_space<vmem_shared>>
      tpu.wait_dma2 semaphore(%run_scoped3A : memref<!tpu.dma_semaphore, #tpu.memory_space<semaphore_mem>>) src(%arg11 : memref<48x128xf32, #tpu.memory_space<vmem>>) dst(%dma_wait3A_141 : memref<48x128xf32, #tpu.memory_space<vmem_shared>>)
      tpu.yield
    }) : () -> ()
    %add3A_14 = arith.constant 336 : i32
    %add3A_15 = arith.addi %mul3A_0, %add3A_14 : i32
    "tpu.region"() ({
      %run_scoped3A = tpu.sem_alloc : memref<!tpu.dma_semaphore, #tpu.memory_space<semaphore_mem>>
      %dma_start3A_134 = arith.constant 0 : i32
      %dma_start3A_135 = tpu.memref_slice %arg6[%add3A_15, %dma_start3A_134] : memref<10000x128xf32, #tpu.memory_space<vmem_shared>> -> memref<48x128xf32, #tpu.memory_space<vmem_shared>>
      %dma_start3A_136 = arith.constant 0 : i32
      %dma_start3A_137 = tpu.memref_slice %arg6[%add3A_15, %dma_start3A_136] : memref<10000x128xf32, #tpu.memory_space<vmem_shared>> -> memref<48x128xf32, #tpu.memory_space<vmem_shared>>
      tpu.enqueue_dma source(%arg11 : memref<48x128xf32, #tpu.memory_space<vmem>>) target(%dma_start3A_137 : memref<48x128xf32, #tpu.memory_space<vmem_shared>>) target_semaphore(%run_scoped3A : memref<!tpu.dma_semaphore, #tpu.memory_space<semaphore_mem>>)
      %dma_wait3A_138 = arith.constant 0 : i32
      %dma_wait3A_139 = tpu.memref_slice %arg6[%add3A_15, %dma_wait3A_138] : memref<10000x128xf32, #tpu.memory_space<vmem_shared>> -> memref<48x128xf32, #tpu.memory_space<vmem_shared>>
      %dma_wait3A_140 = arith.constant 0 : i32
      %dma_wait3A_141 = tpu.memref_slice %arg6[%add3A_15, %dma_wait3A_140] : memref<10000x128xf32, #tpu.memory_space<vmem_shared>> -> memref<48x128xf32, #tpu.memory_space<vmem_shared>>
      tpu.wait_dma2 semaphore(%run_scoped3A : memref<!tpu.dma_semaphore, #tpu.memory_space<semaphore_mem>>) src(%arg11 : memref<48x128xf32, #tpu.memory_space<vmem>>) dst(%dma_wait3A_141 : memref<48x128xf32, #tpu.memory_space<vmem_shared>>)
      tpu.yield
    }) : () -> ()
    %add3A_16 = arith.constant 384 : i32
    %add3A_17 = arith.addi %mul3A_0, %add3A_16 : i32
    "tpu.region"() ({
      %run_scoped3A = tpu.sem_alloc : memref<!tpu.dma_semaphore, #tpu.memory_space<semaphore_mem>>
      %dma_start3A_134 = arith.constant 0 : i32
      %dma_start3A_135 = tpu.memref_slice %arg6[%add3A_17, %dma_start3A_134] : memref<10000x128xf32, #tpu.memory_space<vmem_shared>> -> memref<48x128xf32, #tpu.memory_space<vmem_shared>>
      %dma_start3A_136 = arith.constant 0 : i32
      %dma_start3A_137 = tpu.memref_slice %arg6[%add3A_17, %dma_start3A_136] : memref<10000x128xf32, #tpu.memory_space<vmem_shared>> -> memref<48x128xf32, #tpu.memory_space<vmem_shared>>
      tpu.enqueue_dma source(%arg11 : memref<48x128xf32, #tpu.memory_space<vmem>>) target(%dma_start3A_137 : memref<48x128xf32, #tpu.memory_space<vmem_shared>>) target_semaphore(%run_scoped3A : memref<!tpu.dma_semaphore, #tpu.memory_space<semaphore_mem>>)
      %dma_wait3A_138 = arith.constant 0 : i32
      %dma_wait3A_139 = tpu.memref_slice %arg6[%add3A_17, %dma_wait3A_138] : memref<10000x128xf32, #tpu.memory_space<vmem_shared>> -> memref<48x128xf32, #tpu.memory_space<vmem_shared>>
      %dma_wait3A_140 = arith.constant 0 : i32
      %dma_wait3A_141 = tpu.memref_slice %arg6[%add3A_17, %dma_wait3A_140] : memref<10000x128xf32, #tpu.memory_space<vmem_shared>> -> memref<48x128xf32, #tpu.memory_space<vmem_shared>>
      tpu.wait_dma2 semaphore(%run_scoped3A : memref<!tpu.dma_semaphore, #tpu.memory_space<semaphore_mem>>) src(%arg11 : memref<48x128xf32, #tpu.memory_space<vmem>>) dst(%dma_wait3A_141 : memref<48x128xf32, #tpu.memory_space<vmem_shared>>)
      tpu.yield
    }) : () -> ()
    %add3A_18 = arith.constant 432 : i32
    %add3A_19 = arith.addi %mul3A_0, %add3A_18 : i32
    "tpu.region"() ({
      %run_scoped3A = tpu.sem_alloc : memref<!tpu.dma_semaphore, #tpu.memory_space<semaphore_mem>>
      %dma_start3A_134 = arith.constant 0 : i32
      %dma_start3A_135 = tpu.memref_slice %arg6[%add3A_19, %dma_start3A_134] : memref<10000x128xf32, #tpu.memory_space<vmem_shared>> -> memref<48x128xf32, #tpu.memory_space<vmem_shared>>
      %dma_start3A_136 = arith.constant 0 : i32
      %dma_start3A_137 = tpu.memref_slice %arg6[%add3A_19, %dma_start3A_136] : memref<10000x128xf32, #tpu.memory_space<vmem_shared>> -> memref<48x128xf32, #tpu.memory_space<vmem_shared>>
      tpu.enqueue_dma source(%arg11 : memref<48x128xf32, #tpu.memory_space<vmem>>) target(%dma_start3A_137 : memref<48x128xf32, #tpu.memory_space<vmem_shared>>) target_semaphore(%run_scoped3A : memref<!tpu.dma_semaphore, #tpu.memory_space<semaphore_mem>>)
      %dma_wait3A_138 = arith.constant 0 : i32
      %dma_wait3A_139 = tpu.memref_slice %arg6[%add3A_19, %dma_wait3A_138] : memref<10000x128xf32, #tpu.memory_space<vmem_shared>> -> memref<48x128xf32, #tpu.memory_space<vmem_shared>>
      %dma_wait3A_140 = arith.constant 0 : i32
      %dma_wait3A_141 = tpu.memref_slice %arg6[%add3A_19, %dma_wait3A_140] : memref<10000x128xf32, #tpu.memory_space<vmem_shared>> -> memref<48x128xf32, #tpu.memory_space<vmem_shared>>
      tpu.wait_dma2 semaphore(%run_scoped3A : memref<!tpu.dma_semaphore, #tpu.memory_space<semaphore_mem>>) src(%arg11 : memref<48x128xf32, #tpu.memory_space<vmem>>) dst(%dma_wait3A_141 : memref<48x128xf32, #tpu.memory_space<vmem_shared>>)
      tpu.yield
    }) : () -> ()
    %add3A_20 = arith.constant 480 : i32
    %add3A_21 = arith.addi %mul3A_0, %add3A_20 : i32
    "tpu.region"() ({
      %run_scoped3A = tpu.sem_alloc : memref<!tpu.dma_semaphore, #tpu.memory_space<semaphore_mem>>
      %dma_start3A_134 = arith.constant 0 : i32
      %dma_start3A_135 = tpu.memref_slice %arg6[%add3A_21, %dma_start3A_134] : memref<10000x128xf32, #tpu.memory_space<vmem_shared>> -> memref<48x128xf32, #tpu.memory_space<vmem_shared>>
      %dma_start3A_136 = arith.constant 0 : i32
      %dma_start3A_137 = tpu.memref_slice %arg6[%add3A_21, %dma_start3A_136] : memref<10000x128xf32, #tpu.memory_space<vmem_shared>> -> memref<48x128xf32, #tpu.memory_space<vmem_shared>>
      tpu.enqueue_dma source(%arg11 : memref<48x128xf32, #tpu.memory_space<vmem>>) target(%dma_start3A_137 : memref<48x128xf32, #tpu.memory_space<vmem_shared>>) target_semaphore(%run_scoped3A : memref<!tpu.dma_semaphore, #tpu.memory_space<semaphore_mem>>)
      %dma_wait3A_138 = arith.constant 0 : i32
      %dma_wait3A_139 = tpu.memref_slice %arg6[%add3A_21, %dma_wait3A_138] : memref<10000x128xf32, #tpu.memory_space<vmem_shared>> -> memref<48x128xf32, #tpu.memory_space<vmem_shared>>
      %dma_wait3A_140 = arith.constant 0 : i32
      %dma_wait3A_141 = tpu.memref_slice %arg6[%add3A_21, %dma_wait3A_140] : memref<10000x128xf32, #tpu.memory_space<vmem_shared>> -> memref<48x128xf32, #tpu.memory_space<vmem_shared>>
      tpu.wait_dma2 semaphore(%run_scoped3A : memref<!tpu.dma_semaphore, #tpu.memory_space<semaphore_mem>>) src(%arg11 : memref<48x128xf32, #tpu.memory_space<vmem>>) dst(%dma_wait3A_141 : memref<48x128xf32, #tpu.memory_space<vmem_shared>>)
      tpu.yield
    }) : () -> ()
    %add3A_22 = arith.constant 528 : i32
    %add3A_23 = arith.addi %mul3A_0, %add3A_22 : i32
    "tpu.region"() ({
      %run_scoped3A = tpu.sem_alloc : memref<!tpu.dma_semaphore, #tpu.memory_space<semaphore_mem>>
      %dma_start3A_134 = arith.constant 0 : i32
      %dma_start3A_135 = tpu.memref_slice %arg6[%add3A_23, %dma_start3A_134] : memref<10000x128xf32, #tpu.memory_space<vmem_shared>> -> memref<48x128xf32, #tpu.memory_space<vmem_shared>>
      %dma_start3A_136 = arith.constant 0 : i32
      %dma_start3A_137 = tpu.memref_slice %arg6[%add3A_23, %dma_start3A_136] : memref<10000x128xf32, #tpu.memory_space<vmem_shared>> -> memref<48x128xf32, #tpu.memory_space<vmem_shared>>
      tpu.enqueue_dma source(%arg11 : memref<48x128xf32, #tpu.memory_space<vmem>>) target(%dma_start3A_137 : memref<48x128xf32, #tpu.memory_space<vmem_shared>>) target_semaphore(%run_scoped3A : memref<!tpu.dma_semaphore, #tpu.memory_space<semaphore_mem>>)
      %dma_wait3A_138 = arith.constant 0 : i32
      %dma_wait3A_139 = tpu.memref_slice %arg6[%add3A_23, %dma_wait3A_138] : memref<10000x128xf32, #tpu.memory_space<vmem_shared>> -> memref<48x128xf32, #tpu.memory_space<vmem_shared>>
      %dma_wait3A_140 = arith.constant 0 : i32
      %dma_wait3A_141 = tpu.memref_slice %arg6[%add3A_23, %dma_wait3A_140] : memref<10000x128xf32, #tpu.memory_space<vmem_shared>> -> memref<48x128xf32, #tpu.memory_space<vmem_shared>>
      tpu.wait_dma2 semaphore(%run_scoped3A : memref<!tpu.dma_semaphore, #tpu.memory_space<semaphore_mem>>) src(%arg11 : memref<48x128xf32, #tpu.memory_space<vmem>>) dst(%dma_wait3A_141 : memref<48x128xf32, #tpu.memory_space<vmem_shared>>)
      tpu.yield
    }) : () -> ()
    %add3A_24 = arith.constant 576 : i32
    %add3A_25 = arith.addi %mul3A_0, %add3A_24 : i32
    "tpu.region"() ({
      %run_scoped3A = tpu.sem_alloc : memref<!tpu.dma_semaphore, #tpu.memory_space<semaphore_mem>>
      %dma_start3A_134 = arith.constant 0 : i32
      %dma_start3A_135 = tpu.memref_slice %arg6[%add3A_25, %dma_start3A_134] : memref<10000x128xf32, #tpu.memory_space<vmem_shared>> -> memref<48x128xf32, #tpu.memory_space<vmem_shared>>
      %dma_start3A_136 = arith.constant 0 : i32
      %dma_start3A_137 = tpu.memref_slice %arg6[%add3A_25, %dma_start3A_136] : memref<10000x128xf32, #tpu.memory_space<vmem_shared>> -> memref<48x128xf32, #tpu.memory_space<vmem_shared>>
      tpu.enqueue_dma source(%arg11 : memref<48x128xf32, #tpu.memory_space<vmem>>) target(%dma_start3A_137 : memref<48x128xf32, #tpu.memory_space<vmem_shared>>) target_semaphore(%run_scoped3A : memref<!tpu.dma_semaphore, #tpu.memory_space<semaphore_mem>>)
      %dma_wait3A_138 = arith.constant 0 : i32
      %dma_wait3A_139 = tpu.memref_slice %arg6[%add3A_25, %dma_wait3A_138] : memref<10000x128xf32, #tpu.memory_space<vmem_shared>> -> memref<48x128xf32, #tpu.memory_space<vmem_shared>>
      %dma_wait3A_140 = arith.constant 0 : i32
      %dma_wait3A_141 = tpu.memref_slice %arg6[%add3A_25, %dma_wait3A_140] : memref<10000x128xf32, #tpu.memory_space<vmem_shared>> -> memref<48x128xf32, #tpu.memory_space<vmem_shared>>
      tpu.wait_dma2 semaphore(%run_scoped3A : memref<!tpu.dma_semaphore, #tpu.memory_space<semaphore_mem>>) src(%arg11 : memref<48x128xf32, #tpu.memory_space<vmem>>) dst(%dma_wait3A_141 : memref<48x128xf32, #tpu.memory_space<vmem_shared>>)
      tpu.yield
    }) : () -> ()
    %eq3A = arith.constant 15 : i32
    %eq3A_26 = arith.cmpi eq, %arg1, %eq3A : i32
    %convert_element_type3A = arith.extui %eq3A_26 : i1 to i32
    %cond3A = arith.constant 0 : i32
    %cond3A_27 = arith.cmpi ne, %convert_element_type3A, %cond3A : i32
    scf.if %cond3A_27 {
      "tpu.region"() ({
        %run_scoped3A = tpu.sem_alloc : memref<!tpu.dma_semaphore, #tpu.memory_space<semaphore_mem>>
        %dma_start3A_134 = arith.constant 0 : i32
        %dma_start3A_135 = arith.constant 0 : i32
        %dma_start3A_136 = tpu.memref_slice %arg11[%dma_start3A_134, %dma_start3A_135] : memref<48x128xf32, #tpu.memory_space<vmem>> -> memref<16x128xf32, #tpu.memory_space<vmem>>
        %dma_start3A_137 = arith.constant 9984 : i32
        %dma_start3A_138 = arith.constant 0 : i32
        %dma_start3A_139 = tpu.memref_slice %arg6[%dma_start3A_137, %dma_start3A_138] : memref<10000x128xf32, #tpu.memory_space<vmem_shared>> -> memref<16x128xf32, #tpu.memory_space<vmem_shared>>
        %dma_start3A_140 = arith.constant 9984 : i32
        %dma_start3A_141 = arith.constant 0 : i32
        %dma_start3A_142 = tpu.memref_slice %arg6[%dma_start3A_140, %dma_start3A_141] : memref<10000x128xf32, #tpu.memory_space<vmem_shared>> -> memref<16x128xf32, #tpu.memory_space<vmem_shared>>
        %dma_start3A_143 = arith.constant 0 : i32
        %dma_start3A_144 = arith.constant 0 : i32
        %dma_start3A_145 = tpu.memref_slice %arg11[%dma_start3A_143, %dma_start3A_144] : memref<48x128xf32, #tpu.memory_space<vmem>> -> memref<16x128xf32, #tpu.memory_space<vmem>>
        tpu.enqueue_dma source(%dma_start3A_145 : memref<16x128xf32, #tpu.memory_space<vmem>>) target(%dma_start3A_142 : memref<16x128xf32, #tpu.memory_space<vmem_shared>>) target_semaphore(%run_scoped3A : memref<!tpu.dma_semaphore, #tpu.memory_space<semaphore_mem>>)
        %dma_wait3A_146 = arith.constant 0 : i32
        %dma_wait3A_147 = arith.constant 0 : i32
        %dma_wait3A_148 = tpu.memref_slice %arg11[%dma_wait3A_146, %dma_wait3A_147] : memref<48x128xf32, #tpu.memory_space<vmem>> -> memref<16x128xf32, #tpu.memory_space<vmem>>
        %dma_wait3A_149 = arith.constant 9984 : i32
        %dma_wait3A_150 = arith.constant 0 : i32
        %dma_wait3A_151 = tpu.memref_slice %arg6[%dma_wait3A_149, %dma_wait3A_150] : memref<10000x128xf32, #tpu.memory_space<vmem_shared>> -> memref<16x128xf32, #tpu.memory_space<vmem_shared>>
        %dma_wait3A_152 = arith.constant 9984 : i32
        %dma_wait3A_153 = arith.constant 0 : i32
        %dma_wait3A_154 = tpu.memref_slice %arg6[%dma_wait3A_152, %dma_wait3A_153] : memref<10000x128xf32, #tpu.memory_space<vmem_shared>> -> memref<16x128xf32, #tpu.memory_space<vmem_shared>>
        %dma_wait3A_155 = arith.constant 0 : i32
        %dma_wait3A_156 = arith.constant 0 : i32
        %dma_wait3A_157 = tpu.memref_slice %arg11[%dma_wait3A_155, %dma_wait3A_156] : memref<48x128xf32, #tpu.memory_space<vmem>> -> memref<16x128xf32, #tpu.memory_space<vmem>>
        tpu.wait_dma2 semaphore(%run_scoped3A : memref<!tpu.dma_semaphore, #tpu.memory_space<semaphore_mem>>) src(%dma_wait3A_157 : memref<16x128xf32, #tpu.memory_space<vmem>>) dst(%dma_wait3A_154 : memref<16x128xf32, #tpu.memory_space<vmem_shared>>)
        tpu.yield
      }) : () -> ()
    } else {
    }
    %barrier3A = arith.constant 0 : index
    tpu.barrier barrier_id(%barrier3A)
    %mul3A_28 = arith.constant 10000 : i32
    %mul3A_29 = arith.muli %arg1, %mul3A_28 : i32
    %add3A_30 = arith.constant 0 : i32
    %add3A_31 = arith.addi %mul3A_29, %add3A_30 : i32
    %multiple_of3A = tpu.assume_multiple %add3A_31, 8 : i32
    %dma_start3A = tpu.memref_slice %arg3[%multiple_of3A] : memref<160000xi32, #tpu.memory_space<hbm>> -> memref<80xi32, #tpu.memory_space<hbm>>
    %dma_start3A_32 = tpu.memref_slice %arg3[%multiple_of3A] : memref<160000xi32, #tpu.memory_space<hbm>> -> memref<80xi32, #tpu.memory_space<hbm>>
    tpu.enqueue_dma source(%dma_start3A_32 : memref<80xi32, #tpu.memory_space<hbm>>) target(%arg7 : memref<80xi32, #tpu.memory_space<vmem>>) target_semaphore(%arg12 : memref<!tpu.dma_semaphore, #tpu.memory_space<semaphore_mem>>)
    %mul3A_33 = arith.constant 128 : i32
    %mul3A_34 = arith.muli %arg0, %mul3A_33 : i32
    %dma_start3A_35 = tpu.memref_slice %arg2[%multiple_of3A, %mul3A_34] : memref<160000x256xf32, #tpu.memory_space<hbm>> -> memref<80x128xf32, #tpu.memory_space<hbm>>
    %dma_start3A_36 = tpu.memref_slice %arg2[%multiple_of3A, %mul3A_34] : memref<160000x256xf32, #tpu.memory_space<hbm>> -> memref<80x128xf32, #tpu.memory_space<hbm>>
    tpu.enqueue_dma source(%dma_start3A_36 : memref<80x128xf32, #tpu.memory_space<hbm>>) target(%arg8 : memref<80x128xf32, #tpu.memory_space<vmem>>) target_semaphore(%arg13 : memref<!tpu.dma_semaphore, #tpu.memory_space<semaphore_mem>>)
    %scan3A = arith.constant 0 : i32
    %scan3A_37 = arith.constant 62 : i32
    %scan3A_38 = arith.addi %scan3A, %scan3A_37 : i32
    %scan3A_39 = arith.constant 1 : i32
    scf.for %scan3A_134 = %scan3A to %scan3A_38 step %scan3A_39  : i32 {
      %mul3A_135 = arith.constant 1 : i32
      %mul3A_136 = arith.muli %scan3A_134, %mul3A_135 : i32
      %add3A_137 = arith.constant 0 : i32
      %add3A_138 = arith.addi %add3A_137, %mul3A_136 : i32
      %mul3A_139 = arith.constant 2 : i32
      %mul3A_140 = arith.muli %mul3A_139, %add3A_138 : i32
      %add3A_141 = arith.constant 1 : i32
      %add3A_142 = arith.addi %mul3A_140, %add3A_141 : i32
      %mul3A_143 = arith.constant 10000 : i32
      %mul3A_144 = arith.muli %arg1, %mul3A_143 : i32
      %mul3A_145 = arith.constant 80 : i32
      %mul3A_146 = arith.muli %add3A_142, %mul3A_145 : i32
      %add3A_147 = arith.addi %mul3A_144, %mul3A_146 : i32
      %multiple_of3A_148 = tpu.assume_multiple %add3A_147, 8 : i32
      %dma_start3A_149 = tpu.memref_slice %arg3[%multiple_of3A_148] : memref<160000xi32, #tpu.memory_space<hbm>> -> memref<80xi32, #tpu.memory_space<hbm>>
      %dma_start3A_150 = tpu.memref_slice %arg3[%multiple_of3A_148] : memref<160000xi32, #tpu.memory_space<hbm>> -> memref<80xi32, #tpu.memory_space<hbm>>
      tpu.enqueue_dma source(%dma_start3A_150 : memref<80xi32, #tpu.memory_space<hbm>>) target(%arg9 : memref<80xi32, #tpu.memory_space<vmem>>) target_semaphore(%arg14 : memref<!tpu.dma_semaphore, #tpu.memory_space<semaphore_mem>>)
      %mul3A_151 = arith.constant 128 : i32
      %mul3A_152 = arith.muli %arg0, %mul3A_151 : i32
      %dma_start3A_153 = tpu.memref_slice %arg2[%multiple_of3A_148, %mul3A_152] : memref<160000x256xf32, #tpu.memory_space<hbm>> -> memref<80x128xf32, #tpu.memory_space<hbm>>
      %dma_start3A_154 = tpu.memref_slice %arg2[%multiple_of3A_148, %mul3A_152] : memref<160000x256xf32, #tpu.memory_space<hbm>> -> memref<80x128xf32, #tpu.memory_space<hbm>>
      tpu.enqueue_dma source(%dma_start3A_154 : memref<80x128xf32, #tpu.memory_space<hbm>>) target(%arg10 : memref<80x128xf32, #tpu.memory_space<vmem>>) target_semaphore(%arg15 : memref<!tpu.dma_semaphore, #tpu.memory_space<semaphore_mem>>)
      %dma_wait3A_155 = arith.constant 0 : i32
      %dma_wait3A_156 = tpu.memref_slice %arg3[%dma_wait3A_155] : memref<160000xi32, #tpu.memory_space<hbm>> -> memref<80xi32, #tpu.memory_space<hbm>>
      %dma_wait3A_157 = arith.constant 0 : i32
      %dma_wait3A_158 = tpu.memref_slice %arg3[%dma_wait3A_157] : memref<160000xi32, #tpu.memory_space<hbm>> -> memref<80xi32, #tpu.memory_space<hbm>>
      tpu.wait_dma2 semaphore(%arg12 : memref<!tpu.dma_semaphore, #tpu.memory_space<semaphore_mem>>) src(%dma_wait3A_158 : memref<80xi32, #tpu.memory_space<hbm>>) dst(%arg7 : memref<80xi32, #tpu.memory_space<vmem>>)
      %dma_wait3A_159 = arith.constant 0 : i32
      %dma_wait3A_160 = arith.constant 0 : i32
      %dma_wait3A_161 = tpu.memref_slice %arg2[%dma_wait3A_159, %dma_wait3A_160] : memref<160000x256xf32, #tpu.memory_space<hbm>> -> memref<80x128xf32, #tpu.memory_space<hbm>>
      %dma_wait3A_162 = arith.constant 0 : i32
      %dma_wait3A_163 = arith.constant 0 : i32
      %dma_wait3A_164 = tpu.memref_slice %arg2[%dma_wait3A_162, %dma_wait3A_163] : memref<160000x256xf32, #tpu.memory_space<hbm>> -> memref<80x128xf32, #tpu.memory_space<hbm>>
      tpu.wait_dma2 semaphore(%arg13 : memref<!tpu.dma_semaphore, #tpu.memory_space<semaphore_mem>>) src(%dma_wait3A_164 : memref<80x128xf32, #tpu.memory_space<hbm>>) dst(%arg8 : memref<80x128xf32, #tpu.memory_space<vmem>>)
      %dma_start3A_165 = arith.constant 0 : i32
      %dma_start3A_166 = arith.constant 0 : i32
      %dma_start3A_167 = tpu.memref_slice %arg6[%dma_start3A_165, %dma_start3A_166] : memref<10000x128xf32, #tpu.memory_space<vmem_shared>> -> memref<10000x128xf32, #tpu.memory_space<vmem_shared>>
      tpu.enqueue_indirect_dma source(%arg8 : memref<80x128xf32, #tpu.memory_space<vmem>>) target(%dma_start3A_167 : memref<10000x128xf32, #tpu.memory_space<vmem_shared>>) offsets(%arg7 : memref<80xi32, #tpu.memory_space<vmem>>) semaphore(%arg16 : memref<!tpu.dma_semaphore, #tpu.memory_space<semaphore_mem>>) {add = true}
      %dma_wait3A_168 = arith.constant 0 : i32
      %dma_wait3A_169 = tpu.memref_slice %arg3[%dma_wait3A_168] : memref<160000xi32, #tpu.memory_space<hbm>> -> memref<80xi32, #tpu.memory_space<hbm>>
      %dma_wait3A_170 = arith.constant 0 : i32
      %dma_wait3A_171 = tpu.memref_slice %arg3[%dma_wait3A_170] : memref<160000xi32, #tpu.memory_space<hbm>> -> memref<80xi32, #tpu.memory_space<hbm>>
      tpu.wait_dma2 semaphore(%arg14 : memref<!tpu.dma_semaphore, #tpu.memory_space<semaphore_mem>>) src(%dma_wait3A_171 : memref<80xi32, #tpu.memory_space<hbm>>) dst(%arg9 : memref<80xi32, #tpu.memory_space<vmem>>)
      %dma_wait3A_172 = arith.constant 0 : i32
      %dma_wait3A_173 = arith.constant 0 : i32
      %dma_wait3A_174 = tpu.memref_slice %arg2[%dma_wait3A_172, %dma_wait3A_173] : memref<160000x256xf32, #tpu.memory_space<hbm>> -> memref<80x128xf32, #tpu.memory_space<hbm>>
      %dma_wait3A_175 = arith.constant 0 : i32
      %dma_wait3A_176 = arith.constant 0 : i32
      %dma_wait3A_177 = tpu.memref_slice %arg2[%dma_wait3A_175, %dma_wait3A_176] : memref<160000x256xf32, #tpu.memory_space<hbm>> -> memref<80x128xf32, #tpu.memory_space<hbm>>
      tpu.wait_dma2 semaphore(%arg15 : memref<!tpu.dma_semaphore, #tpu.memory_space<semaphore_mem>>) src(%dma_wait3A_177 : memref<80x128xf32, #tpu.memory_space<hbm>>) dst(%arg10 : memref<80x128xf32, #tpu.memory_space<vmem>>)
      %dma_start3A_178 = arith.constant 0 : i32
      %dma_start3A_179 = arith.constant 0 : i32
      %dma_start3A_180 = tpu.memref_slice %arg6[%dma_start3A_178, %dma_start3A_179] : memref<10000x128xf32, #tpu.memory_space<vmem_shared>> -> memref<10000x128xf32, #tpu.memory_space<vmem_shared>>
      tpu.enqueue_indirect_dma source(%arg10 : memref<80x128xf32, #tpu.memory_space<vmem>>) target(%dma_start3A_180 : memref<10000x128xf32, #tpu.memory_space<vmem_shared>>) offsets(%arg9 : memref<80xi32, #tpu.memory_space<vmem>>) semaphore(%arg17 : memref<!tpu.dma_semaphore, #tpu.memory_space<semaphore_mem>>) {add = true}
      %dma_wait3A_181 = arith.constant 0 : i32
      %dma_wait3A_182 = arith.constant 0 : i32
      %dma_wait3A_183 = tpu.memref_slice %arg6[%dma_wait3A_181, %dma_wait3A_182] : memref<10000x128xf32, #tpu.memory_space<vmem_shared>> -> memref<10000x128xf32, #tpu.memory_space<vmem_shared>>
      tpu.wait_indirect_dma semaphore(%arg16 : memref<!tpu.dma_semaphore, #tpu.memory_space<semaphore_mem>>) src(%arg8 : memref<80x128xf32, #tpu.memory_space<vmem>>) dst(%dma_wait3A_183 : memref<10000x128xf32, #tpu.memory_space<vmem_shared>>)
      %add3A_184 = arith.constant 2 : i32
      %add3A_185 = arith.addi %mul3A_140, %add3A_184 : i32
      %mul3A_186 = arith.constant 10000 : i32
      %mul3A_187 = arith.muli %arg1, %mul3A_186 : i32
      %mul3A_188 = arith.constant 80 : i32
      %mul3A_189 = arith.muli %add3A_185, %mul3A_188 : i32
      %add3A_190 = arith.addi %mul3A_187, %mul3A_189 : i32
      %multiple_of3A_191 = tpu.assume_multiple %add3A_190, 8 : i32
      %dma_start3A_192 = tpu.memref_slice %arg3[%multiple_of3A_191] : memref<160000xi32, #tpu.memory_space<hbm>> -> memref<80xi32, #tpu.memory_space<hbm>>
      %dma_start3A_193 = tpu.memref_slice %arg3[%multiple_of3A_191] : memref<160000xi32, #tpu.memory_space<hbm>> -> memref<80xi32, #tpu.memory_space<hbm>>
      tpu.enqueue_dma source(%dma_start3A_193 : memref<80xi32, #tpu.memory_space<hbm>>) target(%arg7 : memref<80xi32, #tpu.memory_space<vmem>>) target_semaphore(%arg12 : memref<!tpu.dma_semaphore, #tpu.memory_space<semaphore_mem>>)
      %mul3A_194 = arith.constant 128 : i32
      %mul3A_195 = arith.muli %arg0, %mul3A_194 : i32
      %dma_start3A_196 = tpu.memref_slice %arg2[%multiple_of3A_191, %mul3A_195] : memref<160000x256xf32, #tpu.memory_space<hbm>> -> memref<80x128xf32, #tpu.memory_space<hbm>>
      %dma_start3A_197 = tpu.memref_slice %arg2[%multiple_of3A_191, %mul3A_195] : memref<160000x256xf32, #tpu.memory_space<hbm>> -> memref<80x128xf32, #tpu.memory_space<hbm>>
      tpu.enqueue_dma source(%dma_start3A_197 : memref<80x128xf32, #tpu.memory_space<hbm>>) target(%arg8 : memref<80x128xf32, #tpu.memory_space<vmem>>) target_semaphore(%arg13 : memref<!tpu.dma_semaphore, #tpu.memory_space<semaphore_mem>>)
      %dma_wait3A_198 = arith.constant 0 : i32
      %dma_wait3A_199 = arith.constant 0 : i32
      %dma_wait3A_200 = tpu.memref_slice %arg6[%dma_wait3A_198, %dma_wait3A_199] : memref<10000x128xf32, #tpu.memory_space<vmem_shared>> -> memref<10000x128xf32, #tpu.memory_space<vmem_shared>>
      tpu.wait_indirect_dma semaphore(%arg17 : memref<!tpu.dma_semaphore, #tpu.memory_space<semaphore_mem>>) src(%arg10 : memref<80x128xf32, #tpu.memory_space<vmem>>) dst(%dma_wait3A_200 : memref<10000x128xf32, #tpu.memory_space<vmem_shared>>)
    }
    %scan3A_40 = arith.constant 62 : i32
    %dma_wait3A = arith.constant 0 : i32
    %dma_wait3A_41 = tpu.memref_slice %arg3[%dma_wait3A] : memref<160000xi32, #tpu.memory_space<hbm>> -> memref<80xi32, #tpu.memory_space<hbm>>
    %dma_wait3A_42 = arith.constant 0 : i32
    %dma_wait3A_43 = tpu.memref_slice %arg3[%dma_wait3A_42] : memref<160000xi32, #tpu.memory_space<hbm>> -> memref<80xi32, #tpu.memory_space<hbm>>
    tpu.wait_dma2 semaphore(%arg12 : memref<!tpu.dma_semaphore, #tpu.memory_space<semaphore_mem>>) src(%dma_wait3A_43 : memref<80xi32, #tpu.memory_space<hbm>>) dst(%arg7 : memref<80xi32, #tpu.memory_space<vmem>>)
    %dma_wait3A_44 = arith.constant 0 : i32
    %dma_wait3A_45 = arith.constant 0 : i32
    %dma_wait3A_46 = tpu.memref_slice %arg2[%dma_wait3A_44, %dma_wait3A_45] : memref<160000x256xf32, #tpu.memory_space<hbm>> -> memref<80x128xf32, #tpu.memory_space<hbm>>
    %dma_wait3A_47 = arith.constant 0 : i32
    %dma_wait3A_48 = arith.constant 0 : i32
    %dma_wait3A_49 = tpu.memref_slice %arg2[%dma_wait3A_47, %dma_wait3A_48] : memref<160000x256xf32, #tpu.memory_space<hbm>> -> memref<80x128xf32, #tpu.memory_space<hbm>>
    tpu.wait_dma2 semaphore(%arg13 : memref<!tpu.dma_semaphore, #tpu.memory_space<semaphore_mem>>) src(%dma_wait3A_49 : memref<80x128xf32, #tpu.memory_space<hbm>>) dst(%arg8 : memref<80x128xf32, #tpu.memory_space<vmem>>)
    "tpu.region"() ({
      %run_scoped3A = tpu.sem_alloc : memref<!tpu.dma_semaphore, #tpu.memory_space<semaphore_mem>>
      %dma_start3A_134 = arith.constant 0 : i32
      %dma_start3A_135 = arith.constant 0 : i32
      %dma_start3A_136 = tpu.memref_slice %arg6[%dma_start3A_134, %dma_start3A_135] : memref<10000x128xf32, #tpu.memory_space<vmem_shared>> -> memref<10000x128xf32, #tpu.memory_space<vmem_shared>>
      tpu.enqueue_indirect_dma source(%arg8 : memref<80x128xf32, #tpu.memory_space<vmem>>) target(%dma_start3A_136 : memref<10000x128xf32, #tpu.memory_space<vmem_shared>>) offsets(%arg7 : memref<80xi32, #tpu.memory_space<vmem>>) semaphore(%run_scoped3A : memref<!tpu.dma_semaphore, #tpu.memory_space<semaphore_mem>>) {add = true}
      %dma_wait3A_137 = arith.constant 0 : i32
      %dma_wait3A_138 = arith.constant 0 : i32
      %dma_wait3A_139 = tpu.memref_slice %arg6[%dma_wait3A_137, %dma_wait3A_138] : memref<10000x128xf32, #tpu.memory_space<vmem_shared>> -> memref<10000x128xf32, #tpu.memory_space<vmem_shared>>
      tpu.wait_indirect_dma semaphore(%run_scoped3A : memref<!tpu.dma_semaphore, #tpu.memory_space<semaphore_mem>>) src(%arg8 : memref<80x128xf32, #tpu.memory_space<vmem>>) dst(%dma_wait3A_139 : memref<10000x128xf32, #tpu.memory_space<vmem_shared>>)
      tpu.yield
    }) : () -> ()
    %barrier3A_50 = arith.constant 0 : index
    tpu.barrier barrier_id(%barrier3A_50)
    %add3A_51 = arith.constant 0 : i32
    %add3A_52 = arith.addi %mul3A_0, %add3A_51 : i32
    "tpu.region"() ({
      %run_scoped3A = tpu.sem_alloc : memref<!tpu.dma_semaphore, #tpu.memory_space<semaphore_mem>>
      %dma_start3A_134 = arith.constant 0 : i32
      %dma_start3A_135 = tpu.memref_slice %arg6[%add3A_52, %dma_start3A_134] : memref<10000x128xf32, #tpu.memory_space<vmem_shared>> -> memref<48x128xf32, #tpu.memory_space<vmem_shared>>
      %dma_start3A_136 = arith.constant 0 : i32
      %dma_start3A_137 = tpu.memref_slice %arg6[%add3A_52, %dma_start3A_136] : memref<10000x128xf32, #tpu.memory_space<vmem_shared>> -> memref<48x128xf32, #tpu.memory_space<vmem_shared>>
      tpu.enqueue_dma source(%dma_start3A_137 : memref<48x128xf32, #tpu.memory_space<vmem_shared>>) target(%arg11 : memref<48x128xf32, #tpu.memory_space<vmem>>) target_semaphore(%run_scoped3A : memref<!tpu.dma_semaphore, #tpu.memory_space<semaphore_mem>>)
      %dma_wait3A_138 = arith.constant 0 : i32
      %dma_wait3A_139 = tpu.memref_slice %arg6[%add3A_52, %dma_wait3A_138] : memref<10000x128xf32, #tpu.memory_space<vmem_shared>> -> memref<48x128xf32, #tpu.memory_space<vmem_shared>>
      %dma_wait3A_140 = arith.constant 0 : i32
      %dma_wait3A_141 = tpu.memref_slice %arg6[%add3A_52, %dma_wait3A_140] : memref<10000x128xf32, #tpu.memory_space<vmem_shared>> -> memref<48x128xf32, #tpu.memory_space<vmem_shared>>
      tpu.wait_dma2 semaphore(%run_scoped3A : memref<!tpu.dma_semaphore, #tpu.memory_space<semaphore_mem>>) src(%dma_wait3A_141 : memref<48x128xf32, #tpu.memory_space<vmem_shared>>) dst(%arg11 : memref<48x128xf32, #tpu.memory_space<vmem>>)
      tpu.yield
    }) : () -> ()
    %add3A_53 = arith.constant 0 : i32
    %add3A_54 = arith.addi %mul3A_0, %add3A_53 : i32
    %mul3A_55 = arith.constant 128 : i32
    %mul3A_56 = arith.muli %arg0, %mul3A_55 : i32
    "tpu.region"() ({
      %run_scoped3A = tpu.sem_alloc : memref<!tpu.dma_semaphore, #tpu.memory_space<semaphore_mem>>
      %dma_start3A_134 = tpu.memref_slice %arg5[%add3A_54, %mul3A_56] : memref<10000x256xf32, #tpu.memory_space<hbm>> -> memref<48x128xf32, #tpu.memory_space<hbm>>
      %dma_start3A_135 = tpu.memref_slice %arg5[%add3A_54, %mul3A_56] : memref<10000x256xf32, #tpu.memory_space<hbm>> -> memref<48x128xf32, #tpu.memory_space<hbm>>
      tpu.enqueue_dma source(%arg11 : memref<48x128xf32, #tpu.memory_space<vmem>>) target(%dma_start3A_135 : memref<48x128xf32, #tpu.memory_space<hbm>>) target_semaphore(%run_scoped3A : memref<!tpu.dma_semaphore, #tpu.memory_space<semaphore_mem>>)
      %dma_wait3A_136 = tpu.memref_slice %arg5[%add3A_54, %mul3A_56] : memref<10000x256xf32, #tpu.memory_space<hbm>> -> memref<48x128xf32, #tpu.memory_space<hbm>>
      %dma_wait3A_137 = tpu.memref_slice %arg5[%add3A_54, %mul3A_56] : memref<10000x256xf32, #tpu.memory_space<hbm>> -> memref<48x128xf32, #tpu.memory_space<hbm>>
      tpu.wait_dma2 semaphore(%run_scoped3A : memref<!tpu.dma_semaphore, #tpu.memory_space<semaphore_mem>>) src(%arg11 : memref<48x128xf32, #tpu.memory_space<vmem>>) dst(%dma_wait3A_137 : memref<48x128xf32, #tpu.memory_space<hbm>>)
      tpu.yield
    }) : () -> ()
    %add3A_57 = arith.constant 48 : i32
    %add3A_58 = arith.addi %mul3A_0, %add3A_57 : i32
    "tpu.region"() ({
      %run_scoped3A = tpu.sem_alloc : memref<!tpu.dma_semaphore, #tpu.memory_space<semaphore_mem>>
      %dma_start3A_134 = arith.constant 0 : i32
      %dma_start3A_135 = tpu.memref_slice %arg6[%add3A_58, %dma_start3A_134] : memref<10000x128xf32, #tpu.memory_space<vmem_shared>> -> memref<48x128xf32, #tpu.memory_space<vmem_shared>>
      %dma_start3A_136 = arith.constant 0 : i32
      %dma_start3A_137 = tpu.memref_slice %arg6[%add3A_58, %dma_start3A_136] : memref<10000x128xf32, #tpu.memory_space<vmem_shared>> -> memref<48x128xf32, #tpu.memory_space<vmem_shared>>
      tpu.enqueue_dma source(%dma_start3A_137 : memref<48x128xf32, #tpu.memory_space<vmem_shared>>) target(%arg11 : memref<48x128xf32, #tpu.memory_space<vmem>>) target_semaphore(%run_scoped3A : memref<!tpu.dma_semaphore, #tpu.memory_space<semaphore_mem>>)
      %dma_wait3A_138 = arith.constant 0 : i32
      %dma_wait3A_139 = tpu.memref_slice %arg6[%add3A_58, %dma_wait3A_138] : memref<10000x128xf32, #tpu.memory_space<vmem_shared>> -> memref<48x128xf32, #tpu.memory_space<vmem_shared>>
      %dma_wait3A_140 = arith.constant 0 : i32
      %dma_wait3A_141 = tpu.memref_slice %arg6[%add3A_58, %dma_wait3A_140] : memref<10000x128xf32, #tpu.memory_space<vmem_shared>> -> memref<48x128xf32, #tpu.memory_space<vmem_shared>>
      tpu.wait_dma2 semaphore(%run_scoped3A : memref<!tpu.dma_semaphore, #tpu.memory_space<semaphore_mem>>) src(%dma_wait3A_141 : memref<48x128xf32, #tpu.memory_space<vmem_shared>>) dst(%arg11 : memref<48x128xf32, #tpu.memory_space<vmem>>)
      tpu.yield
    }) : () -> ()
    %add3A_59 = arith.constant 48 : i32
    %add3A_60 = arith.addi %mul3A_0, %add3A_59 : i32
    %mul3A_61 = arith.constant 128 : i32
    %mul3A_62 = arith.muli %arg0, %mul3A_61 : i32
    "tpu.region"() ({
      %run_scoped3A = tpu.sem_alloc : memref<!tpu.dma_semaphore, #tpu.memory_space<semaphore_mem>>
      %dma_start3A_134 = tpu.memref_slice %arg5[%add3A_60, %mul3A_62] : memref<10000x256xf32, #tpu.memory_space<hbm>> -> memref<48x128xf32, #tpu.memory_space<hbm>>
      %dma_start3A_135 = tpu.memref_slice %arg5[%add3A_60, %mul3A_62] : memref<10000x256xf32, #tpu.memory_space<hbm>> -> memref<48x128xf32, #tpu.memory_space<hbm>>
      tpu.enqueue_dma source(%arg11 : memref<48x128xf32, #tpu.memory_space<vmem>>) target(%dma_start3A_135 : memref<48x128xf32, #tpu.memory_space<hbm>>) target_semaphore(%run_scoped3A : memref<!tpu.dma_semaphore, #tpu.memory_space<semaphore_mem>>)
      %dma_wait3A_136 = tpu.memref_slice %arg5[%add3A_60, %mul3A_62] : memref<10000x256xf32, #tpu.memory_space<hbm>> -> memref<48x128xf32, #tpu.memory_space<hbm>>
      %dma_wait3A_137 = tpu.memref_slice %arg5[%add3A_60, %mul3A_62] : memref<10000x256xf32, #tpu.memory_space<hbm>> -> memref<48x128xf32, #tpu.memory_space<hbm>>
      tpu.wait_dma2 semaphore(%run_scoped3A : memref<!tpu.dma_semaphore, #tpu.memory_space<semaphore_mem>>) src(%arg11 : memref<48x128xf32, #tpu.memory_space<vmem>>) dst(%dma_wait3A_137 : memref<48x128xf32, #tpu.memory_space<hbm>>)
      tpu.yield
    }) : () -> ()
    %add3A_63 = arith.constant 96 : i32
    %add3A_64 = arith.addi %mul3A_0, %add3A_63 : i32
    "tpu.region"() ({
      %run_scoped3A = tpu.sem_alloc : memref<!tpu.dma_semaphore, #tpu.memory_space<semaphore_mem>>
      %dma_start3A_134 = arith.constant 0 : i32
      %dma_start3A_135 = tpu.memref_slice %arg6[%add3A_64, %dma_start3A_134] : memref<10000x128xf32, #tpu.memory_space<vmem_shared>> -> memref<48x128xf32, #tpu.memory_space<vmem_shared>>
      %dma_start3A_136 = arith.constant 0 : i32
      %dma_start3A_137 = tpu.memref_slice %arg6[%add3A_64, %dma_start3A_136] : memref<10000x128xf32, #tpu.memory_space<vmem_shared>> -> memref<48x128xf32, #tpu.memory_space<vmem_shared>>
      tpu.enqueue_dma source(%dma_start3A_137 : memref<48x128xf32, #tpu.memory_space<vmem_shared>>) target(%arg11 : memref<48x128xf32, #tpu.memory_space<vmem>>) target_semaphore(%run_scoped3A : memref<!tpu.dma_semaphore, #tpu.memory_space<semaphore_mem>>)
      %dma_wait3A_138 = arith.constant 0 : i32
      %dma_wait3A_139 = tpu.memref_slice %arg6[%add3A_64, %dma_wait3A_138] : memref<10000x128xf32, #tpu.memory_space<vmem_shared>> -> memref<48x128xf32, #tpu.memory_space<vmem_shared>>
      %dma_wait3A_140 = arith.constant 0 : i32
      %dma_wait3A_141 = tpu.memref_slice %arg6[%add3A_64, %dma_wait3A_140] : memref<10000x128xf32, #tpu.memory_space<vmem_shared>> -> memref<48x128xf32, #tpu.memory_space<vmem_shared>>
      tpu.wait_dma2 semaphore(%run_scoped3A : memref<!tpu.dma_semaphore, #tpu.memory_space<semaphore_mem>>) src(%dma_wait3A_141 : memref<48x128xf32, #tpu.memory_space<vmem_shared>>) dst(%arg11 : memref<48x128xf32, #tpu.memory_space<vmem>>)
      tpu.yield
    }) : () -> ()
    %add3A_65 = arith.constant 96 : i32
    %add3A_66 = arith.addi %mul3A_0, %add3A_65 : i32
    %mul3A_67 = arith.constant 128 : i32
    %mul3A_68 = arith.muli %arg0, %mul3A_67 : i32
    "tpu.region"() ({
      %run_scoped3A = tpu.sem_alloc : memref<!tpu.dma_semaphore, #tpu.memory_space<semaphore_mem>>
      %dma_start3A_134 = tpu.memref_slice %arg5[%add3A_66, %mul3A_68] : memref<10000x256xf32, #tpu.memory_space<hbm>> -> memref<48x128xf32, #tpu.memory_space<hbm>>
      %dma_start3A_135 = tpu.memref_slice %arg5[%add3A_66, %mul3A_68] : memref<10000x256xf32, #tpu.memory_space<hbm>> -> memref<48x128xf32, #tpu.memory_space<hbm>>
      tpu.enqueue_dma source(%arg11 : memref<48x128xf32, #tpu.memory_space<vmem>>) target(%dma_start3A_135 : memref<48x128xf32, #tpu.memory_space<hbm>>) target_semaphore(%run_scoped3A : memref<!tpu.dma_semaphore, #tpu.memory_space<semaphore_mem>>)
      %dma_wait3A_136 = tpu.memref_slice %arg5[%add3A_66, %mul3A_68] : memref<10000x256xf32, #tpu.memory_space<hbm>> -> memref<48x128xf32, #tpu.memory_space<hbm>>
      %dma_wait3A_137 = tpu.memref_slice %arg5[%add3A_66, %mul3A_68] : memref<10000x256xf32, #tpu.memory_space<hbm>> -> memref<48x128xf32, #tpu.memory_space<hbm>>
      tpu.wait_dma2 semaphore(%run_scoped3A : memref<!tpu.dma_semaphore, #tpu.memory_space<semaphore_mem>>) src(%arg11 : memref<48x128xf32, #tpu.memory_space<vmem>>) dst(%dma_wait3A_137 : memref<48x128xf32, #tpu.memory_space<hbm>>)
      tpu.yield
    }) : () -> ()
    %add3A_69 = arith.constant 144 : i32
    %add3A_70 = arith.addi %mul3A_0, %add3A_69 : i32
    "tpu.region"() ({
      %run_scoped3A = tpu.sem_alloc : memref<!tpu.dma_semaphore, #tpu.memory_space<semaphore_mem>>
      %dma_start3A_134 = arith.constant 0 : i32
      %dma_start3A_135 = tpu.memref_slice %arg6[%add3A_70, %dma_start3A_134] : memref<10000x128xf32, #tpu.memory_space<vmem_shared>> -> memref<48x128xf32, #tpu.memory_space<vmem_shared>>
      %dma_start3A_136 = arith.constant 0 : i32
      %dma_start3A_137 = tpu.memref_slice %arg6[%add3A_70, %dma_start3A_136] : memref<10000x128xf32, #tpu.memory_space<vmem_shared>> -> memref<48x128xf32, #tpu.memory_space<vmem_shared>>
      tpu.enqueue_dma source(%dma_start3A_137 : memref<48x128xf32, #tpu.memory_space<vmem_shared>>) target(%arg11 : memref<48x128xf32, #tpu.memory_space<vmem>>) target_semaphore(%run_scoped3A : memref<!tpu.dma_semaphore, #tpu.memory_space<semaphore_mem>>)
      %dma_wait3A_138 = arith.constant 0 : i32
      %dma_wait3A_139 = tpu.memref_slice %arg6[%add3A_70, %dma_wait3A_138] : memref<10000x128xf32, #tpu.memory_space<vmem_shared>> -> memref<48x128xf32, #tpu.memory_space<vmem_shared>>
      %dma_wait3A_140 = arith.constant 0 : i32
      %dma_wait3A_141 = tpu.memref_slice %arg6[%add3A_70, %dma_wait3A_140] : memref<10000x128xf32, #tpu.memory_space<vmem_shared>> -> memref<48x128xf32, #tpu.memory_space<vmem_shared>>
      tpu.wait_dma2 semaphore(%run_scoped3A : memref<!tpu.dma_semaphore, #tpu.memory_space<semaphore_mem>>) src(%dma_wait3A_141 : memref<48x128xf32, #tpu.memory_space<vmem_shared>>) dst(%arg11 : memref<48x128xf32, #tpu.memory_space<vmem>>)
      tpu.yield
    }) : () -> ()
    %add3A_71 = arith.constant 144 : i32
    %add3A_72 = arith.addi %mul3A_0, %add3A_71 : i32
    %mul3A_73 = arith.constant 128 : i32
    %mul3A_74 = arith.muli %arg0, %mul3A_73 : i32
    "tpu.region"() ({
      %run_scoped3A = tpu.sem_alloc : memref<!tpu.dma_semaphore, #tpu.memory_space<semaphore_mem>>
      %dma_start3A_134 = tpu.memref_slice %arg5[%add3A_72, %mul3A_74] : memref<10000x256xf32, #tpu.memory_space<hbm>> -> memref<48x128xf32, #tpu.memory_space<hbm>>
      %dma_start3A_135 = tpu.memref_slice %arg5[%add3A_72, %mul3A_74] : memref<10000x256xf32, #tpu.memory_space<hbm>> -> memref<48x128xf32, #tpu.memory_space<hbm>>
      tpu.enqueue_dma source(%arg11 : memref<48x128xf32, #tpu.memory_space<vmem>>) target(%dma_start3A_135 : memref<48x128xf32, #tpu.memory_space<hbm>>) target_semaphore(%run_scoped3A : memref<!tpu.dma_semaphore, #tpu.memory_space<semaphore_mem>>)
      %dma_wait3A_136 = tpu.memref_slice %arg5[%add3A_72, %mul3A_74] : memref<10000x256xf32, #tpu.memory_space<hbm>> -> memref<48x128xf32, #tpu.memory_space<hbm>>
      %dma_wait3A_137 = tpu.memref_slice %arg5[%add3A_72, %mul3A_74] : memref<10000x256xf32, #tpu.memory_space<hbm>> -> memref<48x128xf32, #tpu.memory_space<hbm>>
      tpu.wait_dma2 semaphore(%run_scoped3A : memref<!tpu.dma_semaphore, #tpu.memory_space<semaphore_mem>>) src(%arg11 : memref<48x128xf32, #tpu.memory_space<vmem>>) dst(%dma_wait3A_137 : memref<48x128xf32, #tpu.memory_space<hbm>>)
      tpu.yield
    }) : () -> ()
    %add3A_75 = arith.constant 192 : i32
    %add3A_76 = arith.addi %mul3A_0, %add3A_75 : i32
    "tpu.region"() ({
      %run_scoped3A = tpu.sem_alloc : memref<!tpu.dma_semaphore, #tpu.memory_space<semaphore_mem>>
      %dma_start3A_134 = arith.constant 0 : i32
      %dma_start3A_135 = tpu.memref_slice %arg6[%add3A_76, %dma_start3A_134] : memref<10000x128xf32, #tpu.memory_space<vmem_shared>> -> memref<48x128xf32, #tpu.memory_space<vmem_shared>>
      %dma_start3A_136 = arith.constant 0 : i32
      %dma_start3A_137 = tpu.memref_slice %arg6[%add3A_76, %dma_start3A_136] : memref<10000x128xf32, #tpu.memory_space<vmem_shared>> -> memref<48x128xf32, #tpu.memory_space<vmem_shared>>
      tpu.enqueue_dma source(%dma_start3A_137 : memref<48x128xf32, #tpu.memory_space<vmem_shared>>) target(%arg11 : memref<48x128xf32, #tpu.memory_space<vmem>>) target_semaphore(%run_scoped3A : memref<!tpu.dma_semaphore, #tpu.memory_space<semaphore_mem>>)
      %dma_wait3A_138 = arith.constant 0 : i32
      %dma_wait3A_139 = tpu.memref_slice %arg6[%add3A_76, %dma_wait3A_138] : memref<10000x128xf32, #tpu.memory_space<vmem_shared>> -> memref<48x128xf32, #tpu.memory_space<vmem_shared>>
      %dma_wait3A_140 = arith.constant 0 : i32
      %dma_wait3A_141 = tpu.memref_slice %arg6[%add3A_76, %dma_wait3A_140] : memref<10000x128xf32, #tpu.memory_space<vmem_shared>> -> memref<48x128xf32, #tpu.memory_space<vmem_shared>>
      tpu.wait_dma2 semaphore(%run_scoped3A : memref<!tpu.dma_semaphore, #tpu.memory_space<semaphore_mem>>) src(%dma_wait3A_141 : memref<48x128xf32, #tpu.memory_space<vmem_shared>>) dst(%arg11 : memref<48x128xf32, #tpu.memory_space<vmem>>)
      tpu.yield
    }) : () -> ()
    %add3A_77 = arith.constant 192 : i32
    %add3A_78 = arith.addi %mul3A_0, %add3A_77 : i32
    %mul3A_79 = arith.constant 128 : i32
    %mul3A_80 = arith.muli %arg0, %mul3A_79 : i32
    "tpu.region"() ({
      %run_scoped3A = tpu.sem_alloc : memref<!tpu.dma_semaphore, #tpu.memory_space<semaphore_mem>>
      %dma_start3A_134 = tpu.memref_slice %arg5[%add3A_78, %mul3A_80] : memref<10000x256xf32, #tpu.memory_space<hbm>> -> memref<48x128xf32, #tpu.memory_space<hbm>>
      %dma_start3A_135 = tpu.memref_slice %arg5[%add3A_78, %mul3A_80] : memref<10000x256xf32, #tpu.memory_space<hbm>> -> memref<48x128xf32, #tpu.memory_space<hbm>>
      tpu.enqueue_dma source(%arg11 : memref<48x128xf32, #tpu.memory_space<vmem>>) target(%dma_start3A_135 : memref<48x128xf32, #tpu.memory_space<hbm>>) target_semaphore(%run_scoped3A : memref<!tpu.dma_semaphore, #tpu.memory_space<semaphore_mem>>)
      %dma_wait3A_136 = tpu.memref_slice %arg5[%add3A_78, %mul3A_80] : memref<10000x256xf32, #tpu.memory_space<hbm>> -> memref<48x128xf32, #tpu.memory_space<hbm>>
      %dma_wait3A_137 = tpu.memref_slice %arg5[%add3A_78, %mul3A_80] : memref<10000x256xf32, #tpu.memory_space<hbm>> -> memref<48x128xf32, #tpu.memory_space<hbm>>
      tpu.wait_dma2 semaphore(%run_scoped3A : memref<!tpu.dma_semaphore, #tpu.memory_space<semaphore_mem>>) src(%arg11 : memref<48x128xf32, #tpu.memory_space<vmem>>) dst(%dma_wait3A_137 : memref<48x128xf32, #tpu.memory_space<hbm>>)
      tpu.yield
    }) : () -> ()
    %add3A_81 = arith.constant 240 : i32
    %add3A_82 = arith.addi %mul3A_0, %add3A_81 : i32
    "tpu.region"() ({
      %run_scoped3A = tpu.sem_alloc : memref<!tpu.dma_semaphore, #tpu.memory_space<semaphore_mem>>
      %dma_start3A_134 = arith.constant 0 : i32
      %dma_start3A_135 = tpu.memref_slice %arg6[%add3A_82, %dma_start3A_134] : memref<10000x128xf32, #tpu.memory_space<vmem_shared>> -> memref<48x128xf32, #tpu.memory_space<vmem_shared>>
      %dma_start3A_136 = arith.constant 0 : i32
      %dma_start3A_137 = tpu.memref_slice %arg6[%add3A_82, %dma_start3A_136] : memref<10000x128xf32, #tpu.memory_space<vmem_shared>> -> memref<48x128xf32, #tpu.memory_space<vmem_shared>>
      tpu.enqueue_dma source(%dma_start3A_137 : memref<48x128xf32, #tpu.memory_space<vmem_shared>>) target(%arg11 : memref<48x128xf32, #tpu.memory_space<vmem>>) target_semaphore(%run_scoped3A : memref<!tpu.dma_semaphore, #tpu.memory_space<semaphore_mem>>)
      %dma_wait3A_138 = arith.constant 0 : i32
      %dma_wait3A_139 = tpu.memref_slice %arg6[%add3A_82, %dma_wait3A_138] : memref<10000x128xf32, #tpu.memory_space<vmem_shared>> -> memref<48x128xf32, #tpu.memory_space<vmem_shared>>
      %dma_wait3A_140 = arith.constant 0 : i32
      %dma_wait3A_141 = tpu.memref_slice %arg6[%add3A_82, %dma_wait3A_140] : memref<10000x128xf32, #tpu.memory_space<vmem_shared>> -> memref<48x128xf32, #tpu.memory_space<vmem_shared>>
      tpu.wait_dma2 semaphore(%run_scoped3A : memref<!tpu.dma_semaphore, #tpu.memory_space<semaphore_mem>>) src(%dma_wait3A_141 : memref<48x128xf32, #tpu.memory_space<vmem_shared>>) dst(%arg11 : memref<48x128xf32, #tpu.memory_space<vmem>>)
      tpu.yield
    }) : () -> ()
    %add3A_83 = arith.constant 240 : i32
    %add3A_84 = arith.addi %mul3A_0, %add3A_83 : i32
    %mul3A_85 = arith.constant 128 : i32
    %mul3A_86 = arith.muli %arg0, %mul3A_85 : i32
    "tpu.region"() ({
      %run_scoped3A = tpu.sem_alloc : memref<!tpu.dma_semaphore, #tpu.memory_space<semaphore_mem>>
      %dma_start3A_134 = tpu.memref_slice %arg5[%add3A_84, %mul3A_86] : memref<10000x256xf32, #tpu.memory_space<hbm>> -> memref<48x128xf32, #tpu.memory_space<hbm>>
      %dma_start3A_135 = tpu.memref_slice %arg5[%add3A_84, %mul3A_86] : memref<10000x256xf32, #tpu.memory_space<hbm>> -> memref<48x128xf32, #tpu.memory_space<hbm>>
      tpu.enqueue_dma source(%arg11 : memref<48x128xf32, #tpu.memory_space<vmem>>) target(%dma_start3A_135 : memref<48x128xf32, #tpu.memory_space<hbm>>) target_semaphore(%run_scoped3A : memref<!tpu.dma_semaphore, #tpu.memory_space<semaphore_mem>>)
      %dma_wait3A_136 = tpu.memref_slice %arg5[%add3A_84, %mul3A_86] : memref<10000x256xf32, #tpu.memory_space<hbm>> -> memref<48x128xf32, #tpu.memory_space<hbm>>
      %dma_wait3A_137 = tpu.memref_slice %arg5[%add3A_84, %mul3A_86] : memref<10000x256xf32, #tpu.memory_space<hbm>> -> memref<48x128xf32, #tpu.memory_space<hbm>>
      tpu.wait_dma2 semaphore(%run_scoped3A : memref<!tpu.dma_semaphore, #tpu.memory_space<semaphore_mem>>) src(%arg11 : memref<48x128xf32, #tpu.memory_space<vmem>>) dst(%dma_wait3A_137 : memref<48x128xf32, #tpu.memory_space<hbm>>)
      tpu.yield
    }) : () -> ()
    %add3A_87 = arith.constant 288 : i32
    %add3A_88 = arith.addi %mul3A_0, %add3A_87 : i32
    "tpu.region"() ({
      %run_scoped3A = tpu.sem_alloc : memref<!tpu.dma_semaphore, #tpu.memory_space<semaphore_mem>>
      %dma_start3A_134 = arith.constant 0 : i32
      %dma_start3A_135 = tpu.memref_slice %arg6[%add3A_88, %dma_start3A_134] : memref<10000x128xf32, #tpu.memory_space<vmem_shared>> -> memref<48x128xf32, #tpu.memory_space<vmem_shared>>
      %dma_start3A_136 = arith.constant 0 : i32
      %dma_start3A_137 = tpu.memref_slice %arg6[%add3A_88, %dma_start3A_136] : memref<10000x128xf32, #tpu.memory_space<vmem_shared>> -> memref<48x128xf32, #tpu.memory_space<vmem_shared>>
      tpu.enqueue_dma source(%dma_start3A_137 : memref<48x128xf32, #tpu.memory_space<vmem_shared>>) target(%arg11 : memref<48x128xf32, #tpu.memory_space<vmem>>) target_semaphore(%run_scoped3A : memref<!tpu.dma_semaphore, #tpu.memory_space<semaphore_mem>>)
      %dma_wait3A_138 = arith.constant 0 : i32
      %dma_wait3A_139 = tpu.memref_slice %arg6[%add3A_88, %dma_wait3A_138] : memref<10000x128xf32, #tpu.memory_space<vmem_shared>> -> memref<48x128xf32, #tpu.memory_space<vmem_shared>>
      %dma_wait3A_140 = arith.constant 0 : i32
      %dma_wait3A_141 = tpu.memref_slice %arg6[%add3A_88, %dma_wait3A_140] : memref<10000x128xf32, #tpu.memory_space<vmem_shared>> -> memref<48x128xf32, #tpu.memory_space<vmem_shared>>
      tpu.wait_dma2 semaphore(%run_scoped3A : memref<!tpu.dma_semaphore, #tpu.memory_space<semaphore_mem>>) src(%dma_wait3A_141 : memref<48x128xf32, #tpu.memory_space<vmem_shared>>) dst(%arg11 : memref<48x128xf32, #tpu.memory_space<vmem>>)
      tpu.yield
    }) : () -> ()
    %add3A_89 = arith.constant 288 : i32
    %add3A_90 = arith.addi %mul3A_0, %add3A_89 : i32
    %mul3A_91 = arith.constant 128 : i32
    %mul3A_92 = arith.muli %arg0, %mul3A_91 : i32
    "tpu.region"() ({
      %run_scoped3A = tpu.sem_alloc : memref<!tpu.dma_semaphore, #tpu.memory_space<semaphore_mem>>
      %dma_start3A_134 = tpu.memref_slice %arg5[%add3A_90, %mul3A_92] : memref<10000x256xf32, #tpu.memory_space<hbm>> -> memref<48x128xf32, #tpu.memory_space<hbm>>
      %dma_start3A_135 = tpu.memref_slice %arg5[%add3A_90, %mul3A_92] : memref<10000x256xf32, #tpu.memory_space<hbm>> -> memref<48x128xf32, #tpu.memory_space<hbm>>
      tpu.enqueue_dma source(%arg11 : memref<48x128xf32, #tpu.memory_space<vmem>>) target(%dma_start3A_135 : memref<48x128xf32, #tpu.memory_space<hbm>>) target_semaphore(%run_scoped3A : memref<!tpu.dma_semaphore, #tpu.memory_space<semaphore_mem>>)
      %dma_wait3A_136 = tpu.memref_slice %arg5[%add3A_90, %mul3A_92] : memref<10000x256xf32, #tpu.memory_space<hbm>> -> memref<48x128xf32, #tpu.memory_space<hbm>>
      %dma_wait3A_137 = tpu.memref_slice %arg5[%add3A_90, %mul3A_92] : memref<10000x256xf32, #tpu.memory_space<hbm>> -> memref<48x128xf32, #tpu.memory_space<hbm>>
      tpu.wait_dma2 semaphore(%run_scoped3A : memref<!tpu.dma_semaphore, #tpu.memory_space<semaphore_mem>>) src(%arg11 : memref<48x128xf32, #tpu.memory_space<vmem>>) dst(%dma_wait3A_137 : memref<48x128xf32, #tpu.memory_space<hbm>>)
      tpu.yield
    }) : () -> ()
    %add3A_93 = arith.constant 336 : i32
    %add3A_94 = arith.addi %mul3A_0, %add3A_93 : i32
    "tpu.region"() ({
      %run_scoped3A = tpu.sem_alloc : memref<!tpu.dma_semaphore, #tpu.memory_space<semaphore_mem>>
      %dma_start3A_134 = arith.constant 0 : i32
      %dma_start3A_135 = tpu.memref_slice %arg6[%add3A_94, %dma_start3A_134] : memref<10000x128xf32, #tpu.memory_space<vmem_shared>> -> memref<48x128xf32, #tpu.memory_space<vmem_shared>>
      %dma_start3A_136 = arith.constant 0 : i32
      %dma_start3A_137 = tpu.memref_slice %arg6[%add3A_94, %dma_start3A_136] : memref<10000x128xf32, #tpu.memory_space<vmem_shared>> -> memref<48x128xf32, #tpu.memory_space<vmem_shared>>
      tpu.enqueue_dma source(%dma_start3A_137 : memref<48x128xf32, #tpu.memory_space<vmem_shared>>) target(%arg11 : memref<48x128xf32, #tpu.memory_space<vmem>>) target_semaphore(%run_scoped3A : memref<!tpu.dma_semaphore, #tpu.memory_space<semaphore_mem>>)
      %dma_wait3A_138 = arith.constant 0 : i32
      %dma_wait3A_139 = tpu.memref_slice %arg6[%add3A_94, %dma_wait3A_138] : memref<10000x128xf32, #tpu.memory_space<vmem_shared>> -> memref<48x128xf32, #tpu.memory_space<vmem_shared>>
      %dma_wait3A_140 = arith.constant 0 : i32
      %dma_wait3A_141 = tpu.memref_slice %arg6[%add3A_94, %dma_wait3A_140] : memref<10000x128xf32, #tpu.memory_space<vmem_shared>> -> memref<48x128xf32, #tpu.memory_space<vmem_shared>>
      tpu.wait_dma2 semaphore(%run_scoped3A : memref<!tpu.dma_semaphore, #tpu.memory_space<semaphore_mem>>) src(%dma_wait3A_141 : memref<48x128xf32, #tpu.memory_space<vmem_shared>>) dst(%arg11 : memref<48x128xf32, #tpu.memory_space<vmem>>)
      tpu.yield
    }) : () -> ()
    %add3A_95 = arith.constant 336 : i32
    %add3A_96 = arith.addi %mul3A_0, %add3A_95 : i32
    %mul3A_97 = arith.constant 128 : i32
    %mul3A_98 = arith.muli %arg0, %mul3A_97 : i32
    "tpu.region"() ({
      %run_scoped3A = tpu.sem_alloc : memref<!tpu.dma_semaphore, #tpu.memory_space<semaphore_mem>>
      %dma_start3A_134 = tpu.memref_slice %arg5[%add3A_96, %mul3A_98] : memref<10000x256xf32, #tpu.memory_space<hbm>> -> memref<48x128xf32, #tpu.memory_space<hbm>>
      %dma_start3A_135 = tpu.memref_slice %arg5[%add3A_96, %mul3A_98] : memref<10000x256xf32, #tpu.memory_space<hbm>> -> memref<48x128xf32, #tpu.memory_space<hbm>>
      tpu.enqueue_dma source(%arg11 : memref<48x128xf32, #tpu.memory_space<vmem>>) target(%dma_start3A_135 : memref<48x128xf32, #tpu.memory_space<hbm>>) target_semaphore(%run_scoped3A : memref<!tpu.dma_semaphore, #tpu.memory_space<semaphore_mem>>)
      %dma_wait3A_136 = tpu.memref_slice %arg5[%add3A_96, %mul3A_98] : memref<10000x256xf32, #tpu.memory_space<hbm>> -> memref<48x128xf32, #tpu.memory_space<hbm>>
      %dma_wait3A_137 = tpu.memref_slice %arg5[%add3A_96, %mul3A_98] : memref<10000x256xf32, #tpu.memory_space<hbm>> -> memref<48x128xf32, #tpu.memory_space<hbm>>
      tpu.wait_dma2 semaphore(%run_scoped3A : memref<!tpu.dma_semaphore, #tpu.memory_space<semaphore_mem>>) src(%arg11 : memref<48x128xf32, #tpu.memory_space<vmem>>) dst(%dma_wait3A_137 : memref<48x128xf32, #tpu.memory_space<hbm>>)
      tpu.yield
    }) : () -> ()
    %add3A_99 = arith.constant 384 : i32
    %add3A_100 = arith.addi %mul3A_0, %add3A_99 : i32
    "tpu.region"() ({
      %run_scoped3A = tpu.sem_alloc : memref<!tpu.dma_semaphore, #tpu.memory_space<semaphore_mem>>
      %dma_start3A_134 = arith.constant 0 : i32
      %dma_start3A_135 = tpu.memref_slice %arg6[%add3A_100, %dma_start3A_134] : memref<10000x128xf32, #tpu.memory_space<vmem_shared>> -> memref<48x128xf32, #tpu.memory_space<vmem_shared>>
      %dma_start3A_136 = arith.constant 0 : i32
      %dma_start3A_137 = tpu.memref_slice %arg6[%add3A_100, %dma_start3A_136] : memref<10000x128xf32, #tpu.memory_space<vmem_shared>> -> memref<48x128xf32, #tpu.memory_space<vmem_shared>>
      tpu.enqueue_dma source(%dma_start3A_137 : memref<48x128xf32, #tpu.memory_space<vmem_shared>>) target(%arg11 : memref<48x128xf32, #tpu.memory_space<vmem>>) target_semaphore(%run_scoped3A : memref<!tpu.dma_semaphore, #tpu.memory_space<semaphore_mem>>)
      %dma_wait3A_138 = arith.constant 0 : i32
      %dma_wait3A_139 = tpu.memref_slice %arg6[%add3A_100, %dma_wait3A_138] : memref<10000x128xf32, #tpu.memory_space<vmem_shared>> -> memref<48x128xf32, #tpu.memory_space<vmem_shared>>
      %dma_wait3A_140 = arith.constant 0 : i32
      %dma_wait3A_141 = tpu.memref_slice %arg6[%add3A_100, %dma_wait3A_140] : memref<10000x128xf32, #tpu.memory_space<vmem_shared>> -> memref<48x128xf32, #tpu.memory_space<vmem_shared>>
      tpu.wait_dma2 semaphore(%run_scoped3A : memref<!tpu.dma_semaphore, #tpu.memory_space<semaphore_mem>>) src(%dma_wait3A_141 : memref<48x128xf32, #tpu.memory_space<vmem_shared>>) dst(%arg11 : memref<48x128xf32, #tpu.memory_space<vmem>>)
      tpu.yield
    }) : () -> ()
    %add3A_101 = arith.constant 384 : i32
    %add3A_102 = arith.addi %mul3A_0, %add3A_101 : i32
    %mul3A_103 = arith.constant 128 : i32
    %mul3A_104 = arith.muli %arg0, %mul3A_103 : i32
    "tpu.region"() ({
      %run_scoped3A = tpu.sem_alloc : memref<!tpu.dma_semaphore, #tpu.memory_space<semaphore_mem>>
      %dma_start3A_134 = tpu.memref_slice %arg5[%add3A_102, %mul3A_104] : memref<10000x256xf32, #tpu.memory_space<hbm>> -> memref<48x128xf32, #tpu.memory_space<hbm>>
      %dma_start3A_135 = tpu.memref_slice %arg5[%add3A_102, %mul3A_104] : memref<10000x256xf32, #tpu.memory_space<hbm>> -> memref<48x128xf32, #tpu.memory_space<hbm>>
      tpu.enqueue_dma source(%arg11 : memref<48x128xf32, #tpu.memory_space<vmem>>) target(%dma_start3A_135 : memref<48x128xf32, #tpu.memory_space<hbm>>) target_semaphore(%run_scoped3A : memref<!tpu.dma_semaphore, #tpu.memory_space<semaphore_mem>>)
      %dma_wait3A_136 = tpu.memref_slice %arg5[%add3A_102, %mul3A_104] : memref<10000x256xf32, #tpu.memory_space<hbm>> -> memref<48x128xf32, #tpu.memory_space<hbm>>
      %dma_wait3A_137 = tpu.memref_slice %arg5[%add3A_102, %mul3A_104] : memref<10000x256xf32, #tpu.memory_space<hbm>> -> memref<48x128xf32, #tpu.memory_space<hbm>>
      tpu.wait_dma2 semaphore(%run_scoped3A : memref<!tpu.dma_semaphore, #tpu.memory_space<semaphore_mem>>) src(%arg11 : memref<48x128xf32, #tpu.memory_space<vmem>>) dst(%dma_wait3A_137 : memref<48x128xf32, #tpu.memory_space<hbm>>)
      tpu.yield
    }) : () -> ()
    %add3A_105 = arith.constant 432 : i32
    %add3A_106 = arith.addi %mul3A_0, %add3A_105 : i32
    "tpu.region"() ({
      %run_scoped3A = tpu.sem_alloc : memref<!tpu.dma_semaphore, #tpu.memory_space<semaphore_mem>>
      %dma_start3A_134 = arith.constant 0 : i32
      %dma_start3A_135 = tpu.memref_slice %arg6[%add3A_106, %dma_start3A_134] : memref<10000x128xf32, #tpu.memory_space<vmem_shared>> -> memref<48x128xf32, #tpu.memory_space<vmem_shared>>
      %dma_start3A_136 = arith.constant 0 : i32
      %dma_start3A_137 = tpu.memref_slice %arg6[%add3A_106, %dma_start3A_136] : memref<10000x128xf32, #tpu.memory_space<vmem_shared>> -> memref<48x128xf32, #tpu.memory_space<vmem_shared>>
      tpu.enqueue_dma source(%dma_start3A_137 : memref<48x128xf32, #tpu.memory_space<vmem_shared>>) target(%arg11 : memref<48x128xf32, #tpu.memory_space<vmem>>) target_semaphore(%run_scoped3A : memref<!tpu.dma_semaphore, #tpu.memory_space<semaphore_mem>>)
      %dma_wait3A_138 = arith.constant 0 : i32
      %dma_wait3A_139 = tpu.memref_slice %arg6[%add3A_106, %dma_wait3A_138] : memref<10000x128xf32, #tpu.memory_space<vmem_shared>> -> memref<48x128xf32, #tpu.memory_space<vmem_shared>>
      %dma_wait3A_140 = arith.constant 0 : i32
      %dma_wait3A_141 = tpu.memref_slice %arg6[%add3A_106, %dma_wait3A_140] : memref<10000x128xf32, #tpu.memory_space<vmem_shared>> -> memref<48x128xf32, #tpu.memory_space<vmem_shared>>
      tpu.wait_dma2 semaphore(%run_scoped3A : memref<!tpu.dma_semaphore, #tpu.memory_space<semaphore_mem>>) src(%dma_wait3A_141 : memref<48x128xf32, #tpu.memory_space<vmem_shared>>) dst(%arg11 : memref<48x128xf32, #tpu.memory_space<vmem>>)
      tpu.yield
    }) : () -> ()
    %add3A_107 = arith.constant 432 : i32
    %add3A_108 = arith.addi %mul3A_0, %add3A_107 : i32
    %mul3A_109 = arith.constant 128 : i32
    %mul3A_110 = arith.muli %arg0, %mul3A_109 : i32
    "tpu.region"() ({
      %run_scoped3A = tpu.sem_alloc : memref<!tpu.dma_semaphore, #tpu.memory_space<semaphore_mem>>
      %dma_start3A_134 = tpu.memref_slice %arg5[%add3A_108, %mul3A_110] : memref<10000x256xf32, #tpu.memory_space<hbm>> -> memref<48x128xf32, #tpu.memory_space<hbm>>
      %dma_start3A_135 = tpu.memref_slice %arg5[%add3A_108, %mul3A_110] : memref<10000x256xf32, #tpu.memory_space<hbm>> -> memref<48x128xf32, #tpu.memory_space<hbm>>
      tpu.enqueue_dma source(%arg11 : memref<48x128xf32, #tpu.memory_space<vmem>>) target(%dma_start3A_135 : memref<48x128xf32, #tpu.memory_space<hbm>>) target_semaphore(%run_scoped3A : memref<!tpu.dma_semaphore, #tpu.memory_space<semaphore_mem>>)
      %dma_wait3A_136 = tpu.memref_slice %arg5[%add3A_108, %mul3A_110] : memref<10000x256xf32, #tpu.memory_space<hbm>> -> memref<48x128xf32, #tpu.memory_space<hbm>>
      %dma_wait3A_137 = tpu.memref_slice %arg5[%add3A_108, %mul3A_110] : memref<10000x256xf32, #tpu.memory_space<hbm>> -> memref<48x128xf32, #tpu.memory_space<hbm>>
      tpu.wait_dma2 semaphore(%run_scoped3A : memref<!tpu.dma_semaphore, #tpu.memory_space<semaphore_mem>>) src(%arg11 : memref<48x128xf32, #tpu.memory_space<vmem>>) dst(%dma_wait3A_137 : memref<48x128xf32, #tpu.memory_space<hbm>>)
      tpu.yield
    }) : () -> ()
    %add3A_111 = arith.constant 480 : i32
    %add3A_112 = arith.addi %mul3A_0, %add3A_111 : i32
    "tpu.region"() ({
      %run_scoped3A = tpu.sem_alloc : memref<!tpu.dma_semaphore, #tpu.memory_space<semaphore_mem>>
      %dma_start3A_134 = arith.constant 0 : i32
      %dma_start3A_135 = tpu.memref_slice %arg6[%add3A_112, %dma_start3A_134] : memref<10000x128xf32, #tpu.memory_space<vmem_shared>> -> memref<48x128xf32, #tpu.memory_space<vmem_shared>>
      %dma_start3A_136 = arith.constant 0 : i32
      %dma_start3A_137 = tpu.memref_slice %arg6[%add3A_112, %dma_start3A_136] : memref<10000x128xf32, #tpu.memory_space<vmem_shared>> -> memref<48x128xf32, #tpu.memory_space<vmem_shared>>
      tpu.enqueue_dma source(%dma_start3A_137 : memref<48x128xf32, #tpu.memory_space<vmem_shared>>) target(%arg11 : memref<48x128xf32, #tpu.memory_space<vmem>>) target_semaphore(%run_scoped3A : memref<!tpu.dma_semaphore, #tpu.memory_space<semaphore_mem>>)
      %dma_wait3A_138 = arith.constant 0 : i32
      %dma_wait3A_139 = tpu.memref_slice %arg6[%add3A_112, %dma_wait3A_138] : memref<10000x128xf32, #tpu.memory_space<vmem_shared>> -> memref<48x128xf32, #tpu.memory_space<vmem_shared>>
      %dma_wait3A_140 = arith.constant 0 : i32
      %dma_wait3A_141 = tpu.memref_slice %arg6[%add3A_112, %dma_wait3A_140] : memref<10000x128xf32, #tpu.memory_space<vmem_shared>> -> memref<48x128xf32, #tpu.memory_space<vmem_shared>>
      tpu.wait_dma2 semaphore(%run_scoped3A : memref<!tpu.dma_semaphore, #tpu.memory_space<semaphore_mem>>) src(%dma_wait3A_141 : memref<48x128xf32, #tpu.memory_space<vmem_shared>>) dst(%arg11 : memref<48x128xf32, #tpu.memory_space<vmem>>)
      tpu.yield
    }) : () -> ()
    %add3A_113 = arith.constant 480 : i32
    %add3A_114 = arith.addi %mul3A_0, %add3A_113 : i32
    %mul3A_115 = arith.constant 128 : i32
    %mul3A_116 = arith.muli %arg0, %mul3A_115 : i32
    "tpu.region"() ({
      %run_scoped3A = tpu.sem_alloc : memref<!tpu.dma_semaphore, #tpu.memory_space<semaphore_mem>>
      %dma_start3A_134 = tpu.memref_slice %arg5[%add3A_114, %mul3A_116] : memref<10000x256xf32, #tpu.memory_space<hbm>> -> memref<48x128xf32, #tpu.memory_space<hbm>>
      %dma_start3A_135 = tpu.memref_slice %arg5[%add3A_114, %mul3A_116] : memref<10000x256xf32, #tpu.memory_space<hbm>> -> memref<48x128xf32, #tpu.memory_space<hbm>>
      tpu.enqueue_dma source(%arg11 : memref<48x128xf32, #tpu.memory_space<vmem>>) target(%dma_start3A_135 : memref<48x128xf32, #tpu.memory_space<hbm>>) target_semaphore(%run_scoped3A : memref<!tpu.dma_semaphore, #tpu.memory_space<semaphore_mem>>)
      %dma_wait3A_136 = tpu.memref_slice %arg5[%add3A_114, %mul3A_116] : memref<10000x256xf32, #tpu.memory_space<hbm>> -> memref<48x128xf32, #tpu.memory_space<hbm>>
      %dma_wait3A_137 = tpu.memref_slice %arg5[%add3A_114, %mul3A_116] : memref<10000x256xf32, #tpu.memory_space<hbm>> -> memref<48x128xf32, #tpu.memory_space<hbm>>
      tpu.wait_dma2 semaphore(%run_scoped3A : memref<!tpu.dma_semaphore, #tpu.memory_space<semaphore_mem>>) src(%arg11 : memref<48x128xf32, #tpu.memory_space<vmem>>) dst(%dma_wait3A_137 : memref<48x128xf32, #tpu.memory_space<hbm>>)
      tpu.yield
    }) : () -> ()
    %add3A_117 = arith.constant 528 : i32
    %add3A_118 = arith.addi %mul3A_0, %add3A_117 : i32
    "tpu.region"() ({
      %run_scoped3A = tpu.sem_alloc : memref<!tpu.dma_semaphore, #tpu.memory_space<semaphore_mem>>
      %dma_start3A_134 = arith.constant 0 : i32
      %dma_start3A_135 = tpu.memref_slice %arg6[%add3A_118, %dma_start3A_134] : memref<10000x128xf32, #tpu.memory_space<vmem_shared>> -> memref<48x128xf32, #tpu.memory_space<vmem_shared>>
      %dma_start3A_136 = arith.constant 0 : i32
      %dma_start3A_137 = tpu.memref_slice %arg6[%add3A_118, %dma_start3A_136] : memref<10000x128xf32, #tpu.memory_space<vmem_shared>> -> memref<48x128xf32, #tpu.memory_space<vmem_shared>>
      tpu.enqueue_dma source(%dma_start3A_137 : memref<48x128xf32, #tpu.memory_space<vmem_shared>>) target(%arg11 : memref<48x128xf32, #tpu.memory_space<vmem>>) target_semaphore(%run_scoped3A : memref<!tpu.dma_semaphore, #tpu.memory_space<semaphore_mem>>)
      %dma_wait3A_138 = arith.constant 0 : i32
      %dma_wait3A_139 = tpu.memref_slice %arg6[%add3A_118, %dma_wait3A_138] : memref<10000x128xf32, #tpu.memory_space<vmem_shared>> -> memref<48x128xf32, #tpu.memory_space<vmem_shared>>
      %dma_wait3A_140 = arith.constant 0 : i32
      %dma_wait3A_141 = tpu.memref_slice %arg6[%add3A_118, %dma_wait3A_140] : memref<10000x128xf32, #tpu.memory_space<vmem_shared>> -> memref<48x128xf32, #tpu.memory_space<vmem_shared>>
      tpu.wait_dma2 semaphore(%run_scoped3A : memref<!tpu.dma_semaphore, #tpu.memory_space<semaphore_mem>>) src(%dma_wait3A_141 : memref<48x128xf32, #tpu.memory_space<vmem_shared>>) dst(%arg11 : memref<48x128xf32, #tpu.memory_space<vmem>>)
      tpu.yield
    }) : () -> ()
    %add3A_119 = arith.constant 528 : i32
    %add3A_120 = arith.addi %mul3A_0, %add3A_119 : i32
    %mul3A_121 = arith.constant 128 : i32
    %mul3A_122 = arith.muli %arg0, %mul3A_121 : i32
    "tpu.region"() ({
      %run_scoped3A = tpu.sem_alloc : memref<!tpu.dma_semaphore, #tpu.memory_space<semaphore_mem>>
      %dma_start3A_134 = tpu.memref_slice %arg5[%add3A_120, %mul3A_122] : memref<10000x256xf32, #tpu.memory_space<hbm>> -> memref<48x128xf32, #tpu.memory_space<hbm>>
      %dma_start3A_135 = tpu.memref_slice %arg5[%add3A_120, %mul3A_122] : memref<10000x256xf32, #tpu.memory_space<hbm>> -> memref<48x128xf32, #tpu.memory_space<hbm>>
      tpu.enqueue_dma source(%arg11 : memref<48x128xf32, #tpu.memory_space<vmem>>) target(%dma_start3A_135 : memref<48x128xf32, #tpu.memory_space<hbm>>) target_semaphore(%run_scoped3A : memref<!tpu.dma_semaphore, #tpu.memory_space<semaphore_mem>>)
      %dma_wait3A_136 = tpu.memref_slice %arg5[%add3A_120, %mul3A_122] : memref<10000x256xf32, #tpu.memory_space<hbm>> -> memref<48x128xf32, #tpu.memory_space<hbm>>
      %dma_wait3A_137 = tpu.memref_slice %arg5[%add3A_120, %mul3A_122] : memref<10000x256xf32, #tpu.memory_space<hbm>> -> memref<48x128xf32, #tpu.memory_space<hbm>>
      tpu.wait_dma2 semaphore(%run_scoped3A : memref<!tpu.dma_semaphore, #tpu.memory_space<semaphore_mem>>) src(%arg11 : memref<48x128xf32, #tpu.memory_space<vmem>>) dst(%dma_wait3A_137 : memref<48x128xf32, #tpu.memory_space<hbm>>)
      tpu.yield
    }) : () -> ()
    %add3A_123 = arith.constant 576 : i32
    %add3A_124 = arith.addi %mul3A_0, %add3A_123 : i32
    "tpu.region"() ({
      %run_scoped3A = tpu.sem_alloc : memref<!tpu.dma_semaphore, #tpu.memory_space<semaphore_mem>>
      %dma_start3A_134 = arith.constant 0 : i32
      %dma_start3A_135 = tpu.memref_slice %arg6[%add3A_124, %dma_start3A_134] : memref<10000x128xf32, #tpu.memory_space<vmem_shared>> -> memref<48x128xf32, #tpu.memory_space<vmem_shared>>
      %dma_start3A_136 = arith.constant 0 : i32
      %dma_start3A_137 = tpu.memref_slice %arg6[%add3A_124, %dma_start3A_136] : memref<10000x128xf32, #tpu.memory_space<vmem_shared>> -> memref<48x128xf32, #tpu.memory_space<vmem_shared>>
      tpu.enqueue_dma source(%dma_start3A_137 : memref<48x128xf32, #tpu.memory_space<vmem_shared>>) target(%arg11 : memref<48x128xf32, #tpu.memory_space<vmem>>) target_semaphore(%run_scoped3A : memref<!tpu.dma_semaphore, #tpu.memory_space<semaphore_mem>>)
      %dma_wait3A_138 = arith.constant 0 : i32
      %dma_wait3A_139 = tpu.memref_slice %arg6[%add3A_124, %dma_wait3A_138] : memref<10000x128xf32, #tpu.memory_space<vmem_shared>> -> memref<48x128xf32, #tpu.memory_space<vmem_shared>>
      %dma_wait3A_140 = arith.constant 0 : i32
      %dma_wait3A_141 = tpu.memref_slice %arg6[%add3A_124, %dma_wait3A_140] : memref<10000x128xf32, #tpu.memory_space<vmem_shared>> -> memref<48x128xf32, #tpu.memory_space<vmem_shared>>
      tpu.wait_dma2 semaphore(%run_scoped3A : memref<!tpu.dma_semaphore, #tpu.memory_space<semaphore_mem>>) src(%dma_wait3A_141 : memref<48x128xf32, #tpu.memory_space<vmem_shared>>) dst(%arg11 : memref<48x128xf32, #tpu.memory_space<vmem>>)
      tpu.yield
    }) : () -> ()
    %add3A_125 = arith.constant 576 : i32
    %add3A_126 = arith.addi %mul3A_0, %add3A_125 : i32
    %mul3A_127 = arith.constant 128 : i32
    %mul3A_128 = arith.muli %arg0, %mul3A_127 : i32
    "tpu.region"() ({
      %run_scoped3A = tpu.sem_alloc : memref<!tpu.dma_semaphore, #tpu.memory_space<semaphore_mem>>
      %dma_start3A_134 = tpu.memref_slice %arg5[%add3A_126, %mul3A_128] : memref<10000x256xf32, #tpu.memory_space<hbm>> -> memref<48x128xf32, #tpu.memory_space<hbm>>
      %dma_start3A_135 = tpu.memref_slice %arg5[%add3A_126, %mul3A_128] : memref<10000x256xf32, #tpu.memory_space<hbm>> -> memref<48x128xf32, #tpu.memory_space<hbm>>
      tpu.enqueue_dma source(%arg11 : memref<48x128xf32, #tpu.memory_space<vmem>>) target(%dma_start3A_135 : memref<48x128xf32, #tpu.memory_space<hbm>>) target_semaphore(%run_scoped3A : memref<!tpu.dma_semaphore, #tpu.memory_space<semaphore_mem>>)
      %dma_wait3A_136 = tpu.memref_slice %arg5[%add3A_126, %mul3A_128] : memref<10000x256xf32, #tpu.memory_space<hbm>> -> memref<48x128xf32, #tpu.memory_space<hbm>>
      %dma_wait3A_137 = tpu.memref_slice %arg5[%add3A_126, %mul3A_128] : memref<10000x256xf32, #tpu.memory_space<hbm>> -> memref<48x128xf32, #tpu.memory_space<hbm>>
      tpu.wait_dma2 semaphore(%run_scoped3A : memref<!tpu.dma_semaphore, #tpu.memory_space<semaphore_mem>>) src(%arg11 : memref<48x128xf32, #tpu.memory_space<vmem>>) dst(%dma_wait3A_137 : memref<48x128xf32, #tpu.memory_space<hbm>>)
      tpu.yield
    }) : () -> ()
    %eq3A_129 = arith.constant 15 : i32
    %eq3A_130 = arith.cmpi eq, %arg1, %eq3A_129 : i32
    %convert_element_type3A_131 = arith.extui %eq3A_130 : i1 to i32
    %cond3A_132 = arith.constant 0 : i32
    %cond3A_133 = arith.cmpi ne, %convert_element_type3A_131, %cond3A_132 : i32
    scf.if %cond3A_133 {
      "tpu.region"() ({
        %run_scoped3A = tpu.sem_alloc : memref<!tpu.dma_semaphore, #tpu.memory_space<semaphore_mem>>
        %dma_start3A_136 = arith.constant 0 : i32
        %dma_start3A_137 = arith.constant 0 : i32
        %dma_start3A_138 = tpu.memref_slice %arg8[%dma_start3A_136, %dma_start3A_137] : memref<80x128xf32, #tpu.memory_space<vmem>> -> memref<16x128xf32, #tpu.memory_space<vmem>>
        %dma_start3A_139 = arith.constant 9984 : i32
        %dma_start3A_140 = arith.constant 0 : i32
        %dma_start3A_141 = tpu.memref_slice %arg6[%dma_start3A_139, %dma_start3A_140] : memref<10000x128xf32, #tpu.memory_space<vmem_shared>> -> memref<16x128xf32, #tpu.memory_space<vmem_shared>>
        %dma_start3A_142 = arith.constant 0 : i32
        %dma_start3A_143 = arith.constant 0 : i32
        %dma_start3A_144 = tpu.memref_slice %arg8[%dma_start3A_142, %dma_start3A_143] : memref<80x128xf32, #tpu.memory_space<vmem>> -> memref<16x128xf32, #tpu.memory_space<vmem>>
        %dma_start3A_145 = arith.constant 9984 : i32
        %dma_start3A_146 = arith.constant 0 : i32
        %dma_start3A_147 = tpu.memref_slice %arg6[%dma_start3A_145, %dma_start3A_146] : memref<10000x128xf32, #tpu.memory_space<vmem_shared>> -> memref<16x128xf32, #tpu.memory_space<vmem_shared>>
        tpu.enqueue_dma source(%dma_start3A_147 : memref<16x128xf32, #tpu.memory_space<vmem_shared>>) target(%dma_start3A_144 : memref<16x128xf32, #tpu.memory_space<vmem>>) target_semaphore(%run_scoped3A : memref<!tpu.dma_semaphore, #tpu.memory_space<semaphore_mem>>)
        %dma_wait3A_148 = arith.constant 0 : i32
        %dma_wait3A_149 = arith.constant 0 : i32
        %dma_wait3A_150 = tpu.memref_slice %arg8[%dma_wait3A_148, %dma_wait3A_149] : memref<80x128xf32, #tpu.memory_space<vmem>> -> memref<16x128xf32, #tpu.memory_space<vmem>>
        %dma_wait3A_151 = arith.constant 9984 : i32
        %dma_wait3A_152 = arith.constant 0 : i32
        %dma_wait3A_153 = tpu.memref_slice %arg6[%dma_wait3A_151, %dma_wait3A_152] : memref<10000x128xf32, #tpu.memory_space<vmem_shared>> -> memref<16x128xf32, #tpu.memory_space<vmem_shared>>
        %dma_wait3A_154 = arith.constant 0 : i32
        %dma_wait3A_155 = arith.constant 0 : i32
        %dma_wait3A_156 = tpu.memref_slice %arg8[%dma_wait3A_154, %dma_wait3A_155] : memref<80x128xf32, #tpu.memory_space<vmem>> -> memref<16x128xf32, #tpu.memory_space<vmem>>
        %dma_wait3A_157 = arith.constant 9984 : i32
        %dma_wait3A_158 = arith.constant 0 : i32
        %dma_wait3A_159 = tpu.memref_slice %arg6[%dma_wait3A_157, %dma_wait3A_158] : memref<10000x128xf32, #tpu.memory_space<vmem_shared>> -> memref<16x128xf32, #tpu.memory_space<vmem_shared>>
        tpu.wait_dma2 semaphore(%run_scoped3A : memref<!tpu.dma_semaphore, #tpu.memory_space<semaphore_mem>>) src(%dma_wait3A_159 : memref<16x128xf32, #tpu.memory_space<vmem_shared>>) dst(%dma_wait3A_156 : memref<16x128xf32, #tpu.memory_space<vmem>>)
        tpu.yield
      }) : () -> ()
      %mul3A_134 = arith.constant 128 : i32
      %mul3A_135 = arith.muli %arg0, %mul3A_134 : i32
      "tpu.region"() ({
        %run_scoped3A = tpu.sem_alloc : memref<!tpu.dma_semaphore, #tpu.memory_space<semaphore_mem>>
        %dma_start3A_136 = arith.constant 0 : i32
        %dma_start3A_137 = arith.constant 0 : i32
        %dma_start3A_138 = tpu.memref_slice %arg8[%dma_start3A_136, %dma_start3A_137] : memref<80x128xf32, #tpu.memory_space<vmem>> -> memref<16x128xf32, #tpu.memory_space<vmem>>
        %dma_start3A_139 = arith.constant 9984 : i32
        %dma_start3A_140 = tpu.memref_slice %arg5[%dma_start3A_139, %mul3A_135] : memref<10000x256xf32, #tpu.memory_space<hbm>> -> memref<16x128xf32, #tpu.memory_space<hbm>>
        %dma_start3A_141 = arith.constant 9984 : i32
        %dma_start3A_142 = tpu.memref_slice %arg5[%dma_start3A_141, %mul3A_135] : memref<10000x256xf32, #tpu.memory_space<hbm>> -> memref<16x128xf32, #tpu.memory_space<hbm>>
        %dma_start3A_143 = arith.constant 0 : i32
        %dma_start3A_144 = arith.constant 0 : i32
        %dma_start3A_145 = tpu.memref_slice %arg8[%dma_start3A_143, %dma_start3A_144] : memref<80x128xf32, #tpu.memory_space<vmem>> -> memref<16x128xf32, #tpu.memory_space<vmem>>
        tpu.enqueue_dma source(%dma_start3A_145 : memref<16x128xf32, #tpu.memory_space<vmem>>) target(%dma_start3A_142 : memref<16x128xf32, #tpu.memory_space<hbm>>) target_semaphore(%run_scoped3A : memref<!tpu.dma_semaphore, #tpu.memory_space<semaphore_mem>>)
        %dma_wait3A_146 = arith.constant 0 : i32
        %dma_wait3A_147 = arith.constant 0 : i32
        %dma_wait3A_148 = tpu.memref_slice %arg8[%dma_wait3A_146, %dma_wait3A_147] : memref<80x128xf32, #tpu.memory_space<vmem>> -> memref<16x128xf32, #tpu.memory_space<vmem>>
        %dma_wait3A_149 = arith.constant 9984 : i32
        %dma_wait3A_150 = tpu.memref_slice %arg5[%dma_wait3A_149, %mul3A_135] : memref<10000x256xf32, #tpu.memory_space<hbm>> -> memref<16x128xf32, #tpu.memory_space<hbm>>
        %dma_wait3A_151 = arith.constant 9984 : i32
        %dma_wait3A_152 = tpu.memref_slice %arg5[%dma_wait3A_151, %mul3A_135] : memref<10000x256xf32, #tpu.memory_space<hbm>> -> memref<16x128xf32, #tpu.memory_space<hbm>>
        %dma_wait3A_153 = arith.constant 0 : i32
        %dma_wait3A_154 = arith.constant 0 : i32
        %dma_wait3A_155 = tpu.memref_slice %arg8[%dma_wait3A_153, %dma_wait3A_154] : memref<80x128xf32, #tpu.memory_space<vmem>> -> memref<16x128xf32, #tpu.memory_space<vmem>>
        tpu.wait_dma2 semaphore(%run_scoped3A : memref<!tpu.dma_semaphore, #tpu.memory_space<semaphore_mem>>) src(%dma_wait3A_155 : memref<16x128xf32, #tpu.memory_space<vmem>>) dst(%dma_wait3A_152 : memref<16x128xf32, #tpu.memory_space<hbm>>)
        tpu.yield
      }) : () -> ()
    } else {
    }
    return
  }
}

#map = affine_map<(d0, d1) -> (0)>
#map1 = affine_map<(d0, d1) -> (0, 0)>
module attributes {stable_mosaic.version = 14 : i64} {
  func.func @_count_body(%arg0: i32, %arg1: i32, %arg2: memref<160000xi32, #tpu.memory_space<hbm>>, %arg3: memref<10000x128xf32, #tpu.memory_space<hbm>>, %arg4: memref<40x128xf32, #tpu.memory_space<hbm>>, %arg5: memref<10000x128xf32, #tpu.memory_space<hbm>>, %arg6: memref<10000x128xf32, #tpu.memory_space<hbm>>, %arg7: memref<10000x128xf32, #tpu.memory_space<vmem_shared>>, %arg8: memref<40xi32, #tpu.memory_space<vmem>>, %arg9: memref<40xi32, #tpu.memory_space<vmem>>, %arg10: memref<40x128xf32, #tpu.memory_space<vmem>>, %arg11: memref<48x128xf32, #tpu.memory_space<vmem>>, %arg12: memref<!tpu.dma_semaphore, #tpu.memory_space<semaphore_mem>>, %arg13: memref<!tpu.dma_semaphore, #tpu.memory_space<semaphore_mem>>, %arg14: memref<!tpu.dma_semaphore, #tpu.memory_space<semaphore_mem>>, %arg15: memref<!tpu.dma_semaphore, #tpu.memory_space<semaphore_mem>>) attributes {dimension_semantics = [#tpu.dimension_semantics<core_parallel>, #tpu.dimension_semantics<subcore_parallel>], iteration_bounds = array<i64: 2, 16>, scalar_prefetch = 0 : i64, scratch_operands = 9 : i64, tpu.core_type = #tpu.core_type<sc_vector_subcore>, window_params = [{transform_indices = #map}, {transform_indices = #map1}, {transform_indices = #map1}, {transform_indices = #map1}, {transform_indices = #map1}]} {
    %mul3A = arith.constant 2 : i32
    %mul3A_0 = arith.muli %arg1, %mul3A : i32
    %add3A = arith.addi %mul3A_0, %arg0 : i32
    %mul3A_1 = arith.constant 624 : i32
    %mul3A_2 = arith.muli %arg1, %mul3A_1 : i32
    "tpu.region"() ({
      %run_scoped3A = tpu.sem_alloc : memref<!tpu.dma_semaphore, #tpu.memory_space<semaphore_mem>>
      %dma_start3A_205 = arith.constant 0 : i32
      %dma_start3A_206 = arith.constant 0 : i32
      %dma_start3A_207 = tpu.memref_slice %arg3[%dma_start3A_205, %dma_start3A_206] : memref<10000x128xf32, #tpu.memory_space<hbm>> -> memref<48x128xf32, #tpu.memory_space<hbm>>
      %dma_start3A_208 = arith.constant 0 : i32
      %dma_start3A_209 = arith.constant 0 : i32
      %dma_start3A_210 = tpu.memref_slice %arg3[%dma_start3A_208, %dma_start3A_209] : memref<10000x128xf32, #tpu.memory_space<hbm>> -> memref<48x128xf32, #tpu.memory_space<hbm>>
      tpu.enqueue_dma source(%dma_start3A_210 : memref<48x128xf32, #tpu.memory_space<hbm>>) target(%arg11 : memref<48x128xf32, #tpu.memory_space<vmem>>) target_semaphore(%run_scoped3A : memref<!tpu.dma_semaphore, #tpu.memory_space<semaphore_mem>>)
      %dma_wait3A_211 = arith.constant 0 : i32
      %dma_wait3A_212 = arith.constant 0 : i32
      %dma_wait3A_213 = tpu.memref_slice %arg3[%dma_wait3A_211, %dma_wait3A_212] : memref<10000x128xf32, #tpu.memory_space<hbm>> -> memref<48x128xf32, #tpu.memory_space<hbm>>
      %dma_wait3A_214 = arith.constant 0 : i32
      %dma_wait3A_215 = arith.constant 0 : i32
      %dma_wait3A_216 = tpu.memref_slice %arg3[%dma_wait3A_214, %dma_wait3A_215] : memref<10000x128xf32, #tpu.memory_space<hbm>> -> memref<48x128xf32, #tpu.memory_space<hbm>>
      tpu.wait_dma2 semaphore(%run_scoped3A : memref<!tpu.dma_semaphore, #tpu.memory_space<semaphore_mem>>) src(%dma_wait3A_216 : memref<48x128xf32, #tpu.memory_space<hbm>>) dst(%arg11 : memref<48x128xf32, #tpu.memory_space<vmem>>)
      tpu.yield
    }) : () -> ()
    %add3A_3 = arith.constant 0 : i32
    %add3A_4 = arith.addi %mul3A_2, %add3A_3 : i32
    "tpu.region"() ({
      %run_scoped3A = tpu.sem_alloc : memref<!tpu.dma_semaphore, #tpu.memory_space<semaphore_mem>>
      %dma_start3A_205 = arith.constant 0 : i32
      %dma_start3A_206 = tpu.memref_slice %arg7[%add3A_4, %dma_start3A_205] : memref<10000x128xf32, #tpu.memory_space<vmem_shared>> -> memref<48x128xf32, #tpu.memory_space<vmem_shared>>
      %dma_start3A_207 = arith.constant 0 : i32
      %dma_start3A_208 = tpu.memref_slice %arg7[%add3A_4, %dma_start3A_207] : memref<10000x128xf32, #tpu.memory_space<vmem_shared>> -> memref<48x128xf32, #tpu.memory_space<vmem_shared>>
      tpu.enqueue_dma source(%arg11 : memref<48x128xf32, #tpu.memory_space<vmem>>) target(%dma_start3A_208 : memref<48x128xf32, #tpu.memory_space<vmem_shared>>) target_semaphore(%run_scoped3A : memref<!tpu.dma_semaphore, #tpu.memory_space<semaphore_mem>>)
      %dma_wait3A_209 = arith.constant 0 : i32
      %dma_wait3A_210 = tpu.memref_slice %arg7[%add3A_4, %dma_wait3A_209] : memref<10000x128xf32, #tpu.memory_space<vmem_shared>> -> memref<48x128xf32, #tpu.memory_space<vmem_shared>>
      %dma_wait3A_211 = arith.constant 0 : i32
      %dma_wait3A_212 = tpu.memref_slice %arg7[%add3A_4, %dma_wait3A_211] : memref<10000x128xf32, #tpu.memory_space<vmem_shared>> -> memref<48x128xf32, #tpu.memory_space<vmem_shared>>
      tpu.wait_dma2 semaphore(%run_scoped3A : memref<!tpu.dma_semaphore, #tpu.memory_space<semaphore_mem>>) src(%arg11 : memref<48x128xf32, #tpu.memory_space<vmem>>) dst(%dma_wait3A_212 : memref<48x128xf32, #tpu.memory_space<vmem_shared>>)
      tpu.yield
    }) : () -> ()
    %add3A_5 = arith.constant 48 : i32
    %add3A_6 = arith.addi %mul3A_2, %add3A_5 : i32
    "tpu.region"() ({
      %run_scoped3A = tpu.sem_alloc : memref<!tpu.dma_semaphore, #tpu.memory_space<semaphore_mem>>
      %dma_start3A_205 = arith.constant 0 : i32
      %dma_start3A_206 = tpu.memref_slice %arg7[%add3A_6, %dma_start3A_205] : memref<10000x128xf32, #tpu.memory_space<vmem_shared>> -> memref<48x128xf32, #tpu.memory_space<vmem_shared>>
      %dma_start3A_207 = arith.constant 0 : i32
      %dma_start3A_208 = tpu.memref_slice %arg7[%add3A_6, %dma_start3A_207] : memref<10000x128xf32, #tpu.memory_space<vmem_shared>> -> memref<48x128xf32, #tpu.memory_space<vmem_shared>>
      tpu.enqueue_dma source(%arg11 : memref<48x128xf32, #tpu.memory_space<vmem>>) target(%dma_start3A_208 : memref<48x128xf32, #tpu.memory_space<vmem_shared>>) target_semaphore(%run_scoped3A : memref<!tpu.dma_semaphore, #tpu.memory_space<semaphore_mem>>)
      %dma_wait3A_209 = arith.constant 0 : i32
      %dma_wait3A_210 = tpu.memref_slice %arg7[%add3A_6, %dma_wait3A_209] : memref<10000x128xf32, #tpu.memory_space<vmem_shared>> -> memref<48x128xf32, #tpu.memory_space<vmem_shared>>
      %dma_wait3A_211 = arith.constant 0 : i32
      %dma_wait3A_212 = tpu.memref_slice %arg7[%add3A_6, %dma_wait3A_211] : memref<10000x128xf32, #tpu.memory_space<vmem_shared>> -> memref<48x128xf32, #tpu.memory_space<vmem_shared>>
      tpu.wait_dma2 semaphore(%run_scoped3A : memref<!tpu.dma_semaphore, #tpu.memory_space<semaphore_mem>>) src(%arg11 : memref<48x128xf32, #tpu.memory_space<vmem>>) dst(%dma_wait3A_212 : memref<48x128xf32, #tpu.memory_space<vmem_shared>>)
      tpu.yield
    }) : () -> ()
    %add3A_7 = arith.constant 96 : i32
    %add3A_8 = arith.addi %mul3A_2, %add3A_7 : i32
    "tpu.region"() ({
      %run_scoped3A = tpu.sem_alloc : memref<!tpu.dma_semaphore, #tpu.memory_space<semaphore_mem>>
      %dma_start3A_205 = arith.constant 0 : i32
      %dma_start3A_206 = tpu.memref_slice %arg7[%add3A_8, %dma_start3A_205] : memref<10000x128xf32, #tpu.memory_space<vmem_shared>> -> memref<48x128xf32, #tpu.memory_space<vmem_shared>>
      %dma_start3A_207 = arith.constant 0 : i32
      %dma_start3A_208 = tpu.memref_slice %arg7[%add3A_8, %dma_start3A_207] : memref<10000x128xf32, #tpu.memory_space<vmem_shared>> -> memref<48x128xf32, #tpu.memory_space<vmem_shared>>
      tpu.enqueue_dma source(%arg11 : memref<48x128xf32, #tpu.memory_space<vmem>>) target(%dma_start3A_208 : memref<48x128xf32, #tpu.memory_space<vmem_shared>>) target_semaphore(%run_scoped3A : memref<!tpu.dma_semaphore, #tpu.memory_space<semaphore_mem>>)
      %dma_wait3A_209 = arith.constant 0 : i32
      %dma_wait3A_210 = tpu.memref_slice %arg7[%add3A_8, %dma_wait3A_209] : memref<10000x128xf32, #tpu.memory_space<vmem_shared>> -> memref<48x128xf32, #tpu.memory_space<vmem_shared>>
      %dma_wait3A_211 = arith.constant 0 : i32
      %dma_wait3A_212 = tpu.memref_slice %arg7[%add3A_8, %dma_wait3A_211] : memref<10000x128xf32, #tpu.memory_space<vmem_shared>> -> memref<48x128xf32, #tpu.memory_space<vmem_shared>>
      tpu.wait_dma2 semaphore(%run_scoped3A : memref<!tpu.dma_semaphore, #tpu.memory_space<semaphore_mem>>) src(%arg11 : memref<48x128xf32, #tpu.memory_space<vmem>>) dst(%dma_wait3A_212 : memref<48x128xf32, #tpu.memory_space<vmem_shared>>)
      tpu.yield
    }) : () -> ()
    %add3A_9 = arith.constant 144 : i32
    %add3A_10 = arith.addi %mul3A_2, %add3A_9 : i32
    "tpu.region"() ({
      %run_scoped3A = tpu.sem_alloc : memref<!tpu.dma_semaphore, #tpu.memory_space<semaphore_mem>>
      %dma_start3A_205 = arith.constant 0 : i32
      %dma_start3A_206 = tpu.memref_slice %arg7[%add3A_10, %dma_start3A_205] : memref<10000x128xf32, #tpu.memory_space<vmem_shared>> -> memref<48x128xf32, #tpu.memory_space<vmem_shared>>
      %dma_start3A_207 = arith.constant 0 : i32
      %dma_start3A_208 = tpu.memref_slice %arg7[%add3A_10, %dma_start3A_207] : memref<10000x128xf32, #tpu.memory_space<vmem_shared>> -> memref<48x128xf32, #tpu.memory_space<vmem_shared>>
      tpu.enqueue_dma source(%arg11 : memref<48x128xf32, #tpu.memory_space<vmem>>) target(%dma_start3A_208 : memref<48x128xf32, #tpu.memory_space<vmem_shared>>) target_semaphore(%run_scoped3A : memref<!tpu.dma_semaphore, #tpu.memory_space<semaphore_mem>>)
      %dma_wait3A_209 = arith.constant 0 : i32
      %dma_wait3A_210 = tpu.memref_slice %arg7[%add3A_10, %dma_wait3A_209] : memref<10000x128xf32, #tpu.memory_space<vmem_shared>> -> memref<48x128xf32, #tpu.memory_space<vmem_shared>>
      %dma_wait3A_211 = arith.constant 0 : i32
      %dma_wait3A_212 = tpu.memref_slice %arg7[%add3A_10, %dma_wait3A_211] : memref<10000x128xf32, #tpu.memory_space<vmem_shared>> -> memref<48x128xf32, #tpu.memory_space<vmem_shared>>
      tpu.wait_dma2 semaphore(%run_scoped3A : memref<!tpu.dma_semaphore, #tpu.memory_space<semaphore_mem>>) src(%arg11 : memref<48x128xf32, #tpu.memory_space<vmem>>) dst(%dma_wait3A_212 : memref<48x128xf32, #tpu.memory_space<vmem_shared>>)
      tpu.yield
    }) : () -> ()
    %add3A_11 = arith.constant 192 : i32
    %add3A_12 = arith.addi %mul3A_2, %add3A_11 : i32
    "tpu.region"() ({
      %run_scoped3A = tpu.sem_alloc : memref<!tpu.dma_semaphore, #tpu.memory_space<semaphore_mem>>
      %dma_start3A_205 = arith.constant 0 : i32
      %dma_start3A_206 = tpu.memref_slice %arg7[%add3A_12, %dma_start3A_205] : memref<10000x128xf32, #tpu.memory_space<vmem_shared>> -> memref<48x128xf32, #tpu.memory_space<vmem_shared>>
      %dma_start3A_207 = arith.constant 0 : i32
      %dma_start3A_208 = tpu.memref_slice %arg7[%add3A_12, %dma_start3A_207] : memref<10000x128xf32, #tpu.memory_space<vmem_shared>> -> memref<48x128xf32, #tpu.memory_space<vmem_shared>>
      tpu.enqueue_dma source(%arg11 : memref<48x128xf32, #tpu.memory_space<vmem>>) target(%dma_start3A_208 : memref<48x128xf32, #tpu.memory_space<vmem_shared>>) target_semaphore(%run_scoped3A : memref<!tpu.dma_semaphore, #tpu.memory_space<semaphore_mem>>)
      %dma_wait3A_209 = arith.constant 0 : i32
      %dma_wait3A_210 = tpu.memref_slice %arg7[%add3A_12, %dma_wait3A_209] : memref<10000x128xf32, #tpu.memory_space<vmem_shared>> -> memref<48x128xf32, #tpu.memory_space<vmem_shared>>
      %dma_wait3A_211 = arith.constant 0 : i32
      %dma_wait3A_212 = tpu.memref_slice %arg7[%add3A_12, %dma_wait3A_211] : memref<10000x128xf32, #tpu.memory_space<vmem_shared>> -> memref<48x128xf32, #tpu.memory_space<vmem_shared>>
      tpu.wait_dma2 semaphore(%run_scoped3A : memref<!tpu.dma_semaphore, #tpu.memory_space<semaphore_mem>>) src(%arg11 : memref<48x128xf32, #tpu.memory_space<vmem>>) dst(%dma_wait3A_212 : memref<48x128xf32, #tpu.memory_space<vmem_shared>>)
      tpu.yield
    }) : () -> ()
    %add3A_13 = arith.constant 240 : i32
    %add3A_14 = arith.addi %mul3A_2, %add3A_13 : i32
    "tpu.region"() ({
      %run_scoped3A = tpu.sem_alloc : memref<!tpu.dma_semaphore, #tpu.memory_space<semaphore_mem>>
      %dma_start3A_205 = arith.constant 0 : i32
      %dma_start3A_206 = tpu.memref_slice %arg7[%add3A_14, %dma_start3A_205] : memref<10000x128xf32, #tpu.memory_space<vmem_shared>> -> memref<48x128xf32, #tpu.memory_space<vmem_shared>>
      %dma_start3A_207 = arith.constant 0 : i32
      %dma_start3A_208 = tpu.memref_slice %arg7[%add3A_14, %dma_start3A_207] : memref<10000x128xf32, #tpu.memory_space<vmem_shared>> -> memref<48x128xf32, #tpu.memory_space<vmem_shared>>
      tpu.enqueue_dma source(%arg11 : memref<48x128xf32, #tpu.memory_space<vmem>>) target(%dma_start3A_208 : memref<48x128xf32, #tpu.memory_space<vmem_shared>>) target_semaphore(%run_scoped3A : memref<!tpu.dma_semaphore, #tpu.memory_space<semaphore_mem>>)
      %dma_wait3A_209 = arith.constant 0 : i32
      %dma_wait3A_210 = tpu.memref_slice %arg7[%add3A_14, %dma_wait3A_209] : memref<10000x128xf32, #tpu.memory_space<vmem_shared>> -> memref<48x128xf32, #tpu.memory_space<vmem_shared>>
      %dma_wait3A_211 = arith.constant 0 : i32
      %dma_wait3A_212 = tpu.memref_slice %arg7[%add3A_14, %dma_wait3A_211] : memref<10000x128xf32, #tpu.memory_space<vmem_shared>> -> memref<48x128xf32, #tpu.memory_space<vmem_shared>>
      tpu.wait_dma2 semaphore(%run_scoped3A : memref<!tpu.dma_semaphore, #tpu.memory_space<semaphore_mem>>) src(%arg11 : memref<48x128xf32, #tpu.memory_space<vmem>>) dst(%dma_wait3A_212 : memref<48x128xf32, #tpu.memory_space<vmem_shared>>)
      tpu.yield
    }) : () -> ()
    %add3A_15 = arith.constant 288 : i32
    %add3A_16 = arith.addi %mul3A_2, %add3A_15 : i32
    "tpu.region"() ({
      %run_scoped3A = tpu.sem_alloc : memref<!tpu.dma_semaphore, #tpu.memory_space<semaphore_mem>>
      %dma_start3A_205 = arith.constant 0 : i32
      %dma_start3A_206 = tpu.memref_slice %arg7[%add3A_16, %dma_start3A_205] : memref<10000x128xf32, #tpu.memory_space<vmem_shared>> -> memref<48x128xf32, #tpu.memory_space<vmem_shared>>
      %dma_start3A_207 = arith.constant 0 : i32
      %dma_start3A_208 = tpu.memref_slice %arg7[%add3A_16, %dma_start3A_207] : memref<10000x128xf32, #tpu.memory_space<vmem_shared>> -> memref<48x128xf32, #tpu.memory_space<vmem_shared>>
      tpu.enqueue_dma source(%arg11 : memref<48x128xf32, #tpu.memory_space<vmem>>) target(%dma_start3A_208 : memref<48x128xf32, #tpu.memory_space<vmem_shared>>) target_semaphore(%run_scoped3A : memref<!tpu.dma_semaphore, #tpu.memory_space<semaphore_mem>>)
      %dma_wait3A_209 = arith.constant 0 : i32
      %dma_wait3A_210 = tpu.memref_slice %arg7[%add3A_16, %dma_wait3A_209] : memref<10000x128xf32, #tpu.memory_space<vmem_shared>> -> memref<48x128xf32, #tpu.memory_space<vmem_shared>>
      %dma_wait3A_211 = arith.constant 0 : i32
      %dma_wait3A_212 = tpu.memref_slice %arg7[%add3A_16, %dma_wait3A_211] : memref<10000x128xf32, #tpu.memory_space<vmem_shared>> -> memref<48x128xf32, #tpu.memory_space<vmem_shared>>
      tpu.wait_dma2 semaphore(%run_scoped3A : memref<!tpu.dma_semaphore, #tpu.memory_space<semaphore_mem>>) src(%arg11 : memref<48x128xf32, #tpu.memory_space<vmem>>) dst(%dma_wait3A_212 : memref<48x128xf32, #tpu.memory_space<vmem_shared>>)
      tpu.yield
    }) : () -> ()
    %add3A_17 = arith.constant 336 : i32
    %add3A_18 = arith.addi %mul3A_2, %add3A_17 : i32
    "tpu.region"() ({
      %run_scoped3A = tpu.sem_alloc : memref<!tpu.dma_semaphore, #tpu.memory_space<semaphore_mem>>
      %dma_start3A_205 = arith.constant 0 : i32
      %dma_start3A_206 = tpu.memref_slice %arg7[%add3A_18, %dma_start3A_205] : memref<10000x128xf32, #tpu.memory_space<vmem_shared>> -> memref<48x128xf32, #tpu.memory_space<vmem_shared>>
      %dma_start3A_207 = arith.constant 0 : i32
      %dma_start3A_208 = tpu.memref_slice %arg7[%add3A_18, %dma_start3A_207] : memref<10000x128xf32, #tpu.memory_space<vmem_shared>> -> memref<48x128xf32, #tpu.memory_space<vmem_shared>>
      tpu.enqueue_dma source(%arg11 : memref<48x128xf32, #tpu.memory_space<vmem>>) target(%dma_start3A_208 : memref<48x128xf32, #tpu.memory_space<vmem_shared>>) target_semaphore(%run_scoped3A : memref<!tpu.dma_semaphore, #tpu.memory_space<semaphore_mem>>)
      %dma_wait3A_209 = arith.constant 0 : i32
      %dma_wait3A_210 = tpu.memref_slice %arg7[%add3A_18, %dma_wait3A_209] : memref<10000x128xf32, #tpu.memory_space<vmem_shared>> -> memref<48x128xf32, #tpu.memory_space<vmem_shared>>
      %dma_wait3A_211 = arith.constant 0 : i32
      %dma_wait3A_212 = tpu.memref_slice %arg7[%add3A_18, %dma_wait3A_211] : memref<10000x128xf32, #tpu.memory_space<vmem_shared>> -> memref<48x128xf32, #tpu.memory_space<vmem_shared>>
      tpu.wait_dma2 semaphore(%run_scoped3A : memref<!tpu.dma_semaphore, #tpu.memory_space<semaphore_mem>>) src(%arg11 : memref<48x128xf32, #tpu.memory_space<vmem>>) dst(%dma_wait3A_212 : memref<48x128xf32, #tpu.memory_space<vmem_shared>>)
      tpu.yield
    }) : () -> ()
    %add3A_19 = arith.constant 384 : i32
    %add3A_20 = arith.addi %mul3A_2, %add3A_19 : i32
    "tpu.region"() ({
      %run_scoped3A = tpu.sem_alloc : memref<!tpu.dma_semaphore, #tpu.memory_space<semaphore_mem>>
      %dma_start3A_205 = arith.constant 0 : i32
      %dma_start3A_206 = tpu.memref_slice %arg7[%add3A_20, %dma_start3A_205] : memref<10000x128xf32, #tpu.memory_space<vmem_shared>> -> memref<48x128xf32, #tpu.memory_space<vmem_shared>>
      %dma_start3A_207 = arith.constant 0 : i32
      %dma_start3A_208 = tpu.memref_slice %arg7[%add3A_20, %dma_start3A_207] : memref<10000x128xf32, #tpu.memory_space<vmem_shared>> -> memref<48x128xf32, #tpu.memory_space<vmem_shared>>
      tpu.enqueue_dma source(%arg11 : memref<48x128xf32, #tpu.memory_space<vmem>>) target(%dma_start3A_208 : memref<48x128xf32, #tpu.memory_space<vmem_shared>>) target_semaphore(%run_scoped3A : memref<!tpu.dma_semaphore, #tpu.memory_space<semaphore_mem>>)
      %dma_wait3A_209 = arith.constant 0 : i32
      %dma_wait3A_210 = tpu.memref_slice %arg7[%add3A_20, %dma_wait3A_209] : memref<10000x128xf32, #tpu.memory_space<vmem_shared>> -> memref<48x128xf32, #tpu.memory_space<vmem_shared>>
      %dma_wait3A_211 = arith.constant 0 : i32
      %dma_wait3A_212 = tpu.memref_slice %arg7[%add3A_20, %dma_wait3A_211] : memref<10000x128xf32, #tpu.memory_space<vmem_shared>> -> memref<48x128xf32, #tpu.memory_space<vmem_shared>>
      tpu.wait_dma2 semaphore(%run_scoped3A : memref<!tpu.dma_semaphore, #tpu.memory_space<semaphore_mem>>) src(%arg11 : memref<48x128xf32, #tpu.memory_space<vmem>>) dst(%dma_wait3A_212 : memref<48x128xf32, #tpu.memory_space<vmem_shared>>)
      tpu.yield
    }) : () -> ()
    %add3A_21 = arith.constant 432 : i32
    %add3A_22 = arith.addi %mul3A_2, %add3A_21 : i32
    "tpu.region"() ({
      %run_scoped3A = tpu.sem_alloc : memref<!tpu.dma_semaphore, #tpu.memory_space<semaphore_mem>>
      %dma_start3A_205 = arith.constant 0 : i32
      %dma_start3A_206 = tpu.memref_slice %arg7[%add3A_22, %dma_start3A_205] : memref<10000x128xf32, #tpu.memory_space<vmem_shared>> -> memref<48x128xf32, #tpu.memory_space<vmem_shared>>
      %dma_start3A_207 = arith.constant 0 : i32
      %dma_start3A_208 = tpu.memref_slice %arg7[%add3A_22, %dma_start3A_207] : memref<10000x128xf32, #tpu.memory_space<vmem_shared>> -> memref<48x128xf32, #tpu.memory_space<vmem_shared>>
      tpu.enqueue_dma source(%arg11 : memref<48x128xf32, #tpu.memory_space<vmem>>) target(%dma_start3A_208 : memref<48x128xf32, #tpu.memory_space<vmem_shared>>) target_semaphore(%run_scoped3A : memref<!tpu.dma_semaphore, #tpu.memory_space<semaphore_mem>>)
      %dma_wait3A_209 = arith.constant 0 : i32
      %dma_wait3A_210 = tpu.memref_slice %arg7[%add3A_22, %dma_wait3A_209] : memref<10000x128xf32, #tpu.memory_space<vmem_shared>> -> memref<48x128xf32, #tpu.memory_space<vmem_shared>>
      %dma_wait3A_211 = arith.constant 0 : i32
      %dma_wait3A_212 = tpu.memref_slice %arg7[%add3A_22, %dma_wait3A_211] : memref<10000x128xf32, #tpu.memory_space<vmem_shared>> -> memref<48x128xf32, #tpu.memory_space<vmem_shared>>
      tpu.wait_dma2 semaphore(%run_scoped3A : memref<!tpu.dma_semaphore, #tpu.memory_space<semaphore_mem>>) src(%arg11 : memref<48x128xf32, #tpu.memory_space<vmem>>) dst(%dma_wait3A_212 : memref<48x128xf32, #tpu.memory_space<vmem_shared>>)
      tpu.yield
    }) : () -> ()
    %add3A_23 = arith.constant 480 : i32
    %add3A_24 = arith.addi %mul3A_2, %add3A_23 : i32
    "tpu.region"() ({
      %run_scoped3A = tpu.sem_alloc : memref<!tpu.dma_semaphore, #tpu.memory_space<semaphore_mem>>
      %dma_start3A_205 = arith.constant 0 : i32
      %dma_start3A_206 = tpu.memref_slice %arg7[%add3A_24, %dma_start3A_205] : memref<10000x128xf32, #tpu.memory_space<vmem_shared>> -> memref<48x128xf32, #tpu.memory_space<vmem_shared>>
      %dma_start3A_207 = arith.constant 0 : i32
      %dma_start3A_208 = tpu.memref_slice %arg7[%add3A_24, %dma_start3A_207] : memref<10000x128xf32, #tpu.memory_space<vmem_shared>> -> memref<48x128xf32, #tpu.memory_space<vmem_shared>>
      tpu.enqueue_dma source(%arg11 : memref<48x128xf32, #tpu.memory_space<vmem>>) target(%dma_start3A_208 : memref<48x128xf32, #tpu.memory_space<vmem_shared>>) target_semaphore(%run_scoped3A : memref<!tpu.dma_semaphore, #tpu.memory_space<semaphore_mem>>)
      %dma_wait3A_209 = arith.constant 0 : i32
      %dma_wait3A_210 = tpu.memref_slice %arg7[%add3A_24, %dma_wait3A_209] : memref<10000x128xf32, #tpu.memory_space<vmem_shared>> -> memref<48x128xf32, #tpu.memory_space<vmem_shared>>
      %dma_wait3A_211 = arith.constant 0 : i32
      %dma_wait3A_212 = tpu.memref_slice %arg7[%add3A_24, %dma_wait3A_211] : memref<10000x128xf32, #tpu.memory_space<vmem_shared>> -> memref<48x128xf32, #tpu.memory_space<vmem_shared>>
      tpu.wait_dma2 semaphore(%run_scoped3A : memref<!tpu.dma_semaphore, #tpu.memory_space<semaphore_mem>>) src(%arg11 : memref<48x128xf32, #tpu.memory_space<vmem>>) dst(%dma_wait3A_212 : memref<48x128xf32, #tpu.memory_space<vmem_shared>>)
      tpu.yield
    }) : () -> ()
    %add3A_25 = arith.constant 528 : i32
    %add3A_26 = arith.addi %mul3A_2, %add3A_25 : i32
    "tpu.region"() ({
      %run_scoped3A = tpu.sem_alloc : memref<!tpu.dma_semaphore, #tpu.memory_space<semaphore_mem>>
      %dma_start3A_205 = arith.constant 0 : i32
      %dma_start3A_206 = tpu.memref_slice %arg7[%add3A_26, %dma_start3A_205] : memref<10000x128xf32, #tpu.memory_space<vmem_shared>> -> memref<48x128xf32, #tpu.memory_space<vmem_shared>>
      %dma_start3A_207 = arith.constant 0 : i32
      %dma_start3A_208 = tpu.memref_slice %arg7[%add3A_26, %dma_start3A_207] : memref<10000x128xf32, #tpu.memory_space<vmem_shared>> -> memref<48x128xf32, #tpu.memory_space<vmem_shared>>
      tpu.enqueue_dma source(%arg11 : memref<48x128xf32, #tpu.memory_space<vmem>>) target(%dma_start3A_208 : memref<48x128xf32, #tpu.memory_space<vmem_shared>>) target_semaphore(%run_scoped3A : memref<!tpu.dma_semaphore, #tpu.memory_space<semaphore_mem>>)
      %dma_wait3A_209 = arith.constant 0 : i32
      %dma_wait3A_210 = tpu.memref_slice %arg7[%add3A_26, %dma_wait3A_209] : memref<10000x128xf32, #tpu.memory_space<vmem_shared>> -> memref<48x128xf32, #tpu.memory_space<vmem_shared>>
      %dma_wait3A_211 = arith.constant 0 : i32
      %dma_wait3A_212 = tpu.memref_slice %arg7[%add3A_26, %dma_wait3A_211] : memref<10000x128xf32, #tpu.memory_space<vmem_shared>> -> memref<48x128xf32, #tpu.memory_space<vmem_shared>>
      tpu.wait_dma2 semaphore(%run_scoped3A : memref<!tpu.dma_semaphore, #tpu.memory_space<semaphore_mem>>) src(%arg11 : memref<48x128xf32, #tpu.memory_space<vmem>>) dst(%dma_wait3A_212 : memref<48x128xf32, #tpu.memory_space<vmem_shared>>)
      tpu.yield
    }) : () -> ()
    %add3A_27 = arith.constant 576 : i32
    %add3A_28 = arith.addi %mul3A_2, %add3A_27 : i32
    "tpu.region"() ({
      %run_scoped3A = tpu.sem_alloc : memref<!tpu.dma_semaphore, #tpu.memory_space<semaphore_mem>>
      %dma_start3A_205 = arith.constant 0 : i32
      %dma_start3A_206 = tpu.memref_slice %arg7[%add3A_28, %dma_start3A_205] : memref<10000x128xf32, #tpu.memory_space<vmem_shared>> -> memref<48x128xf32, #tpu.memory_space<vmem_shared>>
      %dma_start3A_207 = arith.constant 0 : i32
      %dma_start3A_208 = tpu.memref_slice %arg7[%add3A_28, %dma_start3A_207] : memref<10000x128xf32, #tpu.memory_space<vmem_shared>> -> memref<48x128xf32, #tpu.memory_space<vmem_shared>>
      tpu.enqueue_dma source(%arg11 : memref<48x128xf32, #tpu.memory_space<vmem>>) target(%dma_start3A_208 : memref<48x128xf32, #tpu.memory_space<vmem_shared>>) target_semaphore(%run_scoped3A : memref<!tpu.dma_semaphore, #tpu.memory_space<semaphore_mem>>)
      %dma_wait3A_209 = arith.constant 0 : i32
      %dma_wait3A_210 = tpu.memref_slice %arg7[%add3A_28, %dma_wait3A_209] : memref<10000x128xf32, #tpu.memory_space<vmem_shared>> -> memref<48x128xf32, #tpu.memory_space<vmem_shared>>
      %dma_wait3A_211 = arith.constant 0 : i32
      %dma_wait3A_212 = tpu.memref_slice %arg7[%add3A_28, %dma_wait3A_211] : memref<10000x128xf32, #tpu.memory_space<vmem_shared>> -> memref<48x128xf32, #tpu.memory_space<vmem_shared>>
      tpu.wait_dma2 semaphore(%run_scoped3A : memref<!tpu.dma_semaphore, #tpu.memory_space<semaphore_mem>>) src(%arg11 : memref<48x128xf32, #tpu.memory_space<vmem>>) dst(%dma_wait3A_212 : memref<48x128xf32, #tpu.memory_space<vmem_shared>>)
      tpu.yield
    }) : () -> ()
    %eq3A = arith.constant 15 : i32
    %eq3A_29 = arith.cmpi eq, %arg1, %eq3A : i32
    %convert_element_type3A = arith.extui %eq3A_29 : i1 to i32
    %cond3A = arith.constant 0 : i32
    %cond3A_30 = arith.cmpi ne, %convert_element_type3A, %cond3A : i32
    scf.if %cond3A_30 {
      "tpu.region"() ({
        %run_scoped3A = tpu.sem_alloc : memref<!tpu.dma_semaphore, #tpu.memory_space<semaphore_mem>>
        %dma_start3A_205 = arith.constant 0 : i32
        %dma_start3A_206 = arith.constant 0 : i32
        %dma_start3A_207 = tpu.memref_slice %arg11[%dma_start3A_205, %dma_start3A_206] : memref<48x128xf32, #tpu.memory_space<vmem>> -> memref<16x128xf32, #tpu.memory_space<vmem>>
        %dma_start3A_208 = arith.constant 9984 : i32
        %dma_start3A_209 = arith.constant 0 : i32
        %dma_start3A_210 = tpu.memref_slice %arg7[%dma_start3A_208, %dma_start3A_209] : memref<10000x128xf32, #tpu.memory_space<vmem_shared>> -> memref<16x128xf32, #tpu.memory_space<vmem_shared>>
        %dma_start3A_211 = arith.constant 9984 : i32
        %dma_start3A_212 = arith.constant 0 : i32
        %dma_start3A_213 = tpu.memref_slice %arg7[%dma_start3A_211, %dma_start3A_212] : memref<10000x128xf32, #tpu.memory_space<vmem_shared>> -> memref<16x128xf32, #tpu.memory_space<vmem_shared>>
        %dma_start3A_214 = arith.constant 0 : i32
        %dma_start3A_215 = arith.constant 0 : i32
        %dma_start3A_216 = tpu.memref_slice %arg11[%dma_start3A_214, %dma_start3A_215] : memref<48x128xf32, #tpu.memory_space<vmem>> -> memref<16x128xf32, #tpu.memory_space<vmem>>
        tpu.enqueue_dma source(%dma_start3A_216 : memref<16x128xf32, #tpu.memory_space<vmem>>) target(%dma_start3A_213 : memref<16x128xf32, #tpu.memory_space<vmem_shared>>) target_semaphore(%run_scoped3A : memref<!tpu.dma_semaphore, #tpu.memory_space<semaphore_mem>>)
        %dma_wait3A_217 = arith.constant 0 : i32
        %dma_wait3A_218 = arith.constant 0 : i32
        %dma_wait3A_219 = tpu.memref_slice %arg11[%dma_wait3A_217, %dma_wait3A_218] : memref<48x128xf32, #tpu.memory_space<vmem>> -> memref<16x128xf32, #tpu.memory_space<vmem>>
        %dma_wait3A_220 = arith.constant 9984 : i32
        %dma_wait3A_221 = arith.constant 0 : i32
        %dma_wait3A_222 = tpu.memref_slice %arg7[%dma_wait3A_220, %dma_wait3A_221] : memref<10000x128xf32, #tpu.memory_space<vmem_shared>> -> memref<16x128xf32, #tpu.memory_space<vmem_shared>>
        %dma_wait3A_223 = arith.constant 9984 : i32
        %dma_wait3A_224 = arith.constant 0 : i32
        %dma_wait3A_225 = tpu.memref_slice %arg7[%dma_wait3A_223, %dma_wait3A_224] : memref<10000x128xf32, #tpu.memory_space<vmem_shared>> -> memref<16x128xf32, #tpu.memory_space<vmem_shared>>
        %dma_wait3A_226 = arith.constant 0 : i32
        %dma_wait3A_227 = arith.constant 0 : i32
        %dma_wait3A_228 = tpu.memref_slice %arg11[%dma_wait3A_226, %dma_wait3A_227] : memref<48x128xf32, #tpu.memory_space<vmem>> -> memref<16x128xf32, #tpu.memory_space<vmem>>
        tpu.wait_dma2 semaphore(%run_scoped3A : memref<!tpu.dma_semaphore, #tpu.memory_space<semaphore_mem>>) src(%dma_wait3A_228 : memref<16x128xf32, #tpu.memory_space<vmem>>) dst(%dma_wait3A_225 : memref<16x128xf32, #tpu.memory_space<vmem_shared>>)
        tpu.yield
      }) : () -> ()
    } else {
    }
    "tpu.region"() ({
      %run_scoped3A = tpu.sem_alloc : memref<!tpu.dma_semaphore, #tpu.memory_space<semaphore_mem>>
      tpu.enqueue_dma source(%arg4 : memref<40x128xf32, #tpu.memory_space<hbm>>) target(%arg10 : memref<40x128xf32, #tpu.memory_space<vmem>>) target_semaphore(%run_scoped3A : memref<!tpu.dma_semaphore, #tpu.memory_space<semaphore_mem>>)
      tpu.wait_dma2 semaphore(%run_scoped3A : memref<!tpu.dma_semaphore, #tpu.memory_space<semaphore_mem>>) src(%arg4 : memref<40x128xf32, #tpu.memory_space<hbm>>) dst(%arg10 : memref<40x128xf32, #tpu.memory_space<vmem>>)
      tpu.yield
    }) : () -> ()
    %barrier3A = arith.constant 0 : index
    tpu.barrier barrier_id(%barrier3A)
    %mul3A_31 = arith.constant 5000 : i32
    %mul3A_32 = arith.muli %add3A, %mul3A_31 : i32
    %add3A_33 = arith.constant 0 : i32
    %add3A_34 = arith.addi %mul3A_32, %add3A_33 : i32
    %multiple_of3A = tpu.assume_multiple %add3A_34, 8 : i32
    %dma_start3A = tpu.memref_slice %arg2[%multiple_of3A] : memref<160000xi32, #tpu.memory_space<hbm>> -> memref<40xi32, #tpu.memory_space<hbm>>
    %dma_start3A_35 = tpu.memref_slice %arg2[%multiple_of3A] : memref<160000xi32, #tpu.memory_space<hbm>> -> memref<40xi32, #tpu.memory_space<hbm>>
    tpu.enqueue_dma source(%dma_start3A_35 : memref<40xi32, #tpu.memory_space<hbm>>) target(%arg8 : memref<40xi32, #tpu.memory_space<vmem>>) target_semaphore(%arg12 : memref<!tpu.dma_semaphore, #tpu.memory_space<semaphore_mem>>)
    %scan3A = arith.constant 0 : i32
    %scan3A_36 = arith.constant 62 : i32
    %scan3A_37 = arith.addi %scan3A, %scan3A_36 : i32
    %scan3A_38 = arith.constant 1 : i32
    scf.for %scan3A_205 = %scan3A to %scan3A_37 step %scan3A_38  : i32 {
      %mul3A_206 = arith.constant 1 : i32
      %mul3A_207 = arith.muli %scan3A_205, %mul3A_206 : i32
      %add3A_208 = arith.constant 0 : i32
      %add3A_209 = arith.addi %add3A_208, %mul3A_207 : i32
      %mul3A_210 = arith.constant 2 : i32
      %mul3A_211 = arith.muli %mul3A_210, %add3A_209 : i32
      %add3A_212 = arith.constant 1 : i32
      %add3A_213 = arith.addi %mul3A_211, %add3A_212 : i32
      %mul3A_214 = arith.constant 5000 : i32
      %mul3A_215 = arith.muli %add3A, %mul3A_214 : i32
      %mul3A_216 = arith.constant 40 : i32
      %mul3A_217 = arith.muli %add3A_213, %mul3A_216 : i32
      %add3A_218 = arith.addi %mul3A_215, %mul3A_217 : i32
      %multiple_of3A_219 = tpu.assume_multiple %add3A_218, 8 : i32
      %dma_start3A_220 = tpu.memref_slice %arg2[%multiple_of3A_219] : memref<160000xi32, #tpu.memory_space<hbm>> -> memref<40xi32, #tpu.memory_space<hbm>>
      %dma_start3A_221 = tpu.memref_slice %arg2[%multiple_of3A_219] : memref<160000xi32, #tpu.memory_space<hbm>> -> memref<40xi32, #tpu.memory_space<hbm>>
      tpu.enqueue_dma source(%dma_start3A_221 : memref<40xi32, #tpu.memory_space<hbm>>) target(%arg9 : memref<40xi32, #tpu.memory_space<vmem>>) target_semaphore(%arg13 : memref<!tpu.dma_semaphore, #tpu.memory_space<semaphore_mem>>)
      %dma_wait3A_222 = arith.constant 0 : i32
      %dma_wait3A_223 = tpu.memref_slice %arg2[%dma_wait3A_222] : memref<160000xi32, #tpu.memory_space<hbm>> -> memref<40xi32, #tpu.memory_space<hbm>>
      %dma_wait3A_224 = arith.constant 0 : i32
      %dma_wait3A_225 = tpu.memref_slice %arg2[%dma_wait3A_224] : memref<160000xi32, #tpu.memory_space<hbm>> -> memref<40xi32, #tpu.memory_space<hbm>>
      tpu.wait_dma2 semaphore(%arg12 : memref<!tpu.dma_semaphore, #tpu.memory_space<semaphore_mem>>) src(%dma_wait3A_225 : memref<40xi32, #tpu.memory_space<hbm>>) dst(%arg8 : memref<40xi32, #tpu.memory_space<vmem>>)
      %dma_start3A_226 = arith.constant 0 : i32
      %dma_start3A_227 = arith.constant 0 : i32
      %dma_start3A_228 = tpu.memref_slice %arg7[%dma_start3A_226, %dma_start3A_227] : memref<10000x128xf32, #tpu.memory_space<vmem_shared>> -> memref<10000x128xf32, #tpu.memory_space<vmem_shared>>
      tpu.enqueue_indirect_dma source(%arg10 : memref<40x128xf32, #tpu.memory_space<vmem>>) target(%dma_start3A_228 : memref<10000x128xf32, #tpu.memory_space<vmem_shared>>) offsets(%arg8 : memref<40xi32, #tpu.memory_space<vmem>>) semaphore(%arg14 : memref<!tpu.dma_semaphore, #tpu.memory_space<semaphore_mem>>) {add = true}
      %dma_wait3A_229 = arith.constant 0 : i32
      %dma_wait3A_230 = tpu.memref_slice %arg2[%dma_wait3A_229] : memref<160000xi32, #tpu.memory_space<hbm>> -> memref<40xi32, #tpu.memory_space<hbm>>
      %dma_wait3A_231 = arith.constant 0 : i32
      %dma_wait3A_232 = tpu.memref_slice %arg2[%dma_wait3A_231] : memref<160000xi32, #tpu.memory_space<hbm>> -> memref<40xi32, #tpu.memory_space<hbm>>
      tpu.wait_dma2 semaphore(%arg13 : memref<!tpu.dma_semaphore, #tpu.memory_space<semaphore_mem>>) src(%dma_wait3A_232 : memref<40xi32, #tpu.memory_space<hbm>>) dst(%arg9 : memref<40xi32, #tpu.memory_space<vmem>>)
      %dma_start3A_233 = arith.constant 0 : i32
      %dma_start3A_234 = arith.constant 0 : i32
      %dma_start3A_235 = tpu.memref_slice %arg7[%dma_start3A_233, %dma_start3A_234] : memref<10000x128xf32, #tpu.memory_space<vmem_shared>> -> memref<10000x128xf32, #tpu.memory_space<vmem_shared>>
      tpu.enqueue_indirect_dma source(%arg10 : memref<40x128xf32, #tpu.memory_space<vmem>>) target(%dma_start3A_235 : memref<10000x128xf32, #tpu.memory_space<vmem_shared>>) offsets(%arg9 : memref<40xi32, #tpu.memory_space<vmem>>) semaphore(%arg15 : memref<!tpu.dma_semaphore, #tpu.memory_space<semaphore_mem>>) {add = true}
      %dma_wait3A_236 = arith.constant 0 : i32
      %dma_wait3A_237 = arith.constant 0 : i32
      %dma_wait3A_238 = tpu.memref_slice %arg7[%dma_wait3A_236, %dma_wait3A_237] : memref<10000x128xf32, #tpu.memory_space<vmem_shared>> -> memref<10000x128xf32, #tpu.memory_space<vmem_shared>>
      tpu.wait_indirect_dma semaphore(%arg14 : memref<!tpu.dma_semaphore, #tpu.memory_space<semaphore_mem>>) src(%arg10 : memref<40x128xf32, #tpu.memory_space<vmem>>) dst(%dma_wait3A_238 : memref<10000x128xf32, #tpu.memory_space<vmem_shared>>)
      %add3A_239 = arith.constant 2 : i32
      %add3A_240 = arith.addi %mul3A_211, %add3A_239 : i32
      %mul3A_241 = arith.constant 5000 : i32
      %mul3A_242 = arith.muli %add3A, %mul3A_241 : i32
      %mul3A_243 = arith.constant 40 : i32
      %mul3A_244 = arith.muli %add3A_240, %mul3A_243 : i32
      %add3A_245 = arith.addi %mul3A_242, %mul3A_244 : i32
      %multiple_of3A_246 = tpu.assume_multiple %add3A_245, 8 : i32
      %dma_start3A_247 = tpu.memref_slice %arg2[%multiple_of3A_246] : memref<160000xi32, #tpu.memory_space<hbm>> -> memref<40xi32, #tpu.memory_space<hbm>>
      %dma_start3A_248 = tpu.memref_slice %arg2[%multiple_of3A_246] : memref<160000xi32, #tpu.memory_space<hbm>> -> memref<40xi32, #tpu.memory_space<hbm>>
      tpu.enqueue_dma source(%dma_start3A_248 : memref<40xi32, #tpu.memory_space<hbm>>) target(%arg8 : memref<40xi32, #tpu.memory_space<vmem>>) target_semaphore(%arg12 : memref<!tpu.dma_semaphore, #tpu.memory_space<semaphore_mem>>)
      %dma_wait3A_249 = arith.constant 0 : i32
      %dma_wait3A_250 = arith.constant 0 : i32
      %dma_wait3A_251 = tpu.memref_slice %arg7[%dma_wait3A_249, %dma_wait3A_250] : memref<10000x128xf32, #tpu.memory_space<vmem_shared>> -> memref<10000x128xf32, #tpu.memory_space<vmem_shared>>
      tpu.wait_indirect_dma semaphore(%arg15 : memref<!tpu.dma_semaphore, #tpu.memory_space<semaphore_mem>>) src(%arg10 : memref<40x128xf32, #tpu.memory_space<vmem>>) dst(%dma_wait3A_251 : memref<10000x128xf32, #tpu.memory_space<vmem_shared>>)
    }
    %scan3A_39 = arith.constant 62 : i32
    %dma_wait3A = arith.constant 0 : i32
    %dma_wait3A_40 = tpu.memref_slice %arg2[%dma_wait3A] : memref<160000xi32, #tpu.memory_space<hbm>> -> memref<40xi32, #tpu.memory_space<hbm>>
    %dma_wait3A_41 = arith.constant 0 : i32
    %dma_wait3A_42 = tpu.memref_slice %arg2[%dma_wait3A_41] : memref<160000xi32, #tpu.memory_space<hbm>> -> memref<40xi32, #tpu.memory_space<hbm>>
    tpu.wait_dma2 semaphore(%arg12 : memref<!tpu.dma_semaphore, #tpu.memory_space<semaphore_mem>>) src(%dma_wait3A_42 : memref<40xi32, #tpu.memory_space<hbm>>) dst(%arg8 : memref<40xi32, #tpu.memory_space<vmem>>)
    "tpu.region"() ({
      %run_scoped3A = tpu.sem_alloc : memref<!tpu.dma_semaphore, #tpu.memory_space<semaphore_mem>>
      %dma_start3A_205 = arith.constant 0 : i32
      %dma_start3A_206 = arith.constant 0 : i32
      %dma_start3A_207 = tpu.memref_slice %arg7[%dma_start3A_205, %dma_start3A_206] : memref<10000x128xf32, #tpu.memory_space<vmem_shared>> -> memref<10000x128xf32, #tpu.memory_space<vmem_shared>>
      tpu.enqueue_indirect_dma source(%arg10 : memref<40x128xf32, #tpu.memory_space<vmem>>) target(%dma_start3A_207 : memref<10000x128xf32, #tpu.memory_space<vmem_shared>>) offsets(%arg8 : memref<40xi32, #tpu.memory_space<vmem>>) semaphore(%run_scoped3A : memref<!tpu.dma_semaphore, #tpu.memory_space<semaphore_mem>>) {add = true}
      %dma_wait3A_208 = arith.constant 0 : i32
      %dma_wait3A_209 = arith.constant 0 : i32
      %dma_wait3A_210 = tpu.memref_slice %arg7[%dma_wait3A_208, %dma_wait3A_209] : memref<10000x128xf32, #tpu.memory_space<vmem_shared>> -> memref<10000x128xf32, #tpu.memory_space<vmem_shared>>
      tpu.wait_indirect_dma semaphore(%run_scoped3A : memref<!tpu.dma_semaphore, #tpu.memory_space<semaphore_mem>>) src(%arg10 : memref<40x128xf32, #tpu.memory_space<vmem>>) dst(%dma_wait3A_210 : memref<10000x128xf32, #tpu.memory_space<vmem_shared>>)
      tpu.yield
    }) : () -> ()
    %barrier3A_43 = arith.constant 0 : index
    tpu.barrier barrier_id(%barrier3A_43)
    %add3A_44 = arith.constant 0 : i32
    %add3A_45 = arith.addi %mul3A_2, %add3A_44 : i32
    "tpu.region"() ({
      %run_scoped3A = tpu.sem_alloc : memref<!tpu.dma_semaphore, #tpu.memory_space<semaphore_mem>>
      %dma_start3A_205 = arith.constant 0 : i32
      %dma_start3A_206 = tpu.memref_slice %arg7[%add3A_45, %dma_start3A_205] : memref<10000x128xf32, #tpu.memory_space<vmem_shared>> -> memref<48x128xf32, #tpu.memory_space<vmem_shared>>
      %dma_start3A_207 = arith.constant 0 : i32
      %dma_start3A_208 = tpu.memref_slice %arg7[%add3A_45, %dma_start3A_207] : memref<10000x128xf32, #tpu.memory_space<vmem_shared>> -> memref<48x128xf32, #tpu.memory_space<vmem_shared>>
      tpu.enqueue_dma source(%dma_start3A_208 : memref<48x128xf32, #tpu.memory_space<vmem_shared>>) target(%arg11 : memref<48x128xf32, #tpu.memory_space<vmem>>) target_semaphore(%run_scoped3A : memref<!tpu.dma_semaphore, #tpu.memory_space<semaphore_mem>>)
      %dma_wait3A_209 = arith.constant 0 : i32
      %dma_wait3A_210 = tpu.memref_slice %arg7[%add3A_45, %dma_wait3A_209] : memref<10000x128xf32, #tpu.memory_space<vmem_shared>> -> memref<48x128xf32, #tpu.memory_space<vmem_shared>>
      %dma_wait3A_211 = arith.constant 0 : i32
      %dma_wait3A_212 = tpu.memref_slice %arg7[%add3A_45, %dma_wait3A_211] : memref<10000x128xf32, #tpu.memory_space<vmem_shared>> -> memref<48x128xf32, #tpu.memory_space<vmem_shared>>
      tpu.wait_dma2 semaphore(%run_scoped3A : memref<!tpu.dma_semaphore, #tpu.memory_space<semaphore_mem>>) src(%dma_wait3A_212 : memref<48x128xf32, #tpu.memory_space<vmem_shared>>) dst(%arg11 : memref<48x128xf32, #tpu.memory_space<vmem>>)
      tpu.yield
    }) : () -> ()
    %eq3A_46 = arith.constant 0 : i32
    %eq3A_47 = arith.cmpi eq, %arg0, %eq3A_46 : i32
    %convert_element_type3A_48 = arith.extui %eq3A_47 : i1 to i32
    %cond3A_49 = arith.constant 0 : i32
    %cond3A_50 = arith.cmpi ne, %convert_element_type3A_48, %cond3A_49 : i32
    scf.if %cond3A_50 {
      %add3A_205 = arith.constant 0 : i32
      %add3A_206 = arith.addi %mul3A_2, %add3A_205 : i32
      "tpu.region"() ({
        %run_scoped3A = tpu.sem_alloc : memref<!tpu.dma_semaphore, #tpu.memory_space<semaphore_mem>>
        %dma_start3A_207 = arith.constant 0 : i32
        %dma_start3A_208 = tpu.memref_slice %arg5[%add3A_206, %dma_start3A_207] : memref<10000x128xf32, #tpu.memory_space<hbm>> -> memref<48x128xf32, #tpu.memory_space<hbm>>
        %dma_start3A_209 = arith.constant 0 : i32
        %dma_start3A_210 = tpu.memref_slice %arg5[%add3A_206, %dma_start3A_209] : memref<10000x128xf32, #tpu.memory_space<hbm>> -> memref<48x128xf32, #tpu.memory_space<hbm>>
        tpu.enqueue_dma source(%arg11 : memref<48x128xf32, #tpu.memory_space<vmem>>) target(%dma_start3A_210 : memref<48x128xf32, #tpu.memory_space<hbm>>) target_semaphore(%run_scoped3A : memref<!tpu.dma_semaphore, #tpu.memory_space<semaphore_mem>>)
        %dma_wait3A_211 = arith.constant 0 : i32
        %dma_wait3A_212 = tpu.memref_slice %arg5[%add3A_206, %dma_wait3A_211] : memref<10000x128xf32, #tpu.memory_space<hbm>> -> memref<48x128xf32, #tpu.memory_space<hbm>>
        %dma_wait3A_213 = arith.constant 0 : i32
        %dma_wait3A_214 = tpu.memref_slice %arg5[%add3A_206, %dma_wait3A_213] : memref<10000x128xf32, #tpu.memory_space<hbm>> -> memref<48x128xf32, #tpu.memory_space<hbm>>
        tpu.wait_dma2 semaphore(%run_scoped3A : memref<!tpu.dma_semaphore, #tpu.memory_space<semaphore_mem>>) src(%arg11 : memref<48x128xf32, #tpu.memory_space<vmem>>) dst(%dma_wait3A_214 : memref<48x128xf32, #tpu.memory_space<hbm>>)
        tpu.yield
      }) : () -> ()
    } else {
    }
    %eq3A_51 = arith.constant 1 : i32
    %eq3A_52 = arith.cmpi eq, %arg0, %eq3A_51 : i32
    %convert_element_type3A_53 = arith.extui %eq3A_52 : i1 to i32
    %cond3A_54 = arith.constant 0 : i32
    %cond3A_55 = arith.cmpi ne, %convert_element_type3A_53, %cond3A_54 : i32
    scf.if %cond3A_55 {
      %add3A_205 = arith.constant 0 : i32
      %add3A_206 = arith.addi %mul3A_2, %add3A_205 : i32
      "tpu.region"() ({
        %run_scoped3A = tpu.sem_alloc : memref<!tpu.dma_semaphore, #tpu.memory_space<semaphore_mem>>
        %dma_start3A_207 = arith.constant 0 : i32
        %dma_start3A_208 = tpu.memref_slice %arg6[%add3A_206, %dma_start3A_207] : memref<10000x128xf32, #tpu.memory_space<hbm>> -> memref<48x128xf32, #tpu.memory_space<hbm>>
        %dma_start3A_209 = arith.constant 0 : i32
        %dma_start3A_210 = tpu.memref_slice %arg6[%add3A_206, %dma_start3A_209] : memref<10000x128xf32, #tpu.memory_space<hbm>> -> memref<48x128xf32, #tpu.memory_space<hbm>>
        tpu.enqueue_dma source(%arg11 : memref<48x128xf32, #tpu.memory_space<vmem>>) target(%dma_start3A_210 : memref<48x128xf32, #tpu.memory_space<hbm>>) target_semaphore(%run_scoped3A : memref<!tpu.dma_semaphore, #tpu.memory_space<semaphore_mem>>)
        %dma_wait3A_211 = arith.constant 0 : i32
        %dma_wait3A_212 = tpu.memref_slice %arg6[%add3A_206, %dma_wait3A_211] : memref<10000x128xf32, #tpu.memory_space<hbm>> -> memref<48x128xf32, #tpu.memory_space<hbm>>
        %dma_wait3A_213 = arith.constant 0 : i32
        %dma_wait3A_214 = tpu.memref_slice %arg6[%add3A_206, %dma_wait3A_213] : memref<10000x128xf32, #tpu.memory_space<hbm>> -> memref<48x128xf32, #tpu.memory_space<hbm>>
        tpu.wait_dma2 semaphore(%run_scoped3A : memref<!tpu.dma_semaphore, #tpu.memory_space<semaphore_mem>>) src(%arg11 : memref<48x128xf32, #tpu.memory_space<vmem>>) dst(%dma_wait3A_214 : memref<48x128xf32, #tpu.memory_space<hbm>>)
        tpu.yield
      }) : () -> ()
    } else {
    }
    %add3A_56 = arith.constant 48 : i32
    %add3A_57 = arith.addi %mul3A_2, %add3A_56 : i32
    "tpu.region"() ({
      %run_scoped3A = tpu.sem_alloc : memref<!tpu.dma_semaphore, #tpu.memory_space<semaphore_mem>>
      %dma_start3A_205 = arith.constant 0 : i32
      %dma_start3A_206 = tpu.memref_slice %arg7[%add3A_57, %dma_start3A_205] : memref<10000x128xf32, #tpu.memory_space<vmem_shared>> -> memref<48x128xf32, #tpu.memory_space<vmem_shared>>
      %dma_start3A_207 = arith.constant 0 : i32
      %dma_start3A_208 = tpu.memref_slice %arg7[%add3A_57, %dma_start3A_207] : memref<10000x128xf32, #tpu.memory_space<vmem_shared>> -> memref<48x128xf32, #tpu.memory_space<vmem_shared>>
      tpu.enqueue_dma source(%dma_start3A_208 : memref<48x128xf32, #tpu.memory_space<vmem_shared>>) target(%arg11 : memref<48x128xf32, #tpu.memory_space<vmem>>) target_semaphore(%run_scoped3A : memref<!tpu.dma_semaphore, #tpu.memory_space<semaphore_mem>>)
      %dma_wait3A_209 = arith.constant 0 : i32
      %dma_wait3A_210 = tpu.memref_slice %arg7[%add3A_57, %dma_wait3A_209] : memref<10000x128xf32, #tpu.memory_space<vmem_shared>> -> memref<48x128xf32, #tpu.memory_space<vmem_shared>>
      %dma_wait3A_211 = arith.constant 0 : i32
      %dma_wait3A_212 = tpu.memref_slice %arg7[%add3A_57, %dma_wait3A_211] : memref<10000x128xf32, #tpu.memory_space<vmem_shared>> -> memref<48x128xf32, #tpu.memory_space<vmem_shared>>
      tpu.wait_dma2 semaphore(%run_scoped3A : memref<!tpu.dma_semaphore, #tpu.memory_space<semaphore_mem>>) src(%dma_wait3A_212 : memref<48x128xf32, #tpu.memory_space<vmem_shared>>) dst(%arg11 : memref<48x128xf32, #tpu.memory_space<vmem>>)
      tpu.yield
    }) : () -> ()
    %eq3A_58 = arith.constant 0 : i32
    %eq3A_59 = arith.cmpi eq, %arg0, %eq3A_58 : i32
    %convert_element_type3A_60 = arith.extui %eq3A_59 : i1 to i32
    %cond3A_61 = arith.constant 0 : i32
    %cond3A_62 = arith.cmpi ne, %convert_element_type3A_60, %cond3A_61 : i32
    scf.if %cond3A_62 {
      %add3A_205 = arith.constant 48 : i32
      %add3A_206 = arith.addi %mul3A_2, %add3A_205 : i32
      "tpu.region"() ({
        %run_scoped3A = tpu.sem_alloc : memref<!tpu.dma_semaphore, #tpu.memory_space<semaphore_mem>>
        %dma_start3A_207 = arith.constant 0 : i32
        %dma_start3A_208 = tpu.memref_slice %arg5[%add3A_206, %dma_start3A_207] : memref<10000x128xf32, #tpu.memory_space<hbm>> -> memref<48x128xf32, #tpu.memory_space<hbm>>
        %dma_start3A_209 = arith.constant 0 : i32
        %dma_start3A_210 = tpu.memref_slice %arg5[%add3A_206, %dma_start3A_209] : memref<10000x128xf32, #tpu.memory_space<hbm>> -> memref<48x128xf32, #tpu.memory_space<hbm>>
        tpu.enqueue_dma source(%arg11 : memref<48x128xf32, #tpu.memory_space<vmem>>) target(%dma_start3A_210 : memref<48x128xf32, #tpu.memory_space<hbm>>) target_semaphore(%run_scoped3A : memref<!tpu.dma_semaphore, #tpu.memory_space<semaphore_mem>>)
        %dma_wait3A_211 = arith.constant 0 : i32
        %dma_wait3A_212 = tpu.memref_slice %arg5[%add3A_206, %dma_wait3A_211] : memref<10000x128xf32, #tpu.memory_space<hbm>> -> memref<48x128xf32, #tpu.memory_space<hbm>>
        %dma_wait3A_213 = arith.constant 0 : i32
        %dma_wait3A_214 = tpu.memref_slice %arg5[%add3A_206, %dma_wait3A_213] : memref<10000x128xf32, #tpu.memory_space<hbm>> -> memref<48x128xf32, #tpu.memory_space<hbm>>
        tpu.wait_dma2 semaphore(%run_scoped3A : memref<!tpu.dma_semaphore, #tpu.memory_space<semaphore_mem>>) src(%arg11 : memref<48x128xf32, #tpu.memory_space<vmem>>) dst(%dma_wait3A_214 : memref<48x128xf32, #tpu.memory_space<hbm>>)
        tpu.yield
      }) : () -> ()
    } else {
    }
    %eq3A_63 = arith.constant 1 : i32
    %eq3A_64 = arith.cmpi eq, %arg0, %eq3A_63 : i32
    %convert_element_type3A_65 = arith.extui %eq3A_64 : i1 to i32
    %cond3A_66 = arith.constant 0 : i32
    %cond3A_67 = arith.cmpi ne, %convert_element_type3A_65, %cond3A_66 : i32
    scf.if %cond3A_67 {
      %add3A_205 = arith.constant 48 : i32
      %add3A_206 = arith.addi %mul3A_2, %add3A_205 : i32
      "tpu.region"() ({
        %run_scoped3A = tpu.sem_alloc : memref<!tpu.dma_semaphore, #tpu.memory_space<semaphore_mem>>
        %dma_start3A_207 = arith.constant 0 : i32
        %dma_start3A_208 = tpu.memref_slice %arg6[%add3A_206, %dma_start3A_207] : memref<10000x128xf32, #tpu.memory_space<hbm>> -> memref<48x128xf32, #tpu.memory_space<hbm>>
        %dma_start3A_209 = arith.constant 0 : i32
        %dma_start3A_210 = tpu.memref_slice %arg6[%add3A_206, %dma_start3A_209] : memref<10000x128xf32, #tpu.memory_space<hbm>> -> memref<48x128xf32, #tpu.memory_space<hbm>>
        tpu.enqueue_dma source(%arg11 : memref<48x128xf32, #tpu.memory_space<vmem>>) target(%dma_start3A_210 : memref<48x128xf32, #tpu.memory_space<hbm>>) target_semaphore(%run_scoped3A : memref<!tpu.dma_semaphore, #tpu.memory_space<semaphore_mem>>)
        %dma_wait3A_211 = arith.constant 0 : i32
        %dma_wait3A_212 = tpu.memref_slice %arg6[%add3A_206, %dma_wait3A_211] : memref<10000x128xf32, #tpu.memory_space<hbm>> -> memref<48x128xf32, #tpu.memory_space<hbm>>
        %dma_wait3A_213 = arith.constant 0 : i32
        %dma_wait3A_214 = tpu.memref_slice %arg6[%add3A_206, %dma_wait3A_213] : memref<10000x128xf32, #tpu.memory_space<hbm>> -> memref<48x128xf32, #tpu.memory_space<hbm>>
        tpu.wait_dma2 semaphore(%run_scoped3A : memref<!tpu.dma_semaphore, #tpu.memory_space<semaphore_mem>>) src(%arg11 : memref<48x128xf32, #tpu.memory_space<vmem>>) dst(%dma_wait3A_214 : memref<48x128xf32, #tpu.memory_space<hbm>>)
        tpu.yield
      }) : () -> ()
    } else {
    }
    %add3A_68 = arith.constant 96 : i32
    %add3A_69 = arith.addi %mul3A_2, %add3A_68 : i32
    "tpu.region"() ({
      %run_scoped3A = tpu.sem_alloc : memref<!tpu.dma_semaphore, #tpu.memory_space<semaphore_mem>>
      %dma_start3A_205 = arith.constant 0 : i32
      %dma_start3A_206 = tpu.memref_slice %arg7[%add3A_69, %dma_start3A_205] : memref<10000x128xf32, #tpu.memory_space<vmem_shared>> -> memref<48x128xf32, #tpu.memory_space<vmem_shared>>
      %dma_start3A_207 = arith.constant 0 : i32
      %dma_start3A_208 = tpu.memref_slice %arg7[%add3A_69, %dma_start3A_207] : memref<10000x128xf32, #tpu.memory_space<vmem_shared>> -> memref<48x128xf32, #tpu.memory_space<vmem_shared>>
      tpu.enqueue_dma source(%dma_start3A_208 : memref<48x128xf32, #tpu.memory_space<vmem_shared>>) target(%arg11 : memref<48x128xf32, #tpu.memory_space<vmem>>) target_semaphore(%run_scoped3A : memref<!tpu.dma_semaphore, #tpu.memory_space<semaphore_mem>>)
      %dma_wait3A_209 = arith.constant 0 : i32
      %dma_wait3A_210 = tpu.memref_slice %arg7[%add3A_69, %dma_wait3A_209] : memref<10000x128xf32, #tpu.memory_space<vmem_shared>> -> memref<48x128xf32, #tpu.memory_space<vmem_shared>>
      %dma_wait3A_211 = arith.constant 0 : i32
      %dma_wait3A_212 = tpu.memref_slice %arg7[%add3A_69, %dma_wait3A_211] : memref<10000x128xf32, #tpu.memory_space<vmem_shared>> -> memref<48x128xf32, #tpu.memory_space<vmem_shared>>
      tpu.wait_dma2 semaphore(%run_scoped3A : memref<!tpu.dma_semaphore, #tpu.memory_space<semaphore_mem>>) src(%dma_wait3A_212 : memref<48x128xf32, #tpu.memory_space<vmem_shared>>) dst(%arg11 : memref<48x128xf32, #tpu.memory_space<vmem>>)
      tpu.yield
    }) : () -> ()
    %eq3A_70 = arith.constant 0 : i32
    %eq3A_71 = arith.cmpi eq, %arg0, %eq3A_70 : i32
    %convert_element_type3A_72 = arith.extui %eq3A_71 : i1 to i32
    %cond3A_73 = arith.constant 0 : i32
    %cond3A_74 = arith.cmpi ne, %convert_element_type3A_72, %cond3A_73 : i32
    scf.if %cond3A_74 {
      %add3A_205 = arith.constant 96 : i32
      %add3A_206 = arith.addi %mul3A_2, %add3A_205 : i32
      "tpu.region"() ({
        %run_scoped3A = tpu.sem_alloc : memref<!tpu.dma_semaphore, #tpu.memory_space<semaphore_mem>>
        %dma_start3A_207 = arith.constant 0 : i32
        %dma_start3A_208 = tpu.memref_slice %arg5[%add3A_206, %dma_start3A_207] : memref<10000x128xf32, #tpu.memory_space<hbm>> -> memref<48x128xf32, #tpu.memory_space<hbm>>
        %dma_start3A_209 = arith.constant 0 : i32
        %dma_start3A_210 = tpu.memref_slice %arg5[%add3A_206, %dma_start3A_209] : memref<10000x128xf32, #tpu.memory_space<hbm>> -> memref<48x128xf32, #tpu.memory_space<hbm>>
        tpu.enqueue_dma source(%arg11 : memref<48x128xf32, #tpu.memory_space<vmem>>) target(%dma_start3A_210 : memref<48x128xf32, #tpu.memory_space<hbm>>) target_semaphore(%run_scoped3A : memref<!tpu.dma_semaphore, #tpu.memory_space<semaphore_mem>>)
        %dma_wait3A_211 = arith.constant 0 : i32
        %dma_wait3A_212 = tpu.memref_slice %arg5[%add3A_206, %dma_wait3A_211] : memref<10000x128xf32, #tpu.memory_space<hbm>> -> memref<48x128xf32, #tpu.memory_space<hbm>>
        %dma_wait3A_213 = arith.constant 0 : i32
        %dma_wait3A_214 = tpu.memref_slice %arg5[%add3A_206, %dma_wait3A_213] : memref<10000x128xf32, #tpu.memory_space<hbm>> -> memref<48x128xf32, #tpu.memory_space<hbm>>
        tpu.wait_dma2 semaphore(%run_scoped3A : memref<!tpu.dma_semaphore, #tpu.memory_space<semaphore_mem>>) src(%arg11 : memref<48x128xf32, #tpu.memory_space<vmem>>) dst(%dma_wait3A_214 : memref<48x128xf32, #tpu.memory_space<hbm>>)
        tpu.yield
      }) : () -> ()
    } else {
    }
    %eq3A_75 = arith.constant 1 : i32
    %eq3A_76 = arith.cmpi eq, %arg0, %eq3A_75 : i32
    %convert_element_type3A_77 = arith.extui %eq3A_76 : i1 to i32
    %cond3A_78 = arith.constant 0 : i32
    %cond3A_79 = arith.cmpi ne, %convert_element_type3A_77, %cond3A_78 : i32
    scf.if %cond3A_79 {
      %add3A_205 = arith.constant 96 : i32
      %add3A_206 = arith.addi %mul3A_2, %add3A_205 : i32
      "tpu.region"() ({
        %run_scoped3A = tpu.sem_alloc : memref<!tpu.dma_semaphore, #tpu.memory_space<semaphore_mem>>
        %dma_start3A_207 = arith.constant 0 : i32
        %dma_start3A_208 = tpu.memref_slice %arg6[%add3A_206, %dma_start3A_207] : memref<10000x128xf32, #tpu.memory_space<hbm>> -> memref<48x128xf32, #tpu.memory_space<hbm>>
        %dma_start3A_209 = arith.constant 0 : i32
        %dma_start3A_210 = tpu.memref_slice %arg6[%add3A_206, %dma_start3A_209] : memref<10000x128xf32, #tpu.memory_space<hbm>> -> memref<48x128xf32, #tpu.memory_space<hbm>>
        tpu.enqueue_dma source(%arg11 : memref<48x128xf32, #tpu.memory_space<vmem>>) target(%dma_start3A_210 : memref<48x128xf32, #tpu.memory_space<hbm>>) target_semaphore(%run_scoped3A : memref<!tpu.dma_semaphore, #tpu.memory_space<semaphore_mem>>)
        %dma_wait3A_211 = arith.constant 0 : i32
        %dma_wait3A_212 = tpu.memref_slice %arg6[%add3A_206, %dma_wait3A_211] : memref<10000x128xf32, #tpu.memory_space<hbm>> -> memref<48x128xf32, #tpu.memory_space<hbm>>
        %dma_wait3A_213 = arith.constant 0 : i32
        %dma_wait3A_214 = tpu.memref_slice %arg6[%add3A_206, %dma_wait3A_213] : memref<10000x128xf32, #tpu.memory_space<hbm>> -> memref<48x128xf32, #tpu.memory_space<hbm>>
        tpu.wait_dma2 semaphore(%run_scoped3A : memref<!tpu.dma_semaphore, #tpu.memory_space<semaphore_mem>>) src(%arg11 : memref<48x128xf32, #tpu.memory_space<vmem>>) dst(%dma_wait3A_214 : memref<48x128xf32, #tpu.memory_space<hbm>>)
        tpu.yield
      }) : () -> ()
    } else {
    }
    %add3A_80 = arith.constant 144 : i32
    %add3A_81 = arith.addi %mul3A_2, %add3A_80 : i32
    "tpu.region"() ({
      %run_scoped3A = tpu.sem_alloc : memref<!tpu.dma_semaphore, #tpu.memory_space<semaphore_mem>>
      %dma_start3A_205 = arith.constant 0 : i32
      %dma_start3A_206 = tpu.memref_slice %arg7[%add3A_81, %dma_start3A_205] : memref<10000x128xf32, #tpu.memory_space<vmem_shared>> -> memref<48x128xf32, #tpu.memory_space<vmem_shared>>
      %dma_start3A_207 = arith.constant 0 : i32
      %dma_start3A_208 = tpu.memref_slice %arg7[%add3A_81, %dma_start3A_207] : memref<10000x128xf32, #tpu.memory_space<vmem_shared>> -> memref<48x128xf32, #tpu.memory_space<vmem_shared>>
      tpu.enqueue_dma source(%dma_start3A_208 : memref<48x128xf32, #tpu.memory_space<vmem_shared>>) target(%arg11 : memref<48x128xf32, #tpu.memory_space<vmem>>) target_semaphore(%run_scoped3A : memref<!tpu.dma_semaphore, #tpu.memory_space<semaphore_mem>>)
      %dma_wait3A_209 = arith.constant 0 : i32
      %dma_wait3A_210 = tpu.memref_slice %arg7[%add3A_81, %dma_wait3A_209] : memref<10000x128xf32, #tpu.memory_space<vmem_shared>> -> memref<48x128xf32, #tpu.memory_space<vmem_shared>>
      %dma_wait3A_211 = arith.constant 0 : i32
      %dma_wait3A_212 = tpu.memref_slice %arg7[%add3A_81, %dma_wait3A_211] : memref<10000x128xf32, #tpu.memory_space<vmem_shared>> -> memref<48x128xf32, #tpu.memory_space<vmem_shared>>
      tpu.wait_dma2 semaphore(%run_scoped3A : memref<!tpu.dma_semaphore, #tpu.memory_space<semaphore_mem>>) src(%dma_wait3A_212 : memref<48x128xf32, #tpu.memory_space<vmem_shared>>) dst(%arg11 : memref<48x128xf32, #tpu.memory_space<vmem>>)
      tpu.yield
    }) : () -> ()
    %eq3A_82 = arith.constant 0 : i32
    %eq3A_83 = arith.cmpi eq, %arg0, %eq3A_82 : i32
    %convert_element_type3A_84 = arith.extui %eq3A_83 : i1 to i32
    %cond3A_85 = arith.constant 0 : i32
    %cond3A_86 = arith.cmpi ne, %convert_element_type3A_84, %cond3A_85 : i32
    scf.if %cond3A_86 {
      %add3A_205 = arith.constant 144 : i32
      %add3A_206 = arith.addi %mul3A_2, %add3A_205 : i32
      "tpu.region"() ({
        %run_scoped3A = tpu.sem_alloc : memref<!tpu.dma_semaphore, #tpu.memory_space<semaphore_mem>>
        %dma_start3A_207 = arith.constant 0 : i32
        %dma_start3A_208 = tpu.memref_slice %arg5[%add3A_206, %dma_start3A_207] : memref<10000x128xf32, #tpu.memory_space<hbm>> -> memref<48x128xf32, #tpu.memory_space<hbm>>
        %dma_start3A_209 = arith.constant 0 : i32
        %dma_start3A_210 = tpu.memref_slice %arg5[%add3A_206, %dma_start3A_209] : memref<10000x128xf32, #tpu.memory_space<hbm>> -> memref<48x128xf32, #tpu.memory_space<hbm>>
        tpu.enqueue_dma source(%arg11 : memref<48x128xf32, #tpu.memory_space<vmem>>) target(%dma_start3A_210 : memref<48x128xf32, #tpu.memory_space<hbm>>) target_semaphore(%run_scoped3A : memref<!tpu.dma_semaphore, #tpu.memory_space<semaphore_mem>>)
        %dma_wait3A_211 = arith.constant 0 : i32
        %dma_wait3A_212 = tpu.memref_slice %arg5[%add3A_206, %dma_wait3A_211] : memref<10000x128xf32, #tpu.memory_space<hbm>> -> memref<48x128xf32, #tpu.memory_space<hbm>>
        %dma_wait3A_213 = arith.constant 0 : i32
        %dma_wait3A_214 = tpu.memref_slice %arg5[%add3A_206, %dma_wait3A_213] : memref<10000x128xf32, #tpu.memory_space<hbm>> -> memref<48x128xf32, #tpu.memory_space<hbm>>
        tpu.wait_dma2 semaphore(%run_scoped3A : memref<!tpu.dma_semaphore, #tpu.memory_space<semaphore_mem>>) src(%arg11 : memref<48x128xf32, #tpu.memory_space<vmem>>) dst(%dma_wait3A_214 : memref<48x128xf32, #tpu.memory_space<hbm>>)
        tpu.yield
      }) : () -> ()
    } else {
    }
    %eq3A_87 = arith.constant 1 : i32
    %eq3A_88 = arith.cmpi eq, %arg0, %eq3A_87 : i32
    %convert_element_type3A_89 = arith.extui %eq3A_88 : i1 to i32
    %cond3A_90 = arith.constant 0 : i32
    %cond3A_91 = arith.cmpi ne, %convert_element_type3A_89, %cond3A_90 : i32
    scf.if %cond3A_91 {
      %add3A_205 = arith.constant 144 : i32
      %add3A_206 = arith.addi %mul3A_2, %add3A_205 : i32
      "tpu.region"() ({
        %run_scoped3A = tpu.sem_alloc : memref<!tpu.dma_semaphore, #tpu.memory_space<semaphore_mem>>
        %dma_start3A_207 = arith.constant 0 : i32
        %dma_start3A_208 = tpu.memref_slice %arg6[%add3A_206, %dma_start3A_207] : memref<10000x128xf32, #tpu.memory_space<hbm>> -> memref<48x128xf32, #tpu.memory_space<hbm>>
        %dma_start3A_209 = arith.constant 0 : i32
        %dma_start3A_210 = tpu.memref_slice %arg6[%add3A_206, %dma_start3A_209] : memref<10000x128xf32, #tpu.memory_space<hbm>> -> memref<48x128xf32, #tpu.memory_space<hbm>>
        tpu.enqueue_dma source(%arg11 : memref<48x128xf32, #tpu.memory_space<vmem>>) target(%dma_start3A_210 : memref<48x128xf32, #tpu.memory_space<hbm>>) target_semaphore(%run_scoped3A : memref<!tpu.dma_semaphore, #tpu.memory_space<semaphore_mem>>)
        %dma_wait3A_211 = arith.constant 0 : i32
        %dma_wait3A_212 = tpu.memref_slice %arg6[%add3A_206, %dma_wait3A_211] : memref<10000x128xf32, #tpu.memory_space<hbm>> -> memref<48x128xf32, #tpu.memory_space<hbm>>
        %dma_wait3A_213 = arith.constant 0 : i32
        %dma_wait3A_214 = tpu.memref_slice %arg6[%add3A_206, %dma_wait3A_213] : memref<10000x128xf32, #tpu.memory_space<hbm>> -> memref<48x128xf32, #tpu.memory_space<hbm>>
        tpu.wait_dma2 semaphore(%run_scoped3A : memref<!tpu.dma_semaphore, #tpu.memory_space<semaphore_mem>>) src(%arg11 : memref<48x128xf32, #tpu.memory_space<vmem>>) dst(%dma_wait3A_214 : memref<48x128xf32, #tpu.memory_space<hbm>>)
        tpu.yield
      }) : () -> ()
    } else {
    }
    %add3A_92 = arith.constant 192 : i32
    %add3A_93 = arith.addi %mul3A_2, %add3A_92 : i32
    "tpu.region"() ({
      %run_scoped3A = tpu.sem_alloc : memref<!tpu.dma_semaphore, #tpu.memory_space<semaphore_mem>>
      %dma_start3A_205 = arith.constant 0 : i32
      %dma_start3A_206 = tpu.memref_slice %arg7[%add3A_93, %dma_start3A_205] : memref<10000x128xf32, #tpu.memory_space<vmem_shared>> -> memref<48x128xf32, #tpu.memory_space<vmem_shared>>
      %dma_start3A_207 = arith.constant 0 : i32
      %dma_start3A_208 = tpu.memref_slice %arg7[%add3A_93, %dma_start3A_207] : memref<10000x128xf32, #tpu.memory_space<vmem_shared>> -> memref<48x128xf32, #tpu.memory_space<vmem_shared>>
      tpu.enqueue_dma source(%dma_start3A_208 : memref<48x128xf32, #tpu.memory_space<vmem_shared>>) target(%arg11 : memref<48x128xf32, #tpu.memory_space<vmem>>) target_semaphore(%run_scoped3A : memref<!tpu.dma_semaphore, #tpu.memory_space<semaphore_mem>>)
      %dma_wait3A_209 = arith.constant 0 : i32
      %dma_wait3A_210 = tpu.memref_slice %arg7[%add3A_93, %dma_wait3A_209] : memref<10000x128xf32, #tpu.memory_space<vmem_shared>> -> memref<48x128xf32, #tpu.memory_space<vmem_shared>>
      %dma_wait3A_211 = arith.constant 0 : i32
      %dma_wait3A_212 = tpu.memref_slice %arg7[%add3A_93, %dma_wait3A_211] : memref<10000x128xf32, #tpu.memory_space<vmem_shared>> -> memref<48x128xf32, #tpu.memory_space<vmem_shared>>
      tpu.wait_dma2 semaphore(%run_scoped3A : memref<!tpu.dma_semaphore, #tpu.memory_space<semaphore_mem>>) src(%dma_wait3A_212 : memref<48x128xf32, #tpu.memory_space<vmem_shared>>) dst(%arg11 : memref<48x128xf32, #tpu.memory_space<vmem>>)
      tpu.yield
    }) : () -> ()
    %eq3A_94 = arith.constant 0 : i32
    %eq3A_95 = arith.cmpi eq, %arg0, %eq3A_94 : i32
    %convert_element_type3A_96 = arith.extui %eq3A_95 : i1 to i32
    %cond3A_97 = arith.constant 0 : i32
    %cond3A_98 = arith.cmpi ne, %convert_element_type3A_96, %cond3A_97 : i32
    scf.if %cond3A_98 {
      %add3A_205 = arith.constant 192 : i32
      %add3A_206 = arith.addi %mul3A_2, %add3A_205 : i32
      "tpu.region"() ({
        %run_scoped3A = tpu.sem_alloc : memref<!tpu.dma_semaphore, #tpu.memory_space<semaphore_mem>>
        %dma_start3A_207 = arith.constant 0 : i32
        %dma_start3A_208 = tpu.memref_slice %arg5[%add3A_206, %dma_start3A_207] : memref<10000x128xf32, #tpu.memory_space<hbm>> -> memref<48x128xf32, #tpu.memory_space<hbm>>
        %dma_start3A_209 = arith.constant 0 : i32
        %dma_start3A_210 = tpu.memref_slice %arg5[%add3A_206, %dma_start3A_209] : memref<10000x128xf32, #tpu.memory_space<hbm>> -> memref<48x128xf32, #tpu.memory_space<hbm>>
        tpu.enqueue_dma source(%arg11 : memref<48x128xf32, #tpu.memory_space<vmem>>) target(%dma_start3A_210 : memref<48x128xf32, #tpu.memory_space<hbm>>) target_semaphore(%run_scoped3A : memref<!tpu.dma_semaphore, #tpu.memory_space<semaphore_mem>>)
        %dma_wait3A_211 = arith.constant 0 : i32
        %dma_wait3A_212 = tpu.memref_slice %arg5[%add3A_206, %dma_wait3A_211] : memref<10000x128xf32, #tpu.memory_space<hbm>> -> memref<48x128xf32, #tpu.memory_space<hbm>>
        %dma_wait3A_213 = arith.constant 0 : i32
        %dma_wait3A_214 = tpu.memref_slice %arg5[%add3A_206, %dma_wait3A_213] : memref<10000x128xf32, #tpu.memory_space<hbm>> -> memref<48x128xf32, #tpu.memory_space<hbm>>
        tpu.wait_dma2 semaphore(%run_scoped3A : memref<!tpu.dma_semaphore, #tpu.memory_space<semaphore_mem>>) src(%arg11 : memref<48x128xf32, #tpu.memory_space<vmem>>) dst(%dma_wait3A_214 : memref<48x128xf32, #tpu.memory_space<hbm>>)
        tpu.yield
      }) : () -> ()
    } else {
    }
    %eq3A_99 = arith.constant 1 : i32
    %eq3A_100 = arith.cmpi eq, %arg0, %eq3A_99 : i32
    %convert_element_type3A_101 = arith.extui %eq3A_100 : i1 to i32
    %cond3A_102 = arith.constant 0 : i32
    %cond3A_103 = arith.cmpi ne, %convert_element_type3A_101, %cond3A_102 : i32
    scf.if %cond3A_103 {
      %add3A_205 = arith.constant 192 : i32
      %add3A_206 = arith.addi %mul3A_2, %add3A_205 : i32
      "tpu.region"() ({
        %run_scoped3A = tpu.sem_alloc : memref<!tpu.dma_semaphore, #tpu.memory_space<semaphore_mem>>
        %dma_start3A_207 = arith.constant 0 : i32
        %dma_start3A_208 = tpu.memref_slice %arg6[%add3A_206, %dma_start3A_207] : memref<10000x128xf32, #tpu.memory_space<hbm>> -> memref<48x128xf32, #tpu.memory_space<hbm>>
        %dma_start3A_209 = arith.constant 0 : i32
        %dma_start3A_210 = tpu.memref_slice %arg6[%add3A_206, %dma_start3A_209] : memref<10000x128xf32, #tpu.memory_space<hbm>> -> memref<48x128xf32, #tpu.memory_space<hbm>>
        tpu.enqueue_dma source(%arg11 : memref<48x128xf32, #tpu.memory_space<vmem>>) target(%dma_start3A_210 : memref<48x128xf32, #tpu.memory_space<hbm>>) target_semaphore(%run_scoped3A : memref<!tpu.dma_semaphore, #tpu.memory_space<semaphore_mem>>)
        %dma_wait3A_211 = arith.constant 0 : i32
        %dma_wait3A_212 = tpu.memref_slice %arg6[%add3A_206, %dma_wait3A_211] : memref<10000x128xf32, #tpu.memory_space<hbm>> -> memref<48x128xf32, #tpu.memory_space<hbm>>
        %dma_wait3A_213 = arith.constant 0 : i32
        %dma_wait3A_214 = tpu.memref_slice %arg6[%add3A_206, %dma_wait3A_213] : memref<10000x128xf32, #tpu.memory_space<hbm>> -> memref<48x128xf32, #tpu.memory_space<hbm>>
        tpu.wait_dma2 semaphore(%run_scoped3A : memref<!tpu.dma_semaphore, #tpu.memory_space<semaphore_mem>>) src(%arg11 : memref<48x128xf32, #tpu.memory_space<vmem>>) dst(%dma_wait3A_214 : memref<48x128xf32, #tpu.memory_space<hbm>>)
        tpu.yield
      }) : () -> ()
    } else {
    }
    %add3A_104 = arith.constant 240 : i32
    %add3A_105 = arith.addi %mul3A_2, %add3A_104 : i32
    "tpu.region"() ({
      %run_scoped3A = tpu.sem_alloc : memref<!tpu.dma_semaphore, #tpu.memory_space<semaphore_mem>>
      %dma_start3A_205 = arith.constant 0 : i32
      %dma_start3A_206 = tpu.memref_slice %arg7[%add3A_105, %dma_start3A_205] : memref<10000x128xf32, #tpu.memory_space<vmem_shared>> -> memref<48x128xf32, #tpu.memory_space<vmem_shared>>
      %dma_start3A_207 = arith.constant 0 : i32
      %dma_start3A_208 = tpu.memref_slice %arg7[%add3A_105, %dma_start3A_207] : memref<10000x128xf32, #tpu.memory_space<vmem_shared>> -> memref<48x128xf32, #tpu.memory_space<vmem_shared>>
      tpu.enqueue_dma source(%dma_start3A_208 : memref<48x128xf32, #tpu.memory_space<vmem_shared>>) target(%arg11 : memref<48x128xf32, #tpu.memory_space<vmem>>) target_semaphore(%run_scoped3A : memref<!tpu.dma_semaphore, #tpu.memory_space<semaphore_mem>>)
      %dma_wait3A_209 = arith.constant 0 : i32
      %dma_wait3A_210 = tpu.memref_slice %arg7[%add3A_105, %dma_wait3A_209] : memref<10000x128xf32, #tpu.memory_space<vmem_shared>> -> memref<48x128xf32, #tpu.memory_space<vmem_shared>>
      %dma_wait3A_211 = arith.constant 0 : i32
      %dma_wait3A_212 = tpu.memref_slice %arg7[%add3A_105, %dma_wait3A_211] : memref<10000x128xf32, #tpu.memory_space<vmem_shared>> -> memref<48x128xf32, #tpu.memory_space<vmem_shared>>
      tpu.wait_dma2 semaphore(%run_scoped3A : memref<!tpu.dma_semaphore, #tpu.memory_space<semaphore_mem>>) src(%dma_wait3A_212 : memref<48x128xf32, #tpu.memory_space<vmem_shared>>) dst(%arg11 : memref<48x128xf32, #tpu.memory_space<vmem>>)
      tpu.yield
    }) : () -> ()
    %eq3A_106 = arith.constant 0 : i32
    %eq3A_107 = arith.cmpi eq, %arg0, %eq3A_106 : i32
    %convert_element_type3A_108 = arith.extui %eq3A_107 : i1 to i32
    %cond3A_109 = arith.constant 0 : i32
    %cond3A_110 = arith.cmpi ne, %convert_element_type3A_108, %cond3A_109 : i32
    scf.if %cond3A_110 {
      %add3A_205 = arith.constant 240 : i32
      %add3A_206 = arith.addi %mul3A_2, %add3A_205 : i32
      "tpu.region"() ({
        %run_scoped3A = tpu.sem_alloc : memref<!tpu.dma_semaphore, #tpu.memory_space<semaphore_mem>>
        %dma_start3A_207 = arith.constant 0 : i32
        %dma_start3A_208 = tpu.memref_slice %arg5[%add3A_206, %dma_start3A_207] : memref<10000x128xf32, #tpu.memory_space<hbm>> -> memref<48x128xf32, #tpu.memory_space<hbm>>
        %dma_start3A_209 = arith.constant 0 : i32
        %dma_start3A_210 = tpu.memref_slice %arg5[%add3A_206, %dma_start3A_209] : memref<10000x128xf32, #tpu.memory_space<hbm>> -> memref<48x128xf32, #tpu.memory_space<hbm>>
        tpu.enqueue_dma source(%arg11 : memref<48x128xf32, #tpu.memory_space<vmem>>) target(%dma_start3A_210 : memref<48x128xf32, #tpu.memory_space<hbm>>) target_semaphore(%run_scoped3A : memref<!tpu.dma_semaphore, #tpu.memory_space<semaphore_mem>>)
        %dma_wait3A_211 = arith.constant 0 : i32
        %dma_wait3A_212 = tpu.memref_slice %arg5[%add3A_206, %dma_wait3A_211] : memref<10000x128xf32, #tpu.memory_space<hbm>> -> memref<48x128xf32, #tpu.memory_space<hbm>>
        %dma_wait3A_213 = arith.constant 0 : i32
        %dma_wait3A_214 = tpu.memref_slice %arg5[%add3A_206, %dma_wait3A_213] : memref<10000x128xf32, #tpu.memory_space<hbm>> -> memref<48x128xf32, #tpu.memory_space<hbm>>
        tpu.wait_dma2 semaphore(%run_scoped3A : memref<!tpu.dma_semaphore, #tpu.memory_space<semaphore_mem>>) src(%arg11 : memref<48x128xf32, #tpu.memory_space<vmem>>) dst(%dma_wait3A_214 : memref<48x128xf32, #tpu.memory_space<hbm>>)
        tpu.yield
      }) : () -> ()
    } else {
    }
    %eq3A_111 = arith.constant 1 : i32
    %eq3A_112 = arith.cmpi eq, %arg0, %eq3A_111 : i32
    %convert_element_type3A_113 = arith.extui %eq3A_112 : i1 to i32
    %cond3A_114 = arith.constant 0 : i32
    %cond3A_115 = arith.cmpi ne, %convert_element_type3A_113, %cond3A_114 : i32
    scf.if %cond3A_115 {
      %add3A_205 = arith.constant 240 : i32
      %add3A_206 = arith.addi %mul3A_2, %add3A_205 : i32
      "tpu.region"() ({
        %run_scoped3A = tpu.sem_alloc : memref<!tpu.dma_semaphore, #tpu.memory_space<semaphore_mem>>
        %dma_start3A_207 = arith.constant 0 : i32
        %dma_start3A_208 = tpu.memref_slice %arg6[%add3A_206, %dma_start3A_207] : memref<10000x128xf32, #tpu.memory_space<hbm>> -> memref<48x128xf32, #tpu.memory_space<hbm>>
        %dma_start3A_209 = arith.constant 0 : i32
        %dma_start3A_210 = tpu.memref_slice %arg6[%add3A_206, %dma_start3A_209] : memref<10000x128xf32, #tpu.memory_space<hbm>> -> memref<48x128xf32, #tpu.memory_space<hbm>>
        tpu.enqueue_dma source(%arg11 : memref<48x128xf32, #tpu.memory_space<vmem>>) target(%dma_start3A_210 : memref<48x128xf32, #tpu.memory_space<hbm>>) target_semaphore(%run_scoped3A : memref<!tpu.dma_semaphore, #tpu.memory_space<semaphore_mem>>)
        %dma_wait3A_211 = arith.constant 0 : i32
        %dma_wait3A_212 = tpu.memref_slice %arg6[%add3A_206, %dma_wait3A_211] : memref<10000x128xf32, #tpu.memory_space<hbm>> -> memref<48x128xf32, #tpu.memory_space<hbm>>
        %dma_wait3A_213 = arith.constant 0 : i32
        %dma_wait3A_214 = tpu.memref_slice %arg6[%add3A_206, %dma_wait3A_213] : memref<10000x128xf32, #tpu.memory_space<hbm>> -> memref<48x128xf32, #tpu.memory_space<hbm>>
        tpu.wait_dma2 semaphore(%run_scoped3A : memref<!tpu.dma_semaphore, #tpu.memory_space<semaphore_mem>>) src(%arg11 : memref<48x128xf32, #tpu.memory_space<vmem>>) dst(%dma_wait3A_214 : memref<48x128xf32, #tpu.memory_space<hbm>>)
        tpu.yield
      }) : () -> ()
    } else {
    }
    %add3A_116 = arith.constant 288 : i32
    %add3A_117 = arith.addi %mul3A_2, %add3A_116 : i32
    "tpu.region"() ({
      %run_scoped3A = tpu.sem_alloc : memref<!tpu.dma_semaphore, #tpu.memory_space<semaphore_mem>>
      %dma_start3A_205 = arith.constant 0 : i32
      %dma_start3A_206 = tpu.memref_slice %arg7[%add3A_117, %dma_start3A_205] : memref<10000x128xf32, #tpu.memory_space<vmem_shared>> -> memref<48x128xf32, #tpu.memory_space<vmem_shared>>
      %dma_start3A_207 = arith.constant 0 : i32
      %dma_start3A_208 = tpu.memref_slice %arg7[%add3A_117, %dma_start3A_207] : memref<10000x128xf32, #tpu.memory_space<vmem_shared>> -> memref<48x128xf32, #tpu.memory_space<vmem_shared>>
      tpu.enqueue_dma source(%dma_start3A_208 : memref<48x128xf32, #tpu.memory_space<vmem_shared>>) target(%arg11 : memref<48x128xf32, #tpu.memory_space<vmem>>) target_semaphore(%run_scoped3A : memref<!tpu.dma_semaphore, #tpu.memory_space<semaphore_mem>>)
      %dma_wait3A_209 = arith.constant 0 : i32
      %dma_wait3A_210 = tpu.memref_slice %arg7[%add3A_117, %dma_wait3A_209] : memref<10000x128xf32, #tpu.memory_space<vmem_shared>> -> memref<48x128xf32, #tpu.memory_space<vmem_shared>>
      %dma_wait3A_211 = arith.constant 0 : i32
      %dma_wait3A_212 = tpu.memref_slice %arg7[%add3A_117, %dma_wait3A_211] : memref<10000x128xf32, #tpu.memory_space<vmem_shared>> -> memref<48x128xf32, #tpu.memory_space<vmem_shared>>
      tpu.wait_dma2 semaphore(%run_scoped3A : memref<!tpu.dma_semaphore, #tpu.memory_space<semaphore_mem>>) src(%dma_wait3A_212 : memref<48x128xf32, #tpu.memory_space<vmem_shared>>) dst(%arg11 : memref<48x128xf32, #tpu.memory_space<vmem>>)
      tpu.yield
    }) : () -> ()
    %eq3A_118 = arith.constant 0 : i32
    %eq3A_119 = arith.cmpi eq, %arg0, %eq3A_118 : i32
    %convert_element_type3A_120 = arith.extui %eq3A_119 : i1 to i32
    %cond3A_121 = arith.constant 0 : i32
    %cond3A_122 = arith.cmpi ne, %convert_element_type3A_120, %cond3A_121 : i32
    scf.if %cond3A_122 {
      %add3A_205 = arith.constant 288 : i32
      %add3A_206 = arith.addi %mul3A_2, %add3A_205 : i32
      "tpu.region"() ({
        %run_scoped3A = tpu.sem_alloc : memref<!tpu.dma_semaphore, #tpu.memory_space<semaphore_mem>>
        %dma_start3A_207 = arith.constant 0 : i32
        %dma_start3A_208 = tpu.memref_slice %arg5[%add3A_206, %dma_start3A_207] : memref<10000x128xf32, #tpu.memory_space<hbm>> -> memref<48x128xf32, #tpu.memory_space<hbm>>
        %dma_start3A_209 = arith.constant 0 : i32
        %dma_start3A_210 = tpu.memref_slice %arg5[%add3A_206, %dma_start3A_209] : memref<10000x128xf32, #tpu.memory_space<hbm>> -> memref<48x128xf32, #tpu.memory_space<hbm>>
        tpu.enqueue_dma source(%arg11 : memref<48x128xf32, #tpu.memory_space<vmem>>) target(%dma_start3A_210 : memref<48x128xf32, #tpu.memory_space<hbm>>) target_semaphore(%run_scoped3A : memref<!tpu.dma_semaphore, #tpu.memory_space<semaphore_mem>>)
        %dma_wait3A_211 = arith.constant 0 : i32
        %dma_wait3A_212 = tpu.memref_slice %arg5[%add3A_206, %dma_wait3A_211] : memref<10000x128xf32, #tpu.memory_space<hbm>> -> memref<48x128xf32, #tpu.memory_space<hbm>>
        %dma_wait3A_213 = arith.constant 0 : i32
        %dma_wait3A_214 = tpu.memref_slice %arg5[%add3A_206, %dma_wait3A_213] : memref<10000x128xf32, #tpu.memory_space<hbm>> -> memref<48x128xf32, #tpu.memory_space<hbm>>
        tpu.wait_dma2 semaphore(%run_scoped3A : memref<!tpu.dma_semaphore, #tpu.memory_space<semaphore_mem>>) src(%arg11 : memref<48x128xf32, #tpu.memory_space<vmem>>) dst(%dma_wait3A_214 : memref<48x128xf32, #tpu.memory_space<hbm>>)
        tpu.yield
      }) : () -> ()
    } else {
    }
    %eq3A_123 = arith.constant 1 : i32
    %eq3A_124 = arith.cmpi eq, %arg0, %eq3A_123 : i32
    %convert_element_type3A_125 = arith.extui %eq3A_124 : i1 to i32
    %cond3A_126 = arith.constant 0 : i32
    %cond3A_127 = arith.cmpi ne, %convert_element_type3A_125, %cond3A_126 : i32
    scf.if %cond3A_127 {
      %add3A_205 = arith.constant 288 : i32
      %add3A_206 = arith.addi %mul3A_2, %add3A_205 : i32
      "tpu.region"() ({
        %run_scoped3A = tpu.sem_alloc : memref<!tpu.dma_semaphore, #tpu.memory_space<semaphore_mem>>
        %dma_start3A_207 = arith.constant 0 : i32
        %dma_start3A_208 = tpu.memref_slice %arg6[%add3A_206, %dma_start3A_207] : memref<10000x128xf32, #tpu.memory_space<hbm>> -> memref<48x128xf32, #tpu.memory_space<hbm>>
        %dma_start3A_209 = arith.constant 0 : i32
        %dma_start3A_210 = tpu.memref_slice %arg6[%add3A_206, %dma_start3A_209] : memref<10000x128xf32, #tpu.memory_space<hbm>> -> memref<48x128xf32, #tpu.memory_space<hbm>>
        tpu.enqueue_dma source(%arg11 : memref<48x128xf32, #tpu.memory_space<vmem>>) target(%dma_start3A_210 : memref<48x128xf32, #tpu.memory_space<hbm>>) target_semaphore(%run_scoped3A : memref<!tpu.dma_semaphore, #tpu.memory_space<semaphore_mem>>)
        %dma_wait3A_211 = arith.constant 0 : i32
        %dma_wait3A_212 = tpu.memref_slice %arg6[%add3A_206, %dma_wait3A_211] : memref<10000x128xf32, #tpu.memory_space<hbm>> -> memref<48x128xf32, #tpu.memory_space<hbm>>
        %dma_wait3A_213 = arith.constant 0 : i32
        %dma_wait3A_214 = tpu.memref_slice %arg6[%add3A_206, %dma_wait3A_213] : memref<10000x128xf32, #tpu.memory_space<hbm>> -> memref<48x128xf32, #tpu.memory_space<hbm>>
        tpu.wait_dma2 semaphore(%run_scoped3A : memref<!tpu.dma_semaphore, #tpu.memory_space<semaphore_mem>>) src(%arg11 : memref<48x128xf32, #tpu.memory_space<vmem>>) dst(%dma_wait3A_214 : memref<48x128xf32, #tpu.memory_space<hbm>>)
        tpu.yield
      }) : () -> ()
    } else {
    }
    %add3A_128 = arith.constant 336 : i32
    %add3A_129 = arith.addi %mul3A_2, %add3A_128 : i32
    "tpu.region"() ({
      %run_scoped3A = tpu.sem_alloc : memref<!tpu.dma_semaphore, #tpu.memory_space<semaphore_mem>>
      %dma_start3A_205 = arith.constant 0 : i32
      %dma_start3A_206 = tpu.memref_slice %arg7[%add3A_129, %dma_start3A_205] : memref<10000x128xf32, #tpu.memory_space<vmem_shared>> -> memref<48x128xf32, #tpu.memory_space<vmem_shared>>
      %dma_start3A_207 = arith.constant 0 : i32
      %dma_start3A_208 = tpu.memref_slice %arg7[%add3A_129, %dma_start3A_207] : memref<10000x128xf32, #tpu.memory_space<vmem_shared>> -> memref<48x128xf32, #tpu.memory_space<vmem_shared>>
      tpu.enqueue_dma source(%dma_start3A_208 : memref<48x128xf32, #tpu.memory_space<vmem_shared>>) target(%arg11 : memref<48x128xf32, #tpu.memory_space<vmem>>) target_semaphore(%run_scoped3A : memref<!tpu.dma_semaphore, #tpu.memory_space<semaphore_mem>>)
      %dma_wait3A_209 = arith.constant 0 : i32
      %dma_wait3A_210 = tpu.memref_slice %arg7[%add3A_129, %dma_wait3A_209] : memref<10000x128xf32, #tpu.memory_space<vmem_shared>> -> memref<48x128xf32, #tpu.memory_space<vmem_shared>>
      %dma_wait3A_211 = arith.constant 0 : i32
      %dma_wait3A_212 = tpu.memref_slice %arg7[%add3A_129, %dma_wait3A_211] : memref<10000x128xf32, #tpu.memory_space<vmem_shared>> -> memref<48x128xf32, #tpu.memory_space<vmem_shared>>
      tpu.wait_dma2 semaphore(%run_scoped3A : memref<!tpu.dma_semaphore, #tpu.memory_space<semaphore_mem>>) src(%dma_wait3A_212 : memref<48x128xf32, #tpu.memory_space<vmem_shared>>) dst(%arg11 : memref<48x128xf32, #tpu.memory_space<vmem>>)
      tpu.yield
    }) : () -> ()
    %eq3A_130 = arith.constant 0 : i32
    %eq3A_131 = arith.cmpi eq, %arg0, %eq3A_130 : i32
    %convert_element_type3A_132 = arith.extui %eq3A_131 : i1 to i32
    %cond3A_133 = arith.constant 0 : i32
    %cond3A_134 = arith.cmpi ne, %convert_element_type3A_132, %cond3A_133 : i32
    scf.if %cond3A_134 {
      %add3A_205 = arith.constant 336 : i32
      %add3A_206 = arith.addi %mul3A_2, %add3A_205 : i32
      "tpu.region"() ({
        %run_scoped3A = tpu.sem_alloc : memref<!tpu.dma_semaphore, #tpu.memory_space<semaphore_mem>>
        %dma_start3A_207 = arith.constant 0 : i32
        %dma_start3A_208 = tpu.memref_slice %arg5[%add3A_206, %dma_start3A_207] : memref<10000x128xf32, #tpu.memory_space<hbm>> -> memref<48x128xf32, #tpu.memory_space<hbm>>
        %dma_start3A_209 = arith.constant 0 : i32
        %dma_start3A_210 = tpu.memref_slice %arg5[%add3A_206, %dma_start3A_209] : memref<10000x128xf32, #tpu.memory_space<hbm>> -> memref<48x128xf32, #tpu.memory_space<hbm>>
        tpu.enqueue_dma source(%arg11 : memref<48x128xf32, #tpu.memory_space<vmem>>) target(%dma_start3A_210 : memref<48x128xf32, #tpu.memory_space<hbm>>) target_semaphore(%run_scoped3A : memref<!tpu.dma_semaphore, #tpu.memory_space<semaphore_mem>>)
        %dma_wait3A_211 = arith.constant 0 : i32
        %dma_wait3A_212 = tpu.memref_slice %arg5[%add3A_206, %dma_wait3A_211] : memref<10000x128xf32, #tpu.memory_space<hbm>> -> memref<48x128xf32, #tpu.memory_space<hbm>>
        %dma_wait3A_213 = arith.constant 0 : i32
        %dma_wait3A_214 = tpu.memref_slice %arg5[%add3A_206, %dma_wait3A_213] : memref<10000x128xf32, #tpu.memory_space<hbm>> -> memref<48x128xf32, #tpu.memory_space<hbm>>
        tpu.wait_dma2 semaphore(%run_scoped3A : memref<!tpu.dma_semaphore, #tpu.memory_space<semaphore_mem>>) src(%arg11 : memref<48x128xf32, #tpu.memory_space<vmem>>) dst(%dma_wait3A_214 : memref<48x128xf32, #tpu.memory_space<hbm>>)
        tpu.yield
      }) : () -> ()
    } else {
    }
    %eq3A_135 = arith.constant 1 : i32
    %eq3A_136 = arith.cmpi eq, %arg0, %eq3A_135 : i32
    %convert_element_type3A_137 = arith.extui %eq3A_136 : i1 to i32
    %cond3A_138 = arith.constant 0 : i32
    %cond3A_139 = arith.cmpi ne, %convert_element_type3A_137, %cond3A_138 : i32
    scf.if %cond3A_139 {
      %add3A_205 = arith.constant 336 : i32
      %add3A_206 = arith.addi %mul3A_2, %add3A_205 : i32
      "tpu.region"() ({
        %run_scoped3A = tpu.sem_alloc : memref<!tpu.dma_semaphore, #tpu.memory_space<semaphore_mem>>
        %dma_start3A_207 = arith.constant 0 : i32
        %dma_start3A_208 = tpu.memref_slice %arg6[%add3A_206, %dma_start3A_207] : memref<10000x128xf32, #tpu.memory_space<hbm>> -> memref<48x128xf32, #tpu.memory_space<hbm>>
        %dma_start3A_209 = arith.constant 0 : i32
        %dma_start3A_210 = tpu.memref_slice %arg6[%add3A_206, %dma_start3A_209] : memref<10000x128xf32, #tpu.memory_space<hbm>> -> memref<48x128xf32, #tpu.memory_space<hbm>>
        tpu.enqueue_dma source(%arg11 : memref<48x128xf32, #tpu.memory_space<vmem>>) target(%dma_start3A_210 : memref<48x128xf32, #tpu.memory_space<hbm>>) target_semaphore(%run_scoped3A : memref<!tpu.dma_semaphore, #tpu.memory_space<semaphore_mem>>)
        %dma_wait3A_211 = arith.constant 0 : i32
        %dma_wait3A_212 = tpu.memref_slice %arg6[%add3A_206, %dma_wait3A_211] : memref<10000x128xf32, #tpu.memory_space<hbm>> -> memref<48x128xf32, #tpu.memory_space<hbm>>
        %dma_wait3A_213 = arith.constant 0 : i32
        %dma_wait3A_214 = tpu.memref_slice %arg6[%add3A_206, %dma_wait3A_213] : memref<10000x128xf32, #tpu.memory_space<hbm>> -> memref<48x128xf32, #tpu.memory_space<hbm>>
        tpu.wait_dma2 semaphore(%run_scoped3A : memref<!tpu.dma_semaphore, #tpu.memory_space<semaphore_mem>>) src(%arg11 : memref<48x128xf32, #tpu.memory_space<vmem>>) dst(%dma_wait3A_214 : memref<48x128xf32, #tpu.memory_space<hbm>>)
        tpu.yield
      }) : () -> ()
    } else {
    }
    %add3A_140 = arith.constant 384 : i32
    %add3A_141 = arith.addi %mul3A_2, %add3A_140 : i32
    "tpu.region"() ({
      %run_scoped3A = tpu.sem_alloc : memref<!tpu.dma_semaphore, #tpu.memory_space<semaphore_mem>>
      %dma_start3A_205 = arith.constant 0 : i32
      %dma_start3A_206 = tpu.memref_slice %arg7[%add3A_141, %dma_start3A_205] : memref<10000x128xf32, #tpu.memory_space<vmem_shared>> -> memref<48x128xf32, #tpu.memory_space<vmem_shared>>
      %dma_start3A_207 = arith.constant 0 : i32
      %dma_start3A_208 = tpu.memref_slice %arg7[%add3A_141, %dma_start3A_207] : memref<10000x128xf32, #tpu.memory_space<vmem_shared>> -> memref<48x128xf32, #tpu.memory_space<vmem_shared>>
      tpu.enqueue_dma source(%dma_start3A_208 : memref<48x128xf32, #tpu.memory_space<vmem_shared>>) target(%arg11 : memref<48x128xf32, #tpu.memory_space<vmem>>) target_semaphore(%run_scoped3A : memref<!tpu.dma_semaphore, #tpu.memory_space<semaphore_mem>>)
      %dma_wait3A_209 = arith.constant 0 : i32
      %dma_wait3A_210 = tpu.memref_slice %arg7[%add3A_141, %dma_wait3A_209] : memref<10000x128xf32, #tpu.memory_space<vmem_shared>> -> memref<48x128xf32, #tpu.memory_space<vmem_shared>>
      %dma_wait3A_211 = arith.constant 0 : i32
      %dma_wait3A_212 = tpu.memref_slice %arg7[%add3A_141, %dma_wait3A_211] : memref<10000x128xf32, #tpu.memory_space<vmem_shared>> -> memref<48x128xf32, #tpu.memory_space<vmem_shared>>
      tpu.wait_dma2 semaphore(%run_scoped3A : memref<!tpu.dma_semaphore, #tpu.memory_space<semaphore_mem>>) src(%dma_wait3A_212 : memref<48x128xf32, #tpu.memory_space<vmem_shared>>) dst(%arg11 : memref<48x128xf32, #tpu.memory_space<vmem>>)
      tpu.yield
    }) : () -> ()
    %eq3A_142 = arith.constant 0 : i32
    %eq3A_143 = arith.cmpi eq, %arg0, %eq3A_142 : i32
    %convert_element_type3A_144 = arith.extui %eq3A_143 : i1 to i32
    %cond3A_145 = arith.constant 0 : i32
    %cond3A_146 = arith.cmpi ne, %convert_element_type3A_144, %cond3A_145 : i32
    scf.if %cond3A_146 {
      %add3A_205 = arith.constant 384 : i32
      %add3A_206 = arith.addi %mul3A_2, %add3A_205 : i32
      "tpu.region"() ({
        %run_scoped3A = tpu.sem_alloc : memref<!tpu.dma_semaphore, #tpu.memory_space<semaphore_mem>>
        %dma_start3A_207 = arith.constant 0 : i32
        %dma_start3A_208 = tpu.memref_slice %arg5[%add3A_206, %dma_start3A_207] : memref<10000x128xf32, #tpu.memory_space<hbm>> -> memref<48x128xf32, #tpu.memory_space<hbm>>
        %dma_start3A_209 = arith.constant 0 : i32
        %dma_start3A_210 = tpu.memref_slice %arg5[%add3A_206, %dma_start3A_209] : memref<10000x128xf32, #tpu.memory_space<hbm>> -> memref<48x128xf32, #tpu.memory_space<hbm>>
        tpu.enqueue_dma source(%arg11 : memref<48x128xf32, #tpu.memory_space<vmem>>) target(%dma_start3A_210 : memref<48x128xf32, #tpu.memory_space<hbm>>) target_semaphore(%run_scoped3A : memref<!tpu.dma_semaphore, #tpu.memory_space<semaphore_mem>>)
        %dma_wait3A_211 = arith.constant 0 : i32
        %dma_wait3A_212 = tpu.memref_slice %arg5[%add3A_206, %dma_wait3A_211] : memref<10000x128xf32, #tpu.memory_space<hbm>> -> memref<48x128xf32, #tpu.memory_space<hbm>>
        %dma_wait3A_213 = arith.constant 0 : i32
        %dma_wait3A_214 = tpu.memref_slice %arg5[%add3A_206, %dma_wait3A_213] : memref<10000x128xf32, #tpu.memory_space<hbm>> -> memref<48x128xf32, #tpu.memory_space<hbm>>
        tpu.wait_dma2 semaphore(%run_scoped3A : memref<!tpu.dma_semaphore, #tpu.memory_space<semaphore_mem>>) src(%arg11 : memref<48x128xf32, #tpu.memory_space<vmem>>) dst(%dma_wait3A_214 : memref<48x128xf32, #tpu.memory_space<hbm>>)
        tpu.yield
      }) : () -> ()
    } else {
    }
    %eq3A_147 = arith.constant 1 : i32
    %eq3A_148 = arith.cmpi eq, %arg0, %eq3A_147 : i32
    %convert_element_type3A_149 = arith.extui %eq3A_148 : i1 to i32
    %cond3A_150 = arith.constant 0 : i32
    %cond3A_151 = arith.cmpi ne, %convert_element_type3A_149, %cond3A_150 : i32
    scf.if %cond3A_151 {
      %add3A_205 = arith.constant 384 : i32
      %add3A_206 = arith.addi %mul3A_2, %add3A_205 : i32
      "tpu.region"() ({
        %run_scoped3A = tpu.sem_alloc : memref<!tpu.dma_semaphore, #tpu.memory_space<semaphore_mem>>
        %dma_start3A_207 = arith.constant 0 : i32
        %dma_start3A_208 = tpu.memref_slice %arg6[%add3A_206, %dma_start3A_207] : memref<10000x128xf32, #tpu.memory_space<hbm>> -> memref<48x128xf32, #tpu.memory_space<hbm>>
        %dma_start3A_209 = arith.constant 0 : i32
        %dma_start3A_210 = tpu.memref_slice %arg6[%add3A_206, %dma_start3A_209] : memref<10000x128xf32, #tpu.memory_space<hbm>> -> memref<48x128xf32, #tpu.memory_space<hbm>>
        tpu.enqueue_dma source(%arg11 : memref<48x128xf32, #tpu.memory_space<vmem>>) target(%dma_start3A_210 : memref<48x128xf32, #tpu.memory_space<hbm>>) target_semaphore(%run_scoped3A : memref<!tpu.dma_semaphore, #tpu.memory_space<semaphore_mem>>)
        %dma_wait3A_211 = arith.constant 0 : i32
        %dma_wait3A_212 = tpu.memref_slice %arg6[%add3A_206, %dma_wait3A_211] : memref<10000x128xf32, #tpu.memory_space<hbm>> -> memref<48x128xf32, #tpu.memory_space<hbm>>
        %dma_wait3A_213 = arith.constant 0 : i32
        %dma_wait3A_214 = tpu.memref_slice %arg6[%add3A_206, %dma_wait3A_213] : memref<10000x128xf32, #tpu.memory_space<hbm>> -> memref<48x128xf32, #tpu.memory_space<hbm>>
        tpu.wait_dma2 semaphore(%run_scoped3A : memref<!tpu.dma_semaphore, #tpu.memory_space<semaphore_mem>>) src(%arg11 : memref<48x128xf32, #tpu.memory_space<vmem>>) dst(%dma_wait3A_214 : memref<48x128xf32, #tpu.memory_space<hbm>>)
        tpu.yield
      }) : () -> ()
    } else {
    }
    %add3A_152 = arith.constant 432 : i32
    %add3A_153 = arith.addi %mul3A_2, %add3A_152 : i32
    "tpu.region"() ({
      %run_scoped3A = tpu.sem_alloc : memref<!tpu.dma_semaphore, #tpu.memory_space<semaphore_mem>>
      %dma_start3A_205 = arith.constant 0 : i32
      %dma_start3A_206 = tpu.memref_slice %arg7[%add3A_153, %dma_start3A_205] : memref<10000x128xf32, #tpu.memory_space<vmem_shared>> -> memref<48x128xf32, #tpu.memory_space<vmem_shared>>
      %dma_start3A_207 = arith.constant 0 : i32
      %dma_start3A_208 = tpu.memref_slice %arg7[%add3A_153, %dma_start3A_207] : memref<10000x128xf32, #tpu.memory_space<vmem_shared>> -> memref<48x128xf32, #tpu.memory_space<vmem_shared>>
      tpu.enqueue_dma source(%dma_start3A_208 : memref<48x128xf32, #tpu.memory_space<vmem_shared>>) target(%arg11 : memref<48x128xf32, #tpu.memory_space<vmem>>) target_semaphore(%run_scoped3A : memref<!tpu.dma_semaphore, #tpu.memory_space<semaphore_mem>>)
      %dma_wait3A_209 = arith.constant 0 : i32
      %dma_wait3A_210 = tpu.memref_slice %arg7[%add3A_153, %dma_wait3A_209] : memref<10000x128xf32, #tpu.memory_space<vmem_shared>> -> memref<48x128xf32, #tpu.memory_space<vmem_shared>>
      %dma_wait3A_211 = arith.constant 0 : i32
      %dma_wait3A_212 = tpu.memref_slice %arg7[%add3A_153, %dma_wait3A_211] : memref<10000x128xf32, #tpu.memory_space<vmem_shared>> -> memref<48x128xf32, #tpu.memory_space<vmem_shared>>
      tpu.wait_dma2 semaphore(%run_scoped3A : memref<!tpu.dma_semaphore, #tpu.memory_space<semaphore_mem>>) src(%dma_wait3A_212 : memref<48x128xf32, #tpu.memory_space<vmem_shared>>) dst(%arg11 : memref<48x128xf32, #tpu.memory_space<vmem>>)
      tpu.yield
    }) : () -> ()
    %eq3A_154 = arith.constant 0 : i32
    %eq3A_155 = arith.cmpi eq, %arg0, %eq3A_154 : i32
    %convert_element_type3A_156 = arith.extui %eq3A_155 : i1 to i32
    %cond3A_157 = arith.constant 0 : i32
    %cond3A_158 = arith.cmpi ne, %convert_element_type3A_156, %cond3A_157 : i32
    scf.if %cond3A_158 {
      %add3A_205 = arith.constant 432 : i32
      %add3A_206 = arith.addi %mul3A_2, %add3A_205 : i32
      "tpu.region"() ({
        %run_scoped3A = tpu.sem_alloc : memref<!tpu.dma_semaphore, #tpu.memory_space<semaphore_mem>>
        %dma_start3A_207 = arith.constant 0 : i32
        %dma_start3A_208 = tpu.memref_slice %arg5[%add3A_206, %dma_start3A_207] : memref<10000x128xf32, #tpu.memory_space<hbm>> -> memref<48x128xf32, #tpu.memory_space<hbm>>
        %dma_start3A_209 = arith.constant 0 : i32
        %dma_start3A_210 = tpu.memref_slice %arg5[%add3A_206, %dma_start3A_209] : memref<10000x128xf32, #tpu.memory_space<hbm>> -> memref<48x128xf32, #tpu.memory_space<hbm>>
        tpu.enqueue_dma source(%arg11 : memref<48x128xf32, #tpu.memory_space<vmem>>) target(%dma_start3A_210 : memref<48x128xf32, #tpu.memory_space<hbm>>) target_semaphore(%run_scoped3A : memref<!tpu.dma_semaphore, #tpu.memory_space<semaphore_mem>>)
        %dma_wait3A_211 = arith.constant 0 : i32
        %dma_wait3A_212 = tpu.memref_slice %arg5[%add3A_206, %dma_wait3A_211] : memref<10000x128xf32, #tpu.memory_space<hbm>> -> memref<48x128xf32, #tpu.memory_space<hbm>>
        %dma_wait3A_213 = arith.constant 0 : i32
        %dma_wait3A_214 = tpu.memref_slice %arg5[%add3A_206, %dma_wait3A_213] : memref<10000x128xf32, #tpu.memory_space<hbm>> -> memref<48x128xf32, #tpu.memory_space<hbm>>
        tpu.wait_dma2 semaphore(%run_scoped3A : memref<!tpu.dma_semaphore, #tpu.memory_space<semaphore_mem>>) src(%arg11 : memref<48x128xf32, #tpu.memory_space<vmem>>) dst(%dma_wait3A_214 : memref<48x128xf32, #tpu.memory_space<hbm>>)
        tpu.yield
      }) : () -> ()
    } else {
    }
    %eq3A_159 = arith.constant 1 : i32
    %eq3A_160 = arith.cmpi eq, %arg0, %eq3A_159 : i32
    %convert_element_type3A_161 = arith.extui %eq3A_160 : i1 to i32
    %cond3A_162 = arith.constant 0 : i32
    %cond3A_163 = arith.cmpi ne, %convert_element_type3A_161, %cond3A_162 : i32
    scf.if %cond3A_163 {
      %add3A_205 = arith.constant 432 : i32
      %add3A_206 = arith.addi %mul3A_2, %add3A_205 : i32
      "tpu.region"() ({
        %run_scoped3A = tpu.sem_alloc : memref<!tpu.dma_semaphore, #tpu.memory_space<semaphore_mem>>
        %dma_start3A_207 = arith.constant 0 : i32
        %dma_start3A_208 = tpu.memref_slice %arg6[%add3A_206, %dma_start3A_207] : memref<10000x128xf32, #tpu.memory_space<hbm>> -> memref<48x128xf32, #tpu.memory_space<hbm>>
        %dma_start3A_209 = arith.constant 0 : i32
        %dma_start3A_210 = tpu.memref_slice %arg6[%add3A_206, %dma_start3A_209] : memref<10000x128xf32, #tpu.memory_space<hbm>> -> memref<48x128xf32, #tpu.memory_space<hbm>>
        tpu.enqueue_dma source(%arg11 : memref<48x128xf32, #tpu.memory_space<vmem>>) target(%dma_start3A_210 : memref<48x128xf32, #tpu.memory_space<hbm>>) target_semaphore(%run_scoped3A : memref<!tpu.dma_semaphore, #tpu.memory_space<semaphore_mem>>)
        %dma_wait3A_211 = arith.constant 0 : i32
        %dma_wait3A_212 = tpu.memref_slice %arg6[%add3A_206, %dma_wait3A_211] : memref<10000x128xf32, #tpu.memory_space<hbm>> -> memref<48x128xf32, #tpu.memory_space<hbm>>
        %dma_wait3A_213 = arith.constant 0 : i32
        %dma_wait3A_214 = tpu.memref_slice %arg6[%add3A_206, %dma_wait3A_213] : memref<10000x128xf32, #tpu.memory_space<hbm>> -> memref<48x128xf32, #tpu.memory_space<hbm>>
        tpu.wait_dma2 semaphore(%run_scoped3A : memref<!tpu.dma_semaphore, #tpu.memory_space<semaphore_mem>>) src(%arg11 : memref<48x128xf32, #tpu.memory_space<vmem>>) dst(%dma_wait3A_214 : memref<48x128xf32, #tpu.memory_space<hbm>>)
        tpu.yield
      }) : () -> ()
    } else {
    }
    %add3A_164 = arith.constant 480 : i32
    %add3A_165 = arith.addi %mul3A_2, %add3A_164 : i32
    "tpu.region"() ({
      %run_scoped3A = tpu.sem_alloc : memref<!tpu.dma_semaphore, #tpu.memory_space<semaphore_mem>>
      %dma_start3A_205 = arith.constant 0 : i32
      %dma_start3A_206 = tpu.memref_slice %arg7[%add3A_165, %dma_start3A_205] : memref<10000x128xf32, #tpu.memory_space<vmem_shared>> -> memref<48x128xf32, #tpu.memory_space<vmem_shared>>
      %dma_start3A_207 = arith.constant 0 : i32
      %dma_start3A_208 = tpu.memref_slice %arg7[%add3A_165, %dma_start3A_207] : memref<10000x128xf32, #tpu.memory_space<vmem_shared>> -> memref<48x128xf32, #tpu.memory_space<vmem_shared>>
      tpu.enqueue_dma source(%dma_start3A_208 : memref<48x128xf32, #tpu.memory_space<vmem_shared>>) target(%arg11 : memref<48x128xf32, #tpu.memory_space<vmem>>) target_semaphore(%run_scoped3A : memref<!tpu.dma_semaphore, #tpu.memory_space<semaphore_mem>>)
      %dma_wait3A_209 = arith.constant 0 : i32
      %dma_wait3A_210 = tpu.memref_slice %arg7[%add3A_165, %dma_wait3A_209] : memref<10000x128xf32, #tpu.memory_space<vmem_shared>> -> memref<48x128xf32, #tpu.memory_space<vmem_shared>>
      %dma_wait3A_211 = arith.constant 0 : i32
      %dma_wait3A_212 = tpu.memref_slice %arg7[%add3A_165, %dma_wait3A_211] : memref<10000x128xf32, #tpu.memory_space<vmem_shared>> -> memref<48x128xf32, #tpu.memory_space<vmem_shared>>
      tpu.wait_dma2 semaphore(%run_scoped3A : memref<!tpu.dma_semaphore, #tpu.memory_space<semaphore_mem>>) src(%dma_wait3A_212 : memref<48x128xf32, #tpu.memory_space<vmem_shared>>) dst(%arg11 : memref<48x128xf32, #tpu.memory_space<vmem>>)
      tpu.yield
    }) : () -> ()
    %eq3A_166 = arith.constant 0 : i32
    %eq3A_167 = arith.cmpi eq, %arg0, %eq3A_166 : i32
    %convert_element_type3A_168 = arith.extui %eq3A_167 : i1 to i32
    %cond3A_169 = arith.constant 0 : i32
    %cond3A_170 = arith.cmpi ne, %convert_element_type3A_168, %cond3A_169 : i32
    scf.if %cond3A_170 {
      %add3A_205 = arith.constant 480 : i32
      %add3A_206 = arith.addi %mul3A_2, %add3A_205 : i32
      "tpu.region"() ({
        %run_scoped3A = tpu.sem_alloc : memref<!tpu.dma_semaphore, #tpu.memory_space<semaphore_mem>>
        %dma_start3A_207 = arith.constant 0 : i32
        %dma_start3A_208 = tpu.memref_slice %arg5[%add3A_206, %dma_start3A_207] : memref<10000x128xf32, #tpu.memory_space<hbm>> -> memref<48x128xf32, #tpu.memory_space<hbm>>
        %dma_start3A_209 = arith.constant 0 : i32
        %dma_start3A_210 = tpu.memref_slice %arg5[%add3A_206, %dma_start3A_209] : memref<10000x128xf32, #tpu.memory_space<hbm>> -> memref<48x128xf32, #tpu.memory_space<hbm>>
        tpu.enqueue_dma source(%arg11 : memref<48x128xf32, #tpu.memory_space<vmem>>) target(%dma_start3A_210 : memref<48x128xf32, #tpu.memory_space<hbm>>) target_semaphore(%run_scoped3A : memref<!tpu.dma_semaphore, #tpu.memory_space<semaphore_mem>>)
        %dma_wait3A_211 = arith.constant 0 : i32
        %dma_wait3A_212 = tpu.memref_slice %arg5[%add3A_206, %dma_wait3A_211] : memref<10000x128xf32, #tpu.memory_space<hbm>> -> memref<48x128xf32, #tpu.memory_space<hbm>>
        %dma_wait3A_213 = arith.constant 0 : i32
        %dma_wait3A_214 = tpu.memref_slice %arg5[%add3A_206, %dma_wait3A_213] : memref<10000x128xf32, #tpu.memory_space<hbm>> -> memref<48x128xf32, #tpu.memory_space<hbm>>
        tpu.wait_dma2 semaphore(%run_scoped3A : memref<!tpu.dma_semaphore, #tpu.memory_space<semaphore_mem>>) src(%arg11 : memref<48x128xf32, #tpu.memory_space<vmem>>) dst(%dma_wait3A_214 : memref<48x128xf32, #tpu.memory_space<hbm>>)
        tpu.yield
      }) : () -> ()
    } else {
    }
    %eq3A_171 = arith.constant 1 : i32
    %eq3A_172 = arith.cmpi eq, %arg0, %eq3A_171 : i32
    %convert_element_type3A_173 = arith.extui %eq3A_172 : i1 to i32
    %cond3A_174 = arith.constant 0 : i32
    %cond3A_175 = arith.cmpi ne, %convert_element_type3A_173, %cond3A_174 : i32
    scf.if %cond3A_175 {
      %add3A_205 = arith.constant 480 : i32
      %add3A_206 = arith.addi %mul3A_2, %add3A_205 : i32
      "tpu.region"() ({
        %run_scoped3A = tpu.sem_alloc : memref<!tpu.dma_semaphore, #tpu.memory_space<semaphore_mem>>
        %dma_start3A_207 = arith.constant 0 : i32
        %dma_start3A_208 = tpu.memref_slice %arg6[%add3A_206, %dma_start3A_207] : memref<10000x128xf32, #tpu.memory_space<hbm>> -> memref<48x128xf32, #tpu.memory_space<hbm>>
        %dma_start3A_209 = arith.constant 0 : i32
        %dma_start3A_210 = tpu.memref_slice %arg6[%add3A_206, %dma_start3A_209] : memref<10000x128xf32, #tpu.memory_space<hbm>> -> memref<48x128xf32, #tpu.memory_space<hbm>>
        tpu.enqueue_dma source(%arg11 : memref<48x128xf32, #tpu.memory_space<vmem>>) target(%dma_start3A_210 : memref<48x128xf32, #tpu.memory_space<hbm>>) target_semaphore(%run_scoped3A : memref<!tpu.dma_semaphore, #tpu.memory_space<semaphore_mem>>)
        %dma_wait3A_211 = arith.constant 0 : i32
        %dma_wait3A_212 = tpu.memref_slice %arg6[%add3A_206, %dma_wait3A_211] : memref<10000x128xf32, #tpu.memory_space<hbm>> -> memref<48x128xf32, #tpu.memory_space<hbm>>
        %dma_wait3A_213 = arith.constant 0 : i32
        %dma_wait3A_214 = tpu.memref_slice %arg6[%add3A_206, %dma_wait3A_213] : memref<10000x128xf32, #tpu.memory_space<hbm>> -> memref<48x128xf32, #tpu.memory_space<hbm>>
        tpu.wait_dma2 semaphore(%run_scoped3A : memref<!tpu.dma_semaphore, #tpu.memory_space<semaphore_mem>>) src(%arg11 : memref<48x128xf32, #tpu.memory_space<vmem>>) dst(%dma_wait3A_214 : memref<48x128xf32, #tpu.memory_space<hbm>>)
        tpu.yield
      }) : () -> ()
    } else {
    }
    %add3A_176 = arith.constant 528 : i32
    %add3A_177 = arith.addi %mul3A_2, %add3A_176 : i32
    "tpu.region"() ({
      %run_scoped3A = tpu.sem_alloc : memref<!tpu.dma_semaphore, #tpu.memory_space<semaphore_mem>>
      %dma_start3A_205 = arith.constant 0 : i32
      %dma_start3A_206 = tpu.memref_slice %arg7[%add3A_177, %dma_start3A_205] : memref<10000x128xf32, #tpu.memory_space<vmem_shared>> -> memref<48x128xf32, #tpu.memory_space<vmem_shared>>
      %dma_start3A_207 = arith.constant 0 : i32
      %dma_start3A_208 = tpu.memref_slice %arg7[%add3A_177, %dma_start3A_207] : memref<10000x128xf32, #tpu.memory_space<vmem_shared>> -> memref<48x128xf32, #tpu.memory_space<vmem_shared>>
      tpu.enqueue_dma source(%dma_start3A_208 : memref<48x128xf32, #tpu.memory_space<vmem_shared>>) target(%arg11 : memref<48x128xf32, #tpu.memory_space<vmem>>) target_semaphore(%run_scoped3A : memref<!tpu.dma_semaphore, #tpu.memory_space<semaphore_mem>>)
      %dma_wait3A_209 = arith.constant 0 : i32
      %dma_wait3A_210 = tpu.memref_slice %arg7[%add3A_177, %dma_wait3A_209] : memref<10000x128xf32, #tpu.memory_space<vmem_shared>> -> memref<48x128xf32, #tpu.memory_space<vmem_shared>>
      %dma_wait3A_211 = arith.constant 0 : i32
      %dma_wait3A_212 = tpu.memref_slice %arg7[%add3A_177, %dma_wait3A_211] : memref<10000x128xf32, #tpu.memory_space<vmem_shared>> -> memref<48x128xf32, #tpu.memory_space<vmem_shared>>
      tpu.wait_dma2 semaphore(%run_scoped3A : memref<!tpu.dma_semaphore, #tpu.memory_space<semaphore_mem>>) src(%dma_wait3A_212 : memref<48x128xf32, #tpu.memory_space<vmem_shared>>) dst(%arg11 : memref<48x128xf32, #tpu.memory_space<vmem>>)
      tpu.yield
    }) : () -> ()
    %eq3A_178 = arith.constant 0 : i32
    %eq3A_179 = arith.cmpi eq, %arg0, %eq3A_178 : i32
    %convert_element_type3A_180 = arith.extui %eq3A_179 : i1 to i32
    %cond3A_181 = arith.constant 0 : i32
    %cond3A_182 = arith.cmpi ne, %convert_element_type3A_180, %cond3A_181 : i32
    scf.if %cond3A_182 {
      %add3A_205 = arith.constant 528 : i32
      %add3A_206 = arith.addi %mul3A_2, %add3A_205 : i32
      "tpu.region"() ({
        %run_scoped3A = tpu.sem_alloc : memref<!tpu.dma_semaphore, #tpu.memory_space<semaphore_mem>>
        %dma_start3A_207 = arith.constant 0 : i32
        %dma_start3A_208 = tpu.memref_slice %arg5[%add3A_206, %dma_start3A_207] : memref<10000x128xf32, #tpu.memory_space<hbm>> -> memref<48x128xf32, #tpu.memory_space<hbm>>
        %dma_start3A_209 = arith.constant 0 : i32
        %dma_start3A_210 = tpu.memref_slice %arg5[%add3A_206, %dma_start3A_209] : memref<10000x128xf32, #tpu.memory_space<hbm>> -> memref<48x128xf32, #tpu.memory_space<hbm>>
        tpu.enqueue_dma source(%arg11 : memref<48x128xf32, #tpu.memory_space<vmem>>) target(%dma_start3A_210 : memref<48x128xf32, #tpu.memory_space<hbm>>) target_semaphore(%run_scoped3A : memref<!tpu.dma_semaphore, #tpu.memory_space<semaphore_mem>>)
        %dma_wait3A_211 = arith.constant 0 : i32
        %dma_wait3A_212 = tpu.memref_slice %arg5[%add3A_206, %dma_wait3A_211] : memref<10000x128xf32, #tpu.memory_space<hbm>> -> memref<48x128xf32, #tpu.memory_space<hbm>>
        %dma_wait3A_213 = arith.constant 0 : i32
        %dma_wait3A_214 = tpu.memref_slice %arg5[%add3A_206, %dma_wait3A_213] : memref<10000x128xf32, #tpu.memory_space<hbm>> -> memref<48x128xf32, #tpu.memory_space<hbm>>
        tpu.wait_dma2 semaphore(%run_scoped3A : memref<!tpu.dma_semaphore, #tpu.memory_space<semaphore_mem>>) src(%arg11 : memref<48x128xf32, #tpu.memory_space<vmem>>) dst(%dma_wait3A_214 : memref<48x128xf32, #tpu.memory_space<hbm>>)
        tpu.yield
      }) : () -> ()
    } else {
    }
    %eq3A_183 = arith.constant 1 : i32
    %eq3A_184 = arith.cmpi eq, %arg0, %eq3A_183 : i32
    %convert_element_type3A_185 = arith.extui %eq3A_184 : i1 to i32
    %cond3A_186 = arith.constant 0 : i32
    %cond3A_187 = arith.cmpi ne, %convert_element_type3A_185, %cond3A_186 : i32
    scf.if %cond3A_187 {
      %add3A_205 = arith.constant 528 : i32
      %add3A_206 = arith.addi %mul3A_2, %add3A_205 : i32
      "tpu.region"() ({
        %run_scoped3A = tpu.sem_alloc : memref<!tpu.dma_semaphore, #tpu.memory_space<semaphore_mem>>
        %dma_start3A_207 = arith.constant 0 : i32
        %dma_start3A_208 = tpu.memref_slice %arg6[%add3A_206, %dma_start3A_207] : memref<10000x128xf32, #tpu.memory_space<hbm>> -> memref<48x128xf32, #tpu.memory_space<hbm>>
        %dma_start3A_209 = arith.constant 0 : i32
        %dma_start3A_210 = tpu.memref_slice %arg6[%add3A_206, %dma_start3A_209] : memref<10000x128xf32, #tpu.memory_space<hbm>> -> memref<48x128xf32, #tpu.memory_space<hbm>>
        tpu.enqueue_dma source(%arg11 : memref<48x128xf32, #tpu.memory_space<vmem>>) target(%dma_start3A_210 : memref<48x128xf32, #tpu.memory_space<hbm>>) target_semaphore(%run_scoped3A : memref<!tpu.dma_semaphore, #tpu.memory_space<semaphore_mem>>)
        %dma_wait3A_211 = arith.constant 0 : i32
        %dma_wait3A_212 = tpu.memref_slice %arg6[%add3A_206, %dma_wait3A_211] : memref<10000x128xf32, #tpu.memory_space<hbm>> -> memref<48x128xf32, #tpu.memory_space<hbm>>
        %dma_wait3A_213 = arith.constant 0 : i32
        %dma_wait3A_214 = tpu.memref_slice %arg6[%add3A_206, %dma_wait3A_213] : memref<10000x128xf32, #tpu.memory_space<hbm>> -> memref<48x128xf32, #tpu.memory_space<hbm>>
        tpu.wait_dma2 semaphore(%run_scoped3A : memref<!tpu.dma_semaphore, #tpu.memory_space<semaphore_mem>>) src(%arg11 : memref<48x128xf32, #tpu.memory_space<vmem>>) dst(%dma_wait3A_214 : memref<48x128xf32, #tpu.memory_space<hbm>>)
        tpu.yield
      }) : () -> ()
    } else {
    }
    %add3A_188 = arith.constant 576 : i32
    %add3A_189 = arith.addi %mul3A_2, %add3A_188 : i32
    "tpu.region"() ({
      %run_scoped3A = tpu.sem_alloc : memref<!tpu.dma_semaphore, #tpu.memory_space<semaphore_mem>>
      %dma_start3A_205 = arith.constant 0 : i32
      %dma_start3A_206 = tpu.memref_slice %arg7[%add3A_189, %dma_start3A_205] : memref<10000x128xf32, #tpu.memory_space<vmem_shared>> -> memref<48x128xf32, #tpu.memory_space<vmem_shared>>
      %dma_start3A_207 = arith.constant 0 : i32
      %dma_start3A_208 = tpu.memref_slice %arg7[%add3A_189, %dma_start3A_207] : memref<10000x128xf32, #tpu.memory_space<vmem_shared>> -> memref<48x128xf32, #tpu.memory_space<vmem_shared>>
      tpu.enqueue_dma source(%dma_start3A_208 : memref<48x128xf32, #tpu.memory_space<vmem_shared>>) target(%arg11 : memref<48x128xf32, #tpu.memory_space<vmem>>) target_semaphore(%run_scoped3A : memref<!tpu.dma_semaphore, #tpu.memory_space<semaphore_mem>>)
      %dma_wait3A_209 = arith.constant 0 : i32
      %dma_wait3A_210 = tpu.memref_slice %arg7[%add3A_189, %dma_wait3A_209] : memref<10000x128xf32, #tpu.memory_space<vmem_shared>> -> memref<48x128xf32, #tpu.memory_space<vmem_shared>>
      %dma_wait3A_211 = arith.constant 0 : i32
      %dma_wait3A_212 = tpu.memref_slice %arg7[%add3A_189, %dma_wait3A_211] : memref<10000x128xf32, #tpu.memory_space<vmem_shared>> -> memref<48x128xf32, #tpu.memory_space<vmem_shared>>
      tpu.wait_dma2 semaphore(%run_scoped3A : memref<!tpu.dma_semaphore, #tpu.memory_space<semaphore_mem>>) src(%dma_wait3A_212 : memref<48x128xf32, #tpu.memory_space<vmem_shared>>) dst(%arg11 : memref<48x128xf32, #tpu.memory_space<vmem>>)
      tpu.yield
    }) : () -> ()
    %eq3A_190 = arith.constant 0 : i32
    %eq3A_191 = arith.cmpi eq, %arg0, %eq3A_190 : i32
    %convert_element_type3A_192 = arith.extui %eq3A_191 : i1 to i32
    %cond3A_193 = arith.constant 0 : i32
    %cond3A_194 = arith.cmpi ne, %convert_element_type3A_192, %cond3A_193 : i32
    scf.if %cond3A_194 {
      %add3A_205 = arith.constant 576 : i32
      %add3A_206 = arith.addi %mul3A_2, %add3A_205 : i32
      "tpu.region"() ({
        %run_scoped3A = tpu.sem_alloc : memref<!tpu.dma_semaphore, #tpu.memory_space<semaphore_mem>>
        %dma_start3A_207 = arith.constant 0 : i32
        %dma_start3A_208 = tpu.memref_slice %arg5[%add3A_206, %dma_start3A_207] : memref<10000x128xf32, #tpu.memory_space<hbm>> -> memref<48x128xf32, #tpu.memory_space<hbm>>
        %dma_start3A_209 = arith.constant 0 : i32
        %dma_start3A_210 = tpu.memref_slice %arg5[%add3A_206, %dma_start3A_209] : memref<10000x128xf32, #tpu.memory_space<hbm>> -> memref<48x128xf32, #tpu.memory_space<hbm>>
        tpu.enqueue_dma source(%arg11 : memref<48x128xf32, #tpu.memory_space<vmem>>) target(%dma_start3A_210 : memref<48x128xf32, #tpu.memory_space<hbm>>) target_semaphore(%run_scoped3A : memref<!tpu.dma_semaphore, #tpu.memory_space<semaphore_mem>>)
        %dma_wait3A_211 = arith.constant 0 : i32
        %dma_wait3A_212 = tpu.memref_slice %arg5[%add3A_206, %dma_wait3A_211] : memref<10000x128xf32, #tpu.memory_space<hbm>> -> memref<48x128xf32, #tpu.memory_space<hbm>>
        %dma_wait3A_213 = arith.constant 0 : i32
        %dma_wait3A_214 = tpu.memref_slice %arg5[%add3A_206, %dma_wait3A_213] : memref<10000x128xf32, #tpu.memory_space<hbm>> -> memref<48x128xf32, #tpu.memory_space<hbm>>
        tpu.wait_dma2 semaphore(%run_scoped3A : memref<!tpu.dma_semaphore, #tpu.memory_space<semaphore_mem>>) src(%arg11 : memref<48x128xf32, #tpu.memory_space<vmem>>) dst(%dma_wait3A_214 : memref<48x128xf32, #tpu.memory_space<hbm>>)
        tpu.yield
      }) : () -> ()
    } else {
    }
    %eq3A_195 = arith.constant 1 : i32
    %eq3A_196 = arith.cmpi eq, %arg0, %eq3A_195 : i32
    %convert_element_type3A_197 = arith.extui %eq3A_196 : i1 to i32
    %cond3A_198 = arith.constant 0 : i32
    %cond3A_199 = arith.cmpi ne, %convert_element_type3A_197, %cond3A_198 : i32
    scf.if %cond3A_199 {
      %add3A_205 = arith.constant 576 : i32
      %add3A_206 = arith.addi %mul3A_2, %add3A_205 : i32
      "tpu.region"() ({
        %run_scoped3A = tpu.sem_alloc : memref<!tpu.dma_semaphore, #tpu.memory_space<semaphore_mem>>
        %dma_start3A_207 = arith.constant 0 : i32
        %dma_start3A_208 = tpu.memref_slice %arg6[%add3A_206, %dma_start3A_207] : memref<10000x128xf32, #tpu.memory_space<hbm>> -> memref<48x128xf32, #tpu.memory_space<hbm>>
        %dma_start3A_209 = arith.constant 0 : i32
        %dma_start3A_210 = tpu.memref_slice %arg6[%add3A_206, %dma_start3A_209] : memref<10000x128xf32, #tpu.memory_space<hbm>> -> memref<48x128xf32, #tpu.memory_space<hbm>>
        tpu.enqueue_dma source(%arg11 : memref<48x128xf32, #tpu.memory_space<vmem>>) target(%dma_start3A_210 : memref<48x128xf32, #tpu.memory_space<hbm>>) target_semaphore(%run_scoped3A : memref<!tpu.dma_semaphore, #tpu.memory_space<semaphore_mem>>)
        %dma_wait3A_211 = arith.constant 0 : i32
        %dma_wait3A_212 = tpu.memref_slice %arg6[%add3A_206, %dma_wait3A_211] : memref<10000x128xf32, #tpu.memory_space<hbm>> -> memref<48x128xf32, #tpu.memory_space<hbm>>
        %dma_wait3A_213 = arith.constant 0 : i32
        %dma_wait3A_214 = tpu.memref_slice %arg6[%add3A_206, %dma_wait3A_213] : memref<10000x128xf32, #tpu.memory_space<hbm>> -> memref<48x128xf32, #tpu.memory_space<hbm>>
        tpu.wait_dma2 semaphore(%run_scoped3A : memref<!tpu.dma_semaphore, #tpu.memory_space<semaphore_mem>>) src(%arg11 : memref<48x128xf32, #tpu.memory_space<vmem>>) dst(%dma_wait3A_214 : memref<48x128xf32, #tpu.memory_space<hbm>>)
        tpu.yield
      }) : () -> ()
    } else {
    }
    %eq3A_200 = arith.constant 15 : i32
    %eq3A_201 = arith.cmpi eq, %arg1, %eq3A_200 : i32
    %convert_element_type3A_202 = arith.extui %eq3A_201 : i1 to i32
    %cond3A_203 = arith.constant 0 : i32
    %cond3A_204 = arith.cmpi ne, %convert_element_type3A_202, %cond3A_203 : i32
    scf.if %cond3A_204 {
      "tpu.region"() ({
        %run_scoped3A = tpu.sem_alloc : memref<!tpu.dma_semaphore, #tpu.memory_space<semaphore_mem>>
        %dma_start3A_215 = arith.constant 0 : i32
        %dma_start3A_216 = arith.constant 0 : i32
        %dma_start3A_217 = tpu.memref_slice %arg11[%dma_start3A_215, %dma_start3A_216] : memref<48x128xf32, #tpu.memory_space<vmem>> -> memref<16x128xf32, #tpu.memory_space<vmem>>
        %dma_start3A_218 = arith.constant 9984 : i32
        %dma_start3A_219 = arith.constant 0 : i32
        %dma_start3A_220 = tpu.memref_slice %arg7[%dma_start3A_218, %dma_start3A_219] : memref<10000x128xf32, #tpu.memory_space<vmem_shared>> -> memref<16x128xf32, #tpu.memory_space<vmem_shared>>
        %dma_start3A_221 = arith.constant 0 : i32
        %dma_start3A_222 = arith.constant 0 : i32
        %dma_start3A_223 = tpu.memref_slice %arg11[%dma_start3A_221, %dma_start3A_222] : memref<48x128xf32, #tpu.memory_space<vmem>> -> memref<16x128xf32, #tpu.memory_space<vmem>>
        %dma_start3A_224 = arith.constant 9984 : i32
        %dma_start3A_225 = arith.constant 0 : i32
        %dma_start3A_226 = tpu.memref_slice %arg7[%dma_start3A_224, %dma_start3A_225] : memref<10000x128xf32, #tpu.memory_space<vmem_shared>> -> memref<16x128xf32, #tpu.memory_space<vmem_shared>>
        tpu.enqueue_dma source(%dma_start3A_226 : memref<16x128xf32, #tpu.memory_space<vmem_shared>>) target(%dma_start3A_223 : memref<16x128xf32, #tpu.memory_space<vmem>>) target_semaphore(%run_scoped3A : memref<!tpu.dma_semaphore, #tpu.memory_space<semaphore_mem>>)
        %dma_wait3A_227 = arith.constant 0 : i32
        %dma_wait3A_228 = arith.constant 0 : i32
        %dma_wait3A_229 = tpu.memref_slice %arg11[%dma_wait3A_227, %dma_wait3A_228] : memref<48x128xf32, #tpu.memory_space<vmem>> -> memref<16x128xf32, #tpu.memory_space<vmem>>
        %dma_wait3A_230 = arith.constant 9984 : i32
        %dma_wait3A_231 = arith.constant 0 : i32
        %dma_wait3A_232 = tpu.memref_slice %arg7[%dma_wait3A_230, %dma_wait3A_231] : memref<10000x128xf32, #tpu.memory_space<vmem_shared>> -> memref<16x128xf32, #tpu.memory_space<vmem_shared>>
        %dma_wait3A_233 = arith.constant 0 : i32
        %dma_wait3A_234 = arith.constant 0 : i32
        %dma_wait3A_235 = tpu.memref_slice %arg11[%dma_wait3A_233, %dma_wait3A_234] : memref<48x128xf32, #tpu.memory_space<vmem>> -> memref<16x128xf32, #tpu.memory_space<vmem>>
        %dma_wait3A_236 = arith.constant 9984 : i32
        %dma_wait3A_237 = arith.constant 0 : i32
        %dma_wait3A_238 = tpu.memref_slice %arg7[%dma_wait3A_236, %dma_wait3A_237] : memref<10000x128xf32, #tpu.memory_space<vmem_shared>> -> memref<16x128xf32, #tpu.memory_space<vmem_shared>>
        tpu.wait_dma2 semaphore(%run_scoped3A : memref<!tpu.dma_semaphore, #tpu.memory_space<semaphore_mem>>) src(%dma_wait3A_238 : memref<16x128xf32, #tpu.memory_space<vmem_shared>>) dst(%dma_wait3A_235 : memref<16x128xf32, #tpu.memory_space<vmem>>)
        tpu.yield
      }) : () -> ()
      %eq3A_205 = arith.constant 0 : i32
      %eq3A_206 = arith.cmpi eq, %arg0, %eq3A_205 : i32
      %convert_element_type3A_207 = arith.extui %eq3A_206 : i1 to i32
      %cond3A_208 = arith.constant 0 : i32
      %cond3A_209 = arith.cmpi ne, %convert_element_type3A_207, %cond3A_208 : i32
      scf.if %cond3A_209 {
        "tpu.region"() ({
          %run_scoped3A = tpu.sem_alloc : memref<!tpu.dma_semaphore, #tpu.memory_space<semaphore_mem>>
          %dma_start3A_215 = arith.constant 0 : i32
          %dma_start3A_216 = arith.constant 0 : i32
          %dma_start3A_217 = tpu.memref_slice %arg11[%dma_start3A_215, %dma_start3A_216] : memref<48x128xf32, #tpu.memory_space<vmem>> -> memref<16x128xf32, #tpu.memory_space<vmem>>
          %dma_start3A_218 = arith.constant 9984 : i32
          %dma_start3A_219 = arith.constant 0 : i32
          %dma_start3A_220 = tpu.memref_slice %arg5[%dma_start3A_218, %dma_start3A_219] : memref<10000x128xf32, #tpu.memory_space<hbm>> -> memref<16x128xf32, #tpu.memory_space<hbm>>
          %dma_start3A_221 = arith.constant 9984 : i32
          %dma_start3A_222 = arith.constant 0 : i32
          %dma_start3A_223 = tpu.memref_slice %arg5[%dma_start3A_221, %dma_start3A_222] : memref<10000x128xf32, #tpu.memory_space<hbm>> -> memref<16x128xf32, #tpu.memory_space<hbm>>
          %dma_start3A_224 = arith.constant 0 : i32
          %dma_start3A_225 = arith.constant 0 : i32
          %dma_start3A_226 = tpu.memref_slice %arg11[%dma_start3A_224, %dma_start3A_225] : memref<48x128xf32, #tpu.memory_space<vmem>> -> memref<16x128xf32, #tpu.memory_space<vmem>>
          tpu.enqueue_dma source(%dma_start3A_226 : memref<16x128xf32, #tpu.memory_space<vmem>>) target(%dma_start3A_223 : memref<16x128xf32, #tpu.memory_space<hbm>>) target_semaphore(%run_scoped3A : memref<!tpu.dma_semaphore, #tpu.memory_space<semaphore_mem>>)
          %dma_wait3A_227 = arith.constant 0 : i32
          %dma_wait3A_228 = arith.constant 0 : i32
          %dma_wait3A_229 = tpu.memref_slice %arg11[%dma_wait3A_227, %dma_wait3A_228] : memref<48x128xf32, #tpu.memory_space<vmem>> -> memref<16x128xf32, #tpu.memory_space<vmem>>
          %dma_wait3A_230 = arith.constant 9984 : i32
          %dma_wait3A_231 = arith.constant 0 : i32
          %dma_wait3A_232 = tpu.memref_slice %arg5[%dma_wait3A_230, %dma_wait3A_231] : memref<10000x128xf32, #tpu.memory_space<hbm>> -> memref<16x128xf32, #tpu.memory_space<hbm>>
          %dma_wait3A_233 = arith.constant 9984 : i32
          %dma_wait3A_234 = arith.constant 0 : i32
          %dma_wait3A_235 = tpu.memref_slice %arg5[%dma_wait3A_233, %dma_wait3A_234] : memref<10000x128xf32, #tpu.memory_space<hbm>> -> memref<16x128xf32, #tpu.memory_space<hbm>>
          %dma_wait3A_236 = arith.constant 0 : i32
          %dma_wait3A_237 = arith.constant 0 : i32
          %dma_wait3A_238 = tpu.memref_slice %arg11[%dma_wait3A_236, %dma_wait3A_237] : memref<48x128xf32, #tpu.memory_space<vmem>> -> memref<16x128xf32, #tpu.memory_space<vmem>>
          tpu.wait_dma2 semaphore(%run_scoped3A : memref<!tpu.dma_semaphore, #tpu.memory_space<semaphore_mem>>) src(%dma_wait3A_238 : memref<16x128xf32, #tpu.memory_space<vmem>>) dst(%dma_wait3A_235 : memref<16x128xf32, #tpu.memory_space<hbm>>)
          tpu.yield
        }) : () -> ()
      } else {
      }
      %eq3A_210 = arith.constant 1 : i32
      %eq3A_211 = arith.cmpi eq, %arg0, %eq3A_210 : i32
      %convert_element_type3A_212 = arith.extui %eq3A_211 : i1 to i32
      %cond3A_213 = arith.constant 0 : i32
      %cond3A_214 = arith.cmpi ne, %convert_element_type3A_212, %cond3A_213 : i32
      scf.if %cond3A_214 {
        "tpu.region"() ({
          %run_scoped3A = tpu.sem_alloc : memref<!tpu.dma_semaphore, #tpu.memory_space<semaphore_mem>>
          %dma_start3A_215 = arith.constant 0 : i32
          %dma_start3A_216 = arith.constant 0 : i32
          %dma_start3A_217 = tpu.memref_slice %arg11[%dma_start3A_215, %dma_start3A_216] : memref<48x128xf32, #tpu.memory_space<vmem>> -> memref<16x128xf32, #tpu.memory_space<vmem>>
          %dma_start3A_218 = arith.constant 9984 : i32
          %dma_start3A_219 = arith.constant 0 : i32
          %dma_start3A_220 = tpu.memref_slice %arg6[%dma_start3A_218, %dma_start3A_219] : memref<10000x128xf32, #tpu.memory_space<hbm>> -> memref<16x128xf32, #tpu.memory_space<hbm>>
          %dma_start3A_221 = arith.constant 9984 : i32
          %dma_start3A_222 = arith.constant 0 : i32
          %dma_start3A_223 = tpu.memref_slice %arg6[%dma_start3A_221, %dma_start3A_222] : memref<10000x128xf32, #tpu.memory_space<hbm>> -> memref<16x128xf32, #tpu.memory_space<hbm>>
          %dma_start3A_224 = arith.constant 0 : i32
          %dma_start3A_225 = arith.constant 0 : i32
          %dma_start3A_226 = tpu.memref_slice %arg11[%dma_start3A_224, %dma_start3A_225] : memref<48x128xf32, #tpu.memory_space<vmem>> -> memref<16x128xf32, #tpu.memory_space<vmem>>
          tpu.enqueue_dma source(%dma_start3A_226 : memref<16x128xf32, #tpu.memory_space<vmem>>) target(%dma_start3A_223 : memref<16x128xf32, #tpu.memory_space<hbm>>) target_semaphore(%run_scoped3A : memref<!tpu.dma_semaphore, #tpu.memory_space<semaphore_mem>>)
          %dma_wait3A_227 = arith.constant 0 : i32
          %dma_wait3A_228 = arith.constant 0 : i32
          %dma_wait3A_229 = tpu.memref_slice %arg11[%dma_wait3A_227, %dma_wait3A_228] : memref<48x128xf32, #tpu.memory_space<vmem>> -> memref<16x128xf32, #tpu.memory_space<vmem>>
          %dma_wait3A_230 = arith.constant 9984 : i32
          %dma_wait3A_231 = arith.constant 0 : i32
          %dma_wait3A_232 = tpu.memref_slice %arg6[%dma_wait3A_230, %dma_wait3A_231] : memref<10000x128xf32, #tpu.memory_space<hbm>> -> memref<16x128xf32, #tpu.memory_space<hbm>>
          %dma_wait3A_233 = arith.constant 9984 : i32
          %dma_wait3A_234 = arith.constant 0 : i32
          %dma_wait3A_235 = tpu.memref_slice %arg6[%dma_wait3A_233, %dma_wait3A_234] : memref<10000x128xf32, #tpu.memory_space<hbm>> -> memref<16x128xf32, #tpu.memory_space<hbm>>
          %dma_wait3A_236 = arith.constant 0 : i32
          %dma_wait3A_237 = arith.constant 0 : i32
          %dma_wait3A_238 = tpu.memref_slice %arg11[%dma_wait3A_236, %dma_wait3A_237] : memref<48x128xf32, #tpu.memory_space<vmem>> -> memref<16x128xf32, #tpu.memory_space<vmem>>
          tpu.wait_dma2 semaphore(%run_scoped3A : memref<!tpu.dma_semaphore, #tpu.memory_space<semaphore_mem>>) src(%dma_wait3A_238 : memref<16x128xf32, #tpu.memory_space<vmem>>) dst(%dma_wait3A_235 : memref<16x128xf32, #tpu.memory_space<hbm>>)
          tpu.yield
        }) : () -> ()
      } else {
      }
    } else {
    }
    return
  }
}

module attributes {stable_mosaic.version = 14 : i64} {
  func.func @_proj_body(%arg0: i32, %arg1: memref<1000x256xf32, #tpu.memory_space<vmem>>, %arg2: memref<256x1536xf32, #tpu.memory_space<vmem>>, %arg3: memref<1000x512xf32, #tpu.memory_space<vmem>>, %arg4: memref<1000x512xf32, #tpu.memory_space<vmem>>, %arg5: memref<1000x512xf32, #tpu.memory_space<vmem>>) attributes {dimension_semantics = [#tpu.dimension_semantics<arbitrary>], iteration_bounds = array<i64: 10>, scalar_prefetch = 0 : i64, scratch_operands = 0 : i64, tpu.core_type = #tpu.core_type<tc>, window_params = [{transform_indices = @transform_0, window_bounds = array<i64: 1000, 256>}, {pipeline_mode = #tpu.pipeline_mode<synchronous>, transform_indices = @transform_1, window_bounds = array<i64: 256, 1536>}, {transform_indices = @transform_2, window_bounds = array<i64: 1000, 512>}, {transform_indices = @transform_3, window_bounds = array<i64: 1000, 512>}, {transform_indices = @transform_4, window_bounds = array<i64: 1000, 512>}]} {
    %get3A = arith.constant 0 : index
    %get3A_0 = arith.constant 0 : index
    %get3A_1 = vector.load %arg1[%get3A, %get3A_0] : memref<1000x256xf32, #tpu.memory_space<vmem>>, vector<1000x256xf32>
    %get3A_2 = arith.constant 0 : index
    %get3A_3 = arith.constant 0 : index
    %get3A_4 = vector.load %arg2[%get3A_2, %get3A_3] : memref<256x1536xf32, #tpu.memory_space<vmem>>, vector<256x1536xf32>
    %dot_general3A = arith.constant dense<0.000000e+00> : vector<1000x1536xf32>
    %dot_general3A_5 = tpu.matmul %get3A_1, %get3A_4, %dot_general3A {dimension_numbers = #tpu.dot_dimension_numbers<[1], [0], [0], [1], [0, 0, 1, 1], [], []>, transpose_lhs_hint = false} : vector<1000x256xf32>, vector<256x1536xf32>, vector<1000x1536xf32> -> vector<1000x1536xf32>
    %slice3A = vector.extract_strided_slice %dot_general3A_5 {offsets = [0, 0], sizes = [1000, 512], strides = [1, 1]} : vector<1000x1536xf32> to vector<1000x512xf32>
    %swap3A = arith.constant 0 : index
    %swap3A_6 = arith.constant 0 : index
    %swap3A_7 = vector.load %arg3[%swap3A, %swap3A_6] : memref<1000x512xf32, #tpu.memory_space<vmem>>, vector<1000x512xf32>
    tpu.vector_store %arg3[%swap3A, %swap3A_6], %slice3A {strides = array<i32>} : memref<1000x512xf32, #tpu.memory_space<vmem>>, vector<1000x512xf32>,
    %slice3A_8 = vector.extract_strided_slice %dot_general3A_5 {offsets = [0, 512], sizes = [1000, 512], strides = [1, 1]} : vector<1000x1536xf32> to vector<1000x512xf32>
    %swap3A_9 = arith.constant 0 : index
    %swap3A_10 = arith.constant 0 : index
    %swap3A_11 = vector.load %arg4[%swap3A_9, %swap3A_10] : memref<1000x512xf32, #tpu.memory_space<vmem>>, vector<1000x512xf32>
    tpu.vector_store %arg4[%swap3A_9, %swap3A_10], %slice3A_8 {strides = array<i32>} : memref<1000x512xf32, #tpu.memory_space<vmem>>, vector<1000x512xf32>,
    %slice3A_12 = vector.extract_strided_slice %dot_general3A_5 {offsets = [0, 1024], sizes = [1000, 512], strides = [1, 1]} : vector<1000x1536xf32> to vector<1000x512xf32>
    %swap3A_13 = arith.constant 0 : index
    %swap3A_14 = arith.constant 0 : index
    %swap3A_15 = vector.load %arg5[%swap3A_13, %swap3A_14] : memref<1000x512xf32, #tpu.memory_space<vmem>>, vector<1000x512xf32>
    tpu.vector_store %arg5[%swap3A_13, %swap3A_14], %slice3A_12 {strides = array<i32>} : memref<1000x512xf32, #tpu.memory_space<vmem>>, vector<1000x512xf32>,
    return
  }
  func.func @transform_0(%arg0: i32) -> (i32, i32) {
    %c0_i32 = arith.constant 0 : i32
    %c0_i32_0 = arith.constant 0 : i32
    return %arg0, %c0_i32 : i32, i32
  }
  func.func @transform_1(%arg0: i32) -> (i32, i32) {
    %c0_i32 = arith.constant 0 : i32
    %c0_i32_0 = arith.constant 0 : i32
    %c0_i32_1 = arith.constant 0 : i32
    return %c0_i32, %c0_i32_0 : i32, i32
  }
  func.func @transform_2(%arg0: i32) -> (i32, i32) {
    %c0_i32 = arith.constant 0 : i32
    %c0_i32_0 = arith.constant 0 : i32
    return %arg0, %c0_i32 : i32, i32
  }
  func.func @transform_3(%arg0: i32) -> (i32, i32) {
    %c0_i32 = arith.constant 0 : i32
    %c0_i32_0 = arith.constant 0 : i32
    return %arg0, %c0_i32 : i32, i32
  }
  func.func @transform_4(%arg0: i32) -> (i32, i32) {
    %c0_i32 = arith.constant 0 : i32
    %c0_i32_0 = arith.constant 0 : i32
    return %arg0, %c0_i32 : i32, i32
  }
}

module attributes {stable_mosaic.version = 14 : i64} {
  func.func @_edge_body(%arg0: i32, %arg1: memref<640x512xf32, #tpu.memory_space<vmem>>, %arg2: memref<640x512xf32, #tpu.memory_space<vmem>>, %arg3: memref<640x16xf32, #tpu.memory_space<vmem>>, %arg4: memref<16x512xf32, #tpu.memory_space<vmem>>, %arg5: memref<1x512xf32, #tpu.memory_space<vmem>>, %arg6: memref<512x256xf32, #tpu.memory_space<vmem>>, %arg7: memref<1x256xf32, #tpu.memory_space<vmem>>, %arg8: memref<640x256xf32, #tpu.memory_space<vmem>>) attributes {dimension_semantics = [#tpu.dimension_semantics<arbitrary>], iteration_bounds = array<i64: 250>, scalar_prefetch = 0 : i64, scratch_operands = 0 : i64, tpu.core_type = #tpu.core_type<tc>, window_params = [{transform_indices = @transform_0, window_bounds = array<i64: 640, 512>}, {transform_indices = @transform_1, window_bounds = array<i64: 640, 512>}, {transform_indices = @transform_2, window_bounds = array<i64: 640, 16>}, {pipeline_mode = #tpu.pipeline_mode<synchronous>, transform_indices = @transform_3, window_bounds = array<i64: 16, 512>}, {pipeline_mode = #tpu.pipeline_mode<synchronous>, transform_indices = @transform_4, window_bounds = array<i64: 1, 512>}, {pipeline_mode = #tpu.pipeline_mode<synchronous>, transform_indices = @transform_5, window_bounds = array<i64: 512, 256>}, {pipeline_mode = #tpu.pipeline_mode<synchronous>, transform_indices = @transform_6, window_bounds = array<i64: 1, 256>}, {transform_indices = @transform_7, window_bounds = array<i64: 640, 256>}]} {
    %get3A = arith.constant 0 : index
    %get3A_0 = arith.constant 0 : index
    %get3A_1 = vector.load %arg1[%get3A, %get3A_0] : memref<640x512xf32, #tpu.memory_space<vmem>>, vector<640x512xf32>
    %get3A_2 = arith.constant 0 : index
    %get3A_3 = arith.constant 0 : index
    %get3A_4 = vector.load %arg2[%get3A_2, %get3A_3] : memref<640x512xf32, #tpu.memory_space<vmem>>, vector<640x512xf32>
    %add3A = arith.addf %get3A_1, %get3A_4 : vector<640x512xf32>
    %get3A_5 = arith.constant 0 : index
    %get3A_6 = arith.constant 0 : index
    %get3A_7 = vector.load %arg3[%get3A_5, %get3A_6] : memref<640x16xf32, #tpu.memory_space<vmem>>, vector<640x16xf32>
    %get3A_8 = arith.constant 0 : index
    %get3A_9 = arith.constant 0 : index
    %get3A_10 = vector.load %arg4[%get3A_8, %get3A_9] : memref<16x512xf32, #tpu.memory_space<vmem>>, vector<16x512xf32>
    %dot_general3A = arith.constant dense<0.000000e+00> : vector<640x512xf32>
    %dot_general3A_11 = tpu.matmul %get3A_7, %get3A_10, %dot_general3A {dimension_numbers = #tpu.dot_dimension_numbers<[1], [0], [0], [1], [0, 0, 1, 1], [], []>, transpose_lhs_hint = false} : vector<640x16xf32>, vector<16x512xf32>, vector<640x512xf32> -> vector<640x512xf32>
    %add3A_12 = arith.addf %add3A, %dot_general3A_11 : vector<640x512xf32>
    %get3A_13 = arith.constant 0 : index
    %get3A_14 = arith.constant 0 : index
    %get3A_15 = vector.load %arg5[%get3A_13, %get3A_14] : memref<1x512xf32, #tpu.memory_space<vmem>>, vector<1x512xf32>
    %add3A_16 = vector.broadcast %get3A_15 : vector<1x512xf32> to vector<640x512xf32>
    %add3A_17 = arith.addf %add3A_12, %add3A_16 : vector<640x512xf32>
    %max3A = arith.constant 0.000000e+00 : f32
    %max3A_18 = vector.broadcast %max3A : f32 to vector<640x512xf32>
    %max3A_19 = arith.maximumf %add3A_17, %max3A_18 : vector<640x512xf32>
    %convert_element_type3A = arith.truncf %max3A_19 : vector<640x512xf32> to vector<640x512xbf16>
    %get3A_20 = arith.constant 0 : index
    %get3A_21 = arith.constant 0 : index
    %get3A_22 = vector.load %arg6[%get3A_20, %get3A_21] : memref<512x256xf32, #tpu.memory_space<vmem>>, vector<512x256xf32>
    %convert_element_type3A_23 = arith.truncf %get3A_22 : vector<512x256xf32> to vector<512x256xbf16>
    %dot_general3A_24 = arith.constant dense<0.000000e+00> : vector<640x256xf32>
    %dot_general3A_25 = tpu.matmul %convert_element_type3A, %convert_element_type3A_23, %dot_general3A_24 {dimension_numbers = #tpu.dot_dimension_numbers<[1], [0], [0], [1], [0, 0, 1, 1], [], []>, transpose_lhs_hint = false} : vector<640x512xbf16>, vector<512x256xbf16>, vector<640x256xf32> -> vector<640x256xf32>
    %get3A_26 = arith.constant 0 : index
    %get3A_27 = arith.constant 0 : index
    %get3A_28 = vector.load %arg7[%get3A_26, %get3A_27] : memref<1x256xf32, #tpu.memory_space<vmem>>, vector<1x256xf32>
    %add3A_29 = vector.broadcast %get3A_28 : vector<1x256xf32> to vector<640x256xf32>
    %add3A_30 = arith.addf %dot_general3A_25, %add3A_29 : vector<640x256xf32>
    %swap3A = arith.constant 0 : index
    %swap3A_31 = arith.constant 0 : index
    %swap3A_32 = vector.load %arg8[%swap3A, %swap3A_31] : memref<640x256xf32, #tpu.memory_space<vmem>>, vector<640x256xf32>
    tpu.vector_store %arg8[%swap3A, %swap3A_31], %add3A_30 {strides = array<i32>} : memref<640x256xf32, #tpu.memory_space<vmem>>, vector<640x256xf32>,
    return
  }
  func.func @transform_0(%arg0: i32) -> (i32, i32) {
    %c0_i32 = arith.constant 0 : i32
    %c0_i32_0 = arith.constant 0 : i32
    return %arg0, %c0_i32 : i32, i32
  }
  func.func @transform_1(%arg0: i32) -> (i32, i32) {
    %c0_i32 = arith.constant 0 : i32
    %c0_i32_0 = arith.constant 0 : i32
    return %arg0, %c0_i32 : i32, i32
  }
  func.func @transform_2(%arg0: i32) -> (i32, i32) {
    %c0_i32 = arith.constant 0 : i32
    %c0_i32_0 = arith.constant 0 : i32
    return %arg0, %c0_i32 : i32, i32
  }
  func.func @transform_3(%arg0: i32) -> (i32, i32) {
    %c0_i32 = arith.constant 0 : i32
    %c0_i32_0 = arith.constant 0 : i32
    %c0_i32_1 = arith.constant 0 : i32
    return %c0_i32, %c0_i32_0 : i32, i32
  }
  func.func @transform_4(%arg0: i32) -> (i32, i32) {
    %c0_i32 = arith.constant 0 : i32
    %c0_i32_0 = arith.constant 0 : i32
    %c0_i32_1 = arith.constant 0 : i32
    return %c0_i32, %c0_i32_0 : i32, i32
  }
  func.func @transform_5(%arg0: i32) -> (i32, i32) {
    %c0_i32 = arith.constant 0 : i32
    %c0_i32_0 = arith.constant 0 : i32
    %c0_i32_1 = arith.constant 0 : i32
    return %c0_i32, %c0_i32_0 : i32, i32
  }
  func.func @transform_6(%arg0: i32) -> (i32, i32) {
    %c0_i32 = arith.constant 0 : i32
    %c0_i32_0 = arith.constant 0 : i32
    %c0_i32_1 = arith.constant 0 : i32
    return %c0_i32, %c0_i32_0 : i32, i32
  }
  func.func @transform_7(%arg0: i32) -> (i32, i32) {
    %c0_i32 = arith.constant 0 : i32
    %c0_i32_0 = arith.constant 0 : i32
    return %arg0, %c0_i32 : i32, i32
  }
}

module attributes {stable_mosaic.version = 14 : i64} {
  func.func @_node_body(%arg0: i32, %arg1: memref<1000x512xf32, #tpu.memory_space<vmem>>, %arg2: memref<1000x256xf32, #tpu.memory_space<vmem>>, %arg3: memref<1000x128xf32, #tpu.memory_space<vmem>>, %arg4: memref<1000x128xf32, #tpu.memory_space<vmem>>, %arg5: memref<256x512xf32, #tpu.memory_space<vmem>>, %arg6: memref<1x512xf32, #tpu.memory_space<vmem>>, %arg7: memref<512x256xf32, #tpu.memory_space<vmem>>, %arg8: memref<1x256xf32, #tpu.memory_space<vmem>>, %arg9: memref<1000x256xf32, #tpu.memory_space<vmem>>) attributes {dimension_semantics = [#tpu.dimension_semantics<arbitrary>], iteration_bounds = array<i64: 10>, scalar_prefetch = 0 : i64, scratch_operands = 0 : i64, tpu.core_type = #tpu.core_type<tc>, window_params = [{transform_indices = @transform_0, window_bounds = array<i64: 1000, 512>}, {transform_indices = @transform_1, window_bounds = array<i64: 1000, 256>}, {transform_indices = @transform_2, window_bounds = array<i64: 1000, 128>}, {transform_indices = @transform_3, window_bounds = array<i64: 1000, 128>}, {pipeline_mode = #tpu.pipeline_mode<synchronous>, transform_indices = @transform_4, window_bounds = array<i64: 256, 512>}, {pipeline_mode = #tpu.pipeline_mode<synchronous>, transform_indices = @transform_5, window_bounds = array<i64: 1, 512>}, {pipeline_mode = #tpu.pipeline_mode<synchronous>, transform_indices = @transform_6, window_bounds = array<i64: 512, 256>}, {pipeline_mode = #tpu.pipeline_mode<synchronous>, transform_indices = @transform_7, window_bounds = array<i64: 1, 256>}, {transform_indices = @transform_8, window_bounds = array<i64: 1000, 256>}]} {
    %get3A = arith.constant 0 : index
    %get3A_0 = arith.constant 0 : index
    %get3A_1 = vector.load %arg3[%get3A, %get3A_0] : memref<1000x128xf32, #tpu.memory_space<vmem>>, vector<1000x1xf32>
    %get3A_2 = arith.constant 0 : index
    %get3A_3 = arith.constant 0 : index
    %get3A_4 = vector.load %arg4[%get3A_2, %get3A_3] : memref<1000x128xf32, #tpu.memory_space<vmem>>, vector<1000x1xf32>
    %add3A = arith.addf %get3A_1, %get3A_4 : vector<1000x1xf32>
    %max3A = arith.constant 1.000000e+00 : f32
    %max3A_5 = vector.broadcast %max3A : f32 to vector<1000x1xf32>
    %max3A_6 = arith.maximumf %add3A, %max3A_5 : vector<1000x1xf32>
    %get3A_7 = arith.constant 0 : index
    %get3A_8 = arith.constant 0 : index
    %get3A_9 = vector.load %arg2[%get3A_7, %get3A_8] : memref<1000x256xf32, #tpu.memory_space<vmem>>, vector<1000x256xf32>
    %div3A = vector.broadcast %max3A_6 : vector<1000x1xf32> to vector<1000x256xf32>
    %div3A_10 = arith.divf %get3A_9, %div3A : vector<1000x256xf32>
    %get3A_11 = arith.constant 0 : index
    %get3A_12 = arith.constant 0 : index
    %get3A_13 = vector.load %arg1[%get3A_11, %get3A_12] : memref<1000x512xf32, #tpu.memory_space<vmem>>, vector<1000x512xf32>
    %get3A_14 = arith.constant 0 : index
    %get3A_15 = arith.constant 0 : index
    %get3A_16 = vector.load %arg5[%get3A_14, %get3A_15] : memref<256x512xf32, #tpu.memory_space<vmem>>, vector<256x512xf32>
    %dot_general3A = arith.constant dense<0.000000e+00> : vector<1000x512xf32>
    %dot_general3A_17 = tpu.matmul %div3A_10, %get3A_16, %dot_general3A {dimension_numbers = #tpu.dot_dimension_numbers<[1], [0], [0], [1], [0, 0, 1, 1], [], []>, transpose_lhs_hint = false} : vector<1000x256xf32>, vector<256x512xf32>, vector<1000x512xf32> -> vector<1000x512xf32>
    %add3A_18 = arith.addf %get3A_13, %dot_general3A_17 : vector<1000x512xf32>
    %get3A_19 = arith.constant 0 : index
    %get3A_20 = arith.constant 0 : index
    %get3A_21 = vector.load %arg6[%get3A_19, %get3A_20] : memref<1x512xf32, #tpu.memory_space<vmem>>, vector<1x512xf32>
    %add3A_22 = vector.broadcast %get3A_21 : vector<1x512xf32> to vector<1000x512xf32>
    %add3A_23 = arith.addf %add3A_18, %add3A_22 : vector<1000x512xf32>
    %max3A_24 = arith.constant 0.000000e+00 : f32
    %max3A_25 = vector.broadcast %max3A_24 : f32 to vector<1000x512xf32>
    %max3A_26 = arith.maximumf %add3A_23, %max3A_25 : vector<1000x512xf32>
    %get3A_27 = arith.constant 0 : index
    %get3A_28 = arith.constant 0 : index
    %get3A_29 = vector.load %arg7[%get3A_27, %get3A_28] : memref<512x256xf32, #tpu.memory_space<vmem>>, vector<512x256xf32>
    %dot_general3A_30 = arith.constant dense<0.000000e+00> : vector<1000x256xf32>
    %dot_general3A_31 = tpu.matmul %max3A_26, %get3A_29, %dot_general3A_30 {dimension_numbers = #tpu.dot_dimension_numbers<[1], [0], [0], [1], [0, 0, 1, 1], [], []>, transpose_lhs_hint = false} : vector<1000x512xf32>, vector<512x256xf32>, vector<1000x256xf32> -> vector<1000x256xf32>
    %get3A_32 = arith.constant 0 : index
    %get3A_33 = arith.constant 0 : index
    %get3A_34 = vector.load %arg8[%get3A_32, %get3A_33] : memref<1x256xf32, #tpu.memory_space<vmem>>, vector<1x256xf32>
    %add3A_35 = vector.broadcast %get3A_34 : vector<1x256xf32> to vector<1000x256xf32>
    %add3A_36 = arith.addf %dot_general3A_31, %add3A_35 : vector<1000x256xf32>
    %swap3A = arith.constant 0 : index
    %swap3A_37 = arith.constant 0 : index
    %swap3A_38 = vector.load %arg9[%swap3A, %swap3A_37] : memref<1000x256xf32, #tpu.memory_space<vmem>>, vector<1000x256xf32>
    tpu.vector_store %arg9[%swap3A, %swap3A_37], %add3A_36 {strides = array<i32>} : memref<1000x256xf32, #tpu.memory_space<vmem>>, vector<1000x256xf32>,
    return
  }
  func.func @transform_0(%arg0: i32) -> (i32, i32) {
    %c0_i32 = arith.constant 0 : i32
    %c0_i32_0 = arith.constant 0 : i32
    return %arg0, %c0_i32 : i32, i32
  }
  func.func @transform_1(%arg0: i32) -> (i32, i32) {
    %c0_i32 = arith.constant 0 : i32
    %c0_i32_0 = arith.constant 0 : i32
    return %arg0, %c0_i32 : i32, i32
  }
  func.func @transform_2(%arg0: i32) -> (i32, i32) {
    %c0_i32 = arith.constant 0 : i32
    %c0_i32_0 = arith.constant 0 : i32
    return %arg0, %c0_i32 : i32, i32
  }
  func.func @transform_3(%arg0: i32) -> (i32, i32) {
    %c0_i32 = arith.constant 0 : i32
    %c0_i32_0 = arith.constant 0 : i32
    return %arg0, %c0_i32 : i32, i32
  }
  func.func @transform_4(%arg0: i32) -> (i32, i32) {
    %c0_i32 = arith.constant 0 : i32
    %c0_i32_0 = arith.constant 0 : i32
    %c0_i32_1 = arith.constant 0 : i32
    return %c0_i32, %c0_i32_0 : i32, i32
  }
  func.func @transform_5(%arg0: i32) -> (i32, i32) {
    %c0_i32 = arith.constant 0 : i32
    %c0_i32_0 = arith.constant 0 : i32
    %c0_i32_1 = arith.constant 0 : i32
    return %c0_i32, %c0_i32_0 : i32, i32
  }
  func.func @transform_6(%arg0: i32) -> (i32, i32) {
    %c0_i32 = arith.constant 0 : i32
    %c0_i32_0 = arith.constant 0 : i32
    %c0_i32_1 = arith.constant 0 : i32
    return %c0_i32, %c0_i32_0 : i32, i32
  }
  func.func @transform_7(%arg0: i32) -> (i32, i32) {
    %c0_i32 = arith.constant 0 : i32
    %c0_i32_0 = arith.constant 0 : i32
    %c0_i32_1 = arith.constant 0 : i32
    return %c0_i32, %c0_i32_0 : i32, i32
  }
  func.func @transform_8(%arg0: i32) -> (i32, i32) {
    %c0_i32 = arith.constant 0 : i32
    %c0_i32_0 = arith.constant 0 : i32
    return %arg0, %c0_i32 : i32, i32
  }
}

</mosaic_0001>

<sc_bundles>
// kernel: kernel.11.cloned.1.call-start
scs
__scs_entry_jumppad:
0x0: {  	(pc) =	sbr.rel $0x88, $3  }
0x1: {  	(tag) =	ssettag $0x0;
	lr =	simm.s32 $0x1  }
0x2: {  	[smem:$0x3F96] =	sst lr;
	_ =	strace $0xD0000000  }
0x3: {  	_ = 	snop  }
0x4: {  	_ = 	snop  }
0x5: {  	_ = 	snop  }
0x6: {  	_ = 	snop  }
0x7: {  	_ = 	snop  }
__scs_overlays_trampoline_lowered:
0x8: {  	[smem:$0x3FA5] =	sst s0  }
0x9: {  	[smem:$0x3FA6] =	sst s1  }
0xa: {  	[smem:$0x3FA7] =	sst s2  }
0xb: {  	[smem:$0x3FA8] =	sst s3  }
0xc: {  	[smem:$0x3FA9] =	sst s4  }
0xd: {  	[smem:$0x3FAA] =	sst s5  }
0xe: {  	[smem:$0x3FAB] =	sst s6  }
0xf: {  	[smem:$0x3FAC] =	sst s7  }
0x10: {  	[smem:$0x3FAD] =	sst s8  }
0x11: {  	[smem:$0x3FAE] =	sst s9;
	s0 =	simm.s32 @!p0 $0x0  }
0x12: {  	s1 =	sld [smem:$0x3F94];
	s0 =	simm.s32 @p0 $0x1  }
0x13: {  	[smem:$0x3FAF] =	sst s0;
	s0 =	simm.s32 @!p1 $0x0  }
0x14: {  	s2 =	sld [smem:$0x3F93];
	s0 =	simm.s32 @p1 $0x1  }
0x15: {  	[smem:$0x3FB0] =	sst s0;
	s0 =	simm.s32 @!p2 $0x0  }
0x16: {  	s3 =	sld [smem:$0x3FDB];
	s0 =	simm.s32 @p2 $0x1  }
0x17: {  	s4 =	simm.s32 $0x1BF5;
	[smem:$0x3FB2] =	sst s0  }
0x18: {  	s0 =	sld [smem:$0x3F95];
	_ =	swait.ge [sflag:s4], $0x0  }
0x19: {  	s7 =	sld [smem:$0x3F96]  }
0x1a: {  	s8 =	sadd.s32 $0xFFFFE003, lr  }
0x1b: {  	s9 =	sadd.s32 $0xFFFFFEF7, lr;
	s5 =	simm.s32 $0xFFFFFFFF;
	p2 =	slt.u32 s8, $0xFFFFF086  }
0x1c: {  	p1 =	slt.u32 s9, $0xF7A;
	s5 =	simm.s32 @!p2 $0x0  }
0x1d: {  	s5 =	simm.s32 @p1 $0x1;
	p0 =	seq.s32 s7, s2  }
0x1e: {  	s7 =	smul.u32 @!p0 $0xF7A, s2;
	p2 =	seq.s32 @!p0 s5, $0x0  }
0x1f: {  	s9 =	smul.u32 $0xF7A, s1;
	s8 =	simm.s32 @!p0 $0x1BF5;
	p2 =	por !p2, p0  }
0x20: {  	[sflag:s8] =	ssyncset.s32 @!p0 $0xFFFFF086;
	s6 =	sadd.s32 @!p0 s3, s7;
	s7 =	simm.s32 @!p0 $0x108  }
0x21: {  	s3 =	sadd.s32 s3, s9;
	s6 =	sadd.s32 @!p0 $0x88, s6;
	s7 =	simm.s32 @p2 $0x1082  }
0x22: {  	[simem:s7], [sflag:s8] =	dma.local @!p0 [hbm:s6], $0xF7A  }
0x23: {  	s9 =	sor.u32 $0xD0000000, s2;
	s6 =	simm.s32 $0x108;
	_ =	swait.ge @!p0 [sflag:s8], $0x0  }
0x24: {  	s3 =	sadd.s32 $0x88, s3;
	s6 =	simm.s32 @!p1 $0x1082;
	[sflag:s4] =	ssyncset.s32 $0xFFFFF086  }
0x25: {  	[simem:s6], [sflag:s4] =	dma.local [hbm:s3], $0xF7A  }
0x26: {  	[smem:$0x3F96] =	sst s1;
	(tag) =	ssettag s2;
	_ =	strace s9  }
0x27: {  	s1 =	sld [smem:$0x3FA6]  }
0x28: {  	s2 =	sld [smem:$0x3FA7]  }
0x29: {  	s4 =	sld [smem:$0x3FA9]  }
0x2a: {  	p0 =	seq.s32 s5, $0x0;
	s5 =	sld [smem:$0x3FAA]  }
0x2b: {  	s6 =	sld [smem:$0x3FAB]  }
0x2c: {  	s7 =	sld [smem:$0x3FAC]  }
0x2d: {  	s3 =	simm.s32 $0x108;
	s8 =	sld [smem:$0x3FAD]  }
0x2e: {  	s3 =	simm.s32 @!p0 $0x1082;
	s9 =	sld [smem:$0x3FAE]  }
0x2f: {  	lr =	sadd.s32 s0, s3;
	s0 =	sld [smem:$0x3FA5]  }
0x30: {  	s3 =	sld [smem:$0x3FA8]  }
0x31: {  	[smem:$0x3FB1] =	sst s10  }
0x32: {  	s10 =	sld [smem:$0x3FAF];
	_ =	sdelay $0x3  }
0x33: {  	p0 =	seq.s32 s10, $0x1;
	s10 =	sld [smem:$0x3FB1];
	_ =	sdelay $0x3  }
0x34: {  	[smem:$0x3FB1] =	sst s10  }
0x35: {  	s10 =	sld [smem:$0x3FB0];
	_ =	sdelay $0x3  }
0x36: {  	p1 =	seq.s32 s10, $0x1;
	s10 =	sld [smem:$0x3FB1];
	_ =	sdelay $0x3  }
0x37: {  	[smem:$0x3FB1] =	sst s10  }
0x38: {  	s10 =	sld [smem:$0x3FB2]  }
0x39: {  	_ = 	snop;
	(pc) =	sbr.ind lr, $3  }
0x3a: {  	_ = 	snop  }
0x3b: {  	_ = 	snop  }
0x3c: {  	p2 =	seq.s32 s10, $0x1;
	s10 =	sld [smem:$0x3FB1]  }
0x3d: {  	_ =	shalt  }
0x3e: {  	_ =	shalt  }
0x3f: {  	_ =	shalt  }
0x40: {  	_ =	shalt  }
0x41: {  	_ =	shalt  }
0x42: {  	_ =	shalt  }
0x43: {  	_ =	shalt  }
0x44: {  	_ =	shalt  }
0x45: {  	_ =	shalt  }
0x46: {  	_ =	shalt  }
0x47: {  	_ =	shalt  }
0x48: {  	_ =	shalt  }
0x49: {  	_ =	shalt  }
0x4a: {  	_ =	shalt  }
0x4b: {  	_ =	shalt  }
0x4c: {  	_ =	shalt  }
0x4d: {  	_ =	shalt  }
0x4e: {  	_ =	shalt  }
0x4f: {  	_ =	shalt  }
0x50: {  	_ =	shalt  }
0x51: {  	_ =	shalt  }
0x52: {  	_ =	shalt  }
0x53: {  	_ =	shalt  }
0x54: {  	_ =	shalt  }
0x55: {  	_ =	shalt  }
0x56: {  	_ =	shalt  }
0x57: {  	_ =	shalt  }
0x58: {  	_ =	shalt  }
0x59: {  	_ =	shalt  }
0x5a: {  	_ =	shalt  }
0x5b: {  	_ =	shalt  }
0x5c: {  	_ =	shalt  }
0x5d: {  	_ =	shalt  }
0x5e: {  	_ =	shalt  }
0x5f: {  	_ =	shalt  }
0x60: {  	_ =	shalt  }
0x61: {  	_ =	shalt  }
0x62: {  	_ =	shalt  }
0x63: {  	_ =	shalt  }
0x64: {  	_ =	shalt  }
0x65: {  	_ =	shalt  }
0x66: {  	_ =	shalt  }
0x67: {  	_ =	shalt  }
0x68: {  	_ =	shalt  }
0x69: {  	_ =	shalt  }
0x6a: {  	_ =	shalt  }
0x6b: {  	_ =	shalt  }
0x6c: {  	_ =	shalt  }
0x6d: {  	_ =	shalt  }
0x6e: {  	_ =	shalt  }
0x6f: {  	_ =	shalt  }
0x70: {  	_ =	shalt  }
0x71: {  	_ =	shalt  }
0x72: {  	_ =	shalt  }
0x73: {  	_ =	shalt  }
0x74: {  	_ =	shalt  }
0x75: {  	_ =	shalt  }
0x76: {  	_ =	shalt  }
0x77: {  	_ =	shalt  }
0x78: {  	_ =	shalt  }
0x79: {  	_ =	shalt  }
0x7a: {  	_ =	shalt  }
0x7b: {  	_ =	shalt  }
0x7c: {  	_ =	shalt  }
0x7d: {  	_ =	shalt  }
0x7e: {  	_ =	shalt  }
0x7f: {  	_ =	shalt  }
0x80: {  	_ =	shalt  }
0x81: {  	_ =	shalt  }
0x82: {  	_ =	shalt  }
0x83: {  	_ =	shalt  }
0x84: {  	_ =	shalt  }
0x85: {  	_ =	shalt  }
0x86: {  	_ =	shalt  }
0x87: {  	_ =	shalt  }
.Lfunc_end0:
.L_simem_size_0:
called_computation.1_lowered:
.L_overlay_start_0:
0x88: {  	s2 =	sld [smem:$0x3FD9]  }
0x89: {  	s3 =	sld [smem:$0x3FFE];
	_ =	sdelay $0x1  }
0x8a: {  	s1 =	srdreg.scid  }
0x8b: {  	s0 =	sand.u32 $0x1, s1  }
0x8c: {  	s15 =	sshll.u32 s0, $0xA;
	s2 =	sadd.s32 s3, s2  }
0x8d: {  	s2 =	sadd.s32 s2, s15  }
0x8e: {  	[smem:$0x3FBD] =	sst s2  }
0x8f: {  	_ = 	snop  }
0x90: {  	s2 =	sld [smem:$0x3FD0];
	_ =	sdelay $0x2  }
0x91: {  	s4 =	simm.s32 $0xB;
	s16 =	simm.s32 $0x10  }
0x92: {  	[smem:s16], [sflag:s4] =	dma.local [hbm:s2], $0x1  }
0x93: {  	_ =	swait.eq [sflag:s4], $0x1  }
0x94: {  	[sflag:s4] =	ssyncset.done $0x0  }
0x95: {  	s17 =	sld [smem:$0x10];
	[sflag:s4] =	ssyncadd.s32 $0xFFFFFFFF  }
0x96: {  	s18 =	sld [smem:$0x11];
	(tm) =	ssettm $0x1  }
0x97: {  	s19 =	sld [smem:$0x3FFB];
	_ =	sdelay $0x3  }
0x98: {  	_ =	strace s19  }
0x99: {  	s2 =	sld [smem:$0x3FFC];
	_ =	sdelay $0x3  }
0x9a: {  	_ =	strace s2  }
0x9b: {  	s2 =	sld [smem:$0x3FFD];
	_ =	sdelay $0x3  }
0x9c: {  	_ =	strace s2  }
0x9d: {  	_ =	strace $0x8FFFFFFF  }
0x9e: {  	s20 =	sld [smem:$0x3FDB];
	_ =	sdelay $0x1  }
0x9f: {  	s5 =	simm.s32 $_scs_section_size  }
0xa0: {  	s6 =	simm.s32 $_size__tile_overlayer_lowered;
	s7 =	simm.s32 $_tile_overlayer_lowered  }
0xa1: {  	s8 =	simm.s32 $0x1BFF;
	s21 =	sshll.u32 s7, $0x1;
	s5 =	sadd.s32 s5, s20  }
0xa2: {  	s22 =	simm.s32 $0x0;
	s6 =	sshll.u32 s6, $0x1;
	s7 =	sadd.s32 s21, s5  }
0xa3: {  	[timem:s22], [sflag:s8] =	dma.local [hbm:s7], s6  }
0xa4: {  	_ =	swait.ge [sflag:s8], s6  }
0xa5: {  	s6 =	ssub.s32 $0x0, s6;
	[sflag:s8] =	ssyncset.done $0x0  }
0xa6: {  	[sflag:s8] =	ssyncadd.s32 s6;
	_ =	sdelay $0x1  }
0xa7: {  	s23 =	simm.s32 $0x1B8B  }
0xa8: {  	_ =	swait.ge [sflag:s23], $0x1  }
0xa9: {  	[sflag:s23] =	ssyncset.done $0x0  }
0xaa: {  	[sflag:s23] =	ssyncadd.s32 $0xFFFFFFFF  }
0xab: {  	s6 =	sld [smem:$0x0]  }
0xac: {  	s7 =	sand.u32 $0xFFFFFFFE, s1  }
0xad: {  	p0 =	sne.s32 s1, s7  }
0xae: {  	s7 =	sshll.u32 @p0 s7, $0xE  }
0xaf: {  	s7 =	sadd.s32 @p0 $0x11B8D, s7;
	s8 =	sshll.u32 @p0 s6, $0x11  }
0xb0: {  	s7 =	sor.u32 @p0 s8, s7  }
0xb1: {  	[sflag:s7] =	ssyncadd.remote.s32 @p0 $0x1;
	_ =	sdelay $0x1  }
0xb2: {  	s7 =	simm.s32 @p0 $0x1B8D  }
0xb3: {  	_ =	swait.eq @p0 [sflag:s7], $0x1  }
0xb4: {  	[sflag:s7] =	ssyncadd.s32 @p0 $0xFFFFFFFF  }
0xb5: {  	s8 =	sshll.u32 @!p0 s1, $0xE  }
0xb6: {  	s8 =	sor.u32 @!p0 $0x4000, s8;
	s7 =	simm.s32 @!p0 $0x1B8D  }
0xb7: {  	s6 =	sshll.u32 @!p0 s6, $0x11;
	s8 =	sadd.s32 @!p0 $0x11B8D, s8;
	_ =	swait.eq @!p0 [sflag:s7], $0x1  }
0xb8: {  	s6 =	sor.u32 @!p0 s6, s8;
	[sflag:s7] =	ssyncadd.s32 @!p0 $0xFFFFFFFF  }
0xb9: {  	s25 =	simm.s32 $0x1B8E;
	s24 =	sld [smem:$0x3FFE];
	[sflag:s6] =	ssyncadd.remote.s32 @!p0 $0x1  }
0xba: {  	s26 =	simm.s32 $execute0_lowered;
	[smem:$0x3FD2] =	sst s25  }
0xbb: {  	s7 =	sshll.u32 s26, $0x1;
	_ =	strace $0x8000004C;
	[dreg:$0x1] =	wrdreg $0xFFFFFFFF  }
0xbc: {  	s28 =	simm.s32 $_size_execute0_lowered;
	s5 =	sadd.s32 s5, s7;
	[dreg:$0x0] =	wrdreg $0x0  }
0xbd: {  	s7 =	sshll.u32 s28, $0x1;
	[dreg:$0x2] =	wrdreg s5  }
0xbe: {  	[dreg:$0x3] =	wrdreg s7  }
0xbf: {  	[dreg:$0x4] =	wrdreg $0xC0  }
0xc0: {  	_ =	task [dreg:s22], $0x5FFFF  }
0xc1: {  	[dreg:$0x1] =	wrdreg $0xFFFFFFFF  }
0xc2: {  	[dreg:$0x0] =	wrdreg $0x60  }
0xc3: {  	[dreg:$0x2] =	wrdreg s18  }
0xc4: {  	[dreg:$0x3] =	wrdreg s24  }
0xc5: {  	[dreg:$0x4] =	wrdreg s17  }
0xc6: {  	[dreg:$0x5] =	wrdreg $0x0  }
0xc7: {  	[dreg:$0x6] =	wrdreg $0xA  }
0xc8: {  	_ =	task.clear_ibuf [dreg:s22], $0x7FFFF;
	_ =	strace $0x9000004C  }
0xc9: {  	s29 =	simm.s32 $0xA;
	_ =	strace $0x8000004E  }
0xca: {  	_ =	swait.ge [sflag:s29], $0x1  }
0xcb: {  	[sflag:s29] =	ssyncadd.s32 $0xFFFFFFFF  }
0xcc: {  	_ =	strace $0x9000004E  }
0xcd: {  	_ =	sfence  }
0xce: {  	s30 =	sld [smem:$0x0];
	_ =	sdelay $0x2  }
0xcf: {  	s31 =	sshll.u32 s1, $0xD;
	s1 =	sshrl.u32 s1, $0x2  }
0xd0: {  	s4 =	sand.u32 $0x4000, s31;
	s1 =	sadd.s32 s1, s30  }
0xd1: {  	s0 =	sor.u32 s4, s0;
	s1 =	sshll.u32 s1, $0x11  }
0xd2: {  	s0 =	sor.u32 s1, s0  }
0xd3: {  	s0 =	sadd.s32 $0x8F2B, s0  }
0xd4: {  	[sflag:s0] =	ssyncadd.remote.s32 $0x1  }
0xd5: {  	_ =	sfence.sel $0xFFFF  }
0xd6: {  	[dreg:$0x0] =	wrdreg $0xFFFFFFFF;
	(pc) =	sbr.abs _section_cstart, $3  }
0xd7: {  	[dreg:$0x1] =	wrdreg $0xFFFFFFFF  }
0xd8: {  	_ =	task.clear_ibuf [dreg:s22], $0x2FFFF;
	_ =	strace $0x9FFFFFFF  }
0xd9: {  	(tm) =	ssettm $0x7FFFFFFF  }
tec
execute0_lowered:
.L_overlay_start_1:
0x0: {  	(tag) =	ssettag $0x1  }
0x1: {  	s6 =	stileid.u32  }
0x2: {  	s3 =	smul.u32 $0x270, s6  }
0x3: {  	s0 =	srdreg.scid;
	s1 =	simm.s32 $0x0;
	s16 =	smul.u32 $0x271000, s6  }
0x4: {  	s14 =	sand.u32 $0x1, s0;
	[smem:$0x7FF] =	sst s1;
	s18 =	smul.u32 $0x27000, s6  }
0x5: {  	p0 =	sne.s32 s6, $0xF;
	s0 =	ssub.s32 $0x2, s14;
	s17 =	sshll.u32 s14, $0xA  }
0x6: {  	s2 =	sshrl.u32 s0, $0x1;
	s15 =	sadd.s32 $0x30, s3;
	s13 =	sadd.s32 $0x60, s3  }
0x7: {  	s11 =	sadd.s32 $0x90, s3;
	s12 =	sadd.s32 $0xC0, s3;
	s10 =	sadd.s32 $0xF0, s3  }
0x8: {  	s9 =	sadd.s32 $0x150, s3;
	s5 =	sadd.s32 $0x180, s3;
	s31 =	sadd.s32 $0x1B0, s3  }
0x9: {  	s7 =	sadd.s32 $0x210, s3;
	s4 =	sadd.s32 $0x240, s3;
	s0 =	ssub.s32 s0, s2  }
0xa: {  	s2 =	sadd.s32 $0x1E0, s3;
	s8 =	sshll.u32 s15, $0x8;
	s19 =	sshll.u32 s13, $0x8  }
0xb: {  	s20 =	sshll.u32 s11, $0x8;
	s21 =	sshll.u32 s12, $0x8;
	s22 =	sshll.u32 s10, $0x8  }
0xc: {  	s24 =	sshll.u32 s9, $0x8;
	s25 =	sshll.u32 s5, $0x8;
	s26 =	sshll.u32 s31, $0x8  }
0xd: {  	s29 =	sshll.u32 s7, $0x8;
	s30 =	sshll.u32 s4, $0x8;
	s13 =	sshll.u32 s13, $0x7  }
0xe: {  	s11 =	sshll.u32 s11, $0x7;
	s12 =	sshll.u32 s12, $0x7;
	s10 =	sshll.u32 s10, $0x7  }
0xf: {  	s9 =	sshll.u32 s9, $0x7;
	[smem:$0x7F9] =	sst s0;
	s0 =	sadd.s32 $0x120, s3  }
0x10: {  	s3 =	sor.u32 s17, s16;
	s16 =	sor.u32 s17, s18;
	s18 =	sor.u32 s17, s8  }
0x11: {  	s19 =	sor.u32 s17, s19;
	s20 =	sor.u32 s17, s20;
	s21 =	sor.u32 s17, s21  }
0x12: {  	s22 =	sor.u32 s17, s22;
	s24 =	sor.u32 s17, s24;
	s25 =	sor.u32 s17, s25  }
0x13: {  	s26 =	sor.u32 s17, s26;
	s28 =	sshll.u32 s2, $0x8;
	s29 =	sor.u32 s17, s29  }
0x14: {  	s23 =	sshll.u32 s0, $0x8;
	s28 =	sor.u32 s17, s28;
	s16 =	sshrl.u32 s16, $0x3  }
0x15: {  	s23 =	sor.u32 s17, s23;
	s17 =	sor.u32 s17, s30;
	s30 =	rddreg [dreg:$0x2]  }
0x16: {  	s5 =	sshll.u32 s5, $0x7;
	s19 =	sshrl.u32 s19, $0x3;
	s16 =	sadd.s32 s30, s16  }
0x17: {  	s18 =	sshrl.u32 s18, $0x3;
	s8 =	sadd.s32 s30, s19;
	[dreg:$0x5] =	wrdreg s16  }
0x18: {  	s0 =	sshll.u32 s0, $0x7;
	s16 =	sadd.s32 s30, s18;
	[dreg:$0x7] =	wrdreg s8  }
0x19: {  	s18 =	sshrl.u32 s20, $0x3;
	s20 =	sshrl.u32 s22, $0x3;
	s22 =	sshrl.u32 s23, $0x3  }
0x1a: {  	s23 =	sshrl.u32 s24, $0x3;
	s24 =	sshrl.u32 s25, $0x3;
	[dreg:$0x6] =	wrdreg s16  }
0x1b: {  	s16 =	sadd.s32 s30, s18;
	s25 =	sadd.s32 s30, s24;
	s24 =	rddreg [dreg:$0x1]  }
0x1c: {  	s19 =	sshrl.u32 s21, $0x3;
	s21 =	sadd.s32 s30, s20;
	[dreg:$0x8] =	wrdreg s16  }
0x1d: {  	s8 =	sshrl.u32 s26, $0x3;
	s18 =	sshrl.u32 s28, $0x3;
	[dreg:$0xa] =	wrdreg s21  }
0x1e: {  	s16 =	sadd.s32 s30, s19;
	[dreg:$0xd] =	wrdreg s25;
	s19 =	sshrl.u32 s29, $0x3  }
0x1f: {  	s21 =	sshrl.u32 s17, $0x3;
	s17 =	rddreg [dreg:$0x3];
	s25 =	smul.u32 $0x4E2, s6  }
0x20: {  	s26 =	sadd.s32 $0x3200, s24;
	[dreg:$0x9] =	wrdreg s16;
	s16 =	sadd.s32 s30, s22  }
0x21: {  	s20 =	sadd.s32 s30, s19;
	s22 =	sshll.u32 s14, $0x7;
	s14 =	rddreg [dreg:$0x0]  }
0x22: {  	s19 =	sadd.s32 $0x14CCA00, s24;
	s29 =	sadd.s32 s13, s17;
	s24 =	sadd.s32 s12, s17  }
0x23: {  	s0 =	sadd.s32 s0, s17;
	s12 =	sshrl.u32 s3, $0x3;
	[dreg:$0xb] =	wrdreg s16  }
0x24: {  	s16 =	sadd.s32 s30, s23;
	[dreg:$0x10] =	wrdreg s20;
	s23 =	smul.u32 $0x2710, s6  }
0x25: {  	s13 =	sadd.s32 s14, s12;
	[dreg:$0xc] =	wrdreg s16;
	s16 =	sadd.s32 s30, s8  }
0x26: {  	s8 =	smul.u32 $0x4E000, s6;
	[dreg:$0xe] =	wrdreg s16;
	s16 =	sadd.s32 s30, s18  }
0x27: {  	s18 =	sshrl.u32 s23, $0x3;
	[dreg:$0xf] =	wrdreg s16;
	s16 =	sadd.s32 s30, s21  }
0x28: {  	s12 =	simm.s32 $0x400;
	s18 =	sadd.s32 s26, s18;
	[dreg:$0x11] =	wrdreg s16  }
0x29: {  	s21 =	sshrl.u32 s8, $0x2;
	s16 =	sadd.s32 s22, s30;
	[dreg:$0x12] =	wrdreg s18  }
0x2a: {  	s22 =	sadd.s32 s21, s17;
	_ =	strace $0x8000004D;
	[dreg:$0x13] =	wrdreg s19  }
0x2b: {  	s23 =	sadd.s32 s11, s17;
	s11 =	sshll.u32 s4, $0x7;
	[dreg:$0x1f] =	wrdreg s22  }
0x2c: {  	s4 =	simm.s32 $0x50;
	s8 =	sshll.u32 s15, $0x7;
	[dreg:$0x16] =	wrdreg s23  }
0x2d: {  	s18 =	sadd.s32 s25, s26;
	s26 =	sadd.s32 s10, s17;
	[dreg:$0x14] =	wrdreg s24  }
0x2e: {  	s28 =	sadd.s32 s11, s17;
	s11 =	simm.s32 $0x13880;
	[dreg:$0x15] =	wrdreg s26  }
0x2f: {  	s25 =	sadd.s32 s8, s17;
	s30 =	sadd.s32 s5, s17;
	[dreg:$0x17] =	wrdreg s0  }
0x30: {  	s8 =	sshll.u32 s31, $0x7;
	s10 =	sshll.u32 s7, $0x7;
	[smem:$0x7F7] =	sst s13  }
0x31: {  	s31 =	simm.s32 $0x0;
	s24 =	sadd.s32 s9, s17;
	[dreg:$0x18] =	wrdreg s29  }
0x32: {  	s9 =	sshll.u32 s2, $0x7;
	s15 =	sadd.s32 s8, s17;
	[dreg:$0x1a] =	wrdreg s30  }
0x33: {  	s0 =	sadd.s32 s10, s17;
	s19 =	sadd.s32 $0x5000, s3;
	[dreg:$0x1b] =	wrdreg s25  }
0x34: {  	s20 =	sadd.s32 $0x4E000, s16;
	s3 =	sadd.s32 $0xA000, s3;
	[smem:$0x7FD] =	sst s28  }
0x35: {  	s23 =	sadd.s32 $0x14, s18;
	s8 =	sadd.s32 $0x138000, s17;
	[smem:$0x7F8] =	sst s20  }
0x36: {  	s10 =	simm.s32 $0x7;
	s13 =	simm.s32 $0x800;
	s21 =	sld [smem:$0x7F9]  }
0x37: {  	s16 =	simm.s32 $0x13900;
	s18 =	simm.s32 $0x16100;
	[smem:$0x7FB] =	sst s3  }
0x38: {  	s26 =	sadd.s32 s9, s17;
	s22 =	sshrl.u32 s19, $0x3;
	[smem:$0x7FC] =	sst s23  }
0x39: {  	s9 =	simm.s32 $0x18980;
	s19 =	simm.s32 $0x16180;
	[dreg:$0x19] =	wrdreg s24  }
0x3a: {  	s3 =	simm.s32 $0x2;
	s20 =	simm.s32 $0x3;
	[dreg:$0x1c] =	wrdreg s15  }
0x3b: {  	s23 =	simm.s32 $0x6;
	[dreg:$0x1e] =	wrdreg s0;
	s7 =	sadd.s32 s22, s14  }
0x3c: {  	s22 =	simm.s32 $0x5;
	[dreg:$0x1d] =	wrdreg s26;
	s2 =	smax.u32 s21, $0x1  }
0x3d: {  	s21 =	simm.s32 $0x4;
	[smem:$0x7FA] =	sst s2;
	s2 =	simm.s32 $0x1  }
.LBB2_1:
0x3e: {  	[smem:$0x7F6] =	sst s31  }
0x3f: {  	s5 =	rddreg [dreg:$0x13]  }
0x40: {  	[tilespmem:s9], [sflag:$0x7] =	stream.linear.gather [hbm4b:s5+s1], $0x1800, $0x38;
	[tilespmem:$0x1A180] =	vst v63  }
0x41: {  	_ =	swait.ge [sflag:s10], $0x1800  }
0x42: {  	[sflag:s10] =	ssyncset.done $0x0  }
0x43: {  	s6 =	rddreg [dreg:$0x1f];
	[sflag:s10] =	ssyncadd.s32 $0xFFFFE800  }
0x44: {  	[spmem:s6] =	stream.linear.scatter [tilespmem:s9], [sflag:$0x7], $0x1800, $0x38;
	[tilespmem:$0x1A180] =	vst v63  }
0x45: {  	_ =	swait.ge [sflag:s10], $0x1800  }
0x46: {  	[sflag:s10] =	ssyncset.done $0x0  }
0x47: {  	[sflag:s10] =	ssyncadd.s32 $0xFFFFE800  }
0x48: {  	[spmem:s25] =	stream.linear.scatter [tilespmem:s9], [sflag:$0x7], $0x1800, $0x38;
	[tilespmem:$0x1A180] =	vst v63  }
0x49: {  	_ =	swait.ge [sflag:s10], $0x1800  }
0x4a: {  	[sflag:s10] =	ssyncset.done $0x0  }
0x4b: {  	[sflag:s10] =	ssyncadd.s32 $0xFFFFE800  }
0x4c: {  	[spmem:s29] =	stream.linear.scatter [tilespmem:s9], [sflag:$0x7], $0x1800, $0x38;
	[tilespmem:$0x1A180] =	vst v63  }
0x4d: {  	_ =	swait.ge [sflag:s10], $0x1800  }
0x4e: {  	[sflag:s10] =	ssyncset.done $0x0  }
0x4f: {  	s25 =	rddreg [dreg:$0x16];
	[sflag:s10] =	ssyncadd.s32 $0xFFFFE800  }
0x50: {  	[spmem:s25] =	stream.linear.scatter [tilespmem:s9], [sflag:$0x7], $0x1800, $0x38;
	[tilespmem:$0x1A180] =	vst v63  }
0x51: {  	_ =	swait.ge [sflag:s10], $0x1800  }
0x52: {  	[sflag:s10] =	ssyncset.done $0x0  }
0x53: {  	s29 =	rddreg [dreg:$0x14];
	[sflag:s10] =	ssyncadd.s32 $0xFFFFE800  }
0x54: {  	[spmem:s29] =	stream.linear.scatter [tilespmem:s9], [sflag:$0x7], $0x1800, $0x38;
	[tilespmem:$0x1A180] =	vst v63  }
0x55: {  	_ =	swait.ge [sflag:s10], $0x1800  }
0x56: {  	[sflag:s10] =	ssyncset.done $0x0  }
0x57: {  	s31 =	rddreg [dreg:$0x15];
	[sflag:s10] =	ssyncadd.s32 $0xFFFFE800  }
0x58: {  	[spmem:s31] =	stream.linear.scatter [tilespmem:s9], [sflag:$0x7], $0x1800, $0x38;
	[tilespmem:$0x1A180] =	vst v63  }
0x59: {  	_ =	swait.ge [sflag:s10], $0x1800  }
0x5a: {  	[sflag:s10] =	ssyncset.done $0x0  }
0x5b: {  	s6 =	rddreg [dreg:$0x17];
	[sflag:s10] =	ssyncadd.s32 $0xFFFFE800  }
0x5c: {  	[spmem:s6] =	stream.linear.scatter [tilespmem:s9], [sflag:$0x7], $0x1800, $0x38;
	[tilespmem:$0x1A180] =	vst v63  }
0x5d: {  	_ =	swait.ge [sflag:s10], $0x1800  }
0x5e: {  	[sflag:s10] =	ssyncset.done $0x0  }
0x5f: {  	[sflag:s10] =	ssyncadd.s32 $0xFFFFE800  }
0x60: {  	[spmem:s24] =	stream.linear.scatter [tilespmem:s9], [sflag:$0x7], $0x1800, $0x38;
	[tilespmem:$0x1A180] =	vst v63  }
0x61: {  	_ =	swait.ge [sflag:s10], $0x1800  }
0x62: {  	[sflag:s10] =	ssyncset.done $0x0  }
0x63: {  	[sflag:s10] =	ssyncadd.s32 $0xFFFFE800  }
0x64: {  	[spmem:s30] =	stream.linear.scatter [tilespmem:s9], [sflag:$0x7], $0x1800, $0x38;
	[tilespmem:$0x1A180] =	vst v63  }
0x65: {  	_ =	swait.ge [sflag:s10], $0x1800  }
0x66: {  	[sflag:s10] =	ssyncset.done $0x0  }
0x67: {  	[sflag:s10] =	ssyncadd.s32 $0xFFFFE800  }
0x68: {  	[spmem:s15] =	stream.linear.scatter [tilespmem:s9], [sflag:$0x7], $0x1800, $0x38;
	[tilespmem:$0x1A180] =	vst v63  }
0x69: {  	_ =	swait.ge [sflag:s10], $0x1800  }
0x6a: {  	[sflag:s10] =	ssyncset.done $0x0  }
0x6b: {  	[sflag:s10] =	ssyncadd.s32 $0xFFFFE800  }
0x6c: {  	[spmem:s26] =	stream.linear.scatter [tilespmem:s9], [sflag:$0x7], $0x1800, $0x38;
	[tilespmem:$0x1A180] =	vst v63  }
0x6d: {  	_ =	swait.ge [sflag:s10], $0x1800  }
0x6e: {  	[sflag:s10] =	ssyncset.done $0x0  }
0x6f: {  	[sflag:s10] =	ssyncadd.s32 $0xFFFFE800  }
0x70: {  	[spmem:s0] =	stream.linear.scatter [tilespmem:s9], [sflag:$0x7], $0x1800, $0x38;
	[tilespmem:$0x1A180] =	vst v63  }
0x71: {  	_ =	swait.ge [sflag:s10], $0x1800  }
0x72: {  	[sflag:s10] =	ssyncset.done $0x0  }
0x73: {  	[sflag:s10] =	ssyncadd.s32 $0xFFFFE800  }
0x74: {  	[spmem:s28] =	stream.linear.scatter [tilespmem:s9], [sflag:$0x7], $0x1800, $0x38;
	[tilespmem:$0x1A180] =	vst v63  }
0x75: {  	_ =	swait.ge [sflag:s10], $0x1800  }
0x76: {  	[sflag:s10] =	ssyncset.done $0x0  }
0x77: {  	s5 =	simm.s32 @!p0 $0x18980;
	[sflag:s10] =	ssyncadd.s32 $0xFFFFE800  }
0x78: {  	[spmem:s8] =	stream.linear.scatter @!p0 [tilespmem:s5], [sflag:$0x7], $0x800, $0x38;
	[tilespmem:$0x1A180] =	vst v63  }
0x79: {  	s5 =	simm.s32 @!p0 $0x7  }
0x7a: {  	_ =	swait.ge @!p0 [sflag:s5], $0x800  }
0x7b: {  	[sflag:s5] =	ssyncset.done @!p0 $0x0  }
0x7c: {  	[sflag:s5] =	ssyncadd.s32 @!p0 $0xFFFFF800  }
0x7d: {  	[bflag:$0x0] =	sbarrier.arrive $0xFFFF  }
0x7e: {  	s25 =	rddreg [dreg:$0x12]  }
0x7f: {  	s26 =	sld [smem:$0x7F7]  }
0x80: {  	s6 =	sld [smem:$0x7FC]  }
0x81: {  	[tilespmem:s11], [sflag:$0x1] =	stream.linear.gather [hbm4b:s25+s1], $0x50, $0x38;
	[tilespmem:$0x1A180] =	vst v63  }
0x82: {  	_ = 	snop  }
0x83: {  	[tilespmem:s16], [sflag:$0x2] =	stream.strided.gather [hbm4b:s26+s12], $0x2800, s13, s12, $0x38;
	[tilespmem:$0x1A180] =	vst v63  }
0x84: {  	s28 =	sadd.s32 $0xFFFFFFF6, s6  }
0x85: {  	[tilespmem:s18], [sflag:$0x3] =	stream.linear.gather [hbm4b:s28+s1], $0x50, $0x38;
	[tilespmem:$0x1A180] =	vst v63  }
0x86: {  	s29 =	sadd.s32 $0x0, s7  }
0x87: {  	[tilespmem:s19], [sflag:$0x4] =	stream.strided.gather [hbm4b:s29+s12], $0x2800, s13, s12, $0x38;
	[tilespmem:$0x1A180] =	vst v63  }
0x88: {  	_ =	swait.ge [sflag:s2], $0x50  }
0x89: {  	[sflag:s2] =	ssyncset.done $0x0  }
0x8a: {  	[sflag:s2] =	ssyncadd.s32 $0xFFFFFFB0  }
0x8b: {  	_ =	swait.ge [sflag:s3], $0x2800  }
0x8c: {  	[sflag:s3] =	ssyncset.done $0x0  }
0x8d: {  	[sflag:s3] =	ssyncadd.s32 $0xFFFFD800  }
0x8e: {  	[spmem:s17] =	stream.indirect.scatter.add.f32 [tilespmem:s16], [sflag:$0x5], $0x80, s11, s4, $0xb8;
	[tilespmem:$0x1A180] =	vst v63  }
0x8f: {  	_ =	swait.ge [sflag:s20], $0x50  }
0x90: {  	[sflag:s20] =	ssyncset.done $0x0  }
0x91: {  	[sflag:s20] =	ssyncadd.s32 $0xFFFFFFB0  }
0x92: {  	_ =	swait.ge [sflag:s21], $0x2800  }
0x93: {  	[sflag:s21] =	ssyncset.done $0x0  }
0x94: {  	[sflag:s21] =	ssyncadd.s32 $0xFFFFD800  }
0x95: {  	[spmem:s17] =	stream.indirect.scatter.add.f32 [tilespmem:s19], [sflag:$0x6], $0x80, s18, s4, $0xb8;
	[tilespmem:$0x1A180] =	vst v63  }
0x96: {  	_ =	swait.ge [sflag:s22], $0x2800  }
0x97: {  	[sflag:s22] =	ssyncset.done $0x0;
	s30 =	sld [smem:$0x7FB]  }
0x98: {  	[sflag:s22] =	ssyncadd.s32 $0xFFFFD800  }
0x99: {  	[tilespmem:s11], [sflag:$0x1] =	stream.linear.gather [hbm4b:s6+s1], $0x50, $0x38;
	[tilespmem:$0x1A180] =	vst v63  }
0x9a: {  	s31 =	sshrl.u32 s30, $0x3  }
0x9b: {  	s5 =	sadd.s32 s14, s31  }
0x9c: {  	[tilespmem:s16], [sflag:$0x2] =	stream.strided.gather [hbm4b:s5+s12], $0x2800, s13, s12, $0x38;
	[tilespmem:$0x1A180] =	vst v63  }
0x9d: {  	_ =	swait.ge [sflag:s23], $0x2800  }
0x9e: {  	s25 =	simm.s32 $0x1400;
	s5 =	smov.u32 s30;
	[sflag:s23] =	ssyncset.done $0x0  }
.LBB2_2:
0x9f: {  	[sflag:s23] =	ssyncadd.s32 $0xFFFFD800  }
0xa0: {  	s5 =	sadd.s32 $0xA000, s5;
	s6 =	sadd.s32 $0x14, s6;
	s29 =	smov.u32 s25  }
0xa1: {  	p1 =	sne.s32 s25, $0x4C400;
	s25 =	sadd.s32 $0x1400, s25;
	s30 =	sadd.s32 $0xFFFFFFF6, s6  }
0xa2: {  	[tilespmem:s18], [sflag:$0x3] =	stream.linear.gather [hbm4b:s30+s1], $0x50, $0x38;
	[tilespmem:$0x1A180] =	vst v63  }
0xa3: {  	s29 =	sadd.s32 s29, s7  }
0xa4: {  	[tilespmem:s19], [sflag:$0x4] =	stream.strided.gather [hbm4b:s29+s12], $0x2800, s13, s12, $0x38;
	[tilespmem:$0x1A180] =	vst v63  }
0xa5: {  	_ =	swait.ge [sflag:s2], $0x50  }
0xa6: {  	[sflag:s2] =	ssyncset.done $0x0  }
0xa7: {  	[sflag:s2] =	ssyncadd.s32 $0xFFFFFFB0  }
0xa8: {  	_ =	swait.ge [sflag:s3], $0x2800  }
0xa9: {  	[sflag:s3] =	ssyncset.done $0x0  }
0xaa: {  	[sflag:s3] =	ssyncadd.s32 $0xFFFFD800  }
0xab: {  	[spmem:s17] =	stream.indirect.scatter.add.f32 [tilespmem:s16], [sflag:$0x5], $0x80, s11, s4, $0xb8;
	[tilespmem:$0x1A180] =	vst v63  }
0xac: {  	_ =	swait.ge [sflag:s20], $0x50  }
0xad: {  	[sflag:s20] =	ssyncset.done $0x0  }
0xae: {  	[sflag:s20] =	ssyncadd.s32 $0xFFFFFFB0  }
0xaf: {  	_ =	swait.ge [sflag:s21], $0x2800  }
0xb0: {  	[sflag:s21] =	ssyncset.done $0x0  }
0xb1: {  	[sflag:s21] =	ssyncadd.s32 $0xFFFFD800  }
0xb2: {  	[spmem:s17] =	stream.indirect.scatter.add.f32 [tilespmem:s19], [sflag:$0x6], $0x80, s18, s4, $0xb8;
	[tilespmem:$0x1A180] =	vst v63  }
0xb3: {  	_ =	swait.ge [sflag:s22], $0x2800  }
0xb4: {  	[sflag:s22] =	ssyncset.done $0x0  }
0xb5: {  	s29 =	sshrl.u32 s5, $0x3;
	[sflag:s22] =	ssyncadd.s32 $0xFFFFD800  }
0xb6: {  	[tilespmem:s11], [sflag:$0x1] =	stream.linear.gather [hbm4b:s6+s1], $0x50, $0x38;
	[tilespmem:$0x1A180] =	vst v63  }
.Ltmp0:
0xb7: {  	_ = 	snop;
	(pc) =	sbr.rel @p1 .LBB2_2-.Ltmp0, $4  }
0xb8: {  	s29 =	sadd.s32 s14, s29  }
0xb9: {  	[tilespmem:s16], [sflag:$0x2] =	stream.strided.gather [hbm4b:s29+s12], $0x2800, s13, s12, $0x38;
	[tilespmem:$0x1A180] =	vst v63  }
0xba: {  	_ =	swait.ge [sflag:s23], $0x2800  }
0xbb: {  	[sflag:s23] =	ssyncset.done $0x0  }
0xbc: {  	[sflag:s23] =	ssyncadd.s32 $0xFFFFD800  }
0xbd: {  	_ =	swait.ge [sflag:s2], $0x50  }
0xbe: {  	[sflag:s2] =	ssyncset.done $0x0  }
0xbf: {  	[sflag:s2] =	ssyncadd.s32 $0xFFFFFFB0  }
0xc0: {  	_ =	swait.ge [sflag:s3], $0x2800  }
0xc1: {  	[sflag:s3] =	ssyncset.done $0x0  }
0xc2: {  	[sflag:s3] =	ssyncadd.s32 $0xFFFFD800  }
0xc3: {  	[spmem:s17] =	stream.indirect.scatter.add.f32 [tilespmem:s16], [sflag:$0x7], $0x80, s11, s4, $0xb8;
	[tilespmem:$0x1A180] =	vst v63  }
0xc4: {  	_ =	swait.ge [sflag:s10], $0x2800  }
0xc5: {  	[sflag:s10] =	ssyncset.done $0x0  }
0xc6: {  	[sflag:s10] =	ssyncadd.s32 $0xFFFFD800  }
0xc7: {  	[bflag:$0x0] =	sbarrier.arrive $0xFFFF  }
0xc8: {  	s0 =	rddreg [dreg:$0x1f]  }
0xc9: {  	[tilespmem:s9], [sflag:$0x7] =	stream.linear.gather [spmem:s0], $0x1800, $0x38;
	[tilespmem:$0x1A180] =	vst v63  }
0xca: {  	_ =	swait.ge [sflag:s10], $0x1800  }
0xcb: {  	[sflag:s10] =	ssyncset.done $0x0  }
0xcc: {  	s5 =	rddreg [dreg:$0x5];
	[sflag:s10] =	ssyncadd.s32 $0xFFFFE800  }
0xcd: {  	[hbm4b:s5+s12] =	stream.strided.scatter [tilespmem:s9], [sflag:$0x7], $0x1800, s13, s12, $0x38;
	[tilespmem:$0x1A180] =	vst v63  }
0xce: {  	_ =	swait.ge [sflag:s10], $0x1800  }
0xcf: {  	[sflag:s10] =	ssyncset.done $0x0  }
0xd0: {  	s24 =	rddreg [dreg:$0x1b];
	[sflag:s10] =	ssyncadd.s32 $0xFFFFE800  }
0xd1: {  	[tilespmem:s9], [sflag:$0x7] =	stream.linear.gather [spmem:s24], $0x1800, $0x38;
	[tilespmem:$0x1A180] =	vst v63  }
0xd2: {  	_ =	swait.ge [sflag:s10], $0x1800  }
0xd3: {  	[sflag:s10] =	ssyncset.done $0x0  }
0xd4: {  	s25 =	rddreg [dreg:$0x6];
	[sflag:s10] =	ssyncadd.s32 $0xFFFFE800  }
0xd5: {  	[hbm4b:s25+s12] =	stream.strided.scatter [tilespmem:s9], [sflag:$0x7], $0x1800, s13, s12, $0x38;
	[tilespmem:$0x1A180] =	vst v63  }
0xd6: {  	_ =	swait.ge [sflag:s10], $0x1800  }
0xd7: {  	[sflag:s10] =	ssyncset.done $0x0  }
0xd8: {  	s26 =	rddreg [dreg:$0x18];
	[sflag:s10] =	ssyncadd.s32 $0xFFFFE800  }
0xd9: {  	[tilespmem:s9], [sflag:$0x7] =	stream.linear.gather [spmem:s26], $0x1800, $0x38;
	[tilespmem:$0x1A180] =	vst v63  }
0xda: {  	_ =	swait.ge [sflag:s10], $0x1800  }
0xdb: {  	[sflag:s10] =	ssyncset.done $0x0  }
0xdc: {  	s0 =	rddreg [dreg:$0x7];
	[sflag:s10] =	ssyncadd.s32 $0xFFFFE800  }
0xdd: {  	[hbm4b:s0+s12] =	stream.strided.scatter [tilespmem:s9], [sflag:$0x7], $0x1800, s13, s12, $0x38;
	[tilespmem:$0x1A180] =	vst v63  }
0xde: {  	_ =	swait.ge [sflag:s10], $0x1800  }
0xdf: {  	[sflag:s10] =	ssyncset.done $0x0  }
0xe0: {  	s6 =	rddreg [dreg:$0x16];
	[sflag:s10] =	ssyncadd.s32 $0xFFFFE800  }
0xe1: {  	[tilespmem:s9], [sflag:$0x7] =	stream.linear.gather [spmem:s6], $0x1800, $0x38;
	[tilespmem:$0x1A180] =	vst v63  }
0xe2: {  	_ =	swait.ge [sflag:s10], $0x1800  }
0xe3: {  	[sflag:s10] =	ssyncset.done $0x0  }
0xe4: {  	s15 =	rddreg [dreg:$0x8];
	[sflag:s10] =	ssyncadd.s32 $0xFFFFE800  }
0xe5: {  	[hbm4b:s15+s12] =	stream.strided.scatter [tilespmem:s9], [sflag:$0x7], $0x1800, s13, s12, $0x38;
	[tilespmem:$0x1A180] =	vst v63  }
0xe6: {  	_ =	swait.ge [sflag:s10], $0x1800  }
0xe7: {  	[sflag:s10] =	ssyncset.done $0x0  }
0xe8: {  	s24 =	rddreg [dreg:$0x14];
	[sflag:s10] =	ssyncadd.s32 $0xFFFFE800  }
0xe9: {  	[tilespmem:s9], [sflag:$0x7] =	stream.linear.gather [spmem:s24], $0x1800, $0x38;
	[tilespmem:$0x1A180] =	vst v63  }
0xea: {  	_ =	swait.ge [sflag:s10], $0x1800  }
0xeb: {  	[sflag:s10] =	ssyncset.done $0x0  }
0xec: {  	s25 =	rddreg [dreg:$0x9];
	[sflag:s10] =	ssyncadd.s32 $0xFFFFE800  }
0xed: {  	[hbm4b:s25+s12] =	stream.strided.scatter [tilespmem:s9], [sflag:$0x7], $0x1800, s13, s12, $0x38;
	[tilespmem:$0x1A180] =	vst v63  }
0xee: {  	_ =	swait.ge [sflag:s10], $0x1800  }
0xef: {  	[sflag:s10] =	ssyncset.done $0x0  }
0xf0: {  	s26 =	rddreg [dreg:$0x15];
	[sflag:s10] =	ssyncadd.s32 $0xFFFFE800  }
0xf1: {  	[tilespmem:s9], [sflag:$0x7] =	stream.linear.gather [spmem:s26], $0x1800, $0x38;
	[tilespmem:$0x1A180] =	vst v63  }
0xf2: {  	_ =	swait.ge [sflag:s10], $0x1800  }
0xf3: {  	[sflag:s10] =	ssyncset.done $0x0  }
0xf4: {  	s0 =	rddreg [dreg:$0xa];
	[sflag:s10] =	ssyncadd.s32 $0xFFFFE800  }
0xf5: {  	[hbm4b:s0+s12] =	stream.strided.scatter [tilespmem:s9], [sflag:$0x7], $0x1800, s13, s12, $0x38;
	[tilespmem:$0x1A180] =	vst v63  }
0xf6: {  	_ =	swait.ge [sflag:s10], $0x1800  }
0xf7: {  	[sflag:s10] =	ssyncset.done $0x0  }
0xf8: {  	s5 =	rddreg [dreg:$0x17];
	[sflag:s10] =	ssyncadd.s32 $0xFFFFE800  }
0xf9: {  	[tilespmem:s9], [sflag:$0x7] =	stream.linear.gather [spmem:s5], $0x1800, $0x38;
	[tilespmem:$0x1A180] =	vst v63  }
0xfa: {  	_ =	swait.ge [sflag:s10], $0x1800  }
0xfb: {  	[sflag:s10] =	ssyncset.done $0x0  }
0xfc: {  	s6 =	rddreg [dreg:$0xb];
	[sflag:s10] =	ssyncadd.s32 $0xFFFFE800  }
0xfd: {  	[hbm4b:s6+s12] =	stream.strided.scatter [tilespmem:s9], [sflag:$0x7], $0x1800, s13, s12, $0x38;
	[tilespmem:$0x1A180] =	vst v63  }
0xfe: {  	_ =	swait.ge [sflag:s10], $0x1800  }
0xff: {  	[sflag:s10] =	ssyncset.done $0x0  }
0x100: {  	s24 =	rddreg [dreg:$0x19];
	[sflag:s10] =	ssyncadd.s32 $0xFFFFE800  }
0x101: {  	[tilespmem:s9], [sflag:$0x7] =	stream.linear.gather [spmem:s24], $0x1800, $0x38;
	[tilespmem:$0x1A180] =	vst v63  }
0x102: {  	_ =	swait.ge [sflag:s10], $0x1800  }
0x103: {  	[sflag:s10] =	ssyncset.done $0x0  }
0x104: {  	s15 =	rddreg [dreg:$0xc];
	[sflag:s10] =	ssyncadd.s32 $0xFFFFE800  }
0x105: {  	[hbm4b:s15+s12] =	stream.strided.scatter [tilespmem:s9], [sflag:$0x7], $0x1800, s13, s12, $0x38;
	[tilespmem:$0x1A180] =	vst v63  }
0x106: {  	_ =	swait.ge [sflag:s10], $0x1800  }
0x107: {  	[sflag:s10] =	ssyncset.done $0x0  }
0x108: {  	s30 =	rddreg [dreg:$0x1a];
	[sflag:s10] =	ssyncadd.s32 $0xFFFFE800  }
0x109: {  	[tilespmem:s9], [sflag:$0x7] =	stream.linear.gather [spmem:s30], $0x1800, $0x38;
	[tilespmem:$0x1A180] =	vst v63  }
0x10a: {  	_ =	swait.ge [sflag:s10], $0x1800  }
0x10b: {  	[sflag:s10] =	ssyncset.done $0x0  }
0x10c: {  	s25 =	rddreg [dreg:$0xd];
	[sflag:s10] =	ssyncadd.s32 $0xFFFFE800  }
0x10d: {  	[hbm4b:s25+s12] =	stream.strided.scatter [tilespmem:s9], [sflag:$0x7], $0x1800, s13, s12, $0x38;
	[tilespmem:$0x1A180] =	vst v63  }
0x10e: {  	_ =	swait.ge [sflag:s10], $0x1800  }
0x10f: {  	[sflag:s10] =	ssyncset.done $0x0  }
0x110: {  	s15 =	rddreg [dreg:$0x1c];
	[sflag:s10] =	ssyncadd.s32 $0xFFFFE800  }
0x111: {  	[tilespmem:s9], [sflag:$0x7] =	stream.linear.gather [spmem:s15], $0x1800, $0x38;
	[tilespmem:$0x1A180] =	vst v63  }
0x112: {  	_ =	swait.ge [sflag:s10], $0x1800  }
0x113: {  	[sflag:s10] =	ssyncset.done $0x0  }
0x114: {  	s26 =	rddreg [dreg:$0xe];
	[sflag:s10] =	ssyncadd.s32 $0xFFFFE800  }
0x115: {  	[hbm4b:s26+s12] =	stream.strided.scatter [tilespmem:s9], [sflag:$0x7], $0x1800, s13, s12, $0x38;
	[tilespmem:$0x1A180] =	vst v63  }
0x116: {  	_ =	swait.ge [sflag:s10], $0x1800  }
0x117: {  	[sflag:s10] =	ssyncset.done $0x0  }
0x118: {  	s26 =	rddreg [dreg:$0x1d];
	[sflag:s10] =	ssyncadd.s32 $0xFFFFE800  }
0x119: {  	[tilespmem:s9], [sflag:$0x7] =	stream.linear.gather [spmem:s26], $0x1800, $0x38;
	[tilespmem:$0x1A180] =	vst v63  }
0x11a: {  	_ =	swait.ge [sflag:s10], $0x1800  }
0x11b: {  	[sflag:s10] =	ssyncset.done $0x0  }
0x11c: {  	s0 =	rddreg [dreg:$0xf];
	[sflag:s10] =	ssyncadd.s32 $0xFFFFE800  }
0x11d: {  	[hbm4b:s0+s12] =	stream.strided.scatter [tilespmem:s9], [sflag:$0x7], $0x1800, s13, s12, $0x38;
	[tilespmem:$0x1A180] =	vst v63  }
0x11e: {  	_ =	swait.ge [sflag:s10], $0x1800  }
0x11f: {  	[sflag:s10] =	ssyncset.done $0x0  }
0x120: {  	s0 =	rddreg [dreg:$0x1e];
	[sflag:s10] =	ssyncadd.s32 $0xFFFFE800  }
0x121: {  	[tilespmem:s9], [sflag:$0x7] =	stream.linear.gather [spmem:s0], $0x1800, $0x38;
	[tilespmem:$0x1A180] =	vst v63  }
0x122: {  	_ =	swait.ge [sflag:s10], $0x1800  }
0x123: {  	[sflag:s10] =	ssyncset.done $0x0  }
0x124: {  	s6 =	rddreg [dreg:$0x10];
	[sflag:s10] =	ssyncadd.s32 $0xFFFFE800  }
0x125: {  	[hbm4b:s6+s12] =	stream.strided.scatter [tilespmem:s9], [sflag:$0x7], $0x1800, s13, s12, $0x38;
	[tilespmem:$0x1A180] =	vst v63  }
0x126: {  	_ =	swait.ge [sflag:s10], $0x1800  }
0x127: {  	s28 =	sld [smem:$0x7FD]  }
0x128: {  	[sflag:s10] =	ssyncset.done $0x0  }
0x129: {  	[sflag:s10] =	ssyncadd.s32 $0xFFFFE800  }
0x12a: {  	[tilespmem:s9], [sflag:$0x7] =	stream.linear.gather [spmem:s28], $0x1800, $0x38;
	[tilespmem:$0x1A180] =	vst v63  }
0x12b: {  	_ =	swait.ge [sflag:s10], $0x1800  }
0x12c: {  	[sflag:s10] =	ssyncset.done $0x0  }
0x12d: {  	s25 =	rddreg [dreg:$0x11];
	[sflag:s10] =	ssyncadd.s32 $0xFFFFE800  }
0x12e: {  	[hbm4b:s25+s12] =	stream.strided.scatter [tilespmem:s9], [sflag:$0x7], $0x1800, s13, s12, $0x38;
	[tilespmem:$0x1A180] =	vst v63  }
0x12f: {  	_ =	swait.ge [sflag:s10], $0x1800  }
0x130: {  	[sflag:s10] =	ssyncset.done $0x0  }
0x131: {  	s5 =	simm.s32 @!p0 $0x13900;
	s6 =	simm.s32 @!p0 $0x7;
	[sflag:s10] =	ssyncadd.s32 $0xFFFFE800  }
0x132: {  	[tilespmem:s5], [sflag:$0x7] =	stream.linear.gather @!p0 [spmem:s8], $0x800, $0x38;
	[tilespmem:$0x1A180] =	vst v63  }
0x133: {  	_ =	swait.ge @!p0 [sflag:s6], $0x800  }
0x134: {  	s31 =	smov.u32 s8;
	s8 =	sld [smem:$0x7F8]  }
0x135: {  	[sflag:s6] =	ssyncset.done @!p0 $0x0  }
0x136: {  	s29 =	simm.s32 @!p0 $0x800;
	s25 =	simm.s32 @!p0 $0x400;
	[sflag:s6] =	ssyncadd.s32 @!p0 $0xFFFFF800  }
0x137: {  	[hbm4b:s8+s25] =	stream.strided.scatter @!p0 [tilespmem:s5], [sflag:$0x7], $0x800, s29, s25, $0x38;
	[tilespmem:$0x1A180] =	vst v63  }
0x138: {  	s29 =	rddreg [dreg:$0x18]  }
0x139: {  	s25 =	rddreg [dreg:$0x1b];
	_ =	swait.ge @!p0 [sflag:s6], $0x800  }
0x13a: {  	s8 =	smov.u32 s31;
	s31 =	sld [smem:$0x7F6]  }
0x13b: {  	s5 =	sld [smem:$0x7FA];
	_ =	sdelay $0x1  }
0x13c: {  	s31 =	sadd.s32 $0x1, s31  }
0x13d: {  	p1 =	sne.s32 s31, s5  }
.Ltmp1:
0x13e: {  	_ = 	snop;
	(pc) =	sbr.rel @p1 .LBB2_1-.Ltmp1, $3  }
0x13f: {  	_ =	sdelay $0x1  }
0x140: {  	[sflag:s6] =	ssyncset.done @!p0 $0x0  }
0x141: {  	[sflag:s6] =	ssyncadd.s32 @!p0 $0xFFFFF800  }
0x142: {  	_ =	sfence.sel $0x180000  }
0x143: {  	[bflag:$0x0] =	sbarrier.arrive $0xFFFF  }
0x144: {  	_ =	strace $0x9000004D  }
0x145: {  	s0 =	stileid.u32;
	[bflag:$0x2] =	sbarrier.arrive $0xFFFF  }
0x146: {  	p0 =	sne.s32 s0, $0x0;
	s0 =	rddreg [dreg:$0x4]  }
0x147: {  	s0 =	sadd.s32 @!p0 $0x100000, s0  }
0x148: {  	[sflag:s0] =	ssyncadd.tile.s32 @!p0 $0x1;
	_ =	shalt  }
.Lfunc_end2:
_tile_overlayer_lowered:
.L_overlay_start_2:
0x149: {  	(tag) =	ssettag $0x2  }
0x14a: {  	s0 =	rddreg [dreg:$0x0];
	s2 =	stileid.u32  }
0x14b: {  	s1 =	rddreg [dreg:$0x1];
	p0 =	sne.s32 s2, $0x0  }
0x14c: {  	s3 =	rddreg [dreg:$0x2];
	[bflag:$0x3] =	sbarrier.arrive $0xFFFF;
	s2 =	simm.s32 @!p0 $0x1C07  }
0x14d: {  	[timem:s3], [sflag:s2] =	dma.local @!p0 [hbm:s0], s1  }
0x14e: {  	s0 =	simm.s32 @!p0 $0x7  }
0x14f: {  	_ =	swait.ge @!p0 [sflag:s0], s1  }
0x150: {  	s1 =	ssub.s32 @!p0 $0x0, s1;
	[sflag:s0] =	ssyncset.done @!p0 $0x0  }
0x151: {  	[sflag:s0] =	ssyncadd.s32 @!p0 s1  }
0x152: {  	[bflag:$0x3] =	sbarrier.arrive $0xFFFF  }
0x153: {  	_ =	shalt  }

// kernel: kernel.14.cloned.1.call-start
scs
__scs_entry_jumppad:
0x0: {  	(pc) =	sbr.rel $0x88, $3  }
0x1: {  	(tag) =	ssettag $0x0;
	lr =	simm.s32 $0x1  }
0x2: {  	[smem:$0x3F96] =	sst lr;
	_ =	strace $0xD0000000  }
0x3: {  	_ = 	snop  }
0x4: {  	_ = 	snop  }
0x5: {  	_ = 	snop  }
0x6: {  	_ = 	snop  }
0x7: {  	_ = 	snop  }
__scs_overlays_trampoline_lowered:
0x8: {  	[smem:$0x3FA5] =	sst s0  }
0x9: {  	[smem:$0x3FA6] =	sst s1  }
0xa: {  	[smem:$0x3FA7] =	sst s2  }
0xb: {  	[smem:$0x3FA8] =	sst s3  }
0xc: {  	[smem:$0x3FA9] =	sst s4  }
0xd: {  	[smem:$0x3FAA] =	sst s5  }
0xe: {  	[smem:$0x3FAB] =	sst s6  }
0xf: {  	[smem:$0x3FAC] =	sst s7  }
0x10: {  	[smem:$0x3FAD] =	sst s8  }
0x11: {  	[smem:$0x3FAE] =	sst s9;
	s0 =	simm.s32 @!p0 $0x0  }
0x12: {  	s1 =	sld [smem:$0x3F94];
	s0 =	simm.s32 @p0 $0x1  }
0x13: {  	[smem:$0x3FAF] =	sst s0;
	s0 =	simm.s32 @!p1 $0x0  }
0x14: {  	s2 =	sld [smem:$0x3F93];
	s0 =	simm.s32 @p1 $0x1  }
0x15: {  	[smem:$0x3FB0] =	sst s0;
	s0 =	simm.s32 @!p2 $0x0  }
0x16: {  	s3 =	sld [smem:$0x3FDB];
	s0 =	simm.s32 @p2 $0x1  }
0x17: {  	s4 =	simm.s32 $0x1BF5;
	[smem:$0x3FB2] =	sst s0  }
0x18: {  	s0 =	sld [smem:$0x3F95];
	_ =	swait.ge [sflag:s4], $0x0  }
0x19: {  	s7 =	sld [smem:$0x3F96]  }
0x1a: {  	s8 =	sadd.s32 $0xFFFFE003, lr  }
0x1b: {  	s9 =	sadd.s32 $0xFFFFFEF7, lr;
	s5 =	simm.s32 $0xFFFFFFFF;
	p2 =	slt.u32 s8, $0xFFFFF086  }
0x1c: {  	p1 =	slt.u32 s9, $0xF7A;
	s5 =	simm.s32 @!p2 $0x0  }
0x1d: {  	s5 =	simm.s32 @p1 $0x1;
	p0 =	seq.s32 s7, s2  }
0x1e: {  	s7 =	smul.u32 @!p0 $0xF7A, s2;
	p2 =	seq.s32 @!p0 s5, $0x0  }
0x1f: {  	s9 =	smul.u32 $0xF7A, s1;
	s8 =	simm.s32 @!p0 $0x1BF5;
	p2 =	por !p2, p0  }
0x20: {  	[sflag:s8] =	ssyncset.s32 @!p0 $0xFFFFF086;
	s6 =	sadd.s32 @!p0 s3, s7;
	s7 =	simm.s32 @!p0 $0x108  }
0x21: {  	s3 =	sadd.s32 s3, s9;
	s6 =	sadd.s32 @!p0 $0x88, s6;
	s7 =	simm.s32 @p2 $0x1082  }
0x22: {  	[simem:s7], [sflag:s8] =	dma.local @!p0 [hbm:s6], $0xF7A  }
0x23: {  	s9 =	sor.u32 $0xD0000000, s2;
	s6 =	simm.s32 $0x108;
	_ =	swait.ge @!p0 [sflag:s8], $0x0  }
0x24: {  	s3 =	sadd.s32 $0x88, s3;
	s6 =	simm.s32 @!p1 $0x1082;
	[sflag:s4] =	ssyncset.s32 $0xFFFFF086  }
0x25: {  	[simem:s6], [sflag:s4] =	dma.local [hbm:s3], $0xF7A  }
0x26: {  	[smem:$0x3F96] =	sst s1;
	(tag) =	ssettag s2;
	_ =	strace s9  }
0x27: {  	s1 =	sld [smem:$0x3FA6]  }
0x28: {  	s2 =	sld [smem:$0x3FA7]  }
0x29: {  	s4 =	sld [smem:$0x3FA9]  }
0x2a: {  	p0 =	seq.s32 s5, $0x0;
	s5 =	sld [smem:$0x3FAA]  }
0x2b: {  	s6 =	sld [smem:$0x3FAB]  }
0x2c: {  	s7 =	sld [smem:$0x3FAC]  }
0x2d: {  	s3 =	simm.s32 $0x108;
	s8 =	sld [smem:$0x3FAD]  }
0x2e: {  	s3 =	simm.s32 @!p0 $0x1082;
	s9 =	sld [smem:$0x3FAE]  }
0x2f: {  	lr =	sadd.s32 s0, s3;
	s0 =	sld [smem:$0x3FA5]  }
0x30: {  	s3 =	sld [smem:$0x3FA8]  }
0x31: {  	[smem:$0x3FB1] =	sst s10  }
0x32: {  	s10 =	sld [smem:$0x3FAF];
	_ =	sdelay $0x3  }
0x33: {  	p0 =	seq.s32 s10, $0x1;
	s10 =	sld [smem:$0x3FB1];
	_ =	sdelay $0x3  }
0x34: {  	[smem:$0x3FB1] =	sst s10  }
0x35: {  	s10 =	sld [smem:$0x3FB0];
	_ =	sdelay $0x3  }
0x36: {  	p1 =	seq.s32 s10, $0x1;
	s10 =	sld [smem:$0x3FB1];
	_ =	sdelay $0x3  }
0x37: {  	[smem:$0x3FB1] =	sst s10  }
0x38: {  	s10 =	sld [smem:$0x3FB2]  }
0x39: {  	_ = 	snop;
	(pc) =	sbr.ind lr, $3  }
0x3a: {  	_ = 	snop  }
0x3b: {  	_ = 	snop  }
0x3c: {  	p2 =	seq.s32 s10, $0x1;
	s10 =	sld [smem:$0x3FB1]  }
0x3d: {  	_ =	shalt  }
0x3e: {  	_ =	shalt  }
0x3f: {  	_ =	shalt  }
0x40: {  	_ =	shalt  }
0x41: {  	_ =	shalt  }
0x42: {  	_ =	shalt  }
0x43: {  	_ =	shalt  }
0x44: {  	_ =	shalt  }
0x45: {  	_ =	shalt  }
0x46: {  	_ =	shalt  }
0x47: {  	_ =	shalt  }
0x48: {  	_ =	shalt  }
0x49: {  	_ =	shalt  }
0x4a: {  	_ =	shalt  }
0x4b: {  	_ =	shalt  }
0x4c: {  	_ =	shalt  }
0x4d: {  	_ =	shalt  }
0x4e: {  	_ =	shalt  }
0x4f: {  	_ =	shalt  }
0x50: {  	_ =	shalt  }
0x51: {  	_ =	shalt  }
0x52: {  	_ =	shalt  }
0x53: {  	_ =	shalt  }
0x54: {  	_ =	shalt  }
0x55: {  	_ =	shalt  }
0x56: {  	_ =	shalt  }
0x57: {  	_ =	shalt  }
0x58: {  	_ =	shalt  }
0x59: {  	_ =	shalt  }
0x5a: {  	_ =	shalt  }
0x5b: {  	_ =	shalt  }
0x5c: {  	_ =	shalt  }
0x5d: {  	_ =	shalt  }
0x5e: {  	_ =	shalt  }
0x5f: {  	_ =	shalt  }
0x60: {  	_ =	shalt  }
0x61: {  	_ =	shalt  }
0x62: {  	_ =	shalt  }
0x63: {  	_ =	shalt  }
0x64: {  	_ =	shalt  }
0x65: {  	_ =	shalt  }
0x66: {  	_ =	shalt  }
0x67: {  	_ =	shalt  }
0x68: {  	_ =	shalt  }
0x69: {  	_ =	shalt  }
0x6a: {  	_ =	shalt  }
0x6b: {  	_ =	shalt  }
0x6c: {  	_ =	shalt  }
0x6d: {  	_ =	shalt  }
0x6e: {  	_ =	shalt  }
0x6f: {  	_ =	shalt  }
0x70: {  	_ =	shalt  }
0x71: {  	_ =	shalt  }
0x72: {  	_ =	shalt  }
0x73: {  	_ =	shalt  }
0x74: {  	_ =	shalt  }
0x75: {  	_ =	shalt  }
0x76: {  	_ =	shalt  }
0x77: {  	_ =	shalt  }
0x78: {  	_ =	shalt  }
0x79: {  	_ =	shalt  }
0x7a: {  	_ =	shalt  }
0x7b: {  	_ =	shalt  }
0x7c: {  	_ =	shalt  }
0x7d: {  	_ =	shalt  }
0x7e: {  	_ =	shalt  }
0x7f: {  	_ =	shalt  }
0x80: {  	_ =	shalt  }
0x81: {  	_ =	shalt  }
0x82: {  	_ =	shalt  }
0x83: {  	_ =	shalt  }
0x84: {  	_ =	shalt  }
0x85: {  	_ =	shalt  }
0x86: {  	_ =	shalt  }
0x87: {  	_ =	shalt  }
.Lfunc_end0:
.L_simem_size_0:
called_computation.2_lowered:
.L_overlay_start_0:
0x88: {  	s2 =	sld [smem:$0x3FD9]  }
0x89: {  	s3 =	sld [smem:$0x3FFE];
	_ =	sdelay $0x1  }
0x8a: {  	s1 =	srdreg.scid  }
0x8b: {  	s0 =	sand.u32 $0x1, s1  }
0x8c: {  	s17 =	sshll.u32 s0, $0xA;
	s2 =	sadd.s32 s3, s2  }
0x8d: {  	s2 =	sadd.s32 s2, s17  }
0x8e: {  	[smem:$0x3FBD] =	sst s2  }
0x8f: {  	_ = 	snop  }
0x90: {  	(tm) =	ssettm $0x1  }
0x91: {  	s18 =	sld [smem:$0x3FFB];
	_ =	sdelay $0x3  }
0x92: {  	_ =	strace s18  }
0x93: {  	s2 =	sld [smem:$0x3FFC];
	_ =	sdelay $0x3  }
0x94: {  	_ =	strace s2  }
0x95: {  	s2 =	sld [smem:$0x3FFD];
	_ =	sdelay $0x3  }
0x96: {  	_ =	strace s2  }
0x97: {  	_ =	strace $0x8FFFFFFF  }
0x98: {  	s19 =	sld [smem:$0x3FDB];
	_ =	sdelay $0x1  }
0x99: {  	s20 =	simm.s32 $_scs_section_size  }
0x9a: {  	s4 =	simm.s32 $_size__tile_overlayer_lowered;
	s5 =	simm.s32 $_tile_overlayer_lowered  }
0x9b: {  	s6 =	simm.s32 $0x1BFF;
	s21 =	sshll.u32 s5, $0x1;
	s3 =	sadd.s32 s20, s19  }
0x9c: {  	s22 =	simm.s32 $0x0;
	s4 =	sshll.u32 s4, $0x1;
	s5 =	sadd.s32 s21, s3  }
0x9d: {  	[timem:s22], [sflag:s6] =	dma.local [hbm:s5], s4  }
0x9e: {  	_ =	swait.ge [sflag:s6], s4  }
0x9f: {  	s4 =	ssub.s32 $0x0, s4;
	[sflag:s6] =	ssyncset.done $0x0  }
0xa0: {  	[sflag:s6] =	ssyncadd.s32 s4;
	_ =	sdelay $0x1  }
0xa1: {  	s23 =	simm.s32 $0x1B8B  }
0xa2: {  	_ =	swait.ge [sflag:s23], $0x1  }
0xa3: {  	[sflag:s23] =	ssyncset.done $0x0  }
0xa4: {  	[sflag:s23] =	ssyncadd.s32 $0xFFFFFFFF  }
0xa5: {  	s4 =	sld [smem:$0x0]  }
0xa6: {  	s5 =	sand.u32 $0xFFFFFFFE, s1  }
0xa7: {  	p0 =	sne.s32 s1, s5  }
0xa8: {  	s5 =	sshll.u32 @p0 s5, $0xE  }
0xa9: {  	s5 =	sadd.s32 @p0 $0x11B8D, s5;
	s6 =	sshll.u32 @p0 s4, $0x11  }
0xaa: {  	s5 =	sor.u32 @p0 s6, s5  }
0xab: {  	[sflag:s5] =	ssyncadd.remote.s32 @p0 $0x1;
	_ =	sdelay $0x1  }
0xac: {  	s5 =	simm.s32 @p0 $0x1B8D  }
0xad: {  	_ =	swait.eq @p0 [sflag:s5], $0x1  }
0xae: {  	[sflag:s5] =	ssyncadd.s32 @p0 $0xFFFFFFFF  }
0xaf: {  	s6 =	sshll.u32 @!p0 s1, $0xE  }
0xb0: {  	s6 =	sor.u32 @!p0 $0x4000, s6;
	s5 =	simm.s32 @!p0 $0x1B8D  }
0xb1: {  	s4 =	sshll.u32 @!p0 s4, $0x11;
	s6 =	sadd.s32 @!p0 $0x11B8D, s6;
	_ =	swait.eq @!p0 [sflag:s5], $0x1  }
0xb2: {  	s4 =	sor.u32 @!p0 s4, s6;
	[sflag:s5] =	ssyncadd.s32 @!p0 $0xFFFFFFFF  }
0xb3: {  	s25 =	simm.s32 $0x1B8E;
	s24 =	sld [smem:$0x3FFE];
	[sflag:s4] =	ssyncadd.remote.s32 @!p0 $0x1  }
0xb4: {  	s26 =	simm.s32 $execute0_lowered;
	[smem:$0x3FD2] =	sst s25  }
0xb5: {  	s5 =	sshll.u32 s26, $0x1;
	_ =	strace $0x80000049;
	[dreg:$0x1] =	wrdreg $0xFFFFFFFF  }
0xb6: {  	s28 =	simm.s32 $_size_execute0_lowered;
	s3 =	sadd.s32 s3, s5;
	[dreg:$0x0] =	wrdreg $0x0  }
0xb7: {  	s5 =	sshll.u32 s28, $0x1;
	[dreg:$0x2] =	wrdreg s3  }
0xb8: {  	[dreg:$0x3] =	wrdreg s5  }
0xb9: {  	[dreg:$0x4] =	wrdreg $0xC0  }
0xba: {  	_ =	task [dreg:s22], $0x5FFFF  }
0xbb: {  	[dreg:$0x1] =	wrdreg $0xFFFFFFFF  }
0xbc: {  	[dreg:$0x0] =	wrdreg $0x60  }
0xbd: {  	[dreg:$0x2] =	wrdreg s24  }
0xbe: {  	[dreg:$0x3] =	wrdreg $0x0  }
0xbf: {  	[dreg:$0x4] =	wrdreg $0x9  }
0xc0: {  	_ =	task.clear_ibuf [dreg:s22], $0x5FFFF;
	_ =	strace $0x90000049  }
0xc1: {  	s29 =	simm.s32 $0x9;
	_ =	strace $0x8000004B  }
0xc2: {  	_ =	swait.ge [sflag:s29], $0x1  }
0xc3: {  	[sflag:s29] =	ssyncadd.s32 $0xFFFFFFFF  }
0xc4: {  	_ =	strace $0x9000004B  }
0xc5: {  	_ =	sfence  }
0xc6: {  	s30 =	sld [smem:$0x0];
	_ =	sdelay $0x2  }
0xc7: {  	s31 =	sshll.u32 s1, $0xD;
	s1 =	sshrl.u32 s1, $0x2  }
0xc8: {  	s4 =	sand.u32 $0x4000, s31;
	s1 =	sadd.s32 s1, s30  }
0xc9: {  	s0 =	sor.u32 s4, s0;
	s1 =	sshll.u32 s1, $0x11  }
0xca: {  	s0 =	sor.u32 s1, s0  }
0xcb: {  	s0 =	sadd.s32 $0x8F2B, s0  }
0xcc: {  	[sflag:s0] =	ssyncadd.remote.s32 $0x1  }
0xcd: {  	_ =	sfence.sel $0xFFFF  }
0xce: {  	[dreg:$0x0] =	wrdreg $0xFFFFFFFF;
	(pc) =	sbr.abs _section_cstart, $3  }
0xcf: {  	[dreg:$0x1] =	wrdreg $0xFFFFFFFF  }
0xd0: {  	_ =	task.clear_ibuf [dreg:s22], $0x2FFFF;
	_ =	strace $0x9FFFFFFF  }
0xd1: {  	(tm) =	ssettm $0x7FFFFFFF  }
tec
execute0_lowered:
.L_overlay_start_1:
0x0: {  	(tag) =	ssettag $0x1  }
0x1: {  	s3 =	rddreg [dreg:$0x0]  }
0x2: {  	s1 =	rddreg [dreg:$0x1];
	s0 =	srdreg.scid  }
0x3: {  	s2 =	simm.s32 $0x0;
	s9 =	stileid.u32;
	s15 =	stileid.u32  }
0x4: {  	[smem:$0x7FF] =	sst s2;
	s4 =	sadd.s32 $0x3200, s3;
	s6 =	smul.u32 $0x270, s9  }
0x5: {  	s5 =	sand.u32 $0x1, s0;
	s19 =	sadd.s32 $0x14CCA00, s3;
	s8 =	smul.u32 $0x4E000, s9  }
0x6: {  	s7 =	sadd.s32 $0x14F3C00, s3;
	s22 =	sshll.u32 s9, $0x1;
	s26 =	smul.u32 $0x2710, s15  }
0x7: {  	_ =	strace $0x8000004A;
	[dreg:$0x3] =	wrdreg s19;
	s20 =	ssub.s32 $0x2, s5  }
0x8: {  	[dreg:$0x4] =	wrdreg s7;
	s7 =	sor.u32 s5, s22;
	p0 =	seq.s32 s5, $0x0  }
0x9: {  	s5 =	smul.u32 $0x1388, s5;
	s21 =	sshrl.u32 s20, $0x1;
	s31 =	sadd.s32 $0x30, s6  }
0xa: {  	s8 =	sshrl.u32 s8, $0x2;
	s22 =	sadd.s32 $0xC0, s6;
	s28 =	sadd.s32 $0x1B0, s6  }
0xb: {  	s29 =	sadd.s32 $0x1E0, s6;
	s7 =	smul.u32 $0x1388, s7;
	s30 =	sadd.s32 $0x210, s6  }
0xc: {  	s0 =	ssub.s32 s20, s21;
	s23 =	sshll.u32 s31, $0x7;
	s13 =	sadd.s32 s8, s1  }
0xd: {  	s8 =	sadd.s32 $0x60, s6;
	s20 =	sadd.s32 $0x90, s6;
	s11 =	sshll.u32 s22, $0x7  }
0xe: {  	s5 =	sadd.s32 s5, s26;
	s26 =	sadd.s32 $0x180, s6;
	s21 =	sshll.u32 s28, $0x7  }
0xf: {  	s28 =	sshll.u32 s28, $0x4;
	[smem:$0x7FC] =	sst s0;
	s24 =	sadd.s32 s23, s1  }
0x10: {  	s25 =	sshll.u32 s8, $0x7;
	s10 =	sshll.u32 s20, $0x7;
	s16 =	sadd.s32 s11, s1  }
0x11: {  	s0 =	sadd.s32 $0xF0, s6;
	s18 =	sshll.u32 s26, $0x7;
	s21 =	sadd.s32 s21, s1  }
0x12: {  	s7 =	sshrl.u32 s7, $0x3;
	s8 =	sshll.u32 s8, $0x4;
	[dreg:$0x1f] =	wrdreg s13  }
0x13: {  	s20 =	sshll.u32 s20, $0x4;
	[smem:$0x7FD] =	sst s24;
	s9 =	sadd.s32 s25, s1  }
0x14: {  	s14 =	sadd.s32 s10, s1;
	s10 =	simm.s32 $0x14F4000;
	s24 =	sadd.s32 $0x120, s6  }
0x15: {  	s25 =	sadd.s32 $0x150, s6;
	s7 =	sadd.s32 s4, s7;
	[dreg:$0x7] =	wrdreg s21  }
0x16: {  	s6 =	sadd.s32 $0x240, s6;
	s10 =	simm.s32 @!p0 $0x151B200;
	[dreg:$0xd] =	wrdreg s7  }
0x17: {  	s17 =	sshll.u32 s25, $0x7;
	s7 =	sshll.u32 s31, $0x4;
	s31 =	sld [smem:$0x7FC]  }
0x18: {  	s15 =	sshll.u32 s24, $0x7;
	[dreg:$0xc] =	wrdreg s9;
	s23 =	sadd.s32 s17, s1  }
0x19: {  	s19 =	sadd.s32 s15, s1;
	s15 =	sadd.s32 s18, s1;
	[dreg:$0x5] =	wrdreg s23  }
0x1a: {  	s3 =	sadd.s32 s10, s3;
	s10 =	sshll.u32 s6, $0x7;
	[dreg:$0x6] =	wrdreg s15  }
0x1b: {  	s6 =	sshll.u32 s6, $0x4;
	s7 =	sadd.s32 s3, s7;
	[dreg:$0x8] =	wrdreg s19  }
0x1c: {  	s17 =	sshll.u32 s29, $0x7;
	s6 =	sadd.s32 s3, s6;
	[dreg:$0x10] =	wrdreg s7  }
0x1d: {  	s18 =	sshll.u32 s30, $0x7;
	s17 =	sadd.s32 s17, s1;
	[dreg:$0x1b] =	wrdreg s6  }
0x1e: {  	s12 =	sshll.u32 s0, $0x7;
	s18 =	sadd.s32 s18, s1;
	[dreg:$0x9] =	wrdreg s17  }
0x1f: {  	s11 =	sadd.s32 s10, s1;
	s10 =	sshll.u32 s22, $0x4;
	[dreg:$0xa] =	wrdreg s18  }
0x20: {  	s22 =	sshll.u32 s0, $0x4;
	s31 =	smax.u32 s31, $0x1;
	[dreg:$0xb] =	wrdreg s11  }
0x21: {  	s0 =	sshll.u32 s24, $0x4;
	s10 =	sadd.s32 s3, s10;
	[dreg:$0xe] =	wrdreg s31  }
0x22: {  	s24 =	sshll.u32 s25, $0x4;
	s22 =	sadd.s32 s3, s22;
	[dreg:$0x13] =	wrdreg s10  }
0x23: {  	s25 =	sshll.u32 s26, $0x4;
	s0 =	sadd.s32 s3, s0;
	[dreg:$0x14] =	wrdreg s22  }
0x24: {  	s29 =	sshll.u32 s29, $0x4;
	s7 =	sadd.s32 s3, s25;
	[dreg:$0x15] =	wrdreg s0  }
0x25: {  	s30 =	sshll.u32 s30, $0x4;
	s25 =	sadd.s32 $0x50, s5;
	[dreg:$0x17] =	wrdreg s7  }
0x26: {  	s26 =	stileid.u32;
	s6 =	sadd.s32 $0x138000, s1;
	[dreg:$0x1d] =	wrdreg s25  }
0x27: {  	s26 =	smul.u32 $0x2700, s26;
	s10 =	sadd.s32 s3, s29;
	[dreg:$0x1e] =	wrdreg s6  }
0x28: {  	s12 =	sadd.s32 s12, s1;
	s22 =	sadd.s32 s3, s30;
	[dreg:$0x19] =	wrdreg s10  }
0x29: {  	s25 =	simm.s32 $0x5;
	s26 =	sadd.s32 s3, s26;
	[dreg:$0x1a] =	wrdreg s22  }
0x2a: {  	s29 =	simm.s32 $0x13900;
	s30 =	simm.s32 $0x1;
	[dreg:$0xf] =	wrdreg s26  }
0x2b: {  	s26 =	sadd.s32 s3, s8;
	s8 =	sadd.s32 s3, s20;
	s20 =	sld [smem:$0x7FD]  }
0x2c: {  	s31 =	simm.s32 $0x28;
	s10 =	simm.s32 $0x0;
	[dreg:$0x11] =	wrdreg s26  }
0x2d: {  	[dreg:$0x12] =	wrdreg s8;
	s26 =	sadd.s32 s3, s24;
	s8 =	sadd.s32 s3, s28  }
0x2e: {  	s24 =	sadd.s32 $0x28, s5;
	s3 =	sadd.s32 $0x27000, s3;
	[dreg:$0x16] =	wrdreg s26  }
0x2f: {  	s28 =	simm.s32 $0x13880;
	s5 =	simm.s32 $0x4;
	[dreg:$0x18] =	wrdreg s8  }
0x30: {  	[dreg:$0x1c] =	wrdreg s3;
	s0 =	sshrl.u32 s24, $0x3;
	s26 =	stileid.u32  }
0x31: {  	s24 =	simm.s32 $0x14D80;
	s3 =	simm.s32 $0x3;
	s22 =	sadd.s32 s0, s4  }
0x32: {  	p0 =	sne.s32 s26, $0xF;
	s26 =	simm.s32 $0x13980;
	s0 =	simm.s32 $0x2  }
.LBB2_1:
0x33: {  	[smem:$0x7FB] =	sst s10  }
0x34: {  	s7 =	rddreg [dreg:$0x3]  }
0x35: {  	[tilespmem:s24], [sflag:$0x5] =	stream.linear.gather [hbm4b:s7+s2], $0x1800, $0x38;
	[tilespmem:$0x16580] =	vst v63  }
0x36: {  	_ =	swait.ge [sflag:s25], $0x1800  }
0x37: {  	[sflag:s25] =	ssyncset.done $0x0  }
0x38: {  	[sflag:s25] =	ssyncadd.s32 $0xFFFFE800  }
0x39: {  	[spmem:s13] =	stream.linear.scatter [tilespmem:s24], [sflag:$0x5], $0x1800, $0x38;
	[tilespmem:$0x16580] =	vst v63  }
0x3a: {  	_ =	swait.ge [sflag:s25], $0x1800  }
0x3b: {  	[sflag:s25] =	ssyncset.done $0x0  }
0x3c: {  	[sflag:s25] =	ssyncadd.s32 $0xFFFFE800  }
0x3d: {  	[spmem:s20] =	stream.linear.scatter [tilespmem:s24], [sflag:$0x5], $0x1800, $0x38;
	[tilespmem:$0x16580] =	vst v63  }
0x3e: {  	_ =	swait.ge [sflag:s25], $0x1800  }
0x3f: {  	[sflag:s25] =	ssyncset.done $0x0  }
0x40: {  	[sflag:s25] =	ssyncadd.s32 $0xFFFFE800  }
0x41: {  	[spmem:s9] =	stream.linear.scatter [tilespmem:s24], [sflag:$0x5], $0x1800, $0x38;
	[tilespmem:$0x16580] =	vst v63  }
0x42: {  	_ =	swait.ge [sflag:s25], $0x1800  }
0x43: {  	[sflag:s25] =	ssyncset.done $0x0  }
0x44: {  	[sflag:s25] =	ssyncadd.s32 $0xFFFFE800  }
0x45: {  	[spmem:s14] =	stream.linear.scatter [tilespmem:s24], [sflag:$0x5], $0x1800, $0x38;
	[tilespmem:$0x16580] =	vst v63  }
0x46: {  	_ =	swait.ge [sflag:s25], $0x1800  }
0x47: {  	[sflag:s25] =	ssyncset.done $0x0  }
0x48: {  	[sflag:s25] =	ssyncadd.s32 $0xFFFFE800  }
0x49: {  	[spmem:s16] =	stream.linear.scatter [tilespmem:s24], [sflag:$0x5], $0x1800, $0x38;
	[tilespmem:$0x16580] =	vst v63  }
0x4a: {  	_ =	swait.ge [sflag:s25], $0x1800  }
0x4b: {  	[sflag:s25] =	ssyncset.done $0x0  }
0x4c: {  	s10 =	smov.u32 s12;
	[sflag:s25] =	ssyncadd.s32 $0xFFFFE800  }
0x4d: {  	[spmem:s10] =	stream.linear.scatter [tilespmem:s24], [sflag:$0x5], $0x1800, $0x38;
	[tilespmem:$0x16580] =	vst v63  }
0x4e: {  	_ =	swait.ge [sflag:s25], $0x1800  }
0x4f: {  	[sflag:s25] =	ssyncset.done $0x0  }
0x50: {  	[sflag:s25] =	ssyncadd.s32 $0xFFFFE800  }
0x51: {  	[spmem:s19] =	stream.linear.scatter [tilespmem:s24], [sflag:$0x5], $0x1800, $0x38;
	[tilespmem:$0x16580] =	vst v63  }
0x52: {  	_ =	swait.ge [sflag:s25], $0x1800  }
0x53: {  	[sflag:s25] =	ssyncset.done $0x0  }
0x54: {  	[sflag:s25] =	ssyncadd.s32 $0xFFFFE800  }
0x55: {  	[spmem:s23] =	stream.linear.scatter [tilespmem:s24], [sflag:$0x5], $0x1800, $0x38;
	[tilespmem:$0x16580] =	vst v63  }
0x56: {  	_ =	swait.ge [sflag:s25], $0x1800  }
0x57: {  	[sflag:s25] =	ssyncset.done $0x0  }
0x58: {  	s8 =	smov.u32 s15;
	[sflag:s25] =	ssyncadd.s32 $0xFFFFE800  }
0x59: {  	[spmem:s8] =	stream.linear.scatter [tilespmem:s24], [sflag:$0x5], $0x1800, $0x38;
	[tilespmem:$0x16580] =	vst v63  }
0x5a: {  	_ =	swait.ge [sflag:s25], $0x1800  }
0x5b: {  	[sflag:s25] =	ssyncset.done $0x0  }
0x5c: {  	[sflag:s25] =	ssyncadd.s32 $0xFFFFE800  }
0x5d: {  	[spmem:s21] =	stream.linear.scatter [tilespmem:s24], [sflag:$0x5], $0x1800, $0x38;
	[tilespmem:$0x16580] =	vst v63  }
0x5e: {  	_ =	swait.ge [sflag:s25], $0x1800  }
0x5f: {  	[sflag:s25] =	ssyncset.done $0x0  }
0x60: {  	s13 =	smov.u32 s17;
	[sflag:s25] =	ssyncadd.s32 $0xFFFFE800  }
0x61: {  	[spmem:s13] =	stream.linear.scatter [tilespmem:s24], [sflag:$0x5], $0x1800, $0x38;
	[tilespmem:$0x16580] =	vst v63  }
0x62: {  	_ =	swait.ge [sflag:s25], $0x1800  }
0x63: {  	[sflag:s25] =	ssyncset.done $0x0  }
0x64: {  	s15 =	smov.u32 s14;
	s14 =	smov.u32 s18;
	[sflag:s25] =	ssyncadd.s32 $0xFFFFE800  }
0x65: {  	[spmem:s14] =	stream.linear.scatter [tilespmem:s24], [sflag:$0x5], $0x1800, $0x38;
	[tilespmem:$0x16580] =	vst v63  }
0x66: {  	_ =	swait.ge [sflag:s25], $0x1800  }
0x67: {  	[sflag:s25] =	ssyncset.done $0x0  }
0x68: {  	[sflag:s25] =	ssyncadd.s32 $0xFFFFE800  }
0x69: {  	[spmem:s11] =	stream.linear.scatter [tilespmem:s24], [sflag:$0x5], $0x1800, $0x38;
	[tilespmem:$0x16580] =	vst v63  }
0x6a: {  	_ =	swait.ge [sflag:s25], $0x1800  }
0x6b: {  	[sflag:s25] =	ssyncset.done $0x0  }
0x6c: {  	s7 =	simm.s32 @!p0 $0x14D80;
	[sflag:s25] =	ssyncadd.s32 $0xFFFFE800  }
0x6d: {  	[spmem:s6] =	stream.linear.scatter @!p0 [tilespmem:s7], [sflag:$0x5], $0x800, $0x38;
	[tilespmem:$0x16580] =	vst v63  }
0x6e: {  	s7 =	simm.s32 @!p0 $0x5  }
0x6f: {  	_ =	swait.ge @!p0 [sflag:s7], $0x800  }
0x70: {  	[sflag:s7] =	ssyncset.done @!p0 $0x0  }
0x71: {  	s17 =	smov.u32 s16;
	s16 =	rddreg [dreg:$0x4];
	[sflag:s7] =	ssyncadd.s32 @!p0 $0xFFFFF800  }
0x72: {  	[tilespmem:s26], [sflag:$0x5] =	stream.linear.gather [hbm4b:s16+s2], $0x1400, $0x38;
	[tilespmem:$0x16580] =	vst v63  }
0x73: {  	_ =	swait.ge [sflag:s25], $0x1400  }
0x74: {  	[sflag:s25] =	ssyncset.done $0x0  }
0x75: {  	[sflag:s25] =	ssyncadd.s32 $0xFFFFEC00  }
0x76: {  	[bflag:$0x0] =	sbarrier.arrive $0xFFFF  }
0x77: {  	s19 =	rddreg [dreg:$0xd]  }
0x78: {  	[tilespmem:s28], [sflag:$0x1] =	stream.linear.gather [hbm4b:s19+s2], $0x28, $0x38;
	[tilespmem:$0x16580] =	vst v63  }
0x79: {  	s12 =	smov.u32 s20;
	s20 =	sadd.s32 $0x0, s22  }
0x7a: {  	[tilespmem:s29], [sflag:$0x2] =	stream.linear.gather [hbm4b:s20+s2], $0x28, $0x38;
	[tilespmem:$0x16580] =	vst v63  }
0x7b: {  	_ =	swait.ge [sflag:s30], $0x28  }
0x7c: {  	[sflag:s30] =	ssyncset.done $0x0  }
0x7d: {  	[sflag:s30] =	ssyncadd.s32 $0xFFFFFFD8  }
0x7e: {  	[spmem:s1] =	stream.indirect.scatter.add.f32 [tilespmem:s26], [sflag:$0x3], $0x80, s28, s31, $0xb8;
	[tilespmem:$0x16580] =	vst v63  }
0x7f: {  	_ =	swait.ge [sflag:s0], $0x28  }
0x80: {  	[sflag:s0] =	ssyncset.done $0x0  }
0x81: {  	[sflag:s0] =	ssyncadd.s32 $0xFFFFFFD8  }
0x82: {  	[spmem:s1] =	stream.indirect.scatter.add.f32 [tilespmem:s26], [sflag:$0x4], $0x80, s29, s31, $0xb8;
	[tilespmem:$0x16580] =	vst v63  }
0x83: {  	_ =	swait.ge [sflag:s3], $0x1400  }
0x84: {  	s21 =	rddreg [dreg:$0x1d]  }
0x85: {  	[sflag:s3] =	ssyncset.done $0x0;
	s23 =	sshrl.u32 s21, $0x3  }
0x86: {  	[sflag:s3] =	ssyncadd.s32 $0xFFFFEC00;
	s7 =	sadd.s32 s4, s23  }
0x87: {  	[tilespmem:s28], [sflag:$0x1] =	stream.linear.gather [hbm4b:s7+s2], $0x28, $0x38;
	[tilespmem:$0x16580] =	vst v63  }
0x88: {  	s18 =	smov.u32 s10;
	s8 =	simm.s32 $0x14;
	_ =	swait.ge [sflag:s5], $0x1400  }
0x89: {  	s20 =	sadd.s32 $0x50, s21;
	s7 =	simm.s32 $0xA;
	[sflag:s5] =	ssyncset.done $0x0  }
.LBB2_2:
0x8a: {  	s9 =	sadd.s32 s7, s22  }
0x8b: {  	[sflag:s5] =	ssyncadd.s32 $0xFFFFEC00;
	s7 =	smov.u32 s8;
	s10 =	sadd.s32 $0xA, s8  }
0x8c: {  	[tilespmem:s29], [sflag:$0x2] =	stream.linear.gather [hbm4b:s9+s2], $0x28, $0x38;
	[tilespmem:$0x16580] =	vst v63  }
0x8d: {  	p1 =	sne.s32 s8, $0x262;
	_ =	swait.ge [sflag:s30], $0x28  }
0x8e: {  	[sflag:s30] =	ssyncset.done $0x0  }
0x8f: {  	[sflag:s30] =	ssyncadd.s32 $0xFFFFFFD8  }
0x90: {  	[spmem:s1] =	stream.indirect.scatter.add.f32 [tilespmem:s26], [sflag:$0x3], $0x80, s28, s31, $0xb8;
	[tilespmem:$0x16580] =	vst v63  }
0x91: {  	_ =	swait.ge [sflag:s0], $0x28  }
0x92: {  	[sflag:s0] =	ssyncset.done $0x0  }
0x93: {  	[sflag:s0] =	ssyncadd.s32 $0xFFFFFFD8  }
0x94: {  	[spmem:s1] =	stream.indirect.scatter.add.f32 [tilespmem:s26], [sflag:$0x4], $0x80, s29, s31, $0xb8;
	[tilespmem:$0x16580] =	vst v63  }
0x95: {  	_ =	swait.ge [sflag:s3], $0x1400  }
.Ltmp0:
0x96: {  	s8 =	sshrl.u32 s20, $0x3;
	[sflag:s3] =	ssyncset.done $0x0;
	(pc) =	sbr.rel @p1 .LBB2_2-.Ltmp0, $4  }
0x97: {  	s8 =	sadd.s32 s4, s8;
	[sflag:s3] =	ssyncadd.s32 $0xFFFFEC00  }
0x98: {  	[tilespmem:s28], [sflag:$0x1] =	stream.linear.gather [hbm4b:s8+s2], $0x28, $0x38;
	[tilespmem:$0x16580] =	vst v63  }
0x99: {  	_ =	swait.ge [sflag:s5], $0x1400  }
0x9a: {  	s20 =	sadd.s32 $0x50, s20;
	s8 =	smov.u32 s10;
	[sflag:s5] =	ssyncset.done $0x0  }
0x9b: {  	s7 =	sadd.s32 s7, s22;
	[sflag:s5] =	ssyncadd.s32 $0xFFFFEC00  }
0x9c: {  	[tilespmem:s29], [sflag:$0x2] =	stream.linear.gather [hbm4b:s7+s2], $0x28, $0x38;
	[tilespmem:$0x16580] =	vst v63  }
0x9d: {  	_ =	swait.ge [sflag:s30], $0x28  }
0x9e: {  	[sflag:s30] =	ssyncset.done $0x0  }
0x9f: {  	[sflag:s30] =	ssyncadd.s32 $0xFFFFFFD8  }
0xa0: {  	[spmem:s1] =	stream.indirect.scatter.add.f32 [tilespmem:s26], [sflag:$0x3], $0x80, s28, s31, $0xb8;
	[tilespmem:$0x16580] =	vst v63  }
0xa1: {  	_ =	swait.ge [sflag:s0], $0x28  }
0xa2: {  	[sflag:s0] =	ssyncset.done $0x0  }
0xa3: {  	[sflag:s0] =	ssyncadd.s32 $0xFFFFFFD8  }
0xa4: {  	[spmem:s1] =	stream.indirect.scatter.add.f32 [tilespmem:s26], [sflag:$0x4], $0x80, s29, s31, $0xb8;
	[tilespmem:$0x16580] =	vst v63  }
0xa5: {  	_ =	swait.ge [sflag:s3], $0x1400  }
0xa6: {  	s10 =	sshrl.u32 s20, $0x3;
	[sflag:s3] =	ssyncset.done $0x0  }
0xa7: {  	s7 =	sadd.s32 s4, s10;
	[sflag:s3] =	ssyncadd.s32 $0xFFFFEC00  }
0xa8: {  	[tilespmem:s28], [sflag:$0x1] =	stream.linear.gather [hbm4b:s7+s2], $0x28, $0x38;
	[tilespmem:$0x16580] =	vst v63  }
0xa9: {  	_ =	swait.ge [sflag:s5], $0x1400  }
0xaa: {  	[sflag:s5] =	ssyncset.done $0x0  }
0xab: {  	[sflag:s5] =	ssyncadd.s32 $0xFFFFEC00  }
0xac: {  	_ =	swait.ge [sflag:s30], $0x28  }
0xad: {  	[sflag:s30] =	ssyncset.done $0x0  }
0xae: {  	[sflag:s30] =	ssyncadd.s32 $0xFFFFFFD8  }
0xaf: {  	[spmem:s1] =	stream.indirect.scatter.add.f32 [tilespmem:s26], [sflag:$0x5], $0x80, s28, s31, $0xb8;
	[tilespmem:$0x16580] =	vst v63  }
0xb0: {  	_ =	swait.ge [sflag:s25], $0x1400  }
0xb1: {  	[sflag:s25] =	ssyncset.done $0x0  }
0xb2: {  	[sflag:s25] =	ssyncadd.s32 $0xFFFFEC00  }
0xb3: {  	[bflag:$0x0] =	sbarrier.arrive $0xFFFF  }
0xb4: {  	s13 =	rddreg [dreg:$0x1f]  }
0xb5: {  	[tilespmem:s24], [sflag:$0x5] =	stream.linear.gather [spmem:s13], $0x1800, $0x38;
	[tilespmem:$0x16580] =	vst v63  }
0xb6: {  	_ =	swait.ge [sflag:s25], $0x1800  }
0xb7: {  	[sflag:s25] =	ssyncset.done $0x0  }
0xb8: {  	s11 =	rddreg [dreg:$0xf];
	[sflag:s25] =	ssyncadd.s32 $0xFFFFE800  }
0xb9: {  	[hbm4b:s11+s2] =	stream.linear.scatter [tilespmem:s24], [sflag:$0x5], $0x1800, $0x38;
	[tilespmem:$0x16580] =	vst v63  }
0xba: {  	_ =	swait.ge [sflag:s25], $0x1800  }
0xbb: {  	[sflag:s25] =	ssyncset.done $0x0  }
0xbc: {  	[sflag:s25] =	ssyncadd.s32 $0xFFFFE800  }
0xbd: {  	[tilespmem:s24], [sflag:$0x5] =	stream.linear.gather [spmem:s12], $0x1800, $0x38;
	[tilespmem:$0x16580] =	vst v63  }
0xbe: {  	_ =	swait.ge [sflag:s25], $0x1800  }
0xbf: {  	[sflag:s25] =	ssyncset.done $0x0  }
0xc0: {  	s20 =	smov.u32 s12;
	s12 =	rddreg [dreg:$0x10];
	[sflag:s25] =	ssyncadd.s32 $0xFFFFE800  }
0xc1: {  	[hbm4b:s12+s2] =	stream.linear.scatter [tilespmem:s24], [sflag:$0x5], $0x1800, $0x38;
	[tilespmem:$0x16580] =	vst v63  }
0xc2: {  	_ =	swait.ge [sflag:s25], $0x1800  }
0xc3: {  	[sflag:s25] =	ssyncset.done $0x0  }
0xc4: {  	s6 =	rddreg [dreg:$0xc];
	[sflag:s25] =	ssyncadd.s32 $0xFFFFE800  }
0xc5: {  	[tilespmem:s24], [sflag:$0x5] =	stream.linear.gather [spmem:s6], $0x1800, $0x38;
	[tilespmem:$0x16580] =	vst v63  }
0xc6: {  	_ =	swait.ge [sflag:s25], $0x1800  }
0xc7: {  	[sflag:s25] =	ssyncset.done $0x0  }
0xc8: {  	s14 =	rddreg [dreg:$0x11];
	[sflag:s25] =	ssyncadd.s32 $0xFFFFE800  }
0xc9: {  	[hbm4b:s14+s2] =	stream.linear.scatter [tilespmem:s24], [sflag:$0x5], $0x1800, $0x38;
	[tilespmem:$0x16580] =	vst v63  }
0xca: {  	_ =	swait.ge [sflag:s25], $0x1800  }
0xcb: {  	[sflag:s25] =	ssyncset.done $0x0  }
0xcc: {  	[sflag:s25] =	ssyncadd.s32 $0xFFFFE800  }
0xcd: {  	[tilespmem:s24], [sflag:$0x5] =	stream.linear.gather [spmem:s15], $0x1800, $0x38;
	[tilespmem:$0x16580] =	vst v63  }
0xce: {  	_ =	swait.ge [sflag:s25], $0x1800  }
0xcf: {  	[sflag:s25] =	ssyncset.done $0x0  }
0xd0: {  	s16 =	rddreg [dreg:$0x12];
	[sflag:s25] =	ssyncadd.s32 $0xFFFFE800  }
0xd1: {  	[hbm4b:s16+s2] =	stream.linear.scatter [tilespmem:s24], [sflag:$0x5], $0x1800, $0x38;
	[tilespmem:$0x16580] =	vst v63  }
0xd2: {  	_ =	swait.ge [sflag:s25], $0x1800  }
0xd3: {  	[sflag:s25] =	ssyncset.done $0x0  }
0xd4: {  	[sflag:s25] =	ssyncadd.s32 $0xFFFFE800  }
0xd5: {  	[tilespmem:s24], [sflag:$0x5] =	stream.linear.gather [spmem:s17], $0x1800, $0x38;
	[tilespmem:$0x16580] =	vst v63  }
0xd6: {  	_ =	swait.ge [sflag:s25], $0x1800  }
0xd7: {  	[sflag:s25] =	ssyncset.done $0x0  }
0xd8: {  	s19 =	rddreg [dreg:$0x13];
	[sflag:s25] =	ssyncadd.s32 $0xFFFFE800  }
0xd9: {  	[hbm4b:s19+s2] =	stream.linear.scatter [tilespmem:s24], [sflag:$0x5], $0x1800, $0x38;
	[tilespmem:$0x16580] =	vst v63  }
0xda: {  	_ =	swait.ge [sflag:s25], $0x1800  }
0xdb: {  	[sflag:s25] =	ssyncset.done $0x0  }
0xdc: {  	[sflag:s25] =	ssyncadd.s32 $0xFFFFE800  }
0xdd: {  	[tilespmem:s24], [sflag:$0x5] =	stream.linear.gather [spmem:s18], $0x1800, $0x38;
	[tilespmem:$0x16580] =	vst v63  }
0xde: {  	_ =	swait.ge [sflag:s25], $0x1800  }
0xdf: {  	[sflag:s25] =	ssyncset.done $0x0  }
0xe0: {  	s21 =	rddreg [dreg:$0x14];
	[sflag:s25] =	ssyncadd.s32 $0xFFFFE800  }
0xe1: {  	[hbm4b:s21+s2] =	stream.linear.scatter [tilespmem:s24], [sflag:$0x5], $0x1800, $0x38;
	[tilespmem:$0x16580] =	vst v63  }
0xe2: {  	_ =	swait.ge [sflag:s25], $0x1800  }
0xe3: {  	[sflag:s25] =	ssyncset.done $0x0  }
0xe4: {  	s19 =	rddreg [dreg:$0x8];
	[sflag:s25] =	ssyncadd.s32 $0xFFFFE800  }
0xe5: {  	[tilespmem:s24], [sflag:$0x5] =	stream.linear.gather [spmem:s19], $0x1800, $0x38;
	[tilespmem:$0x16580] =	vst v63  }
0xe6: {  	_ =	swait.ge [sflag:s25], $0x1800  }
0xe7: {  	[sflag:s25] =	ssyncset.done $0x0  }
0xe8: {  	s23 =	rddreg [dreg:$0x15];
	[sflag:s25] =	ssyncadd.s32 $0xFFFFE800  }
0xe9: {  	[hbm4b:s23+s2] =	stream.linear.scatter [tilespmem:s24], [sflag:$0x5], $0x1800, $0x38;
	[tilespmem:$0x16580] =	vst v63  }
0xea: {  	_ =	swait.ge [sflag:s25], $0x1800  }
0xeb: {  	[sflag:s25] =	ssyncset.done $0x0  }
0xec: {  	s23 =	rddreg [dreg:$0x5];
	[sflag:s25] =	ssyncadd.s32 $0xFFFFE800  }
0xed: {  	[tilespmem:s24], [sflag:$0x5] =	stream.linear.gather [spmem:s23], $0x1800, $0x38;
	[tilespmem:$0x16580] =	vst v63  }
0xee: {  	_ =	swait.ge [sflag:s25], $0x1800  }
0xef: {  	[sflag:s25] =	ssyncset.done $0x0  }
0xf0: {  	s6 =	rddreg [dreg:$0x16];
	[sflag:s25] =	ssyncadd.s32 $0xFFFFE800  }
0xf1: {  	[hbm4b:s6+s2] =	stream.linear.scatter [tilespmem:s24], [sflag:$0x5], $0x1800, $0x38;
	[tilespmem:$0x16580] =	vst v63  }
0xf2: {  	_ =	swait.ge [sflag:s25], $0x1800  }
0xf3: {  	[sflag:s25] =	ssyncset.done $0x0  }
0xf4: {  	s14 =	smov.u32 s15;
	s15 =	rddreg [dreg:$0x6];
	[sflag:s25] =	ssyncadd.s32 $0xFFFFE800  }
0xf5: {  	[tilespmem:s24], [sflag:$0x5] =	stream.linear.gather [spmem:s15], $0x1800, $0x38;
	[tilespmem:$0x16580] =	vst v63  }
0xf6: {  	_ =	swait.ge [sflag:s25], $0x1800  }
0xf7: {  	[sflag:s25] =	ssyncset.done $0x0  }
0xf8: {  	s8 =	rddreg [dreg:$0x17];
	[sflag:s25] =	ssyncadd.s32 $0xFFFFE800  }
0xf9: {  	[hbm4b:s8+s2] =	stream.linear.scatter [tilespmem:s24], [sflag:$0x5], $0x1800, $0x38;
	[tilespmem:$0x16580] =	vst v63  }
0xfa: {  	_ =	swait.ge [sflag:s25], $0x1800  }
0xfb: {  	[sflag:s25] =	ssyncset.done $0x0  }
0xfc: {  	s21 =	rddreg [dreg:$0x7];
	[sflag:s25] =	ssyncadd.s32 $0xFFFFE800  }
0xfd: {  	[tilespmem:s24], [sflag:$0x5] =	stream.linear.gather [spmem:s21], $0x1800, $0x38;
	[tilespmem:$0x16580] =	vst v63  }
0xfe: {  	_ =	swait.ge [sflag:s25], $0x1800  }
0xff: {  	[sflag:s25] =	ssyncset.done $0x0  }
0x100: {  	s9 =	rddreg [dreg:$0x18];
	[sflag:s25] =	ssyncadd.s32 $0xFFFFE800  }
0x101: {  	[hbm4b:s9+s2] =	stream.linear.scatter [tilespmem:s24], [sflag:$0x5], $0x1800, $0x38;
	[tilespmem:$0x16580] =	vst v63  }
0x102: {  	_ =	swait.ge [sflag:s25], $0x1800  }
0x103: {  	[sflag:s25] =	ssyncset.done $0x0  }
0x104: {  	s16 =	smov.u32 s17;
	s17 =	rddreg [dreg:$0x9];
	[sflag:s25] =	ssyncadd.s32 $0xFFFFE800  }
0x105: {  	[tilespmem:s24], [sflag:$0x5] =	stream.linear.gather [spmem:s17], $0x1800, $0x38;
	[tilespmem:$0x16580] =	vst v63  }
0x106: {  	_ =	swait.ge [sflag:s25], $0x1800  }
0x107: {  	[sflag:s25] =	ssyncset.done $0x0  }
0x108: {  	s10 =	rddreg [dreg:$0x19];
	[sflag:s25] =	ssyncadd.s32 $0xFFFFE800  }
0x109: {  	[hbm4b:s10+s2] =	stream.linear.scatter [tilespmem:s24], [sflag:$0x5], $0x1800, $0x38;
	[tilespmem:$0x16580] =	vst v63  }
0x10a: {  	_ =	swait.ge [sflag:s25], $0x1800  }
0x10b: {  	[sflag:s25] =	ssyncset.done $0x0  }
0x10c: {  	s12 =	smov.u32 s18;
	s18 =	rddreg [dreg:$0xa];
	[sflag:s25] =	ssyncadd.s32 $0xFFFFE800  }
0x10d: {  	[tilespmem:s24], [sflag:$0x5] =	stream.linear.gather [spmem:s18], $0x1800, $0x38;
	[tilespmem:$0x16580] =	vst v63  }
0x10e: {  	_ =	swait.ge [sflag:s25], $0x1800  }
0x10f: {  	[sflag:s25] =	ssyncset.done $0x0  }
0x110: {  	s11 =	rddreg [dreg:$0x1a];
	[sflag:s25] =	ssyncadd.s32 $0xFFFFE800  }
0x111: {  	[hbm4b:s11+s2] =	stream.linear.scatter [tilespmem:s24], [sflag:$0x5], $0x1800, $0x38;
	[tilespmem:$0x16580] =	vst v63  }
0x112: {  	_ =	swait.ge [sflag:s25], $0x1800  }
0x113: {  	[sflag:s25] =	ssyncset.done $0x0  }
0x114: {  	s11 =	rddreg [dreg:$0xb];
	[sflag:s25] =	ssyncadd.s32 $0xFFFFE800  }
0x115: {  	[tilespmem:s24], [sflag:$0x5] =	stream.linear.gather [spmem:s11], $0x1800, $0x38;
	[tilespmem:$0x16580] =	vst v63  }
0x116: {  	_ =	swait.ge [sflag:s25], $0x1800  }
0x117: {  	[sflag:s25] =	ssyncset.done $0x0  }
0x118: {  	s6 =	rddreg [dreg:$0x1b];
	[sflag:s25] =	ssyncadd.s32 $0xFFFFE800  }
0x119: {  	[hbm4b:s6+s2] =	stream.linear.scatter [tilespmem:s24], [sflag:$0x5], $0x1800, $0x38;
	[tilespmem:$0x16580] =	vst v63  }
0x11a: {  	_ =	swait.ge [sflag:s25], $0x1800  }
0x11b: {  	s7 =	simm.s32 @!p0 $0x14D80;
	[sflag:s25] =	ssyncset.done $0x0  }
0x11c: {  	s8 =	simm.s32 @!p0 $0x5;
	s10 =	rddreg [dreg:$0x1e];
	[sflag:s25] =	ssyncadd.s32 $0xFFFFE800  }
0x11d: {  	[tilespmem:s7], [sflag:$0x5] =	stream.linear.gather @!p0 [spmem:s10], $0x800, $0x38;
	[tilespmem:$0x16580] =	vst v63  }
0x11e: {  	_ =	swait.ge @!p0 [sflag:s8], $0x800  }
0x11f: {  	[sflag:s8] =	ssyncset.done @!p0 $0x0  }
0x120: {  	s9 =	simm.s32 @!p0 $0x0;
	s6 =	rddreg [dreg:$0x1c];
	[sflag:s8] =	ssyncadd.s32 @!p0 $0xFFFFF800  }
0x121: {  	[hbm4b:s6+s9] =	stream.linear.scatter @!p0 [tilespmem:s7], [sflag:$0x5], $0x800, $0x38;
	[tilespmem:$0x16580] =	vst v63  }
0x122: {  	s9 =	rddreg [dreg:$0xc];
	_ =	swait.ge @!p0 [sflag:s8], $0x800  }
0x123: {  	s7 =	sld [smem:$0x7FB];
	_ =	sdelay $0x2  }
0x124: {  	s6 =	smov.u32 s10;
	s10 =	sadd.s32 $0x1, s7;
	s7 =	rddreg [dreg:$0xe]  }
0x125: {  	p1 =	sne.s32 s10, s7  }
.Ltmp1:
0x126: {  	_ = 	snop;
	(pc) =	sbr.rel @p1 .LBB2_1-.Ltmp1, $3  }
0x127: {  	_ =	sdelay $0x1  }
0x128: {  	[sflag:s8] =	ssyncset.done @!p0 $0x0  }
0x129: {  	[sflag:s8] =	ssyncadd.s32 @!p0 $0xFFFFF800  }
0x12a: {  	_ =	sfence.sel $0x180000  }
0x12b: {  	[bflag:$0x0] =	sbarrier.arrive $0xFFFF  }
0x12c: {  	_ =	strace $0x9000004A  }
0x12d: {  	s0 =	stileid.u32;
	[bflag:$0x2] =	sbarrier.arrive $0xFFFF  }
0x12e: {  	p0 =	sne.s32 s0, $0x0;
	s0 =	rddreg [dreg:$0x2]  }
0x12f: {  	s0 =	sadd.s32 @!p0 $0x100000, s0  }
0x130: {  	[sflag:s0] =	ssyncadd.tile.s32 @!p0 $0x1;
	_ =	shalt  }
.Lfunc_end2:
_tile_overlayer_lowered:
.L_overlay_start_2:
0x131: {  	(tag) =	ssettag $0x2  }
0x132: {  	s0 =	rddreg [dreg:$0x0];
	s2 =	stileid.u32  }
0x133: {  	s1 =	rddreg [dreg:$0x1];
	p0 =	sne.s32 s2, $0x0  }
0x134: {  	s3 =	rddreg [dreg:$0x2];
	[bflag:$0x3] =	sbarrier.arrive $0xFFFF;
	s2 =	simm.s32 @!p0 $0x1C05  }
0x135: {  	[timem:s3], [sflag:s2] =	dma.local @!p0 [hbm:s0], s1  }
0x136: {  	s0 =	simm.s32 @!p0 $0x5  }
0x137: {  	_ =	swait.ge @!p0 [sflag:s0], s1  }
0x138: {  	s1 =	ssub.s32 @!p0 $0x0, s1;
	[sflag:s0] =	ssyncset.done @!p0 $0x0  }
0x139: {  	[sflag:s0] =	ssyncadd.s32 @!p0 s1  }
0x13a: {  	[bflag:$0x3] =	sbarrier.arrive $0xFFFF  }
0x13b: {  	_ =	shalt  }

// kernel: kernel.8.cloned.1.call-start
scs
__scs_entry_jumppad:
0x0: {  	(pc) =	sbr.rel $0x88, $3  }
0x1: {  	(tag) =	ssettag $0x0;
	lr =	simm.s32 $0x1  }
0x2: {  	[smem:$0x3F96] =	sst lr;
	_ =	strace $0xD0000000  }
0x3: {  	_ = 	snop  }
0x4: {  	_ = 	snop  }
0x5: {  	_ = 	snop  }
0x6: {  	_ = 	snop  }
0x7: {  	_ = 	snop  }
__scs_overlays_trampoline_lowered:
0x8: {  	[smem:$0x3FA5] =	sst s0  }
0x9: {  	[smem:$0x3FA6] =	sst s1  }
0xa: {  	[smem:$0x3FA7] =	sst s2  }
0xb: {  	[smem:$0x3FA8] =	sst s3  }
0xc: {  	[smem:$0x3FA9] =	sst s4  }
0xd: {  	[smem:$0x3FAA] =	sst s5  }
0xe: {  	[smem:$0x3FAB] =	sst s6  }
0xf: {  	[smem:$0x3FAC] =	sst s7  }
0x10: {  	[smem:$0x3FAD] =	sst s8  }
0x11: {  	[smem:$0x3FAE] =	sst s9;
	s0 =	simm.s32 @!p0 $0x0  }
0x12: {  	s1 =	sld [smem:$0x3F94];
	s0 =	simm.s32 @p0 $0x1  }
0x13: {  	[smem:$0x3FAF] =	sst s0;
	s0 =	simm.s32 @!p1 $0x0  }
0x14: {  	s2 =	sld [smem:$0x3F93];
	s0 =	simm.s32 @p1 $0x1  }
0x15: {  	[smem:$0x3FB0] =	sst s0;
	s0 =	simm.s32 @!p2 $0x0  }
0x16: {  	s3 =	sld [smem:$0x3FDB];
	s0 =	simm.s32 @p2 $0x1  }
0x17: {  	s4 =	simm.s32 $0x1BF5;
	[smem:$0x3FB2] =	sst s0  }
0x18: {  	s0 =	sld [smem:$0x3F95];
	_ =	swait.ge [sflag:s4], $0x0  }
0x19: {  	s7 =	sld [smem:$0x3F96]  }
0x1a: {  	s8 =	sadd.s32 $0xFFFFE003, lr  }
0x1b: {  	s9 =	sadd.s32 $0xFFFFFEF7, lr;
	s5 =	simm.s32 $0xFFFFFFFF;
	p2 =	slt.u32 s8, $0xFFFFF086  }
0x1c: {  	p1 =	slt.u32 s9, $0xF7A;
	s5 =	simm.s32 @!p2 $0x0  }
0x1d: {  	s5 =	simm.s32 @p1 $0x1;
	p0 =	seq.s32 s7, s2  }
0x1e: {  	s7 =	smul.u32 @!p0 $0xF7A, s2;
	p2 =	seq.s32 @!p0 s5, $0x0  }
0x1f: {  	s9 =	smul.u32 $0xF7A, s1;
	s8 =	simm.s32 @!p0 $0x1BF5;
	p2 =	por !p2, p0  }
0x20: {  	[sflag:s8] =	ssyncset.s32 @!p0 $0xFFFFF086;
	s6 =	sadd.s32 @!p0 s3, s7;
	s7 =	simm.s32 @!p0 $0x108  }
0x21: {  	s3 =	sadd.s32 s3, s9;
	s6 =	sadd.s32 @!p0 $0x88, s6;
	s7 =	simm.s32 @p2 $0x1082  }
0x22: {  	[simem:s7], [sflag:s8] =	dma.local @!p0 [hbm:s6], $0xF7A  }
0x23: {  	s9 =	sor.u32 $0xD0000000, s2;
	s6 =	simm.s32 $0x108;
	_ =	swait.ge @!p0 [sflag:s8], $0x0  }
0x24: {  	s3 =	sadd.s32 $0x88, s3;
	s6 =	simm.s32 @!p1 $0x1082;
	[sflag:s4] =	ssyncset.s32 $0xFFFFF086  }
0x25: {  	[simem:s6], [sflag:s4] =	dma.local [hbm:s3], $0xF7A  }
0x26: {  	[smem:$0x3F96] =	sst s1;
	(tag) =	ssettag s2;
	_ =	strace s9  }
0x27: {  	s1 =	sld [smem:$0x3FA6]  }
0x28: {  	s2 =	sld [smem:$0x3FA7]  }
0x29: {  	s4 =	sld [smem:$0x3FA9]  }
0x2a: {  	p0 =	seq.s32 s5, $0x0;
	s5 =	sld [smem:$0x3FAA]  }
0x2b: {  	s6 =	sld [smem:$0x3FAB]  }
0x2c: {  	s7 =	sld [smem:$0x3FAC]  }
0x2d: {  	s3 =	simm.s32 $0x108;
	s8 =	sld [smem:$0x3FAD]  }
0x2e: {  	s3 =	simm.s32 @!p0 $0x1082;
	s9 =	sld [smem:$0x3FAE]  }
0x2f: {  	lr =	sadd.s32 s0, s3;
	s0 =	sld [smem:$0x3FA5]  }
0x30: {  	s3 =	sld [smem:$0x3FA8]  }
0x31: {  	[smem:$0x3FB1] =	sst s10  }
0x32: {  	s10 =	sld [smem:$0x3FAF];
	_ =	sdelay $0x3  }
0x33: {  	p0 =	seq.s32 s10, $0x1;
	s10 =	sld [smem:$0x3FB1];
	_ =	sdelay $0x3  }
0x34: {  	[smem:$0x3FB1] =	sst s10  }
0x35: {  	s10 =	sld [smem:$0x3FB0];
	_ =	sdelay $0x3  }
0x36: {  	p1 =	seq.s32 s10, $0x1;
	s10 =	sld [smem:$0x3FB1];
	_ =	sdelay $0x3  }
0x37: {  	[smem:$0x3FB1] =	sst s10  }
0x38: {  	s10 =	sld [smem:$0x3FB2]  }
0x39: {  	_ = 	snop;
	(pc) =	sbr.ind lr, $3  }
0x3a: {  	_ = 	snop  }
0x3b: {  	_ = 	snop  }
0x3c: {  	p2 =	seq.s32 s10, $0x1;
	s10 =	sld [smem:$0x3FB1]  }
0x3d: {  	_ =	shalt  }
0x3e: {  	_ =	shalt  }
0x3f: {  	_ =	shalt  }
0x40: {  	_ =	shalt  }
0x41: {  	_ =	shalt  }
0x42: {  	_ =	shalt  }
0x43: {  	_ =	shalt  }
0x44: {  	_ =	shalt  }
0x45: {  	_ =	shalt  }
0x46: {  	_ =	shalt  }
0x47: {  	_ =	shalt  }
0x48: {  	_ =	shalt  }
0x49: {  	_ =	shalt  }
0x4a: {  	_ =	shalt  }
0x4b: {  	_ =	shalt  }
0x4c: {  	_ =	shalt  }
0x4d: {  	_ =	shalt  }
0x4e: {  	_ =	shalt  }
0x4f: {  	_ =	shalt  }
0x50: {  	_ =	shalt  }
0x51: {  	_ =	shalt  }
0x52: {  	_ =	shalt  }
0x53: {  	_ =	shalt  }
0x54: {  	_ =	shalt  }
0x55: {  	_ =	shalt  }
0x56: {  	_ =	shalt  }
0x57: {  	_ =	shalt  }
0x58: {  	_ =	shalt  }
0x59: {  	_ =	shalt  }
0x5a: {  	_ =	shalt  }
0x5b: {  	_ =	shalt  }
0x5c: {  	_ =	shalt  }
0x5d: {  	_ =	shalt  }
0x5e: {  	_ =	shalt  }
0x5f: {  	_ =	shalt  }
0x60: {  	_ =	shalt  }
0x61: {  	_ =	shalt  }
0x62: {  	_ =	shalt  }
0x63: {  	_ =	shalt  }
0x64: {  	_ =	shalt  }
0x65: {  	_ =	shalt  }
0x66: {  	_ =	shalt  }
0x67: {  	_ =	shalt  }
0x68: {  	_ =	shalt  }
0x69: {  	_ =	shalt  }
0x6a: {  	_ =	shalt  }
0x6b: {  	_ =	shalt  }
0x6c: {  	_ =	shalt  }
0x6d: {  	_ =	shalt  }
0x6e: {  	_ =	shalt  }
0x6f: {  	_ =	shalt  }
0x70: {  	_ =	shalt  }
0x71: {  	_ =	shalt  }
0x72: {  	_ =	shalt  }
0x73: {  	_ =	shalt  }
0x74: {  	_ =	shalt  }
0x75: {  	_ =	shalt  }
0x76: {  	_ =	shalt  }
0x77: {  	_ =	shalt  }
0x78: {  	_ =	shalt  }
0x79: {  	_ =	shalt  }
0x7a: {  	_ =	shalt  }
0x7b: {  	_ =	shalt  }
0x7c: {  	_ =	shalt  }
0x7d: {  	_ =	shalt  }
0x7e: {  	_ =	shalt  }
0x7f: {  	_ =	shalt  }
0x80: {  	_ =	shalt  }
0x81: {  	_ =	shalt  }
0x82: {  	_ =	shalt  }
0x83: {  	_ =	shalt  }
0x84: {  	_ =	shalt  }
0x85: {  	_ =	shalt  }
0x86: {  	_ =	shalt  }
0x87: {  	_ =	shalt  }
.Lfunc_end0:
.L_simem_size_0:
called_computation_lowered:
.L_overlay_start_0:
0x88: {  	s2 =	sld [smem:$0x3FD9]  }
0x89: {  	s3 =	sld [smem:$0x3FFE];
	_ =	sdelay $0x1  }
0x8a: {  	s1 =	srdreg.scid  }
0x8b: {  	s0 =	sand.u32 $0x1, s1  }
0x8c: {  	s14 =	sshll.u32 s0, $0xA;
	s2 =	sadd.s32 s3, s2  }
0x8d: {  	s2 =	sadd.s32 s2, s14  }
0x8e: {  	[smem:$0x3FBD] =	sst s2  }
0x8f: {  	_ = 	snop  }
0x90: {  	s2 =	sld [smem:$0x3FD0];
	_ =	sdelay $0x2  }
0x91: {  	s15 =	simm.s32 $0xB;
	s4 =	simm.s32 $0x10  }
0x92: {  	[smem:s4], [sflag:s15] =	dma.local [hbm:s2], $0x1  }
0x93: {  	_ =	swait.eq [sflag:s15], $0x1  }
0x94: {  	[sflag:s15] =	ssyncset.done $0x0  }
0x95: {  	s16 =	sld [smem:$0x10];
	[sflag:s15] =	ssyncadd.s32 $0xFFFFFFFF  }
0x96: {  	s17 =	sld [smem:$0x11];
	(tm) =	ssettm $0x1  }
0x97: {  	s18 =	sld [smem:$0x3FFB];
	_ =	sdelay $0x3  }
0x98: {  	_ =	strace s18  }
0x99: {  	s4 =	sld [smem:$0x3FFC];
	_ =	sdelay $0x3  }
0x9a: {  	_ =	strace s4  }
0x9b: {  	s4 =	sld [smem:$0x3FFD];
	_ =	sdelay $0x3  }
0x9c: {  	_ =	strace s4  }
0x9d: {  	_ =	strace $0x8FFFFFFF  }
0x9e: {  	s19 =	sld [smem:$0x3FDB];
	_ =	sdelay $0x1  }
0x9f: {  	s5 =	simm.s32 $_scs_section_size  }
0xa0: {  	s6 =	simm.s32 $_size__tile_overlayer_lowered;
	s7 =	simm.s32 $_tile_overlayer_lowered  }
0xa1: {  	s22 =	simm.s32 $0x1BFF;
	s21 =	sshll.u32 s7, $0x1;
	s4 =	sadd.s32 s5, s19  }
0xa2: {  	s8 =	simm.s32 $0x0;
	s20 =	sshll.u32 s6, $0x1;
	s6 =	sadd.s32 s21, s4  }
0xa3: {  	[timem:s8], [sflag:s22] =	dma.local [hbm:s6], s20  }
0xa4: {  	_ =	swait.ge [sflag:s22], s20  }
0xa5: {  	s5 =	ssub.s32 $0x0, s20;
	[sflag:s22] =	ssyncset.done $0x0  }
0xa6: {  	[sflag:s22] =	ssyncadd.s32 s5;
	_ =	sdelay $0x1  }
0xa7: {  	s23 =	simm.s32 $0x1B8B  }
0xa8: {  	_ =	swait.ge [sflag:s23], $0x1  }
0xa9: {  	[sflag:s23] =	ssyncset.done $0x0  }
0xaa: {  	s25 =	simm.s32 $0x1B8E;
	s24 =	sld [smem:$0x3FFE];
	[sflag:s23] =	ssyncadd.s32 $0xFFFFFFFF  }
0xab: {  	s26 =	simm.s32 $execute0_lowered;
	[smem:$0x3FD2] =	sst s25  }
0xac: {  	s6 =	sshll.u32 s26, $0x1;
	_ =	strace $0x80000046;
	[dreg:$0x1] =	wrdreg $0xFFFFFFFF  }
0xad: {  	s28 =	simm.s32 $_size_execute0_lowered;
	s4 =	sadd.s32 s4, s6;
	[dreg:$0x0] =	wrdreg $0x0  }
0xae: {  	s6 =	sshll.u32 s28, $0x1;
	[dreg:$0x2] =	wrdreg s4  }
0xaf: {  	[dreg:$0x3] =	wrdreg s6  }
0xb0: {  	[dreg:$0x4] =	wrdreg $0xC0  }
0xb1: {  	_ =	task [dreg:s8], $0x5FFFF  }
0xb2: {  	[dreg:$0x1] =	wrdreg $0xFFFFFFFF  }
0xb3: {  	[dreg:$0x0] =	wrdreg $0x60  }
0xb4: {  	[dreg:$0x2] =	wrdreg s17  }
0xb5: {  	[dreg:$0x3] =	wrdreg s24  }
0xb6: {  	[dreg:$0x4] =	wrdreg s16  }
0xb7: {  	[dreg:$0x5] =	wrdreg $0xA  }
0xb8: {  	_ =	task.clear_ibuf [dreg:s8], $0x6FFFF;
	_ =	strace $0x90000046  }
0xb9: {  	s29 =	simm.s32 $0xA;
	_ =	strace $0x80000048  }
0xba: {  	_ =	swait.ge [sflag:s29], $0x1  }
0xbb: {  	[sflag:s29] =	ssyncadd.s32 $0xFFFFFFFF  }
0xbc: {  	_ =	strace $0x90000048  }
0xbd: {  	_ =	sfence  }
0xbe: {  	s30 =	sld [smem:$0x0];
	_ =	sdelay $0x2  }
0xbf: {  	s31 =	sshll.u32 s1, $0xD;
	s1 =	sshrl.u32 s1, $0x2  }
0xc0: {  	s3 =	sand.u32 $0x4000, s31;
	s1 =	sadd.s32 s1, s30  }
0xc1: {  	s0 =	sor.u32 s3, s0;
	s1 =	sshll.u32 s1, $0x11  }
0xc2: {  	s0 =	sor.u32 s1, s0  }
0xc3: {  	s0 =	sadd.s32 $0x8F2B, s0  }
0xc4: {  	[sflag:s0] =	ssyncadd.remote.s32 $0x1  }
0xc5: {  	_ =	sfence.sel $0xFFFF  }
0xc6: {  	[dreg:$0x0] =	wrdreg $0xFFFFFFFF;
	(pc) =	sbr.abs _section_cstart, $3  }
0xc7: {  	[dreg:$0x1] =	wrdreg $0xFFFFFFFF  }
0xc8: {  	_ =	task.clear_ibuf [dreg:s8], $0x2FFFF;
	_ =	strace $0x9FFFFFFF  }
0xc9: {  	(tm) =	ssettm $0x7FFFFFFF  }
tec
execute0_lowered:
.L_overlay_start_1:
0x0: {  	(tag) =	ssettag $0x1  }
0x1: {  	s1 =	rddreg [dreg:$0x0];
	s0 =	srdreg.scid  }
0x2: {  	s13 =	stileid.u32;
	s2 =	rddreg [dreg:$0x1]  }
0x3: {  	s5 =	rddreg [dreg:$0x2];
	s23 =	simm.s32 $0xD000;
	s24 =	simm.s32 $0xD800  }
0x4: {  	s26 =	simm.s32 $0xE000;
	s14 =	simm.s32 $0x2800;
	s15 =	simm.s32 $0x12000  }
0x5: {  	s16 =	simm.s32 $0x12800;
	s17 =	simm.s32 $0x13000;
	s18 =	simm.s32 $0x13800  }
0x6: {  	s28 =	simm.s32 $0xA000;
	s0 =	sand.u32 $0x1, s0;
	s3 =	sshll.u32 s13, $0x1  }
0x7: {  	s29 =	simm.s32 $0xA800;
	s6 =	sor.u32 s0, s3;
	s3 =	simm.s32 $0x0  }
0x8: {  	s30 =	simm.s32 $0xB000;
	s13 =	smul.u32 $0x9C400, s13;
	[smem:$0x7FF] =	sst s3  }
0x9: {  	s11 =	sadd.s32 $0xB08A00, s2;
	_ =	strace $0x80000047;
	[dreg:$0x6] =	wrdreg s23  }
0xa: {  	s9 =	sadd.s32 $0x144A00, s2;
	s20 =	sadd.s32 s13, s11;
	[dreg:$0x7] =	wrdreg s24  }
0xb: {  	s21 =	sadd.s32 s13, s9;
	s13 =	simm.s32 $0x11000;
	[dreg:$0x8] =	wrdreg s26  }
0xc: {  	s31 =	simm.s32 $0xB800;
	s4 =	sadd.s32 $0xC200, s2;
	[dreg:$0xe] =	wrdreg s13  }
0xd: {  	s10 =	ssub.s32 $0x2, s0;
	s0 =	smul.u32 $0x4E200, s0;
	[dreg:$0xf] =	wrdreg s15  }
0xe: {  	s7 =	smul.u32 $0x1388, s6;
	s12 =	sshrl.u32 s10, $0x1;
	[dreg:$0x10] =	wrdreg s16  }
0xf: {  	s6 =	smul.u32 $0x271000, s6;
	s10 =	ssub.s32 s10, s12;
	[dreg:$0x11] =	wrdreg s17  }
0x10: {  	s12 =	simm.s32 $0x10800;
	s23 =	simm.s32 $0x3800;
	[dreg:$0x12] =	wrdreg s18  }
0x11: {  	s24 =	simm.s32 $0x15000;
	s26 =	simm.s32 $0x16000;
	s15 =	simm.s32 $0x5  }
0x12: {  	s16 =	simm.s32 $0x6;
	s17 =	simm.s32 $0x7;
	[dreg:$0xd] =	wrdreg s12  }
0x13: {  	s18 =	simm.s32 $0x8;
	s13 =	simm.s32 $0x8800;
	[dreg:$0x15] =	wrdreg s24  }
0x14: {  	s22 =	sshrl.u32 s6, $0x3;
	s6 =	smax.u32 s10, $0x1;
	[dreg:$0x17] =	wrdreg s26  }
0x15: {  	s7 =	sshrl.u32 s7, $0x3;
	s10 =	simm.s32 $0xF800;
	[dreg:$0x1c] =	wrdreg s6  }
0x16: {  	s8 =	sadd.s32 s7, s2;
	s5 =	sadd.s32 s5, s7;
	[dreg:$0xb] =	wrdreg s10  }
0x17: {  	s24 =	simm.s32 $0x7800;
	[dreg:$0x18] =	wrdreg s5;
	s19 =	sadd.s32 $0x3200, s8  }
0x18: {  	s12 =	simm.s32 $0x4;
	s5 =	sadd.s32 s0, s20;
	[dreg:$0x19] =	wrdreg s19  }
0x19: {  	s8 =	sadd.s32 $0xC300, s2;
	s0 =	sadd.s32 s0, s21;
	[dreg:$0x4] =	wrdreg s5  }
0x1a: {  	s2 =	sadd.s32 $0x4D800, s22;
	s21 =	simm.s32 $0x14800;
	[dreg:$0x5] =	wrdreg s0  }
0x1b: {  	s26 =	simm.s32 $0x9800;
	s25 =	sadd.s32 s9, s2;
	[dreg:$0x14] =	wrdreg s21  }
0x1c: {  	s7 =	sadd.s32 $0x100, s1;
	s2 =	sadd.s32 s11, s2;
	[dreg:$0x1a] =	wrdreg s25  }
0x1d: {  	s6 =	simm.s32 $0x11800;
	s5 =	simm.s32 $0xE800;
	[dreg:$0x1b] =	wrdreg s2  }
0x1e: {  	s10 =	simm.s32 $0x2;
	s9 =	simm.s32 $0xF000;
	[dreg:$0x9] =	wrdreg s5  }
0x1f: {  	s20 =	simm.s32 $0x9;
	s11 =	simm.s32 $0x10000;
	[dreg:$0xa] =	wrdreg s9  }
0x20: {  	s22 =	simm.s32 $0x3000;
	s19 =	simm.s32 $0x14000;
	[dreg:$0xc] =	wrdreg s11  }
0x21: {  	v2 =	vlaneseq.u32;
	s0 =	simm.s32 $0x0;
	[dreg:$0x13] =	wrdreg s19;
	s25 =	simm.s32 $0x15800  }
0x22: {  	vm0 =	vmmov $0xffff;
	v1 =	vshrl.u32 v2, $0x3;
	s5 =	simm.s32 $0xC800;
	s9 =	simm.s32 $0x1;
	s11 =	simm.s32 $0x3  }
0x23: {  	v0 =	vand.u32 $0x7, v2;
	v2 =	vor.u32 $0x8, v2;
	v1 =	vmul.u32 $0x8, v1;
	s2 =	simm.s32 $0xC000;
	[dreg:$0x16] =	wrdreg s25;
	s25 =	simm.s32 $0x9000  }
.LBB2_1:
0x24: {  	[dreg:$0x1d] =	wrdreg s0  }
0x25: {  	s19 =	rddreg [dreg:$0x18]  }
0x26: {  	[tilespmem:s3], [sflag:$0x9] =	stream.linear.gather [hbm4b:s19+s3], $0x1388, $0x38;
	[tilespmem:$0x16800] =	vst v63  }
0x27: {  	_ =	swait.ge [sflag:s20], $0x1388  }
0x28: {  	[sflag:s20] =	ssyncset.done $0x0  }
0x29: {  	s21 =	simm.s32 $0x1400;
	s0 =	rddreg [dreg:$0x19];
	[sflag:s20] =	ssyncadd.s32 $0xFFFFEC78  }
0x2a: {  	[tilespmem:s21], [sflag:$0x9] =	stream.linear.gather [hbm4b:s0+s3], $0x1388, $0x38;
	[tilespmem:$0x16800] =	vst v63  }
0x2b: {  	_ =	swait.ge [sflag:s20], $0x1388  }
0x2c: {  	[sflag:s20] =	ssyncset.done $0x0  }
0x2d: {  	[sflag:s20] =	ssyncadd.s32 $0xFFFFEC78  }
0x2e: {  	v3 =	vld [tilespmem:$0x0];
	_ =	sdelay $0x4  }
0x2f: {  	v4 =	vshll.u32 v3, $0x2  }
0x30: {  	v3 =	vand.u32 $0x7, v3;
	v4 =	vand.u32 $0xFFFFFFE0, v4  }
0x31: {  	v3 =	vor.u32 v3, v4  }
0x32: {  	v4 =	vperm.xlane v3, v0;
	_ =	sdelay $0x1  }
0x33: {  	v4 =	vadd.s32 v1, v4;
	_ =	sdelay $0x1  }
0x34: {  	v3 =	vperm.xlane v3, v2;
	_ =	sdelay $0x1  }
0x35: {  	v3 =	vadd.s32 v1, v3  }
0x36: {  	[tilespmem:s14], [sflag:$0x1] =	stream.indirect_vreg.gather [hbm4b:s1+s3], $0x80, v4, vm0, $0xb8;
	[tilespmem:$0x16800] =	vst v63  }
0x37: {  	_ = 	snop  }
0x38: {  	[tilespmem:s22], [sflag:$0x1] =	stream.indirect_vreg.gather [hbm4b:s7+s3], $0x80, v4, vm0, $0xb8;
	[tilespmem:$0x16800] =	vst v63  }
0x39: {  	_ = 	snop  }
0x3a: {  	[tilespmem:s23], [sflag:$0x1] =	stream.indirect_vreg.gather [hbm4b:s1+s3], $0x80, v3, vm0, $0xb8;
	[tilespmem:$0x16800] =	vst v63  }
0x3b: {  	s21 =	simm.s32 $0x4000  }
0x3c: {  	[tilespmem:s21], [sflag:$0x1] =	stream.indirect_vreg.gather [hbm4b:s7+s3], $0x80, v3, vm0, $0xb8;
	[tilespmem:$0x16800] =	vst v63  }
0x3d: {  	v3 =	vld [tilespmem:$0x10];
	_ =	sdelay $0x4  }
0x3e: {  	v59 =	vshll.u32 v3, $0x2  }
0x3f: {  	v3 =	vand.u32 $0x7, v3;
	v4 =	vand.u32 $0xFFFFFFE0, v59  }
0x40: {  	v3 =	vor.u32 v3, v4  }
0x41: {  	v4 =	vperm.xlane v3, v0;
	_ =	sdelay $0x1  }
0x42: {  	v4 =	vadd.s32 v1, v4;
	_ =	sdelay $0x1  }
0x43: {  	v3 =	vperm.xlane v3, v2;
	_ =	sdelay $0x1  }
0x44: {  	s22 =	simm.s32 $0x4800;
	v3 =	vadd.s32 v1, v3  }
0x45: {  	[tilespmem:s22], [sflag:$0x1] =	stream.indirect_vreg.gather [hbm4b:s1+s3], $0x80, v4, vm0, $0xb8;
	[tilespmem:$0x16800] =	vst v63  }
0x46: {  	s23 =	simm.s32 $0x5000  }
0x47: {  	[tilespmem:s23], [sflag:$0x1] =	stream.indirect_vreg.gather [hbm4b:s7+s3], $0x80, v4, vm0, $0xb8;
	[tilespmem:$0x16800] =	vst v63  }
0x48: {  	s19 =	simm.s32 $0x5800  }
0x49: {  	[tilespmem:s19], [sflag:$0x1] =	stream.indirect_vreg.gather [hbm4b:s1+s3], $0x80, v3, vm0, $0xb8;
	[tilespmem:$0x16800] =	vst v63  }
0x4a: {  	s20 =	simm.s32 $0x6000  }
0x4b: {  	[tilespmem:s20], [sflag:$0x1] =	stream.indirect_vreg.gather [hbm4b:s7+s3], $0x80, v3, vm0, $0xb8;
	[tilespmem:$0x16800] =	vst v63  }
0x4c: {  	v3 =	vld.msk [tilespmem:$0x20], $0xff;
	_ =	sdelay $0x4  }
0x4d: {  	v60 =	vshll.u32 v3, $0x2  }
0x4e: {  	v3 =	vand.u32 $0x7, v3;
	v4 =	vand.u32 $0xFFFFFFE0, v60  }
0x4f: {  	v3 =	vor.u32 v3, v4  }
0x50: {  	v3 =	vperm.xlane v3, v0;
	_ =	sdelay $0x1  }
0x51: {  	v3 =	vadd.s32 v1, v3;
	_ =	sdelay $0x3  }
0x52: {  	s21 =	simm.s32 $0x6800  }
0x53: {  	[tilespmem:s21], [sflag:$0x1] =	stream.indirect_vreg.gather [hbm4b:s1+s3], $0x80, v3, vm0, $0xb8;
	[tilespmem:$0x16800] =	vst v63  }
0x54: {  	s22 =	simm.s32 $0x7000  }
0x55: {  	[tilespmem:s22], [sflag:$0x1] =	stream.indirect_vreg.gather [hbm4b:s7+s3], $0x80, v3, vm0, $0xb8;
	[tilespmem:$0x16800] =	vst v63  }
0x56: {  	v3 =	vld [tilespmem:$0x1400];
	_ =	sdelay $0x4  }
0x57: {  	v61 =	vshll.u32 v3, $0x2  }
0x58: {  	v3 =	vand.u32 $0x7, v3;
	v4 =	vand.u32 $0xFFFFFFE0, v61  }
0x59: {  	v3 =	vor.u32 v3, v4  }
0x5a: {  	v4 =	vperm.xlane v3, v0;
	_ =	sdelay $0x1  }
0x5b: {  	v4 =	vadd.s32 v1, v4;
	_ =	sdelay $0x1  }
0x5c: {  	v3 =	vperm.xlane v3, v2;
	_ =	sdelay $0x1  }
0x5d: {  	v3 =	vadd.s32 v1, v3  }
0x5e: {  	[tilespmem:s24], [sflag:$0x2] =	stream.indirect_vreg.gather [hbm4b:s4+s3], $0x80, v4, vm0, $0xb8;
	[tilespmem:$0x16800] =	vst v63  }
0x5f: {  	s23 =	simm.s32 $0x8000  }
0x60: {  	[tilespmem:s23], [sflag:$0x2] =	stream.indirect_vreg.gather [hbm4b:s8+s3], $0x80, v4, vm0, $0xb8;
	[tilespmem:$0x16800] =	vst v63  }
0x61: {  	_ = 	snop  }
0x62: {  	[tilespmem:s13], [sflag:$0x2] =	stream.indirect_vreg.gather [hbm4b:s4+s3], $0x80, v3, vm0, $0xb8;
	[tilespmem:$0x16800] =	vst v63  }
0x63: {  	_ = 	snop  }
0x64: {  	[tilespmem:s25], [sflag:$0x2] =	stream.indirect_vreg.gather [hbm4b:s8+s3], $0x80, v3, vm0, $0xb8;
	[tilespmem:$0x16800] =	vst v63  }
0x65: {  	v3 =	vld [tilespmem:$0x1410];
	_ =	sdelay $0x4  }
0x66: {  	v62 =	vshll.u32 v3, $0x2  }
0x67: {  	v3 =	vand.u32 $0x7, v3;
	v4 =	vand.u32 $0xFFFFFFE0, v62  }
0x68: {  	v3 =	vor.u32 v3, v4  }
0x69: {  	v4 =	vperm.xlane v3, v0;
	_ =	sdelay $0x1  }
0x6a: {  	v4 =	vadd.s32 v1, v4;
	_ =	sdelay $0x1  }
0x6b: {  	v3 =	vperm.xlane v3, v2;
	_ =	sdelay $0x1  }
0x6c: {  	v3 =	vadd.s32 v1, v3  }
0x6d: {  	[tilespmem:s26], [sflag:$0x2] =	stream.indirect_vreg.gather [hbm4b:s4+s3], $0x80, v4, vm0, $0xb8;
	[tilespmem:$0x16800] =	vst v63  }
0x6e: {  	_ = 	snop  }
0x6f: {  	[tilespmem:s28], [sflag:$0x2] =	stream.indirect_vreg.gather [hbm4b:s8+s3], $0x80, v4, vm0, $0xb8;
	[tilespmem:$0x16800] =	vst v63  }
0x70: {  	_ = 	snop  }
0x71: {  	[tilespmem:s29], [sflag:$0x2] =	stream.indirect_vreg.gather [hbm4b:s4+s3], $0x80, v3, vm0, $0xb8;
	[tilespmem:$0x16800] =	vst v63  }
0x72: {  	_ = 	snop  }
0x73: {  	[tilespmem:s30], [sflag:$0x2] =	stream.indirect_vreg.gather [hbm4b:s8+s3], $0x80, v3, vm0, $0xb8;
	[tilespmem:$0x16800] =	vst v63  }
0x74: {  	v3 =	vld.msk [tilespmem:$0x1420], $0xff;
	_ =	sdelay $0x4  }
0x75: {  	v63 =	vshll.u32 v3, $0x2  }
0x76: {  	v3 =	vand.u32 $0x7, v3;
	v4 =	vand.u32 $0xFFFFFFE0, v63  }
0x77: {  	v3 =	vor.u32 v3, v4  }
0x78: {  	v3 =	vperm.xlane v3, v0;
	_ =	sdelay $0x1  }
0x79: {  	v3 =	vadd.s32 v1, v3;
	_ =	sdelay $0x4  }
0x7a: {  	[tilespmem:s31], [sflag:$0x2] =	stream.indirect_vreg.gather [hbm4b:s4+s3], $0x80, v3, vm0, $0xb8;
	[tilespmem:$0x16800] =	vst v63  }
0x7b: {  	s19 =	simm.s32 $0x38;
	s20 =	simm.s32 $0x1438;
	s21 =	simm.s32 $0x0  }
0x7c: {  	[tilespmem:s2], [sflag:$0x2] =	stream.indirect_vreg.gather [hbm4b:s8+s3], $0x80, v3, vm0, $0xb8;
	[tilespmem:$0x16800] =	vst v63  }
.LBB2_2:
0x7d: {  	v3 =	vld [tilespmem:s19+$0xFFFFFFF0];
	_ =	sdelay $0x4  }
0x7e: {  	v4 =	vshll.u32 v3, $0x2  }
0x7f: {  	v3 =	vand.u32 $0x7, v3;
	v4 =	vand.u32 $0xFFFFFFE0, v4  }
0x80: {  	v3 =	vor.u32 v3, v4  }
0x81: {  	v4 =	vperm.xlane v3, v0;
	_ =	sdelay $0x1  }
0x82: {  	v4 =	vadd.s32 v1, v4;
	_ =	sdelay $0x1  }
0x83: {  	v3 =	vperm.xlane v3, v2;
	_ =	sdelay $0x1  }
0x84: {  	v3 =	vadd.s32 v1, v3  }
0x85: {  	[tilespmem:s5], [sflag:$0x3] =	stream.indirect_vreg.gather [hbm4b:s1+s3], $0x80, v4, vm0, $0xb8;
	[tilespmem:$0x16800] =	vst v63  }
0x86: {  	s22 =	rddreg [dreg:$0x6]  }
0x87: {  	[tilespmem:s22], [sflag:$0x3] =	stream.indirect_vreg.gather [hbm4b:s7+s3], $0x80, v4, vm0, $0xb8;
	[tilespmem:$0x16800] =	vst v63  }
0x88: {  	s23 =	rddreg [dreg:$0x7]  }
0x89: {  	[tilespmem:s23], [sflag:$0x3] =	stream.indirect_vreg.gather [hbm4b:s1+s3], $0x80, v3, vm0, $0xb8;
	[tilespmem:$0x16800] =	vst v63  }
0x8a: {  	s0 =	rddreg [dreg:$0x8]  }
0x8b: {  	[tilespmem:s0], [sflag:$0x3] =	stream.indirect_vreg.gather [hbm4b:s7+s3], $0x80, v3, vm0, $0xb8;
	[tilespmem:$0x16800] =	vst v63  }
0x8c: {  	v3 =	vld [tilespmem:s19+$0x0];
	_ =	sdelay $0x4  }
0x8d: {  	v53 =	vshll.u32 v3, $0x2  }
0x8e: {  	v3 =	vand.u32 $0x7, v3;
	v4 =	vand.u32 $0xFFFFFFE0, v53  }
0x8f: {  	v3 =	vor.u32 v3, v4  }
0x90: {  	v4 =	vperm.xlane v3, v0;
	_ =	sdelay $0x1  }
0x91: {  	v4 =	vadd.s32 v1, v4;
	_ =	sdelay $0x1  }
0x92: {  	v3 =	vperm.xlane v3, v2;
	_ =	sdelay $0x1  }
0x93: {  	s23 =	rddreg [dreg:$0x9];
	v3 =	vadd.s32 v1, v3  }
0x94: {  	[tilespmem:s23], [sflag:$0x3] =	stream.indirect_vreg.gather [hbm4b:s1+s3], $0x80, v4, vm0, $0xb8;
	[tilespmem:$0x16800] =	vst v63  }
0x95: {  	s0 =	rddreg [dreg:$0xa]  }
0x96: {  	[tilespmem:s0], [sflag:$0x3] =	stream.indirect_vreg.gather [hbm4b:s7+s3], $0x80, v4, vm0, $0xb8;
	[tilespmem:$0x16800] =	vst v63  }
0x97: {  	s22 =	rddreg [dreg:$0xb]  }
0x98: {  	[tilespmem:s22], [sflag:$0x3] =	stream.indirect_vreg.gather [hbm4b:s1+s3], $0x80, v3, vm0, $0xb8;
	[tilespmem:$0x16800] =	vst v63  }
0x99: {  	s0 =	rddreg [dreg:$0xc]  }
0x9a: {  	[tilespmem:s0], [sflag:$0x3] =	stream.indirect_vreg.gather [hbm4b:s7+s3], $0x80, v3, vm0, $0xb8;
	[tilespmem:$0x16800] =	vst v63  }
0x9b: {  	v3 =	vld.msk [tilespmem:s19+$0x10], $0xff;
	_ =	sdelay $0x4  }
0x9c: {  	v54 =	vshll.u32 v3, $0x2  }
0x9d: {  	v3 =	vand.u32 $0x7, v3;
	v4 =	vand.u32 $0xFFFFFFE0, v54  }
0x9e: {  	v3 =	vor.u32 v3, v4  }
0x9f: {  	v3 =	vperm.xlane v3, v0;
	_ =	sdelay $0x1  }
0xa0: {  	v3 =	vadd.s32 v1, v3;
	_ =	sdelay $0x3  }
0xa1: {  	s23 =	rddreg [dreg:$0xd]  }
0xa2: {  	[tilespmem:s23], [sflag:$0x3] =	stream.indirect_vreg.gather [hbm4b:s1+s3], $0x80, v3, vm0, $0xb8;
	[tilespmem:$0x16800] =	vst v63  }
0xa3: {  	s0 =	rddreg [dreg:$0xe]  }
0xa4: {  	[tilespmem:s0], [sflag:$0x3] =	stream.indirect_vreg.gather [hbm4b:s7+s3], $0x80, v3, vm0, $0xb8;
	[tilespmem:$0x16800] =	vst v63  }
0xa5: {  	v3 =	vld [tilespmem:s20+$0xFFFFFFF0];
	_ =	sdelay $0x4  }
0xa6: {  	v55 =	vshll.u32 v3, $0x2  }
0xa7: {  	v3 =	vand.u32 $0x7, v3;
	v4 =	vand.u32 $0xFFFFFFE0, v55  }
0xa8: {  	v3 =	vor.u32 v3, v4  }
0xa9: {  	v4 =	vperm.xlane v3, v0;
	_ =	sdelay $0x1  }
0xaa: {  	v4 =	vadd.s32 v1, v4;
	_ =	sdelay $0x1  }
0xab: {  	v3 =	vperm.xlane v3, v2;
	_ =	sdelay $0x1  }
0xac: {  	v3 =	vadd.s32 v1, v3  }
0xad: {  	[tilespmem:s6], [sflag:$0x4] =	stream.indirect_vreg.gather [hbm4b:s4+s3], $0x80, v4, vm0, $0xb8;
	[tilespmem:$0x16800] =	vst v63  }
0xae: {  	s0 =	rddreg [dreg:$0xf]  }
0xaf: {  	[tilespmem:s0], [sflag:$0x4] =	stream.indirect_vreg.gather [hbm4b:s8+s3], $0x80, v4, vm0, $0xb8;
	[tilespmem:$0x16800] =	vst v63  }
0xb0: {  	s23 =	rddreg [dreg:$0x10]  }
0xb1: {  	[tilespmem:s23], [sflag:$0x4] =	stream.indirect_vreg.gather [hbm4b:s4+s3], $0x80, v3, vm0, $0xb8;
	[tilespmem:$0x16800] =	vst v63  }
0xb2: {  	s0 =	rddreg [dreg:$0x11]  }
0xb3: {  	[tilespmem:s0], [sflag:$0x4] =	stream.indirect_vreg.gather [hbm4b:s8+s3], $0x80, v3, vm0, $0xb8;
	[tilespmem:$0x16800] =	vst v63  }
0xb4: {  	v3 =	vld [tilespmem:s20+$0x0];
	_ =	sdelay $0x4  }
0xb5: {  	v56 =	vshll.u32 v3, $0x2  }
0xb6: {  	v3 =	vand.u32 $0x7, v3;
	v4 =	vand.u32 $0xFFFFFFE0, v56  }
0xb7: {  	v3 =	vor.u32 v3, v4  }
0xb8: {  	v4 =	vperm.xlane v3, v0;
	_ =	sdelay $0x1  }
0xb9: {  	v4 =	vadd.s32 v1, v4;
	_ =	sdelay $0x1  }
0xba: {  	v3 =	vperm.xlane v3, v2;
	_ =	sdelay $0x1  }
0xbb: {  	s23 =	rddreg [dreg:$0x12];
	v3 =	vadd.s32 v1, v3  }
0xbc: {  	[tilespmem:s23], [sflag:$0x4] =	stream.indirect_vreg.gather [hbm4b:s4+s3], $0x80, v4, vm0, $0xb8;
	[tilespmem:$0x16800] =	vst v63  }
0xbd: {  	s0 =	rddreg [dreg:$0x13]  }
0xbe: {  	[tilespmem:s0], [sflag:$0x4] =	stream.indirect_vreg.gather [hbm4b:s8+s3], $0x80, v4, vm0, $0xb8;
	[tilespmem:$0x16800] =	vst v63  }
0xbf: {  	s22 =	rddreg [dreg:$0x14]  }
0xc0: {  	[tilespmem:s22], [sflag:$0x4] =	stream.indirect_vreg.gather [hbm4b:s4+s3], $0x80, v3, vm0, $0xb8;
	[tilespmem:$0x16800] =	vst v63  }
0xc1: {  	s0 =	rddreg [dreg:$0x15]  }
0xc2: {  	[tilespmem:s0], [sflag:$0x4] =	stream.indirect_vreg.gather [hbm4b:s8+s3], $0x80, v3, vm0, $0xb8;
	[tilespmem:$0x16800] =	vst v63  }
0xc3: {  	v3 =	vld.msk [tilespmem:s20+$0x10], $0xff;
	_ =	sdelay $0x4  }
0xc4: {  	v57 =	vshll.u32 v3, $0x2  }
0xc5: {  	v3 =	vand.u32 $0x7, v3;
	v4 =	vand.u32 $0xFFFFFFE0, v57  }
0xc6: {  	v3 =	vor.u32 v3, v4  }
0xc7: {  	v3 =	vperm.xlane v3, v0;
	_ =	sdelay $0x1  }
0xc8: {  	v3 =	vadd.s32 v1, v3;
	_ =	sdelay $0x3  }
0xc9: {  	s23 =	rddreg [dreg:$0x16]  }
0xca: {  	[tilespmem:s23], [sflag:$0x4] =	stream.indirect_vreg.gather [hbm4b:s4+s3], $0x80, v3, vm0, $0xb8;
	[tilespmem:$0x16800] =	vst v63  }
0xcb: {  	s0 =	rddreg [dreg:$0x17]  }
0xcc: {  	[tilespmem:s0], [sflag:$0x4] =	stream.indirect_vreg.gather [hbm4b:s8+s3], $0x80, v3, vm0, $0xb8;
	[tilespmem:$0x16800] =	vst v63  }
0xcd: {  	_ =	swait.ge [sflag:s9], $0x5000  }
0xce: {  	[sflag:s9] =	ssyncset.done $0x0  }
0xcf: {  	[sflag:s9] =	ssyncadd.s32 $0xFFFFB000  }
0xd0: {  	_ =	swait.ge [sflag:s10], $0x5000  }
0xd1: {  	s23 =	rddreg [dreg:$0x5];
	[sflag:s10] =	ssyncset.done $0x0  }
0xd2: {  	s0 =	rddreg [dreg:$0x4];
	[sflag:s10] =	ssyncadd.s32 $0xFFFFB000;
	s22 =	sadd.s32 s21, s23  }
0xd3: {  	[hbm4b:s22+s3] =	stream.linear.scatter [tilespmem:s14], [sflag:$0x5], $0x5000, $0x38;
	[tilespmem:$0x16800] =	vst v63  }
0xd4: {  	s23 =	sadd.s32 s21, s0  }
0xd5: {  	[hbm4b:s23+s3] =	stream.linear.scatter [tilespmem:s24], [sflag:$0x6], $0x5000, $0x38;
	[tilespmem:$0x16800] =	vst v63  }
0xd6: {  	_ =	swait.ge [sflag:s11], $0x5000  }
0xd7: {  	[sflag:s11] =	ssyncset.done $0x0  }
0xd8: {  	[sflag:s11] =	ssyncadd.s32 $0xFFFFB000  }
0xd9: {  	_ =	swait.ge [sflag:s12], $0x5000  }
0xda: {  	[sflag:s12] =	ssyncset.done $0x0  }
0xdb: {  	s22 =	sadd.s32 $0xA00, s22;
	[sflag:s12] =	ssyncadd.s32 $0xFFFFB000  }
0xdc: {  	[hbm4b:s22+s3] =	stream.linear.scatter [tilespmem:s5], [sflag:$0x7], $0x5000, $0x38;
	[tilespmem:$0x16800] =	vst v63  }
0xdd: {  	s0 =	sadd.s32 $0xA00, s23  }
0xde: {  	[hbm4b:s0+s3] =	stream.linear.scatter [tilespmem:s6], [sflag:$0x8], $0x5000, $0x38;
	[tilespmem:$0x16800] =	vst v63  }
0xdf: {  	_ =	swait.ge [sflag:s15], $0x5000  }
0xe0: {  	[sflag:s15] =	ssyncset.done $0x0  }
0xe1: {  	[sflag:s15] =	ssyncadd.s32 $0xFFFFB000  }
0xe2: {  	_ =	swait.ge [sflag:s16], $0x5000  }
0xe3: {  	[sflag:s16] =	ssyncset.done $0x0  }
0xe4: {  	[sflag:s16] =	ssyncadd.s32 $0xFFFFB000  }
0xe5: {  	v3 =	vld [tilespmem:s19+$0x18];
	_ =	sdelay $0x4  }
0xe6: {  	v58 =	vshll.u32 v3, $0x2  }
0xe7: {  	v3 =	vand.u32 $0x7, v3;
	v4 =	vand.u32 $0xFFFFFFE0, v58  }
0xe8: {  	v3 =	vor.u32 v3, v4  }
0xe9: {  	v4 =	vperm.xlane v3, v0;
	_ =	sdelay $0x1  }
0xea: {  	v4 =	vadd.s32 v1, v4;
	_ =	sdelay $0x1  }
0xeb: {  	v3 =	vperm.xlane v3, v2;
	_ =	sdelay $0x1  }
0xec: {  	v3 =	vadd.s32 v1, v3  }
0xed: {  	[tilespmem:s14], [sflag:$0x1] =	stream.indirect_vreg.gather [hbm4b:s1+s3], $0x80, v4, vm0, $0xb8;
	[tilespmem:$0x16800] =	vst v63  }
0xee: {  	s22 =	simm.s32 $0x3000  }
0xef: {  	[tilespmem:s22], [sflag:$0x1] =	stream.indirect_vreg.gather [hbm4b:s7+s3], $0x80, v4, vm0, $0xb8;
	[tilespmem:$0x16800] =	vst v63  }
0xf0: {  	s23 =	simm.s32 $0x3800  }
0xf1: {  	[tilespmem:s23], [sflag:$0x1] =	stream.indirect_vreg.gather [hbm4b:s1+s3], $0x80, v3, vm0, $0xb8;
	[tilespmem:$0x16800] =	vst v63  }
0xf2: {  	s0 =	simm.s32 $0x4000  }
0xf3: {  	[tilespmem:s0], [sflag:$0x1] =	stream.indirect_vreg.gather [hbm4b:s7+s3], $0x80, v3, vm0, $0xb8;
	[tilespmem:$0x16800] =	vst v63  }
0xf4: {  	v3 =	vld [tilespmem:s19+$0x28];
	_ =	sdelay $0x4  }
0xf5: {  	v59 =	vshll.u32 v3, $0x2  }
0xf6: {  	v3 =	vand.u32 $0x7, v3;
	v4 =	vand.u32 $0xFFFFFFE0, v59  }
0xf7: {  	v3 =	vor.u32 v3, v4  }
0xf8: {  	v4 =	vperm.xlane v3, v0;
	_ =	sdelay $0x1  }
0xf9: {  	v4 =	vadd.s32 v1, v4;
	_ =	sdelay $0x1  }
0xfa: {  	v3 =	vperm.xlane v3, v2;
	_ =	sdelay $0x1  }
0xfb: {  	s0 =	simm.s32 $0x4800;
	v3 =	vadd.s32 v1, v3  }
0xfc: {  	[tilespmem:s0], [sflag:$0x1] =	stream.indirect_vreg.gather [hbm4b:s1+s3], $0x80, v4, vm0, $0xb8;
	[tilespmem:$0x16800] =	vst v63  }
0xfd: {  	s0 =	simm.s32 $0x5000  }
0xfe: {  	[tilespmem:s0], [sflag:$0x1] =	stream.indirect_vreg.gather [hbm4b:s7+s3], $0x80, v4, vm0, $0xb8;
	[tilespmem:$0x16800] =	vst v63  }
0xff: {  	s0 =	simm.s32 $0x5800  }
0x100: {  	[tilespmem:s0], [sflag:$0x1] =	stream.indirect_vreg.gather [hbm4b:s1+s3], $0x80, v3, vm0, $0xb8;
	[tilespmem:$0x16800] =	vst v63  }
0x101: {  	s0 =	simm.s32 $0x6000  }
0x102: {  	[tilespmem:s0], [sflag:$0x1] =	stream.indirect_vreg.gather [hbm4b:s7+s3], $0x80, v3, vm0, $0xb8;
	[tilespmem:$0x16800] =	vst v63  }
0x103: {  	v3 =	vld.msk [tilespmem:s19+$0x38], $0xff;
	_ =	sdelay $0x4  }
0x104: {  	v60 =	vshll.u32 v3, $0x2  }
0x105: {  	v3 =	vand.u32 $0x7, v3;
	v4 =	vand.u32 $0xFFFFFFE0, v60  }
0x106: {  	v3 =	vor.u32 v3, v4  }
0x107: {  	v3 =	vperm.xlane v3, v0;
	_ =	sdelay $0x1  }
0x108: {  	v3 =	vadd.s32 v1, v3;
	_ =	sdelay $0x3  }
0x109: {  	s0 =	simm.s32 $0x6800  }
0x10a: {  	[tilespmem:s0], [sflag:$0x1] =	stream.indirect_vreg.gather [hbm4b:s1+s3], $0x80, v3, vm0, $0xb8;
	[tilespmem:$0x16800] =	vst v63  }
0x10b: {  	s0 =	simm.s32 $0x7000  }
0x10c: {  	[tilespmem:s0], [sflag:$0x1] =	stream.indirect_vreg.gather [hbm4b:s7+s3], $0x80, v3, vm0, $0xb8;
	[tilespmem:$0x16800] =	vst v63  }
0x10d: {  	v3 =	vld [tilespmem:s20+$0x18];
	_ =	sdelay $0x4  }
0x10e: {  	v61 =	vshll.u32 v3, $0x2  }
0x10f: {  	v3 =	vand.u32 $0x7, v3;
	v4 =	vand.u32 $0xFFFFFFE0, v61  }
0x110: {  	v3 =	vor.u32 v3, v4  }
0x111: {  	v4 =	vperm.xlane v3, v0;
	_ =	sdelay $0x1  }
0x112: {  	v4 =	vadd.s32 v1, v4;
	_ =	sdelay $0x1  }
0x113: {  	v3 =	vperm.xlane v3, v2;
	_ =	sdelay $0x1  }
0x114: {  	v3 =	vadd.s32 v1, v3  }
0x115: {  	[tilespmem:s24], [sflag:$0x2] =	stream.indirect_vreg.gather [hbm4b:s4+s3], $0x80, v4, vm0, $0xb8;
	[tilespmem:$0x16800] =	vst v63  }
0x116: {  	s0 =	simm.s32 $0x8000  }
0x117: {  	[tilespmem:s0], [sflag:$0x2] =	stream.indirect_vreg.gather [hbm4b:s8+s3], $0x80, v4, vm0, $0xb8;
	[tilespmem:$0x16800] =	vst v63  }
0x118: {  	_ = 	snop  }
0x119: {  	[tilespmem:s13], [sflag:$0x2] =	stream.indirect_vreg.gather [hbm4b:s4+s3], $0x80, v3, vm0, $0xb8;
	[tilespmem:$0x16800] =	vst v63  }
0x11a: {  	_ = 	snop  }
0x11b: {  	[tilespmem:s25], [sflag:$0x2] =	stream.indirect_vreg.gather [hbm4b:s8+s3], $0x80, v3, vm0, $0xb8;
	[tilespmem:$0x16800] =	vst v63  }
0x11c: {  	v3 =	vld [tilespmem:s20+$0x28];
	_ =	sdelay $0x4  }
0x11d: {  	v62 =	vshll.u32 v3, $0x2  }
0x11e: {  	v3 =	vand.u32 $0x7, v3;
	v4 =	vand.u32 $0xFFFFFFE0, v62  }
0x11f: {  	v3 =	vor.u32 v3, v4  }
0x120: {  	v4 =	vperm.xlane v3, v0;
	_ =	sdelay $0x1  }
0x121: {  	v4 =	vadd.s32 v1, v4;
	_ =	sdelay $0x1  }
0x122: {  	v3 =	vperm.xlane v3, v2;
	_ =	sdelay $0x1  }
0x123: {  	v3 =	vadd.s32 v1, v3  }
0x124: {  	[tilespmem:s26], [sflag:$0x2] =	stream.indirect_vreg.gather [hbm4b:s4+s3], $0x80, v4, vm0, $0xb8;
	[tilespmem:$0x16800] =	vst v63  }
0x125: {  	_ = 	snop  }
0x126: {  	[tilespmem:s28], [sflag:$0x2] =	stream.indirect_vreg.gather [hbm4b:s8+s3], $0x80, v4, vm0, $0xb8;
	[tilespmem:$0x16800] =	vst v63  }
0x127: {  	_ = 	snop  }
0x128: {  	[tilespmem:s29], [sflag:$0x2] =	stream.indirect_vreg.gather [hbm4b:s4+s3], $0x80, v3, vm0, $0xb8;
	[tilespmem:$0x16800] =	vst v63  }
0x129: {  	_ = 	snop  }
0x12a: {  	[tilespmem:s30], [sflag:$0x2] =	stream.indirect_vreg.gather [hbm4b:s8+s3], $0x80, v3, vm0, $0xb8;
	[tilespmem:$0x16800] =	vst v63  }
0x12b: {  	v3 =	vld.msk [tilespmem:s20+$0x38], $0xff;
	_ =	sdelay $0x4  }
0x12c: {  	v63 =	vshll.u32 v3, $0x2  }
0x12d: {  	v3 =	vand.u32 $0x7, v3;
	v4 =	vand.u32 $0xFFFFFFE0, v63  }
0x12e: {  	v3 =	vor.u32 v3, v4  }
0x12f: {  	v3 =	vperm.xlane v3, v0;
	_ =	sdelay $0x1  }
0x130: {  	v3 =	vadd.s32 v1, v3;
	_ =	sdelay $0x4  }
0x131: {  	[tilespmem:s31], [sflag:$0x2] =	stream.indirect_vreg.gather [hbm4b:s4+s3], $0x80, v3, vm0, $0xb8;
	[tilespmem:$0x16800] =	vst v63  }
0x132: {  	_ = 	snop  }
0x133: {  	[tilespmem:s2], [sflag:$0x2] =	stream.indirect_vreg.gather [hbm4b:s8+s3], $0x80, v3, vm0, $0xb8;
	[tilespmem:$0x16800] =	vst v63  }
0x134: {  	p0 =	sne.s32 s21, $0x4C400;
	_ =	swait.ge [sflag:s17], $0x5000  }
.Ltmp0:
0x135: {  	[sflag:s17] =	ssyncset.done $0x0;
	(pc) =	sbr.rel @p0 .LBB2_2-.Ltmp0, $4  }
0x136: {  	[sflag:s17] =	ssyncadd.s32 $0xFFFFB000  }
0x137: {  	_ =	swait.ge [sflag:s18], $0x5000  }
0x138: {  	s21 =	sadd.s32 $0x1400, s21;
	[sflag:s18] =	ssyncset.done $0x0  }
0x139: {  	s19 =	sadd.s32 $0x50, s19;
	s20 =	sadd.s32 $0x50, s20;
	[sflag:s18] =	ssyncadd.s32 $0xFFFFB000  }
0x13a: {  	_ =	swait.ge [sflag:s9], $0x5000  }
0x13b: {  	[sflag:s9] =	ssyncset.done $0x0  }
0x13c: {  	[sflag:s9] =	ssyncadd.s32 $0xFFFFB000  }
0x13d: {  	_ =	swait.ge [sflag:s10], $0x5000  }
0x13e: {  	[sflag:s10] =	ssyncset.done $0x0  }
0x13f: {  	s20 =	simm.s32 $0x9;
	s19 =	rddreg [dreg:$0x1a];
	[sflag:s10] =	ssyncadd.s32 $0xFFFFB000  }
0x140: {  	[hbm4b:s19+s3] =	stream.linear.scatter [tilespmem:s14], [sflag:$0x9], $0x5000, $0x38;
	[tilespmem:$0x16800] =	vst v63  }
0x141: {  	_ =	swait.ge [sflag:s20], $0x5000  }
0x142: {  	[sflag:s20] =	ssyncset.done $0x0  }
0x143: {  	s0 =	rddreg [dreg:$0x1b];
	[sflag:s20] =	ssyncadd.s32 $0xFFFFB000  }
0x144: {  	[hbm4b:s0+s3] =	stream.linear.scatter [tilespmem:s24], [sflag:$0x9], $0x5000, $0x38;
	[tilespmem:$0x16800] =	vst v63  }
0x145: {  	_ =	swait.ge [sflag:s20], $0x5000  }
0x146: {  	s0 =	rddreg [dreg:$0x1d]  }
0x147: {  	s21 =	rddreg [dreg:$0x1c];
	s0 =	sadd.s32 $0x1, s0  }
0x148: {  	p0 =	sne.s32 s0, s21  }
.Ltmp1:
0x149: {  	_ = 	snop;
	(pc) =	sbr.rel @p0 .LBB2_1-.Ltmp1, $3  }
0x14a: {  	_ =	sdelay $0x1  }
0x14b: {  	[sflag:s20] =	ssyncset.done $0x0  }
0x14c: {  	[sflag:s20] =	ssyncadd.s32 $0xFFFFB000  }
0x14d: {  	_ =	sfence.sel $0x180000  }
0x14e: {  	[bflag:$0x0] =	sbarrier.arrive $0xFFFF  }
0x14f: {  	_ =	strace $0x90000047  }
0x150: {  	s0 =	stileid.u32;
	[bflag:$0x2] =	sbarrier.arrive $0xFFFF  }
0x151: {  	p0 =	sne.s32 s0, $0x0;
	s0 =	rddreg [dreg:$0x3]  }
0x152: {  	s0 =	sadd.s32 @!p0 $0x100000, s0  }
0x153: {  	[sflag:s0] =	ssyncadd.tile.s32 @!p0 $0x1;
	_ =	shalt  }
.Lfunc_end2:
_tile_overlayer_lowered:
.L_overlay_start_2:
0x154: {  	(tag) =	ssettag $0x2  }
0x155: {  	s0 =	rddreg [dreg:$0x0];
	s2 =	stileid.u32  }
0x156: {  	s1 =	rddreg [dreg:$0x1];
	p0 =	sne.s32 s2, $0x0  }
0x157: {  	s3 =	rddreg [dreg:$0x2];
	[bflag:$0x3] =	sbarrier.arrive $0xFFFF;
	s2 =	simm.s32 @!p0 $0x1C09  }
0x158: {  	[timem:s3], [sflag:s2] =	dma.local @!p0 [hbm:s0], s1  }
0x159: {  	s0 =	simm.s32 @!p0 $0x9  }
0x15a: {  	_ =	swait.ge @!p0 [sflag:s0], s1  }
0x15b: {  	s1 =	ssub.s32 @!p0 $0x0, s1;
	[sflag:s0] =	ssyncset.done @!p0 $0x0  }
0x15c: {  	[sflag:s0] =	ssyncadd.s32 @!p0 s1  }
0x15d: {  	[bflag:$0x3] =	sbarrier.arrive $0xFFFF  }
0x15e: {  	_ =	shalt  }

</sc_bundles>
